<compile_context>
chip_gen: v7x
topology: tpu7x:2x2x1
jax: 0.10.2.dev20260603
libtpu: 0.0.44.dev20260713+nightly
codegen_flags: <defaults>
</compile_context>

<pallas_src>
import functools

import jax
import jax.numpy as jnp
from jax import lax
from jax.experimental import pallas as pl
from jax.experimental.pallas import tpu as pltpu
from jax.experimental.pallas import tpu_sc as plsc

_N_NODES = 10000
_N_FLAT = 320000
_M = 10000
_D = 128

_NC = 2
_NS = 16
_NW = _NC * _NS
_CHUNK = 56
_R = 6
_K = 2 * _R
_NCH0 = 180
_NCH1 = 180
_NCH_MAX = max(_NCH0, _NCH1)
_NCH_P = _NCH_MAX + _R
_PAIRS_PAD = _NS * (_NCH0 + _NCH1) * _CHUNK
_NCELL_PAD = 10112
_ROWS_PER_SUB = _NCELL_PAD // _NS


def _phi_body(x_ref, w0_ref, b0_ref, w1_ref, b1_ref, o_ref):
    h = jnp.dot(x_ref[...], w0_ref[...], preferred_element_type=jnp.float32)
    h = jnp.maximum(h + b0_ref[...], 0.0)
    h = jnp.dot(h, w1_ref[...], preferred_element_type=jnp.float32)
    o_ref[...] = jnp.maximum(h + b1_ref[...], 0.0)


def _rho_body(p0_ref, p1_ref, w0_ref, b0_ref, w1_ref, b1_ref, w2_ref, b2_ref,
              o_ref):
    s = p0_ref[...] + p1_ref[...]
    r = jnp.dot(s, w0_ref[...], preferred_element_type=jnp.float32)
    r = jnp.maximum(r + b0_ref[...], 0.0)
    r = jnp.dot(r, w1_ref[...], preferred_element_type=jnp.float32)
    r = jnp.maximum(r + b1_ref[...], 0.0)
    r = jnp.dot(r, w2_ref[...], preferred_element_type=jnp.float32)
    o_ref[...] = r + b2_ref[...]


def _sc_body(pairs_r, phi_r, zeros_r, out_r,
             idx, rows, acc, isems, gsems, ssems):
    c = lax.axis_index("c")
    s = lax.axis_index("s")
    w = s * _NC + c

    for u in range(_R):
        pltpu.make_async_copy(pairs_r.at[w, u], idx.at[u], isems[u]).start()
    pltpu.sync_copy(zeros_r, acc.at[pl.ds(s * _ROWS_PER_SUB, _ROWS_PER_SUB)])
    plsc.subcore_barrier()

    def supergroup(gg, carry):
        j0 = gg * _K
        for h in range(2):
            for b in range(_R):
                u = h * _R + b
                up = (1 - h) * _R + b
                j = j0 + u
                if h == 0:
                    @pl.when(gg > 0)
                    def _():
                        pltpu.make_async_copy(rows.at[b],
                                              acc.at[idx.at[up, 1]],
                                              ssems[b]).wait()
                else:
                    pltpu.make_async_copy(rows.at[b], acc.at[idx.at[up, 1]],
                                          ssems[b]).wait()
                pltpu.make_async_copy(pairs_r.at[w, j + _R], idx.at[up],
                                      isems[up]).start()
                pltpu.make_async_copy(pairs_r.at[w, 0], idx.at[u],
                                      isems[u]).wait()
                pltpu.make_async_copy(phi_r.at[idx.at[u, 0]], rows.at[b],
                                      gsems[b]).start()
            for b in range(_R):
                u = h * _R + b
                pltpu.make_async_copy(phi_r.at[idx.at[u, 0]], rows.at[b],
                                      gsems[b]).wait()
                pltpu.async_copy(rows.at[b], acc.at[idx.at[u, 1]], ssems[b],
                                 add=True)
        return carry

    n_sg = jnp.where(c == 0, _NCH0 // _K, _NCH1 // _K)
    lax.fori_loop(0, n_sg, supergroup, 0)

    for b in range(_R):
        pltpu.make_async_copy(rows.at[b], acc.at[idx.at[_R + b, 1]],
                              ssems[b]).wait()
        pltpu.make_async_copy(pairs_r.at[w, 0], idx.at[b], isems[b]).wait()

    plsc.subcore_barrier()
    sl = pl.ds(s * _ROWS_PER_SUB, _ROWS_PER_SUB)
    pltpu.sync_copy(acc.at[sl], out_r.at[c, sl])


def _segment_scatter_add(pairs, phi_all, zeros):
    mesh = plsc.VectorSubcoreMesh(core_axis_name="c", subcore_axis_name="s")
    f = pl.kernel(
        _sc_body,
        out_type=jax.ShapeDtypeStruct((_NC, _NCELL_PAD, _D), jnp.float32),
        mesh=mesh,
        scratch_types=[
            pltpu.VMEM((_K, 2, _CHUNK), jnp.int32),
            pltpu.VMEM((_R, _CHUNK, _D), jnp.float32),
            pltpu.VMEM_SHARED((_NCELL_PAD, _D), jnp.float32),
            [pltpu.SemaphoreType.DMA] * _K,
            [pltpu.SemaphoreType.DMA] * _R,
            [pltpu.SemaphoreType.DMA] * _R,
        ],
    )
    return f(pairs, phi_all, zeros)


def kernel(chunk_features, cells, flat_nodes_t, cell_asgn_t,
           W_phi0, b_phi0, W_phi1, b_phi1,
           W_rho0, b_rho0, W_rho1, b_rho1, W_rho2, b_rho2):
    m = cells.shape[0]

    blk = 2000
    grid = _N_NODES // blk
    rep = lambda i: (0, 0)
    phi_all = pl.pallas_call(
        _phi_body,
        out_shape=jax.ShapeDtypeStruct((_N_NODES, _D), jnp.float32),
        grid=(grid,),
        in_specs=[
            pl.BlockSpec((blk, _D), lambda i: (i, 0)),
            pl.BlockSpec((_D, _D), rep),
            pl.BlockSpec((1, _D), rep),
            pl.BlockSpec((_D, _D), rep),
            pl.BlockSpec((1, _D), rep),
        ],
        out_specs=pl.BlockSpec((blk, _D), lambda i: (i, 0)),
    )(chunk_features, W_phi0, b_phi0.reshape(1, _D),
      W_phi1, b_phi1.reshape(1, _D))

    pad = _PAIRS_PAD - _N_FLAT
    nodes_f = jnp.pad(flat_nodes_t.astype(jnp.int32), (0, pad))
    dummy = m + (jnp.arange(pad, dtype=jnp.int32) % (_NCELL_PAD - _M))
    cells_f = jnp.concatenate([cell_asgn_t.astype(jnp.int32), dummy])
    counts = jnp.where(jnp.arange(_NW) % _NC == 0, _NCH0, _NCH1)
    offs = jnp.cumsum(counts) - counts
    tgrid = (offs[:, None] * _CHUNK
             + jnp.arange(_NCH_MAX * _CHUNK, dtype=jnp.int32)[None, :])
    tgrid = jnp.minimum(tgrid, _PAIRS_PAD - 1)
    nodes = nodes_f[tgrid].reshape(_NW, _NCH_MAX, _CHUNK)
    cells_p = cells_f[tgrid].reshape(_NW, _NCH_MAX, _CHUNK)
    pairs = jnp.stack([nodes, cells_p], axis=2)
    pairs = jnp.pad(pairs, ((0, 0), (0, _NCH_P - _NCH_MAX), (0, 0), (0, 0)))
    zeros = jnp.zeros((_ROWS_PER_SUB, _D), jnp.float32)

    partials = _segment_scatter_add(pairs, phi_all, zeros)

    rblk = 2000
    rgrid = _M // rblk
    out = pl.pallas_call(
        _rho_body,
        out_shape=jax.ShapeDtypeStruct((_M, _D), jnp.float32),
        grid=(rgrid,),
        in_specs=[
            pl.BlockSpec((rblk, _D), lambda i: (i, 0)),
            pl.BlockSpec((rblk, _D), lambda i: (i, 0)),
            pl.BlockSpec((_D, _D), rep),
            pl.BlockSpec((1, _D), rep),
            pl.BlockSpec((_D, _D), rep),
            pl.BlockSpec((1, _D), rep),
            pl.BlockSpec((_D, _D), rep),
            pl.BlockSpec((1, _D), rep),
        ],
        out_specs=pl.BlockSpec((rblk, _D), lambda i: (i, 0)),
    )(partials[0], partials[1],
      W_rho0, b_rho0.reshape(1, _D),
      W_rho1, b_rho1.reshape(1, _D),
      W_rho2, b_rho2.reshape(1, _D))

    return out

# --- scband reference (transcript-rebuilt; emitter-appended) ---
"""Pipeline reference for scband-deep-set-cell-encoder-9466107920687 (READ-ONLY COPY).

The authoritative reference and input builder live on the scoring server;
editing this copy changes nothing except your own understanding.
"""

import jax, jax.numpy as jnp
import numpy as np

N_NODES = 10000
N_FLAT = 320000
M = 10000
D_IN = 128
H = 128
D_OUT = 128

def setup_inputs(seed: int = 0) -> dict:
    key = jax.random.key(seed)
    ks = jax.random.split(key, 16)
    inp = {}
    inp['chunk_features'] = jax.random.normal(ks[0], (N_NODES, D_IN), dtype=jnp.float32)
    inp['cells'] = jnp.arange(M, dtype=jnp.int32)
    inp['flat_nodes_t'] = jax.random.randint(ks[1], (N_FLAT,), 0, N_NODES)
    inp['cell_asgn_t'] = jnp.sort(jax.random.randint(ks[2], (N_FLAT,), 0, M))
    # phi: Linear(D_IN,H)+ReLU, Linear(H,H)+ReLU  (num_layers=2)
    inp['W_phi0'] = jax.random.normal(ks[3], (D_IN, H), dtype=jnp.float32) * 0.05
    inp['b_phi0'] = jnp.zeros((H,), dtype=jnp.float32)
    inp['W_phi1'] = jax.random.normal(ks[4], (H, H), dtype=jnp.float32) * 0.05
    inp['b_phi1'] = jnp.zeros((H,), dtype=jnp.float32)
    # rho: Linear(H,H)+ReLU, Linear(H,H)+ReLU, Linear(H,D_OUT)
    inp['W_rho0'] = jax.random.normal(ks[5], (H, H), dtype=jnp.float32) * 0.05
    inp['b_rho0'] = jnp.zeros((H,), dtype=jnp.float32)
    inp['W_rho1'] = jax.random.normal(ks[6], (H, H), dtype=jnp.float32) * 0.05
    inp['b_rho1'] = jnp.zeros((H,), dtype=jnp.float32)
    inp['W_rho2'] = jax.random.normal(ks[7], (H, D_OUT), dtype=jnp.float32) * 0.05
    inp['b_rho2'] = jnp.zeros((D_OUT,), dtype=jnp.float32)
    return inp

def reference(chunk_features, cells, flat_nodes_t, cell_asgn_t,
              W_phi0, b_phi0, W_phi1, b_phi1,
              W_rho0, b_rho0, W_rho1, b_rho1, W_rho2, b_rho2):
    m = cells.shape[0]
    # gather selected node features
    x = jnp.take(chunk_features, flat_nodes_t, axis=0)
    # phi MLP
    h = jax.nn.relu(x @ W_phi0 + b_phi0)
    h = jax.nn.relu(h @ W_phi1 + b_phi1)
    # scatter-add per cell (segment sum)
    cell_sums = jax.ops.segment_sum(h, cell_asgn_t, num_segments=m)
    # rho MLP
    r = jax.nn.relu(cell_sums @ W_rho0 + b_rho0)
    r = jax.nn.relu(r @ W_rho1 + b_rho1)
    return r @ W_rho2 + b_rho2

if __name__ == "__main__":
    import jax
    _d = setup_inputs()
    print(jax.jit(kernel)(*tuple(_d.values())))

</pallas_src>

<mosaic_0001>
#map = affine_map<(d0, d1) -> (0, 0, 0, 0)>
#map1 = affine_map<(d0, d1) -> (0, 0)>
#map2 = affine_map<(d0, d1) -> (0, 0, 0)>
module attributes {stable_mosaic.version = 14 : i64} {
  func.func @_sc_body(%arg0: i32, %arg1: i32, %arg2: memref<32x186x2x56xi32, #tpu.memory_space<hbm>>, %arg3: memref<10000x128xf32, #tpu.memory_space<hbm>>, %arg4: memref<632x128xf32, #tpu.memory_space<hbm>>, %arg5: memref<2x10112x128xf32, #tpu.memory_space<hbm>>, %arg6: memref<12x2x56xi32, #tpu.memory_space<vmem>>, %arg7: memref<6x56x128xf32, #tpu.memory_space<vmem>>, %arg8: memref<10112x128xf32, #tpu.memory_space<vmem_shared>>, %arg9: memref<!tpu.dma_semaphore, #tpu.memory_space<semaphore_mem>>, %arg10: memref<!tpu.dma_semaphore, #tpu.memory_space<semaphore_mem>>, %arg11: memref<!tpu.dma_semaphore, #tpu.memory_space<semaphore_mem>>, %arg12: memref<!tpu.dma_semaphore, #tpu.memory_space<semaphore_mem>>, %arg13: memref<!tpu.dma_semaphore, #tpu.memory_space<semaphore_mem>>, %arg14: memref<!tpu.dma_semaphore, #tpu.memory_space<semaphore_mem>>, %arg15: memref<!tpu.dma_semaphore, #tpu.memory_space<semaphore_mem>>, %arg16: memref<!tpu.dma_semaphore, #tpu.memory_space<semaphore_mem>>, %arg17: memref<!tpu.dma_semaphore, #tpu.memory_space<semaphore_mem>>, %arg18: memref<!tpu.dma_semaphore, #tpu.memory_space<semaphore_mem>>, %arg19: memref<!tpu.dma_semaphore, #tpu.memory_space<semaphore_mem>>, %arg20: memref<!tpu.dma_semaphore, #tpu.memory_space<semaphore_mem>>, %arg21: memref<!tpu.dma_semaphore, #tpu.memory_space<semaphore_mem>>, %arg22: memref<!tpu.dma_semaphore, #tpu.memory_space<semaphore_mem>>, %arg23: memref<!tpu.dma_semaphore, #tpu.memory_space<semaphore_mem>>, %arg24: memref<!tpu.dma_semaphore, #tpu.memory_space<semaphore_mem>>, %arg25: memref<!tpu.dma_semaphore, #tpu.memory_space<semaphore_mem>>, %arg26: memref<!tpu.dma_semaphore, #tpu.memory_space<semaphore_mem>>, %arg27: memref<!tpu.dma_semaphore, #tpu.memory_space<semaphore_mem>>, %arg28: memref<!tpu.dma_semaphore, #tpu.memory_space<semaphore_mem>>, %arg29: memref<!tpu.dma_semaphore, #tpu.memory_space<semaphore_mem>>, %arg30: memref<!tpu.dma_semaphore, #tpu.memory_space<semaphore_mem>>, %arg31: memref<!tpu.dma_semaphore, #tpu.memory_space<semaphore_mem>>, %arg32: memref<!tpu.dma_semaphore, #tpu.memory_space<semaphore_mem>>) attributes {dimension_semantics = [#tpu.dimension_semantics<core_parallel>, #tpu.dimension_semantics<subcore_parallel>], iteration_bounds = array<i64: 2, 16>, scalar_prefetch = 0 : i64, scratch_operands = 27 : i64, tpu.core_type = #tpu.core_type<sc_vector_subcore>, window_params = [{transform_indices = #map}, {transform_indices = #map1}, {transform_indices = #map1}, {transform_indices = #map2}]} {
    %mul3A = arith.constant 2 : i32
    %mul3A_0 = arith.muli %arg1, %mul3A : i32
    %add3A = arith.addi %mul3A_0, %arg0 : i32
    %dma_start3A = arith.constant 0 : i32
    %dma_start3A_1 = arith.constant 0 : i32
    %dma_start3A_2 = arith.constant 0 : i32
    %dma_start3A_3 = arith.constant 0 : i32
    %dma_start3A_4 = tpu.memref_slice %arg6[%dma_start3A_1, %dma_start3A_2, %dma_start3A_3] : memref<12x2x56xi32, #tpu.memory_space<vmem>> -> memref<1x2x56xi32, #tpu.memory_space<vmem>>
    %dma_start3A_5 = tpu.memref_squeeze %dma_start3A_4 : memref<1x2x56xi32, #tpu.memory_space<vmem>> -> memref<2x56xi32, #tpu.memory_space<vmem>>
    %dma_start3A_6 = arith.constant 0 : i32
    %dma_start3A_7 = arith.constant 0 : i32
    %dma_start3A_8 = tpu.memref_slice %arg2[%add3A, %dma_start3A, %dma_start3A_6, %dma_start3A_7] : memref<32x186x2x56xi32, #tpu.memory_space<hbm>> -> memref<1x1x2x56xi32, #tpu.memory_space<hbm>>
    %dma_start3A_9 = tpu.memref_squeeze %dma_start3A_8 : memref<1x1x2x56xi32, #tpu.memory_space<hbm>> -> memref<2x56xi32, #tpu.memory_space<hbm>>
    %dma_start3A_10 = arith.constant 0 : i32
    %dma_start3A_11 = arith.constant 0 : i32
    %dma_start3A_12 = tpu.memref_slice %arg6[%dma_start3A_1, %dma_start3A_10, %dma_start3A_11] : memref<12x2x56xi32, #tpu.memory_space<vmem>> -> memref<1x2x56xi32, #tpu.memory_space<vmem>>
    %dma_start3A_13 = tpu.memref_squeeze %dma_start3A_12 : memref<1x2x56xi32, #tpu.memory_space<vmem>> -> memref<2x56xi32, #tpu.memory_space<vmem>>
    %dma_start3A_14 = arith.constant 0 : i32
    %dma_start3A_15 = arith.constant 0 : i32
    %dma_start3A_16 = tpu.memref_slice %arg2[%add3A, %dma_start3A, %dma_start3A_14, %dma_start3A_15] : memref<32x186x2x56xi32, #tpu.memory_space<hbm>> -> memref<1x1x2x56xi32, #tpu.memory_space<hbm>>
    %dma_start3A_17 = tpu.memref_squeeze %dma_start3A_16 : memref<1x1x2x56xi32, #tpu.memory_space<hbm>> -> memref<2x56xi32, #tpu.memory_space<hbm>>
    tpu.enqueue_dma source(%dma_start3A_17 : memref<2x56xi32, #tpu.memory_space<hbm>>) target(%dma_start3A_13 : memref<2x56xi32, #tpu.memory_space<vmem>>) target_semaphore(%arg9 : memref<!tpu.dma_semaphore, #tpu.memory_space<semaphore_mem>>)
    %dma_start3A_18 = arith.constant 1 : i32
    %dma_start3A_19 = arith.constant 1 : i32
    %dma_start3A_20 = arith.constant 0 : i32
    %dma_start3A_21 = arith.constant 0 : i32
    %dma_start3A_22 = tpu.memref_slice %arg6[%dma_start3A_19, %dma_start3A_20, %dma_start3A_21] : memref<12x2x56xi32, #tpu.memory_space<vmem>> -> memref<1x2x56xi32, #tpu.memory_space<vmem>>
    %dma_start3A_23 = tpu.memref_squeeze %dma_start3A_22 : memref<1x2x56xi32, #tpu.memory_space<vmem>> -> memref<2x56xi32, #tpu.memory_space<vmem>>
    %dma_start3A_24 = arith.constant 0 : i32
    %dma_start3A_25 = arith.constant 0 : i32
    %dma_start3A_26 = tpu.memref_slice %arg2[%add3A, %dma_start3A_18, %dma_start3A_24, %dma_start3A_25] : memref<32x186x2x56xi32, #tpu.memory_space<hbm>> -> memref<1x1x2x56xi32, #tpu.memory_space<hbm>>
    %dma_start3A_27 = tpu.memref_squeeze %dma_start3A_26 : memref<1x1x2x56xi32, #tpu.memory_space<hbm>> -> memref<2x56xi32, #tpu.memory_space<hbm>>
    %dma_start3A_28 = arith.constant 0 : i32
    %dma_start3A_29 = arith.constant 0 : i32
    %dma_start3A_30 = tpu.memref_slice %arg6[%dma_start3A_19, %dma_start3A_28, %dma_start3A_29] : memref<12x2x56xi32, #tpu.memory_space<vmem>> -> memref<1x2x56xi32, #tpu.memory_space<vmem>>
    %dma_start3A_31 = tpu.memref_squeeze %dma_start3A_30 : memref<1x2x56xi32, #tpu.memory_space<vmem>> -> memref<2x56xi32, #tpu.memory_space<vmem>>
    %dma_start3A_32 = arith.constant 0 : i32
    %dma_start3A_33 = arith.constant 0 : i32
    %dma_start3A_34 = tpu.memref_slice %arg2[%add3A, %dma_start3A_18, %dma_start3A_32, %dma_start3A_33] : memref<32x186x2x56xi32, #tpu.memory_space<hbm>> -> memref<1x1x2x56xi32, #tpu.memory_space<hbm>>
    %dma_start3A_35 = tpu.memref_squeeze %dma_start3A_34 : memref<1x1x2x56xi32, #tpu.memory_space<hbm>> -> memref<2x56xi32, #tpu.memory_space<hbm>>
    tpu.enqueue_dma source(%dma_start3A_35 : memref<2x56xi32, #tpu.memory_space<hbm>>) target(%dma_start3A_31 : memref<2x56xi32, #tpu.memory_space<vmem>>) target_semaphore(%arg10 : memref<!tpu.dma_semaphore, #tpu.memory_space<semaphore_mem>>)
    %dma_start3A_36 = arith.constant 2 : i32
    %dma_start3A_37 = arith.constant 2 : i32
    %dma_start3A_38 = arith.constant 0 : i32
    %dma_start3A_39 = arith.constant 0 : i32
    %dma_start3A_40 = tpu.memref_slice %arg6[%dma_start3A_37, %dma_start3A_38, %dma_start3A_39] : memref<12x2x56xi32, #tpu.memory_space<vmem>> -> memref<1x2x56xi32, #tpu.memory_space<vmem>>
    %dma_start3A_41 = tpu.memref_squeeze %dma_start3A_40 : memref<1x2x56xi32, #tpu.memory_space<vmem>> -> memref<2x56xi32, #tpu.memory_space<vmem>>
    %dma_start3A_42 = arith.constant 0 : i32
    %dma_start3A_43 = arith.constant 0 : i32
    %dma_start3A_44 = tpu.memref_slice %arg2[%add3A, %dma_start3A_36, %dma_start3A_42, %dma_start3A_43] : memref<32x186x2x56xi32, #tpu.memory_space<hbm>> -> memref<1x1x2x56xi32, #tpu.memory_space<hbm>>
    %dma_start3A_45 = tpu.memref_squeeze %dma_start3A_44 : memref<1x1x2x56xi32, #tpu.memory_space<hbm>> -> memref<2x56xi32, #tpu.memory_space<hbm>>
    %dma_start3A_46 = arith.constant 0 : i32
    %dma_start3A_47 = arith.constant 0 : i32
    %dma_start3A_48 = tpu.memref_slice %arg6[%dma_start3A_37, %dma_start3A_46, %dma_start3A_47] : memref<12x2x56xi32, #tpu.memory_space<vmem>> -> memref<1x2x56xi32, #tpu.memory_space<vmem>>
    %dma_start3A_49 = tpu.memref_squeeze %dma_start3A_48 : memref<1x2x56xi32, #tpu.memory_space<vmem>> -> memref<2x56xi32, #tpu.memory_space<vmem>>
    %dma_start3A_50 = arith.constant 0 : i32
    %dma_start3A_51 = arith.constant 0 : i32
    %dma_start3A_52 = tpu.memref_slice %arg2[%add3A, %dma_start3A_36, %dma_start3A_50, %dma_start3A_51] : memref<32x186x2x56xi32, #tpu.memory_space<hbm>> -> memref<1x1x2x56xi32, #tpu.memory_space<hbm>>
    %dma_start3A_53 = tpu.memref_squeeze %dma_start3A_52 : memref<1x1x2x56xi32, #tpu.memory_space<hbm>> -> memref<2x56xi32, #tpu.memory_space<hbm>>
    tpu.enqueue_dma source(%dma_start3A_53 : memref<2x56xi32, #tpu.memory_space<hbm>>) target(%dma_start3A_49 : memref<2x56xi32, #tpu.memory_space<vmem>>) target_semaphore(%arg11 : memref<!tpu.dma_semaphore, #tpu.memory_space<semaphore_mem>>)
    %dma_start3A_54 = arith.constant 3 : i32
    %dma_start3A_55 = arith.constant 3 : i32
    %dma_start3A_56 = arith.constant 0 : i32
    %dma_start3A_57 = arith.constant 0 : i32
    %dma_start3A_58 = tpu.memref_slice %arg6[%dma_start3A_55, %dma_start3A_56, %dma_start3A_57] : memref<12x2x56xi32, #tpu.memory_space<vmem>> -> memref<1x2x56xi32, #tpu.memory_space<vmem>>
    %dma_start3A_59 = tpu.memref_squeeze %dma_start3A_58 : memref<1x2x56xi32, #tpu.memory_space<vmem>> -> memref<2x56xi32, #tpu.memory_space<vmem>>
    %dma_start3A_60 = arith.constant 0 : i32
    %dma_start3A_61 = arith.constant 0 : i32
    %dma_start3A_62 = tpu.memref_slice %arg2[%add3A, %dma_start3A_54, %dma_start3A_60, %dma_start3A_61] : memref<32x186x2x56xi32, #tpu.memory_space<hbm>> -> memref<1x1x2x56xi32, #tpu.memory_space<hbm>>
    %dma_start3A_63 = tpu.memref_squeeze %dma_start3A_62 : memref<1x1x2x56xi32, #tpu.memory_space<hbm>> -> memref<2x56xi32, #tpu.memory_space<hbm>>
    %dma_start3A_64 = arith.constant 0 : i32
    %dma_start3A_65 = arith.constant 0 : i32
    %dma_start3A_66 = tpu.memref_slice %arg6[%dma_start3A_55, %dma_start3A_64, %dma_start3A_65] : memref<12x2x56xi32, #tpu.memory_space<vmem>> -> memref<1x2x56xi32, #tpu.memory_space<vmem>>
    %dma_start3A_67 = tpu.memref_squeeze %dma_start3A_66 : memref<1x2x56xi32, #tpu.memory_space<vmem>> -> memref<2x56xi32, #tpu.memory_space<vmem>>
    %dma_start3A_68 = arith.constant 0 : i32
    %dma_start3A_69 = arith.constant 0 : i32
    %dma_start3A_70 = tpu.memref_slice %arg2[%add3A, %dma_start3A_54, %dma_start3A_68, %dma_start3A_69] : memref<32x186x2x56xi32, #tpu.memory_space<hbm>> -> memref<1x1x2x56xi32, #tpu.memory_space<hbm>>
    %dma_start3A_71 = tpu.memref_squeeze %dma_start3A_70 : memref<1x1x2x56xi32, #tpu.memory_space<hbm>> -> memref<2x56xi32, #tpu.memory_space<hbm>>
    tpu.enqueue_dma source(%dma_start3A_71 : memref<2x56xi32, #tpu.memory_space<hbm>>) target(%dma_start3A_67 : memref<2x56xi32, #tpu.memory_space<vmem>>) target_semaphore(%arg12 : memref<!tpu.dma_semaphore, #tpu.memory_space<semaphore_mem>>)
    %dma_start3A_72 = arith.constant 4 : i32
    %dma_start3A_73 = arith.constant 4 : i32
    %dma_start3A_74 = arith.constant 0 : i32
    %dma_start3A_75 = arith.constant 0 : i32
    %dma_start3A_76 = tpu.memref_slice %arg6[%dma_start3A_73, %dma_start3A_74, %dma_start3A_75] : memref<12x2x56xi32, #tpu.memory_space<vmem>> -> memref<1x2x56xi32, #tpu.memory_space<vmem>>
    %dma_start3A_77 = tpu.memref_squeeze %dma_start3A_76 : memref<1x2x56xi32, #tpu.memory_space<vmem>> -> memref<2x56xi32, #tpu.memory_space<vmem>>
    %dma_start3A_78 = arith.constant 0 : i32
    %dma_start3A_79 = arith.constant 0 : i32
    %dma_start3A_80 = tpu.memref_slice %arg2[%add3A, %dma_start3A_72, %dma_start3A_78, %dma_start3A_79] : memref<32x186x2x56xi32, #tpu.memory_space<hbm>> -> memref<1x1x2x56xi32, #tpu.memory_space<hbm>>
    %dma_start3A_81 = tpu.memref_squeeze %dma_start3A_80 : memref<1x1x2x56xi32, #tpu.memory_space<hbm>> -> memref<2x56xi32, #tpu.memory_space<hbm>>
    %dma_start3A_82 = arith.constant 0 : i32
    %dma_start3A_83 = arith.constant 0 : i32
    %dma_start3A_84 = tpu.memref_slice %arg6[%dma_start3A_73, %dma_start3A_82, %dma_start3A_83] : memref<12x2x56xi32, #tpu.memory_space<vmem>> -> memref<1x2x56xi32, #tpu.memory_space<vmem>>
    %dma_start3A_85 = tpu.memref_squeeze %dma_start3A_84 : memref<1x2x56xi32, #tpu.memory_space<vmem>> -> memref<2x56xi32, #tpu.memory_space<vmem>>
    %dma_start3A_86 = arith.constant 0 : i32
    %dma_start3A_87 = arith.constant 0 : i32
    %dma_start3A_88 = tpu.memref_slice %arg2[%add3A, %dma_start3A_72, %dma_start3A_86, %dma_start3A_87] : memref<32x186x2x56xi32, #tpu.memory_space<hbm>> -> memref<1x1x2x56xi32, #tpu.memory_space<hbm>>
    %dma_start3A_89 = tpu.memref_squeeze %dma_start3A_88 : memref<1x1x2x56xi32, #tpu.memory_space<hbm>> -> memref<2x56xi32, #tpu.memory_space<hbm>>
    tpu.enqueue_dma source(%dma_start3A_89 : memref<2x56xi32, #tpu.memory_space<hbm>>) target(%dma_start3A_85 : memref<2x56xi32, #tpu.memory_space<vmem>>) target_semaphore(%arg13 : memref<!tpu.dma_semaphore, #tpu.memory_space<semaphore_mem>>)
    %dma_start3A_90 = arith.constant 5 : i32
    %dma_start3A_91 = arith.constant 5 : i32
    %dma_start3A_92 = arith.constant 0 : i32
    %dma_start3A_93 = arith.constant 0 : i32
    %dma_start3A_94 = tpu.memref_slice %arg6[%dma_start3A_91, %dma_start3A_92, %dma_start3A_93] : memref<12x2x56xi32, #tpu.memory_space<vmem>> -> memref<1x2x56xi32, #tpu.memory_space<vmem>>
    %dma_start3A_95 = tpu.memref_squeeze %dma_start3A_94 : memref<1x2x56xi32, #tpu.memory_space<vmem>> -> memref<2x56xi32, #tpu.memory_space<vmem>>
    %dma_start3A_96 = arith.constant 0 : i32
    %dma_start3A_97 = arith.constant 0 : i32
    %dma_start3A_98 = tpu.memref_slice %arg2[%add3A, %dma_start3A_90, %dma_start3A_96, %dma_start3A_97] : memref<32x186x2x56xi32, #tpu.memory_space<hbm>> -> memref<1x1x2x56xi32, #tpu.memory_space<hbm>>
    %dma_start3A_99 = tpu.memref_squeeze %dma_start3A_98 : memref<1x1x2x56xi32, #tpu.memory_space<hbm>> -> memref<2x56xi32, #tpu.memory_space<hbm>>
    %dma_start3A_100 = arith.constant 0 : i32
    %dma_start3A_101 = arith.constant 0 : i32
    %dma_start3A_102 = tpu.memref_slice %arg6[%dma_start3A_91, %dma_start3A_100, %dma_start3A_101] : memref<12x2x56xi32, #tpu.memory_space<vmem>> -> memref<1x2x56xi32, #tpu.memory_space<vmem>>
    %dma_start3A_103 = tpu.memref_squeeze %dma_start3A_102 : memref<1x2x56xi32, #tpu.memory_space<vmem>> -> memref<2x56xi32, #tpu.memory_space<vmem>>
    %dma_start3A_104 = arith.constant 0 : i32
    %dma_start3A_105 = arith.constant 0 : i32
    %dma_start3A_106 = tpu.memref_slice %arg2[%add3A, %dma_start3A_90, %dma_start3A_104, %dma_start3A_105] : memref<32x186x2x56xi32, #tpu.memory_space<hbm>> -> memref<1x1x2x56xi32, #tpu.memory_space<hbm>>
    %dma_start3A_107 = tpu.memref_squeeze %dma_start3A_106 : memref<1x1x2x56xi32, #tpu.memory_space<hbm>> -> memref<2x56xi32, #tpu.memory_space<hbm>>
    tpu.enqueue_dma source(%dma_start3A_107 : memref<2x56xi32, #tpu.memory_space<hbm>>) target(%dma_start3A_103 : memref<2x56xi32, #tpu.memory_space<vmem>>) target_semaphore(%arg14 : memref<!tpu.dma_semaphore, #tpu.memory_space<semaphore_mem>>)
    %mul3A_108 = arith.constant 632 : i32
    %mul3A_109 = arith.muli %arg1, %mul3A_108 : i32
    "tpu.region"() ({
      %run_scoped3A = tpu.sem_alloc : memref<!tpu.dma_semaphore, #tpu.memory_space<semaphore_mem>>
      %dma_start3A_309 = arith.constant 0 : i32
      %dma_start3A_310 = tpu.memref_slice %arg8[%mul3A_109, %dma_start3A_309] : memref<10112x128xf32, #tpu.memory_space<vmem_shared>> -> memref<632x128xf32, #tpu.memory_space<vmem_shared>>
      tpu.enqueue_dma source(%arg4 : memref<632x128xf32, #tpu.memory_space<hbm>>) target(%dma_start3A_310 : memref<632x128xf32, #tpu.memory_space<vmem_shared>>) target_semaphore(%run_scoped3A : memref<!tpu.dma_semaphore, #tpu.memory_space<semaphore_mem>>)
      %dma_wait3A_311 = arith.constant 0 : i32
      %dma_wait3A_312 = tpu.memref_slice %arg8[%mul3A_109, %dma_wait3A_311] : memref<10112x128xf32, #tpu.memory_space<vmem_shared>> -> memref<632x128xf32, #tpu.memory_space<vmem_shared>>
      tpu.wait_dma2 semaphore(%run_scoped3A : memref<!tpu.dma_semaphore, #tpu.memory_space<semaphore_mem>>) src(%arg4 : memref<632x128xf32, #tpu.memory_space<hbm>>) dst(%dma_wait3A_312 : memref<632x128xf32, #tpu.memory_space<vmem_shared>>)
      tpu.yield
    }) : () -> ()
    %barrier3A = arith.constant 0 : index
    tpu.barrier barrier_id(%barrier3A)
    %eq3A = arith.constant 0 : i32
    %eq3A_110 = arith.cmpi eq, %arg0, %eq3A : i32
    %jit3A = arith.constant 15 : i32
    %jit3A_111 = arith.constant 15 : i32
    %select_n3A = arith.select %eq3A_110, %jit3A, %jit3A_111 : i32
    %while3A = arith.constant 0 : i32
    %while3A_112 = arith.constant 0 : i32
    %while3A_113 = arith.subi %select_n3A, %while3A_112 : i32
    %while3A_114 = arith.addi %while3A_112, %while3A_113 : i32
    %while3A_115 = arith.constant 1 : i32
    %while3A_116 = arith.divsi %while3A_113, %while3A_115 : i32
    %while3A_117 = arith.muli %while3A_116, %while3A_115 : i32
    %while3A_118 = arith.addi %while3A_112, %while3A_117 : i32
    %while3A_119 = arith.constant 1 : i32
    scf.for %while3A_309 = %while3A_112 to %while3A_118 step %while3A_119  : i32 {
      %mul3A_310 = arith.constant 12 : i32
      %mul3A_311 = arith.muli %while3A_309, %mul3A_310 : i32
      %add3A_312 = arith.constant 0 : i32
      %add3A_313 = arith.addi %mul3A_311, %add3A_312 : i32
      %gt3A = arith.constant 0 : i32
      %gt3A_314 = arith.cmpi sgt, %while3A_309, %gt3A : i32
      %convert_element_type3A = arith.extui %gt3A_314 : i1 to i32
      %cond3A = arith.constant 0 : i32
      %cond3A_315 = arith.cmpi ne, %convert_element_type3A, %cond3A : i32
      scf.if %cond3A_315 {
        %dma_wait3A_1353 = arith.constant 0 : i32
        %dma_wait3A_1354 = arith.constant 6 : i32
        %dma_wait3A_1355 = arith.constant 1 : i32
        %dma_wait3A_1356 = arith.constant 0 : i32
        %dma_wait3A_1357 = arith.constant 0 : i32
        %dma_wait3A_1358 = tpu.memref_slice %arg7[%dma_wait3A_1353, %dma_wait3A_1356, %dma_wait3A_1357] : memref<6x56x128xf32, #tpu.memory_space<vmem>> -> memref<1x56x128xf32, #tpu.memory_space<vmem>>
        %dma_wait3A_1359 = tpu.memref_squeeze %dma_wait3A_1358 : memref<1x56x128xf32, #tpu.memory_space<vmem>> -> memref<56x128xf32, #tpu.memory_space<vmem>>
        %dma_wait3A_1360 = arith.constant 0 : i32
        %dma_wait3A_1361 = tpu.memref_slice %arg6[%dma_wait3A_1354, %dma_wait3A_1355, %dma_wait3A_1360] : memref<12x2x56xi32, #tpu.memory_space<vmem>> -> memref<1x1x56xi32, #tpu.memory_space<vmem>>
        %dma_wait3A_1362 = tpu.memref_squeeze %dma_wait3A_1361 : memref<1x1x56xi32, #tpu.memory_space<vmem>> -> memref<56xi32, #tpu.memory_space<vmem>>
        %dma_wait3A_1363 = arith.constant 0 : i32
        %dma_wait3A_1364 = arith.constant 0 : i32
        %dma_wait3A_1365 = tpu.memref_slice %arg8[%dma_wait3A_1363, %dma_wait3A_1364] : memref<10112x128xf32, #tpu.memory_space<vmem_shared>> -> memref<10112x128xf32, #tpu.memory_space<vmem_shared>>
        tpu.wait_indirect_dma semaphore(%arg27 : memref<!tpu.dma_semaphore, #tpu.memory_space<semaphore_mem>>) src(%dma_wait3A_1359 : memref<56x128xf32, #tpu.memory_space<vmem>>) dst(%dma_wait3A_1365 : memref<10112x128xf32, #tpu.memory_space<vmem_shared>>)
      } else {
      }
      %add3A_316 = arith.constant 6 : i32
      %add3A_317 = arith.addi %add3A_313, %add3A_316 : i32
      %dma_start3A_318 = arith.constant 6 : i32
      %dma_start3A_319 = arith.constant 0 : i32
      %dma_start3A_320 = arith.constant 0 : i32
      %dma_start3A_321 = tpu.memref_slice %arg6[%dma_start3A_318, %dma_start3A_319, %dma_start3A_320] : memref<12x2x56xi32, #tpu.memory_space<vmem>> -> memref<1x2x56xi32, #tpu.memory_space<vmem>>
      %dma_start3A_322 = tpu.memref_squeeze %dma_start3A_321 : memref<1x2x56xi32, #tpu.memory_space<vmem>> -> memref<2x56xi32, #tpu.memory_space<vmem>>
      %dma_start3A_323 = arith.constant 0 : i32
      %dma_start3A_324 = arith.constant 0 : i32
      %dma_start3A_325 = tpu.memref_slice %arg2[%add3A, %add3A_317, %dma_start3A_323, %dma_start3A_324] : memref<32x186x2x56xi32, #tpu.memory_space<hbm>> -> memref<1x1x2x56xi32, #tpu.memory_space<hbm>>
      %dma_start3A_326 = tpu.memref_squeeze %dma_start3A_325 : memref<1x1x2x56xi32, #tpu.memory_space<hbm>> -> memref<2x56xi32, #tpu.memory_space<hbm>>
      %dma_start3A_327 = arith.constant 0 : i32
      %dma_start3A_328 = arith.constant 0 : i32
      %dma_start3A_329 = tpu.memref_slice %arg6[%dma_start3A_318, %dma_start3A_327, %dma_start3A_328] : memref<12x2x56xi32, #tpu.memory_space<vmem>> -> memref<1x2x56xi32, #tpu.memory_space<vmem>>
      %dma_start3A_330 = tpu.memref_squeeze %dma_start3A_329 : memref<1x2x56xi32, #tpu.memory_space<vmem>> -> memref<2x56xi32, #tpu.memory_space<vmem>>
      %dma_start3A_331 = arith.constant 0 : i32
      %dma_start3A_332 = arith.constant 0 : i32
      %dma_start3A_333 = tpu.memref_slice %arg2[%add3A, %add3A_317, %dma_start3A_331, %dma_start3A_332] : memref<32x186x2x56xi32, #tpu.memory_space<hbm>> -> memref<1x1x2x56xi32, #tpu.memory_space<hbm>>
      %dma_start3A_334 = tpu.memref_squeeze %dma_start3A_333 : memref<1x1x2x56xi32, #tpu.memory_space<hbm>> -> memref<2x56xi32, #tpu.memory_space<hbm>>
      tpu.enqueue_dma source(%dma_start3A_334 : memref<2x56xi32, #tpu.memory_space<hbm>>) target(%dma_start3A_330 : memref<2x56xi32, #tpu.memory_space<vmem>>) target_semaphore(%arg15 : memref<!tpu.dma_semaphore, #tpu.memory_space<semaphore_mem>>)
      %dma_wait3A_335 = arith.constant 0 : i32
      %dma_wait3A_336 = arith.constant 0 : i32
      %dma_wait3A_337 = arith.constant 0 : i32
      %dma_wait3A_338 = arith.constant 0 : i32
      %dma_wait3A_339 = tpu.memref_slice %arg6[%dma_wait3A_336, %dma_wait3A_337, %dma_wait3A_338] : memref<12x2x56xi32, #tpu.memory_space<vmem>> -> memref<1x2x56xi32, #tpu.memory_space<vmem>>
      %dma_wait3A_340 = tpu.memref_squeeze %dma_wait3A_339 : memref<1x2x56xi32, #tpu.memory_space<vmem>> -> memref<2x56xi32, #tpu.memory_space<vmem>>
      %dma_wait3A_341 = arith.constant 0 : i32
      %dma_wait3A_342 = arith.constant 0 : i32
      %dma_wait3A_343 = tpu.memref_slice %arg2[%add3A, %dma_wait3A_335, %dma_wait3A_341, %dma_wait3A_342] : memref<32x186x2x56xi32, #tpu.memory_space<hbm>> -> memref<1x1x2x56xi32, #tpu.memory_space<hbm>>
      %dma_wait3A_344 = tpu.memref_squeeze %dma_wait3A_343 : memref<1x1x2x56xi32, #tpu.memory_space<hbm>> -> memref<2x56xi32, #tpu.memory_space<hbm>>
      %dma_wait3A_345 = arith.constant 0 : i32
      %dma_wait3A_346 = arith.constant 0 : i32
      %dma_wait3A_347 = tpu.memref_slice %arg6[%dma_wait3A_336, %dma_wait3A_345, %dma_wait3A_346] : memref<12x2x56xi32, #tpu.memory_space<vmem>> -> memref<1x2x56xi32, #tpu.memory_space<vmem>>
      %dma_wait3A_348 = tpu.memref_squeeze %dma_wait3A_347 : memref<1x2x56xi32, #tpu.memory_space<vmem>> -> memref<2x56xi32, #tpu.memory_space<vmem>>
      %dma_wait3A_349 = arith.constant 0 : i32
      %dma_wait3A_350 = arith.constant 0 : i32
      %dma_wait3A_351 = tpu.memref_slice %arg2[%add3A, %dma_wait3A_335, %dma_wait3A_349, %dma_wait3A_350] : memref<32x186x2x56xi32, #tpu.memory_space<hbm>> -> memref<1x1x2x56xi32, #tpu.memory_space<hbm>>
      %dma_wait3A_352 = tpu.memref_squeeze %dma_wait3A_351 : memref<1x1x2x56xi32, #tpu.memory_space<hbm>> -> memref<2x56xi32, #tpu.memory_space<hbm>>
      tpu.wait_dma2 semaphore(%arg9 : memref<!tpu.dma_semaphore, #tpu.memory_space<semaphore_mem>>) src(%dma_wait3A_352 : memref<2x56xi32, #tpu.memory_space<hbm>>) dst(%dma_wait3A_348 : memref<2x56xi32, #tpu.memory_space<vmem>>)
      %dma_start3A_353 = arith.constant 0 : i32
      %dma_start3A_354 = arith.constant 0 : i32
      %dma_start3A_355 = arith.constant 0 : i32
      %dma_start3A_356 = arith.constant 0 : i32
      %dma_start3A_357 = arith.constant 0 : i32
      %dma_start3A_358 = tpu.memref_slice %arg7[%dma_start3A_355, %dma_start3A_356, %dma_start3A_357] : memref<6x56x128xf32, #tpu.memory_space<vmem>> -> memref<1x56x128xf32, #tpu.memory_space<vmem>>
      %dma_start3A_359 = tpu.memref_squeeze %dma_start3A_358 : memref<1x56x128xf32, #tpu.memory_space<vmem>> -> memref<56x128xf32, #tpu.memory_space<vmem>>
      %dma_start3A_360 = arith.constant 0 : i32
      %dma_start3A_361 = tpu.memref_slice %arg6[%dma_start3A_353, %dma_start3A_354, %dma_start3A_360] : memref<12x2x56xi32, #tpu.memory_space<vmem>> -> memref<1x1x56xi32, #tpu.memory_space<vmem>>
      %dma_start3A_362 = tpu.memref_squeeze %dma_start3A_361 : memref<1x1x56xi32, #tpu.memory_space<vmem>> -> memref<56xi32, #tpu.memory_space<vmem>>
      %dma_start3A_363 = arith.constant 0 : i32
      %dma_start3A_364 = arith.constant 0 : i32
      %dma_start3A_365 = tpu.memref_slice %arg3[%dma_start3A_363, %dma_start3A_364] : memref<10000x128xf32, #tpu.memory_space<hbm>> -> memref<10000x128xf32, #tpu.memory_space<hbm>>
      tpu.enqueue_indirect_dma source(%dma_start3A_365 : memref<10000x128xf32, #tpu.memory_space<hbm>>) target(%dma_start3A_359 : memref<56x128xf32, #tpu.memory_space<vmem>>) offsets(%dma_start3A_362 : memref<56xi32, #tpu.memory_space<vmem>>) semaphore(%arg21 : memref<!tpu.dma_semaphore, #tpu.memory_space<semaphore_mem>>)
      %add3A_366 = arith.constant 1 : i32
      %add3A_367 = arith.addi %mul3A_311, %add3A_366 : i32
      %gt3A_368 = arith.constant 0 : i32
      %gt3A_369 = arith.cmpi sgt, %while3A_309, %gt3A_368 : i32
      %convert_element_type3A_370 = arith.extui %gt3A_369 : i1 to i32
      %cond3A_371 = arith.constant 0 : i32
      %cond3A_372 = arith.cmpi ne, %convert_element_type3A_370, %cond3A_371 : i32
      scf.if %cond3A_372 {
        %dma_wait3A_1353 = arith.constant 1 : i32
        %dma_wait3A_1354 = arith.constant 7 : i32
        %dma_wait3A_1355 = arith.constant 1 : i32
        %dma_wait3A_1356 = arith.constant 0 : i32
        %dma_wait3A_1357 = arith.constant 0 : i32
        %dma_wait3A_1358 = tpu.memref_slice %arg7[%dma_wait3A_1353, %dma_wait3A_1356, %dma_wait3A_1357] : memref<6x56x128xf32, #tpu.memory_space<vmem>> -> memref<1x56x128xf32, #tpu.memory_space<vmem>>
        %dma_wait3A_1359 = tpu.memref_squeeze %dma_wait3A_1358 : memref<1x56x128xf32, #tpu.memory_space<vmem>> -> memref<56x128xf32, #tpu.memory_space<vmem>>
        %dma_wait3A_1360 = arith.constant 0 : i32
        %dma_wait3A_1361 = tpu.memref_slice %arg6[%dma_wait3A_1354, %dma_wait3A_1355, %dma_wait3A_1360] : memref<12x2x56xi32, #tpu.memory_space<vmem>> -> memref<1x1x56xi32, #tpu.memory_space<vmem>>
        %dma_wait3A_1362 = tpu.memref_squeeze %dma_wait3A_1361 : memref<1x1x56xi32, #tpu.memory_space<vmem>> -> memref<56xi32, #tpu.memory_space<vmem>>
        %dma_wait3A_1363 = arith.constant 0 : i32
        %dma_wait3A_1364 = arith.constant 0 : i32
        %dma_wait3A_1365 = tpu.memref_slice %arg8[%dma_wait3A_1363, %dma_wait3A_1364] : memref<10112x128xf32, #tpu.memory_space<vmem_shared>> -> memref<10112x128xf32, #tpu.memory_space<vmem_shared>>
        tpu.wait_indirect_dma semaphore(%arg28 : memref<!tpu.dma_semaphore, #tpu.memory_space<semaphore_mem>>) src(%dma_wait3A_1359 : memref<56x128xf32, #tpu.memory_space<vmem>>) dst(%dma_wait3A_1365 : memref<10112x128xf32, #tpu.memory_space<vmem_shared>>)
      } else {
      }
      %add3A_373 = arith.constant 6 : i32
      %add3A_374 = arith.addi %add3A_367, %add3A_373 : i32
      %dma_start3A_375 = arith.constant 7 : i32
      %dma_start3A_376 = arith.constant 0 : i32
      %dma_start3A_377 = arith.constant 0 : i32
      %dma_start3A_378 = tpu.memref_slice %arg6[%dma_start3A_375, %dma_start3A_376, %dma_start3A_377] : memref<12x2x56xi32, #tpu.memory_space<vmem>> -> memref<1x2x56xi32, #tpu.memory_space<vmem>>
      %dma_start3A_379 = tpu.memref_squeeze %dma_start3A_378 : memref<1x2x56xi32, #tpu.memory_space<vmem>> -> memref<2x56xi32, #tpu.memory_space<vmem>>
      %dma_start3A_380 = arith.constant 0 : i32
      %dma_start3A_381 = arith.constant 0 : i32
      %dma_start3A_382 = tpu.memref_slice %arg2[%add3A, %add3A_374, %dma_start3A_380, %dma_start3A_381] : memref<32x186x2x56xi32, #tpu.memory_space<hbm>> -> memref<1x1x2x56xi32, #tpu.memory_space<hbm>>
      %dma_start3A_383 = tpu.memref_squeeze %dma_start3A_382 : memref<1x1x2x56xi32, #tpu.memory_space<hbm>> -> memref<2x56xi32, #tpu.memory_space<hbm>>
      %dma_start3A_384 = arith.constant 0 : i32
      %dma_start3A_385 = arith.constant 0 : i32
      %dma_start3A_386 = tpu.memref_slice %arg6[%dma_start3A_375, %dma_start3A_384, %dma_start3A_385] : memref<12x2x56xi32, #tpu.memory_space<vmem>> -> memref<1x2x56xi32, #tpu.memory_space<vmem>>
      %dma_start3A_387 = tpu.memref_squeeze %dma_start3A_386 : memref<1x2x56xi32, #tpu.memory_space<vmem>> -> memref<2x56xi32, #tpu.memory_space<vmem>>
      %dma_start3A_388 = arith.constant 0 : i32
      %dma_start3A_389 = arith.constant 0 : i32
      %dma_start3A_390 = tpu.memref_slice %arg2[%add3A, %add3A_374, %dma_start3A_388, %dma_start3A_389] : memref<32x186x2x56xi32, #tpu.memory_space<hbm>> -> memref<1x1x2x56xi32, #tpu.memory_space<hbm>>
      %dma_start3A_391 = tpu.memref_squeeze %dma_start3A_390 : memref<1x1x2x56xi32, #tpu.memory_space<hbm>> -> memref<2x56xi32, #tpu.memory_space<hbm>>
      tpu.enqueue_dma source(%dma_start3A_391 : memref<2x56xi32, #tpu.memory_space<hbm>>) target(%dma_start3A_387 : memref<2x56xi32, #tpu.memory_space<vmem>>) target_semaphore(%arg16 : memref<!tpu.dma_semaphore, #tpu.memory_space<semaphore_mem>>)
      %dma_wait3A_392 = arith.constant 0 : i32
      %dma_wait3A_393 = arith.constant 1 : i32
      %dma_wait3A_394 = arith.constant 0 : i32
      %dma_wait3A_395 = arith.constant 0 : i32
      %dma_wait3A_396 = tpu.memref_slice %arg6[%dma_wait3A_393, %dma_wait3A_394, %dma_wait3A_395] : memref<12x2x56xi32, #tpu.memory_space<vmem>> -> memref<1x2x56xi32, #tpu.memory_space<vmem>>
      %dma_wait3A_397 = tpu.memref_squeeze %dma_wait3A_396 : memref<1x2x56xi32, #tpu.memory_space<vmem>> -> memref<2x56xi32, #tpu.memory_space<vmem>>
      %dma_wait3A_398 = arith.constant 0 : i32
      %dma_wait3A_399 = arith.constant 0 : i32
      %dma_wait3A_400 = tpu.memref_slice %arg2[%add3A, %dma_wait3A_392, %dma_wait3A_398, %dma_wait3A_399] : memref<32x186x2x56xi32, #tpu.memory_space<hbm>> -> memref<1x1x2x56xi32, #tpu.memory_space<hbm>>
      %dma_wait3A_401 = tpu.memref_squeeze %dma_wait3A_400 : memref<1x1x2x56xi32, #tpu.memory_space<hbm>> -> memref<2x56xi32, #tpu.memory_space<hbm>>
      %dma_wait3A_402 = arith.constant 0 : i32
      %dma_wait3A_403 = arith.constant 0 : i32
      %dma_wait3A_404 = tpu.memref_slice %arg6[%dma_wait3A_393, %dma_wait3A_402, %dma_wait3A_403] : memref<12x2x56xi32, #tpu.memory_space<vmem>> -> memref<1x2x56xi32, #tpu.memory_space<vmem>>
      %dma_wait3A_405 = tpu.memref_squeeze %dma_wait3A_404 : memref<1x2x56xi32, #tpu.memory_space<vmem>> -> memref<2x56xi32, #tpu.memory_space<vmem>>
      %dma_wait3A_406 = arith.constant 0 : i32
      %dma_wait3A_407 = arith.constant 0 : i32
      %dma_wait3A_408 = tpu.memref_slice %arg2[%add3A, %dma_wait3A_392, %dma_wait3A_406, %dma_wait3A_407] : memref<32x186x2x56xi32, #tpu.memory_space<hbm>> -> memref<1x1x2x56xi32, #tpu.memory_space<hbm>>
      %dma_wait3A_409 = tpu.memref_squeeze %dma_wait3A_408 : memref<1x1x2x56xi32, #tpu.memory_space<hbm>> -> memref<2x56xi32, #tpu.memory_space<hbm>>
      tpu.wait_dma2 semaphore(%arg10 : memref<!tpu.dma_semaphore, #tpu.memory_space<semaphore_mem>>) src(%dma_wait3A_409 : memref<2x56xi32, #tpu.memory_space<hbm>>) dst(%dma_wait3A_405 : memref<2x56xi32, #tpu.memory_space<vmem>>)
      %dma_start3A_410 = arith.constant 1 : i32
      %dma_start3A_411 = arith.constant 0 : i32
      %dma_start3A_412 = arith.constant 1 : i32
      %dma_start3A_413 = arith.constant 0 : i32
      %dma_start3A_414 = arith.constant 0 : i32
      %dma_start3A_415 = tpu.memref_slice %arg7[%dma_start3A_412, %dma_start3A_413, %dma_start3A_414] : memref<6x56x128xf32, #tpu.memory_space<vmem>> -> memref<1x56x128xf32, #tpu.memory_space<vmem>>
      %dma_start3A_416 = tpu.memref_squeeze %dma_start3A_415 : memref<1x56x128xf32, #tpu.memory_space<vmem>> -> memref<56x128xf32, #tpu.memory_space<vmem>>
      %dma_start3A_417 = arith.constant 0 : i32
      %dma_start3A_418 = tpu.memref_slice %arg6[%dma_start3A_410, %dma_start3A_411, %dma_start3A_417] : memref<12x2x56xi32, #tpu.memory_space<vmem>> -> memref<1x1x56xi32, #tpu.memory_space<vmem>>
      %dma_start3A_419 = tpu.memref_squeeze %dma_start3A_418 : memref<1x1x56xi32, #tpu.memory_space<vmem>> -> memref<56xi32, #tpu.memory_space<vmem>>
      %dma_start3A_420 = arith.constant 0 : i32
      %dma_start3A_421 = arith.constant 0 : i32
      %dma_start3A_422 = tpu.memref_slice %arg3[%dma_start3A_420, %dma_start3A_421] : memref<10000x128xf32, #tpu.memory_space<hbm>> -> memref<10000x128xf32, #tpu.memory_space<hbm>>
      tpu.enqueue_indirect_dma source(%dma_start3A_422 : memref<10000x128xf32, #tpu.memory_space<hbm>>) target(%dma_start3A_416 : memref<56x128xf32, #tpu.memory_space<vmem>>) offsets(%dma_start3A_419 : memref<56xi32, #tpu.memory_space<vmem>>) semaphore(%arg22 : memref<!tpu.dma_semaphore, #tpu.memory_space<semaphore_mem>>)
      %add3A_423 = arith.constant 2 : i32
      %add3A_424 = arith.addi %mul3A_311, %add3A_423 : i32
      %gt3A_425 = arith.constant 0 : i32
      %gt3A_426 = arith.cmpi sgt, %while3A_309, %gt3A_425 : i32
      %convert_element_type3A_427 = arith.extui %gt3A_426 : i1 to i32
      %cond3A_428 = arith.constant 0 : i32
      %cond3A_429 = arith.cmpi ne, %convert_element_type3A_427, %cond3A_428 : i32
      scf.if %cond3A_429 {
        %dma_wait3A_1353 = arith.constant 2 : i32
        %dma_wait3A_1354 = arith.constant 8 : i32
        %dma_wait3A_1355 = arith.constant 1 : i32
        %dma_wait3A_1356 = arith.constant 0 : i32
        %dma_wait3A_1357 = arith.constant 0 : i32
        %dma_wait3A_1358 = tpu.memref_slice %arg7[%dma_wait3A_1353, %dma_wait3A_1356, %dma_wait3A_1357] : memref<6x56x128xf32, #tpu.memory_space<vmem>> -> memref<1x56x128xf32, #tpu.memory_space<vmem>>
        %dma_wait3A_1359 = tpu.memref_squeeze %dma_wait3A_1358 : memref<1x56x128xf32, #tpu.memory_space<vmem>> -> memref<56x128xf32, #tpu.memory_space<vmem>>
        %dma_wait3A_1360 = arith.constant 0 : i32
        %dma_wait3A_1361 = tpu.memref_slice %arg6[%dma_wait3A_1354, %dma_wait3A_1355, %dma_wait3A_1360] : memref<12x2x56xi32, #tpu.memory_space<vmem>> -> memref<1x1x56xi32, #tpu.memory_space<vmem>>
        %dma_wait3A_1362 = tpu.memref_squeeze %dma_wait3A_1361 : memref<1x1x56xi32, #tpu.memory_space<vmem>> -> memref<56xi32, #tpu.memory_space<vmem>>
        %dma_wait3A_1363 = arith.constant 0 : i32
        %dma_wait3A_1364 = arith.constant 0 : i32
        %dma_wait3A_1365 = tpu.memref_slice %arg8[%dma_wait3A_1363, %dma_wait3A_1364] : memref<10112x128xf32, #tpu.memory_space<vmem_shared>> -> memref<10112x128xf32, #tpu.memory_space<vmem_shared>>
        tpu.wait_indirect_dma semaphore(%arg29 : memref<!tpu.dma_semaphore, #tpu.memory_space<semaphore_mem>>) src(%dma_wait3A_1359 : memref<56x128xf32, #tpu.memory_space<vmem>>) dst(%dma_wait3A_1365 : memref<10112x128xf32, #tpu.memory_space<vmem_shared>>)
      } else {
      }
      %add3A_430 = arith.constant 6 : i32
      %add3A_431 = arith.addi %add3A_424, %add3A_430 : i32
      %dma_start3A_432 = arith.constant 8 : i32
      %dma_start3A_433 = arith.constant 0 : i32
      %dma_start3A_434 = arith.constant 0 : i32
      %dma_start3A_435 = tpu.memref_slice %arg6[%dma_start3A_432, %dma_start3A_433, %dma_start3A_434] : memref<12x2x56xi32, #tpu.memory_space<vmem>> -> memref<1x2x56xi32, #tpu.memory_space<vmem>>
      %dma_start3A_436 = tpu.memref_squeeze %dma_start3A_435 : memref<1x2x56xi32, #tpu.memory_space<vmem>> -> memref<2x56xi32, #tpu.memory_space<vmem>>
      %dma_start3A_437 = arith.constant 0 : i32
      %dma_start3A_438 = arith.constant 0 : i32
      %dma_start3A_439 = tpu.memref_slice %arg2[%add3A, %add3A_431, %dma_start3A_437, %dma_start3A_438] : memref<32x186x2x56xi32, #tpu.memory_space<hbm>> -> memref<1x1x2x56xi32, #tpu.memory_space<hbm>>
      %dma_start3A_440 = tpu.memref_squeeze %dma_start3A_439 : memref<1x1x2x56xi32, #tpu.memory_space<hbm>> -> memref<2x56xi32, #tpu.memory_space<hbm>>
      %dma_start3A_441 = arith.constant 0 : i32
      %dma_start3A_442 = arith.constant 0 : i32
      %dma_start3A_443 = tpu.memref_slice %arg6[%dma_start3A_432, %dma_start3A_441, %dma_start3A_442] : memref<12x2x56xi32, #tpu.memory_space<vmem>> -> memref<1x2x56xi32, #tpu.memory_space<vmem>>
      %dma_start3A_444 = tpu.memref_squeeze %dma_start3A_443 : memref<1x2x56xi32, #tpu.memory_space<vmem>> -> memref<2x56xi32, #tpu.memory_space<vmem>>
      %dma_start3A_445 = arith.constant 0 : i32
      %dma_start3A_446 = arith.constant 0 : i32
      %dma_start3A_447 = tpu.memref_slice %arg2[%add3A, %add3A_431, %dma_start3A_445, %dma_start3A_446] : memref<32x186x2x56xi32, #tpu.memory_space<hbm>> -> memref<1x1x2x56xi32, #tpu.memory_space<hbm>>
      %dma_start3A_448 = tpu.memref_squeeze %dma_start3A_447 : memref<1x1x2x56xi32, #tpu.memory_space<hbm>> -> memref<2x56xi32, #tpu.memory_space<hbm>>
      tpu.enqueue_dma source(%dma_start3A_448 : memref<2x56xi32, #tpu.memory_space<hbm>>) target(%dma_start3A_444 : memref<2x56xi32, #tpu.memory_space<vmem>>) target_semaphore(%arg17 : memref<!tpu.dma_semaphore, #tpu.memory_space<semaphore_mem>>)
      %dma_wait3A_449 = arith.constant 0 : i32
      %dma_wait3A_450 = arith.constant 2 : i32
      %dma_wait3A_451 = arith.constant 0 : i32
      %dma_wait3A_452 = arith.constant 0 : i32
      %dma_wait3A_453 = tpu.memref_slice %arg6[%dma_wait3A_450, %dma_wait3A_451, %dma_wait3A_452] : memref<12x2x56xi32, #tpu.memory_space<vmem>> -> memref<1x2x56xi32, #tpu.memory_space<vmem>>
      %dma_wait3A_454 = tpu.memref_squeeze %dma_wait3A_453 : memref<1x2x56xi32, #tpu.memory_space<vmem>> -> memref<2x56xi32, #tpu.memory_space<vmem>>
      %dma_wait3A_455 = arith.constant 0 : i32
      %dma_wait3A_456 = arith.constant 0 : i32
      %dma_wait3A_457 = tpu.memref_slice %arg2[%add3A, %dma_wait3A_449, %dma_wait3A_455, %dma_wait3A_456] : memref<32x186x2x56xi32, #tpu.memory_space<hbm>> -> memref<1x1x2x56xi32, #tpu.memory_space<hbm>>
      %dma_wait3A_458 = tpu.memref_squeeze %dma_wait3A_457 : memref<1x1x2x56xi32, #tpu.memory_space<hbm>> -> memref<2x56xi32, #tpu.memory_space<hbm>>
      %dma_wait3A_459 = arith.constant 0 : i32
      %dma_wait3A_460 = arith.constant 0 : i32
      %dma_wait3A_461 = tpu.memref_slice %arg6[%dma_wait3A_450, %dma_wait3A_459, %dma_wait3A_460] : memref<12x2x56xi32, #tpu.memory_space<vmem>> -> memref<1x2x56xi32, #tpu.memory_space<vmem>>
      %dma_wait3A_462 = tpu.memref_squeeze %dma_wait3A_461 : memref<1x2x56xi32, #tpu.memory_space<vmem>> -> memref<2x56xi32, #tpu.memory_space<vmem>>
      %dma_wait3A_463 = arith.constant 0 : i32
      %dma_wait3A_464 = arith.constant 0 : i32
      %dma_wait3A_465 = tpu.memref_slice %arg2[%add3A, %dma_wait3A_449, %dma_wait3A_463, %dma_wait3A_464] : memref<32x186x2x56xi32, #tpu.memory_space<hbm>> -> memref<1x1x2x56xi32, #tpu.memory_space<hbm>>
      %dma_wait3A_466 = tpu.memref_squeeze %dma_wait3A_465 : memref<1x1x2x56xi32, #tpu.memory_space<hbm>> -> memref<2x56xi32, #tpu.memory_space<hbm>>
      tpu.wait_dma2 semaphore(%arg11 : memref<!tpu.dma_semaphore, #tpu.memory_space<semaphore_mem>>) src(%dma_wait3A_466 : memref<2x56xi32, #tpu.memory_space<hbm>>) dst(%dma_wait3A_462 : memref<2x56xi32, #tpu.memory_space<vmem>>)
      %dma_start3A_467 = arith.constant 2 : i32
      %dma_start3A_468 = arith.constant 0 : i32
      %dma_start3A_469 = arith.constant 2 : i32
      %dma_start3A_470 = arith.constant 0 : i32
      %dma_start3A_471 = arith.constant 0 : i32
      %dma_start3A_472 = tpu.memref_slice %arg7[%dma_start3A_469, %dma_start3A_470, %dma_start3A_471] : memref<6x56x128xf32, #tpu.memory_space<vmem>> -> memref<1x56x128xf32, #tpu.memory_space<vmem>>
      %dma_start3A_473 = tpu.memref_squeeze %dma_start3A_472 : memref<1x56x128xf32, #tpu.memory_space<vmem>> -> memref<56x128xf32, #tpu.memory_space<vmem>>
      %dma_start3A_474 = arith.constant 0 : i32
      %dma_start3A_475 = tpu.memref_slice %arg6[%dma_start3A_467, %dma_start3A_468, %dma_start3A_474] : memref<12x2x56xi32, #tpu.memory_space<vmem>> -> memref<1x1x56xi32, #tpu.memory_space<vmem>>
      %dma_start3A_476 = tpu.memref_squeeze %dma_start3A_475 : memref<1x1x56xi32, #tpu.memory_space<vmem>> -> memref<56xi32, #tpu.memory_space<vmem>>
      %dma_start3A_477 = arith.constant 0 : i32
      %dma_start3A_478 = arith.constant 0 : i32
      %dma_start3A_479 = tpu.memref_slice %arg3[%dma_start3A_477, %dma_start3A_478] : memref<10000x128xf32, #tpu.memory_space<hbm>> -> memref<10000x128xf32, #tpu.memory_space<hbm>>
      tpu.enqueue_indirect_dma source(%dma_start3A_479 : memref<10000x128xf32, #tpu.memory_space<hbm>>) target(%dma_start3A_473 : memref<56x128xf32, #tpu.memory_space<vmem>>) offsets(%dma_start3A_476 : memref<56xi32, #tpu.memory_space<vmem>>) semaphore(%arg23 : memref<!tpu.dma_semaphore, #tpu.memory_space<semaphore_mem>>)
      %add3A_480 = arith.constant 3 : i32
      %add3A_481 = arith.addi %mul3A_311, %add3A_480 : i32
      %gt3A_482 = arith.constant 0 : i32
      %gt3A_483 = arith.cmpi sgt, %while3A_309, %gt3A_482 : i32
      %convert_element_type3A_484 = arith.extui %gt3A_483 : i1 to i32
      %cond3A_485 = arith.constant 0 : i32
      %cond3A_486 = arith.cmpi ne, %convert_element_type3A_484, %cond3A_485 : i32
      scf.if %cond3A_486 {
        %dma_wait3A_1353 = arith.constant 3 : i32
        %dma_wait3A_1354 = arith.constant 9 : i32
        %dma_wait3A_1355 = arith.constant 1 : i32
        %dma_wait3A_1356 = arith.constant 0 : i32
        %dma_wait3A_1357 = arith.constant 0 : i32
        %dma_wait3A_1358 = tpu.memref_slice %arg7[%dma_wait3A_1353, %dma_wait3A_1356, %dma_wait3A_1357] : memref<6x56x128xf32, #tpu.memory_space<vmem>> -> memref<1x56x128xf32, #tpu.memory_space<vmem>>
        %dma_wait3A_1359 = tpu.memref_squeeze %dma_wait3A_1358 : memref<1x56x128xf32, #tpu.memory_space<vmem>> -> memref<56x128xf32, #tpu.memory_space<vmem>>
        %dma_wait3A_1360 = arith.constant 0 : i32
        %dma_wait3A_1361 = tpu.memref_slice %arg6[%dma_wait3A_1354, %dma_wait3A_1355, %dma_wait3A_1360] : memref<12x2x56xi32, #tpu.memory_space<vmem>> -> memref<1x1x56xi32, #tpu.memory_space<vmem>>
        %dma_wait3A_1362 = tpu.memref_squeeze %dma_wait3A_1361 : memref<1x1x56xi32, #tpu.memory_space<vmem>> -> memref<56xi32, #tpu.memory_space<vmem>>
        %dma_wait3A_1363 = arith.constant 0 : i32
        %dma_wait3A_1364 = arith.constant 0 : i32
        %dma_wait3A_1365 = tpu.memref_slice %arg8[%dma_wait3A_1363, %dma_wait3A_1364] : memref<10112x128xf32, #tpu.memory_space<vmem_shared>> -> memref<10112x128xf32, #tpu.memory_space<vmem_shared>>
        tpu.wait_indirect_dma semaphore(%arg30 : memref<!tpu.dma_semaphore, #tpu.memory_space<semaphore_mem>>) src(%dma_wait3A_1359 : memref<56x128xf32, #tpu.memory_space<vmem>>) dst(%dma_wait3A_1365 : memref<10112x128xf32, #tpu.memory_space<vmem_shared>>)
      } else {
      }
      %add3A_487 = arith.constant 6 : i32
      %add3A_488 = arith.addi %add3A_481, %add3A_487 : i32
      %dma_start3A_489 = arith.constant 9 : i32
      %dma_start3A_490 = arith.constant 0 : i32
      %dma_start3A_491 = arith.constant 0 : i32
      %dma_start3A_492 = tpu.memref_slice %arg6[%dma_start3A_489, %dma_start3A_490, %dma_start3A_491] : memref<12x2x56xi32, #tpu.memory_space<vmem>> -> memref<1x2x56xi32, #tpu.memory_space<vmem>>
      %dma_start3A_493 = tpu.memref_squeeze %dma_start3A_492 : memref<1x2x56xi32, #tpu.memory_space<vmem>> -> memref<2x56xi32, #tpu.memory_space<vmem>>
      %dma_start3A_494 = arith.constant 0 : i32
      %dma_start3A_495 = arith.constant 0 : i32
      %dma_start3A_496 = tpu.memref_slice %arg2[%add3A, %add3A_488, %dma_start3A_494, %dma_start3A_495] : memref<32x186x2x56xi32, #tpu.memory_space<hbm>> -> memref<1x1x2x56xi32, #tpu.memory_space<hbm>>
      %dma_start3A_497 = tpu.memref_squeeze %dma_start3A_496 : memref<1x1x2x56xi32, #tpu.memory_space<hbm>> -> memref<2x56xi32, #tpu.memory_space<hbm>>
      %dma_start3A_498 = arith.constant 0 : i32
      %dma_start3A_499 = arith.constant 0 : i32
      %dma_start3A_500 = tpu.memref_slice %arg6[%dma_start3A_489, %dma_start3A_498, %dma_start3A_499] : memref<12x2x56xi32, #tpu.memory_space<vmem>> -> memref<1x2x56xi32, #tpu.memory_space<vmem>>
      %dma_start3A_501 = tpu.memref_squeeze %dma_start3A_500 : memref<1x2x56xi32, #tpu.memory_space<vmem>> -> memref<2x56xi32, #tpu.memory_space<vmem>>
      %dma_start3A_502 = arith.constant 0 : i32
      %dma_start3A_503 = arith.constant 0 : i32
      %dma_start3A_504 = tpu.memref_slice %arg2[%add3A, %add3A_488, %dma_start3A_502, %dma_start3A_503] : memref<32x186x2x56xi32, #tpu.memory_space<hbm>> -> memref<1x1x2x56xi32, #tpu.memory_space<hbm>>
      %dma_start3A_505 = tpu.memref_squeeze %dma_start3A_504 : memref<1x1x2x56xi32, #tpu.memory_space<hbm>> -> memref<2x56xi32, #tpu.memory_space<hbm>>
      tpu.enqueue_dma source(%dma_start3A_505 : memref<2x56xi32, #tpu.memory_space<hbm>>) target(%dma_start3A_501 : memref<2x56xi32, #tpu.memory_space<vmem>>) target_semaphore(%arg18 : memref<!tpu.dma_semaphore, #tpu.memory_space<semaphore_mem>>)
      %dma_wait3A_506 = arith.constant 0 : i32
      %dma_wait3A_507 = arith.constant 3 : i32
      %dma_wait3A_508 = arith.constant 0 : i32
      %dma_wait3A_509 = arith.constant 0 : i32
      %dma_wait3A_510 = tpu.memref_slice %arg6[%dma_wait3A_507, %dma_wait3A_508, %dma_wait3A_509] : memref<12x2x56xi32, #tpu.memory_space<vmem>> -> memref<1x2x56xi32, #tpu.memory_space<vmem>>
      %dma_wait3A_511 = tpu.memref_squeeze %dma_wait3A_510 : memref<1x2x56xi32, #tpu.memory_space<vmem>> -> memref<2x56xi32, #tpu.memory_space<vmem>>
      %dma_wait3A_512 = arith.constant 0 : i32
      %dma_wait3A_513 = arith.constant 0 : i32
      %dma_wait3A_514 = tpu.memref_slice %arg2[%add3A, %dma_wait3A_506, %dma_wait3A_512, %dma_wait3A_513] : memref<32x186x2x56xi32, #tpu.memory_space<hbm>> -> memref<1x1x2x56xi32, #tpu.memory_space<hbm>>
      %dma_wait3A_515 = tpu.memref_squeeze %dma_wait3A_514 : memref<1x1x2x56xi32, #tpu.memory_space<hbm>> -> memref<2x56xi32, #tpu.memory_space<hbm>>
      %dma_wait3A_516 = arith.constant 0 : i32
      %dma_wait3A_517 = arith.constant 0 : i32
      %dma_wait3A_518 = tpu.memref_slice %arg6[%dma_wait3A_507, %dma_wait3A_516, %dma_wait3A_517] : memref<12x2x56xi32, #tpu.memory_space<vmem>> -> memref<1x2x56xi32, #tpu.memory_space<vmem>>
      %dma_wait3A_519 = tpu.memref_squeeze %dma_wait3A_518 : memref<1x2x56xi32, #tpu.memory_space<vmem>> -> memref<2x56xi32, #tpu.memory_space<vmem>>
      %dma_wait3A_520 = arith.constant 0 : i32
      %dma_wait3A_521 = arith.constant 0 : i32
      %dma_wait3A_522 = tpu.memref_slice %arg2[%add3A, %dma_wait3A_506, %dma_wait3A_520, %dma_wait3A_521] : memref<32x186x2x56xi32, #tpu.memory_space<hbm>> -> memref<1x1x2x56xi32, #tpu.memory_space<hbm>>
      %dma_wait3A_523 = tpu.memref_squeeze %dma_wait3A_522 : memref<1x1x2x56xi32, #tpu.memory_space<hbm>> -> memref<2x56xi32, #tpu.memory_space<hbm>>
      tpu.wait_dma2 semaphore(%arg12 : memref<!tpu.dma_semaphore, #tpu.memory_space<semaphore_mem>>) src(%dma_wait3A_523 : memref<2x56xi32, #tpu.memory_space<hbm>>) dst(%dma_wait3A_519 : memref<2x56xi32, #tpu.memory_space<vmem>>)
      %dma_start3A_524 = arith.constant 3 : i32
      %dma_start3A_525 = arith.constant 0 : i32
      %dma_start3A_526 = arith.constant 3 : i32
      %dma_start3A_527 = arith.constant 0 : i32
      %dma_start3A_528 = arith.constant 0 : i32
      %dma_start3A_529 = tpu.memref_slice %arg7[%dma_start3A_526, %dma_start3A_527, %dma_start3A_528] : memref<6x56x128xf32, #tpu.memory_space<vmem>> -> memref<1x56x128xf32, #tpu.memory_space<vmem>>
      %dma_start3A_530 = tpu.memref_squeeze %dma_start3A_529 : memref<1x56x128xf32, #tpu.memory_space<vmem>> -> memref<56x128xf32, #tpu.memory_space<vmem>>
      %dma_start3A_531 = arith.constant 0 : i32
      %dma_start3A_532 = tpu.memref_slice %arg6[%dma_start3A_524, %dma_start3A_525, %dma_start3A_531] : memref<12x2x56xi32, #tpu.memory_space<vmem>> -> memref<1x1x56xi32, #tpu.memory_space<vmem>>
      %dma_start3A_533 = tpu.memref_squeeze %dma_start3A_532 : memref<1x1x56xi32, #tpu.memory_space<vmem>> -> memref<56xi32, #tpu.memory_space<vmem>>
      %dma_start3A_534 = arith.constant 0 : i32
      %dma_start3A_535 = arith.constant 0 : i32
      %dma_start3A_536 = tpu.memref_slice %arg3[%dma_start3A_534, %dma_start3A_535] : memref<10000x128xf32, #tpu.memory_space<hbm>> -> memref<10000x128xf32, #tpu.memory_space<hbm>>
      tpu.enqueue_indirect_dma source(%dma_start3A_536 : memref<10000x128xf32, #tpu.memory_space<hbm>>) target(%dma_start3A_530 : memref<56x128xf32, #tpu.memory_space<vmem>>) offsets(%dma_start3A_533 : memref<56xi32, #tpu.memory_space<vmem>>) semaphore(%arg24 : memref<!tpu.dma_semaphore, #tpu.memory_space<semaphore_mem>>)
      %add3A_537 = arith.constant 4 : i32
      %add3A_538 = arith.addi %mul3A_311, %add3A_537 : i32
      %gt3A_539 = arith.constant 0 : i32
      %gt3A_540 = arith.cmpi sgt, %while3A_309, %gt3A_539 : i32
      %convert_element_type3A_541 = arith.extui %gt3A_540 : i1 to i32
      %cond3A_542 = arith.constant 0 : i32
      %cond3A_543 = arith.cmpi ne, %convert_element_type3A_541, %cond3A_542 : i32
      scf.if %cond3A_543 {
        %dma_wait3A_1353 = arith.constant 4 : i32
        %dma_wait3A_1354 = arith.constant 10 : i32
        %dma_wait3A_1355 = arith.constant 1 : i32
        %dma_wait3A_1356 = arith.constant 0 : i32
        %dma_wait3A_1357 = arith.constant 0 : i32
        %dma_wait3A_1358 = tpu.memref_slice %arg7[%dma_wait3A_1353, %dma_wait3A_1356, %dma_wait3A_1357] : memref<6x56x128xf32, #tpu.memory_space<vmem>> -> memref<1x56x128xf32, #tpu.memory_space<vmem>>
        %dma_wait3A_1359 = tpu.memref_squeeze %dma_wait3A_1358 : memref<1x56x128xf32, #tpu.memory_space<vmem>> -> memref<56x128xf32, #tpu.memory_space<vmem>>
        %dma_wait3A_1360 = arith.constant 0 : i32
        %dma_wait3A_1361 = tpu.memref_slice %arg6[%dma_wait3A_1354, %dma_wait3A_1355, %dma_wait3A_1360] : memref<12x2x56xi32, #tpu.memory_space<vmem>> -> memref<1x1x56xi32, #tpu.memory_space<vmem>>
        %dma_wait3A_1362 = tpu.memref_squeeze %dma_wait3A_1361 : memref<1x1x56xi32, #tpu.memory_space<vmem>> -> memref<56xi32, #tpu.memory_space<vmem>>
        %dma_wait3A_1363 = arith.constant 0 : i32
        %dma_wait3A_1364 = arith.constant 0 : i32
        %dma_wait3A_1365 = tpu.memref_slice %arg8[%dma_wait3A_1363, %dma_wait3A_1364] : memref<10112x128xf32, #tpu.memory_space<vmem_shared>> -> memref<10112x128xf32, #tpu.memory_space<vmem_shared>>
        tpu.wait_indirect_dma semaphore(%arg31 : memref<!tpu.dma_semaphore, #tpu.memory_space<semaphore_mem>>) src(%dma_wait3A_1359 : memref<56x128xf32, #tpu.memory_space<vmem>>) dst(%dma_wait3A_1365 : memref<10112x128xf32, #tpu.memory_space<vmem_shared>>)
      } else {
      }
      %add3A_544 = arith.constant 6 : i32
      %add3A_545 = arith.addi %add3A_538, %add3A_544 : i32
      %dma_start3A_546 = arith.constant 10 : i32
      %dma_start3A_547 = arith.constant 0 : i32
      %dma_start3A_548 = arith.constant 0 : i32
      %dma_start3A_549 = tpu.memref_slice %arg6[%dma_start3A_546, %dma_start3A_547, %dma_start3A_548] : memref<12x2x56xi32, #tpu.memory_space<vmem>> -> memref<1x2x56xi32, #tpu.memory_space<vmem>>
      %dma_start3A_550 = tpu.memref_squeeze %dma_start3A_549 : memref<1x2x56xi32, #tpu.memory_space<vmem>> -> memref<2x56xi32, #tpu.memory_space<vmem>>
      %dma_start3A_551 = arith.constant 0 : i32
      %dma_start3A_552 = arith.constant 0 : i32
      %dma_start3A_553 = tpu.memref_slice %arg2[%add3A, %add3A_545, %dma_start3A_551, %dma_start3A_552] : memref<32x186x2x56xi32, #tpu.memory_space<hbm>> -> memref<1x1x2x56xi32, #tpu.memory_space<hbm>>
      %dma_start3A_554 = tpu.memref_squeeze %dma_start3A_553 : memref<1x1x2x56xi32, #tpu.memory_space<hbm>> -> memref<2x56xi32, #tpu.memory_space<hbm>>
      %dma_start3A_555 = arith.constant 0 : i32
      %dma_start3A_556 = arith.constant 0 : i32
      %dma_start3A_557 = tpu.memref_slice %arg6[%dma_start3A_546, %dma_start3A_555, %dma_start3A_556] : memref<12x2x56xi32, #tpu.memory_space<vmem>> -> memref<1x2x56xi32, #tpu.memory_space<vmem>>
      %dma_start3A_558 = tpu.memref_squeeze %dma_start3A_557 : memref<1x2x56xi32, #tpu.memory_space<vmem>> -> memref<2x56xi32, #tpu.memory_space<vmem>>
      %dma_start3A_559 = arith.constant 0 : i32
      %dma_start3A_560 = arith.constant 0 : i32
      %dma_start3A_561 = tpu.memref_slice %arg2[%add3A, %add3A_545, %dma_start3A_559, %dma_start3A_560] : memref<32x186x2x56xi32, #tpu.memory_space<hbm>> -> memref<1x1x2x56xi32, #tpu.memory_space<hbm>>
      %dma_start3A_562 = tpu.memref_squeeze %dma_start3A_561 : memref<1x1x2x56xi32, #tpu.memory_space<hbm>> -> memref<2x56xi32, #tpu.memory_space<hbm>>
      tpu.enqueue_dma source(%dma_start3A_562 : memref<2x56xi32, #tpu.memory_space<hbm>>) target(%dma_start3A_558 : memref<2x56xi32, #tpu.memory_space<vmem>>) target_semaphore(%arg19 : memref<!tpu.dma_semaphore, #tpu.memory_space<semaphore_mem>>)
      %dma_wait3A_563 = arith.constant 0 : i32
      %dma_wait3A_564 = arith.constant 4 : i32
      %dma_wait3A_565 = arith.constant 0 : i32
      %dma_wait3A_566 = arith.constant 0 : i32
      %dma_wait3A_567 = tpu.memref_slice %arg6[%dma_wait3A_564, %dma_wait3A_565, %dma_wait3A_566] : memref<12x2x56xi32, #tpu.memory_space<vmem>> -> memref<1x2x56xi32, #tpu.memory_space<vmem>>
      %dma_wait3A_568 = tpu.memref_squeeze %dma_wait3A_567 : memref<1x2x56xi32, #tpu.memory_space<vmem>> -> memref<2x56xi32, #tpu.memory_space<vmem>>
      %dma_wait3A_569 = arith.constant 0 : i32
      %dma_wait3A_570 = arith.constant 0 : i32
      %dma_wait3A_571 = tpu.memref_slice %arg2[%add3A, %dma_wait3A_563, %dma_wait3A_569, %dma_wait3A_570] : memref<32x186x2x56xi32, #tpu.memory_space<hbm>> -> memref<1x1x2x56xi32, #tpu.memory_space<hbm>>
      %dma_wait3A_572 = tpu.memref_squeeze %dma_wait3A_571 : memref<1x1x2x56xi32, #tpu.memory_space<hbm>> -> memref<2x56xi32, #tpu.memory_space<hbm>>
      %dma_wait3A_573 = arith.constant 0 : i32
      %dma_wait3A_574 = arith.constant 0 : i32
      %dma_wait3A_575 = tpu.memref_slice %arg6[%dma_wait3A_564, %dma_wait3A_573, %dma_wait3A_574] : memref<12x2x56xi32, #tpu.memory_space<vmem>> -> memref<1x2x56xi32, #tpu.memory_space<vmem>>
      %dma_wait3A_576 = tpu.memref_squeeze %dma_wait3A_575 : memref<1x2x56xi32, #tpu.memory_space<vmem>> -> memref<2x56xi32, #tpu.memory_space<vmem>>
      %dma_wait3A_577 = arith.constant 0 : i32
      %dma_wait3A_578 = arith.constant 0 : i32
      %dma_wait3A_579 = tpu.memref_slice %arg2[%add3A, %dma_wait3A_563, %dma_wait3A_577, %dma_wait3A_578] : memref<32x186x2x56xi32, #tpu.memory_space<hbm>> -> memref<1x1x2x56xi32, #tpu.memory_space<hbm>>
      %dma_wait3A_580 = tpu.memref_squeeze %dma_wait3A_579 : memref<1x1x2x56xi32, #tpu.memory_space<hbm>> -> memref<2x56xi32, #tpu.memory_space<hbm>>
      tpu.wait_dma2 semaphore(%arg13 : memref<!tpu.dma_semaphore, #tpu.memory_space<semaphore_mem>>) src(%dma_wait3A_580 : memref<2x56xi32, #tpu.memory_space<hbm>>) dst(%dma_wait3A_576 : memref<2x56xi32, #tpu.memory_space<vmem>>)
      %dma_start3A_581 = arith.constant 4 : i32
      %dma_start3A_582 = arith.constant 0 : i32
      %dma_start3A_583 = arith.constant 4 : i32
      %dma_start3A_584 = arith.constant 0 : i32
      %dma_start3A_585 = arith.constant 0 : i32
      %dma_start3A_586 = tpu.memref_slice %arg7[%dma_start3A_583, %dma_start3A_584, %dma_start3A_585] : memref<6x56x128xf32, #tpu.memory_space<vmem>> -> memref<1x56x128xf32, #tpu.memory_space<vmem>>
      %dma_start3A_587 = tpu.memref_squeeze %dma_start3A_586 : memref<1x56x128xf32, #tpu.memory_space<vmem>> -> memref<56x128xf32, #tpu.memory_space<vmem>>
      %dma_start3A_588 = arith.constant 0 : i32
      %dma_start3A_589 = tpu.memref_slice %arg6[%dma_start3A_581, %dma_start3A_582, %dma_start3A_588] : memref<12x2x56xi32, #tpu.memory_space<vmem>> -> memref<1x1x56xi32, #tpu.memory_space<vmem>>
      %dma_start3A_590 = tpu.memref_squeeze %dma_start3A_589 : memref<1x1x56xi32, #tpu.memory_space<vmem>> -> memref<56xi32, #tpu.memory_space<vmem>>
      %dma_start3A_591 = arith.constant 0 : i32
      %dma_start3A_592 = arith.constant 0 : i32
      %dma_start3A_593 = tpu.memref_slice %arg3[%dma_start3A_591, %dma_start3A_592] : memref<10000x128xf32, #tpu.memory_space<hbm>> -> memref<10000x128xf32, #tpu.memory_space<hbm>>
      tpu.enqueue_indirect_dma source(%dma_start3A_593 : memref<10000x128xf32, #tpu.memory_space<hbm>>) target(%dma_start3A_587 : memref<56x128xf32, #tpu.memory_space<vmem>>) offsets(%dma_start3A_590 : memref<56xi32, #tpu.memory_space<vmem>>) semaphore(%arg25 : memref<!tpu.dma_semaphore, #tpu.memory_space<semaphore_mem>>)
      %add3A_594 = arith.constant 5 : i32
      %add3A_595 = arith.addi %mul3A_311, %add3A_594 : i32
      %gt3A_596 = arith.constant 0 : i32
      %gt3A_597 = arith.cmpi sgt, %while3A_309, %gt3A_596 : i32
      %convert_element_type3A_598 = arith.extui %gt3A_597 : i1 to i32
      %cond3A_599 = arith.constant 0 : i32
      %cond3A_600 = arith.cmpi ne, %convert_element_type3A_598, %cond3A_599 : i32
      scf.if %cond3A_600 {
        %dma_wait3A_1353 = arith.constant 5 : i32
        %dma_wait3A_1354 = arith.constant 11 : i32
        %dma_wait3A_1355 = arith.constant 1 : i32
        %dma_wait3A_1356 = arith.constant 0 : i32
        %dma_wait3A_1357 = arith.constant 0 : i32
        %dma_wait3A_1358 = tpu.memref_slice %arg7[%dma_wait3A_1353, %dma_wait3A_1356, %dma_wait3A_1357] : memref<6x56x128xf32, #tpu.memory_space<vmem>> -> memref<1x56x128xf32, #tpu.memory_space<vmem>>
        %dma_wait3A_1359 = tpu.memref_squeeze %dma_wait3A_1358 : memref<1x56x128xf32, #tpu.memory_space<vmem>> -> memref<56x128xf32, #tpu.memory_space<vmem>>
        %dma_wait3A_1360 = arith.constant 0 : i32
        %dma_wait3A_1361 = tpu.memref_slice %arg6[%dma_wait3A_1354, %dma_wait3A_1355, %dma_wait3A_1360] : memref<12x2x56xi32, #tpu.memory_space<vmem>> -> memref<1x1x56xi32, #tpu.memory_space<vmem>>
        %dma_wait3A_1362 = tpu.memref_squeeze %dma_wait3A_1361 : memref<1x1x56xi32, #tpu.memory_space<vmem>> -> memref<56xi32, #tpu.memory_space<vmem>>
        %dma_wait3A_1363 = arith.constant 0 : i32
        %dma_wait3A_1364 = arith.constant 0 : i32
        %dma_wait3A_1365 = tpu.memref_slice %arg8[%dma_wait3A_1363, %dma_wait3A_1364] : memref<10112x128xf32, #tpu.memory_space<vmem_shared>> -> memref<10112x128xf32, #tpu.memory_space<vmem_shared>>
        tpu.wait_indirect_dma semaphore(%arg32 : memref<!tpu.dma_semaphore, #tpu.memory_space<semaphore_mem>>) src(%dma_wait3A_1359 : memref<56x128xf32, #tpu.memory_space<vmem>>) dst(%dma_wait3A_1365 : memref<10112x128xf32, #tpu.memory_space<vmem_shared>>)
      } else {
      }
      %add3A_601 = arith.constant 6 : i32
      %add3A_602 = arith.addi %add3A_595, %add3A_601 : i32
      %dma_start3A_603 = arith.constant 11 : i32
      %dma_start3A_604 = arith.constant 0 : i32
      %dma_start3A_605 = arith.constant 0 : i32
      %dma_start3A_606 = tpu.memref_slice %arg6[%dma_start3A_603, %dma_start3A_604, %dma_start3A_605] : memref<12x2x56xi32, #tpu.memory_space<vmem>> -> memref<1x2x56xi32, #tpu.memory_space<vmem>>
      %dma_start3A_607 = tpu.memref_squeeze %dma_start3A_606 : memref<1x2x56xi32, #tpu.memory_space<vmem>> -> memref<2x56xi32, #tpu.memory_space<vmem>>
      %dma_start3A_608 = arith.constant 0 : i32
      %dma_start3A_609 = arith.constant 0 : i32
      %dma_start3A_610 = tpu.memref_slice %arg2[%add3A, %add3A_602, %dma_start3A_608, %dma_start3A_609] : memref<32x186x2x56xi32, #tpu.memory_space<hbm>> -> memref<1x1x2x56xi32, #tpu.memory_space<hbm>>
      %dma_start3A_611 = tpu.memref_squeeze %dma_start3A_610 : memref<1x1x2x56xi32, #tpu.memory_space<hbm>> -> memref<2x56xi32, #tpu.memory_space<hbm>>
      %dma_start3A_612 = arith.constant 0 : i32
      %dma_start3A_613 = arith.constant 0 : i32
      %dma_start3A_614 = tpu.memref_slice %arg6[%dma_start3A_603, %dma_start3A_612, %dma_start3A_613] : memref<12x2x56xi32, #tpu.memory_space<vmem>> -> memref<1x2x56xi32, #tpu.memory_space<vmem>>
      %dma_start3A_615 = tpu.memref_squeeze %dma_start3A_614 : memref<1x2x56xi32, #tpu.memory_space<vmem>> -> memref<2x56xi32, #tpu.memory_space<vmem>>
      %dma_start3A_616 = arith.constant 0 : i32
      %dma_start3A_617 = arith.constant 0 : i32
      %dma_start3A_618 = tpu.memref_slice %arg2[%add3A, %add3A_602, %dma_start3A_616, %dma_start3A_617] : memref<32x186x2x56xi32, #tpu.memory_space<hbm>> -> memref<1x1x2x56xi32, #tpu.memory_space<hbm>>
      %dma_start3A_619 = tpu.memref_squeeze %dma_start3A_618 : memref<1x1x2x56xi32, #tpu.memory_space<hbm>> -> memref<2x56xi32, #tpu.memory_space<hbm>>
      tpu.enqueue_dma source(%dma_start3A_619 : memref<2x56xi32, #tpu.memory_space<hbm>>) target(%dma_start3A_615 : memref<2x56xi32, #tpu.memory_space<vmem>>) target_semaphore(%arg20 : memref<!tpu.dma_semaphore, #tpu.memory_space<semaphore_mem>>)
      %dma_wait3A_620 = arith.constant 0 : i32
      %dma_wait3A_621 = arith.constant 5 : i32
      %dma_wait3A_622 = arith.constant 0 : i32
      %dma_wait3A_623 = arith.constant 0 : i32
      %dma_wait3A_624 = tpu.memref_slice %arg6[%dma_wait3A_621, %dma_wait3A_622, %dma_wait3A_623] : memref<12x2x56xi32, #tpu.memory_space<vmem>> -> memref<1x2x56xi32, #tpu.memory_space<vmem>>
      %dma_wait3A_625 = tpu.memref_squeeze %dma_wait3A_624 : memref<1x2x56xi32, #tpu.memory_space<vmem>> -> memref<2x56xi32, #tpu.memory_space<vmem>>
      %dma_wait3A_626 = arith.constant 0 : i32
      %dma_wait3A_627 = arith.constant 0 : i32
      %dma_wait3A_628 = tpu.memref_slice %arg2[%add3A, %dma_wait3A_620, %dma_wait3A_626, %dma_wait3A_627] : memref<32x186x2x56xi32, #tpu.memory_space<hbm>> -> memref<1x1x2x56xi32, #tpu.memory_space<hbm>>
      %dma_wait3A_629 = tpu.memref_squeeze %dma_wait3A_628 : memref<1x1x2x56xi32, #tpu.memory_space<hbm>> -> memref<2x56xi32, #tpu.memory_space<hbm>>
      %dma_wait3A_630 = arith.constant 0 : i32
      %dma_wait3A_631 = arith.constant 0 : i32
      %dma_wait3A_632 = tpu.memref_slice %arg6[%dma_wait3A_621, %dma_wait3A_630, %dma_wait3A_631] : memref<12x2x56xi32, #tpu.memory_space<vmem>> -> memref<1x2x56xi32, #tpu.memory_space<vmem>>
      %dma_wait3A_633 = tpu.memref_squeeze %dma_wait3A_632 : memref<1x2x56xi32, #tpu.memory_space<vmem>> -> memref<2x56xi32, #tpu.memory_space<vmem>>
      %dma_wait3A_634 = arith.constant 0 : i32
      %dma_wait3A_635 = arith.constant 0 : i32
      %dma_wait3A_636 = tpu.memref_slice %arg2[%add3A, %dma_wait3A_620, %dma_wait3A_634, %dma_wait3A_635] : memref<32x186x2x56xi32, #tpu.memory_space<hbm>> -> memref<1x1x2x56xi32, #tpu.memory_space<hbm>>
      %dma_wait3A_637 = tpu.memref_squeeze %dma_wait3A_636 : memref<1x1x2x56xi32, #tpu.memory_space<hbm>> -> memref<2x56xi32, #tpu.memory_space<hbm>>
      tpu.wait_dma2 semaphore(%arg14 : memref<!tpu.dma_semaphore, #tpu.memory_space<semaphore_mem>>) src(%dma_wait3A_637 : memref<2x56xi32, #tpu.memory_space<hbm>>) dst(%dma_wait3A_633 : memref<2x56xi32, #tpu.memory_space<vmem>>)
      %dma_start3A_638 = arith.constant 5 : i32
      %dma_start3A_639 = arith.constant 0 : i32
      %dma_start3A_640 = arith.constant 5 : i32
      %dma_start3A_641 = arith.constant 0 : i32
      %dma_start3A_642 = arith.constant 0 : i32
      %dma_start3A_643 = tpu.memref_slice %arg7[%dma_start3A_640, %dma_start3A_641, %dma_start3A_642] : memref<6x56x128xf32, #tpu.memory_space<vmem>> -> memref<1x56x128xf32, #tpu.memory_space<vmem>>
      %dma_start3A_644 = tpu.memref_squeeze %dma_start3A_643 : memref<1x56x128xf32, #tpu.memory_space<vmem>> -> memref<56x128xf32, #tpu.memory_space<vmem>>
      %dma_start3A_645 = arith.constant 0 : i32
      %dma_start3A_646 = tpu.memref_slice %arg6[%dma_start3A_638, %dma_start3A_639, %dma_start3A_645] : memref<12x2x56xi32, #tpu.memory_space<vmem>> -> memref<1x1x56xi32, #tpu.memory_space<vmem>>
      %dma_start3A_647 = tpu.memref_squeeze %dma_start3A_646 : memref<1x1x56xi32, #tpu.memory_space<vmem>> -> memref<56xi32, #tpu.memory_space<vmem>>
      %dma_start3A_648 = arith.constant 0 : i32
      %dma_start3A_649 = arith.constant 0 : i32
      %dma_start3A_650 = tpu.memref_slice %arg3[%dma_start3A_648, %dma_start3A_649] : memref<10000x128xf32, #tpu.memory_space<hbm>> -> memref<10000x128xf32, #tpu.memory_space<hbm>>
      tpu.enqueue_indirect_dma source(%dma_start3A_650 : memref<10000x128xf32, #tpu.memory_space<hbm>>) target(%dma_start3A_644 : memref<56x128xf32, #tpu.memory_space<vmem>>) offsets(%dma_start3A_647 : memref<56xi32, #tpu.memory_space<vmem>>) semaphore(%arg26 : memref<!tpu.dma_semaphore, #tpu.memory_space<semaphore_mem>>)
      %dma_wait3A_651 = arith.constant 0 : i32
      %dma_wait3A_652 = arith.constant 0 : i32
      %dma_wait3A_653 = arith.constant 0 : i32
      %dma_wait3A_654 = arith.constant 0 : i32
      %dma_wait3A_655 = arith.constant 0 : i32
      %dma_wait3A_656 = tpu.memref_slice %arg7[%dma_wait3A_653, %dma_wait3A_654, %dma_wait3A_655] : memref<6x56x128xf32, #tpu.memory_space<vmem>> -> memref<1x56x128xf32, #tpu.memory_space<vmem>>
      %dma_wait3A_657 = tpu.memref_squeeze %dma_wait3A_656 : memref<1x56x128xf32, #tpu.memory_space<vmem>> -> memref<56x128xf32, #tpu.memory_space<vmem>>
      %dma_wait3A_658 = arith.constant 0 : i32
      %dma_wait3A_659 = tpu.memref_slice %arg6[%dma_wait3A_651, %dma_wait3A_652, %dma_wait3A_658] : memref<12x2x56xi32, #tpu.memory_space<vmem>> -> memref<1x1x56xi32, #tpu.memory_space<vmem>>
      %dma_wait3A_660 = tpu.memref_squeeze %dma_wait3A_659 : memref<1x1x56xi32, #tpu.memory_space<vmem>> -> memref<56xi32, #tpu.memory_space<vmem>>
      %dma_wait3A_661 = arith.constant 0 : i32
      %dma_wait3A_662 = arith.constant 0 : i32
      %dma_wait3A_663 = tpu.memref_slice %arg3[%dma_wait3A_661, %dma_wait3A_662] : memref<10000x128xf32, #tpu.memory_space<hbm>> -> memref<10000x128xf32, #tpu.memory_space<hbm>>
      tpu.wait_indirect_dma semaphore(%arg21 : memref<!tpu.dma_semaphore, #tpu.memory_space<semaphore_mem>>) src(%dma_wait3A_663 : memref<10000x128xf32, #tpu.memory_space<hbm>>) dst(%dma_wait3A_657 : memref<56x128xf32, #tpu.memory_space<vmem>>)
      %dma_start3A_664 = arith.constant 0 : i32
      %dma_start3A_665 = arith.constant 0 : i32
      %dma_start3A_666 = arith.constant 1 : i32
      %dma_start3A_667 = arith.constant 0 : i32
      %dma_start3A_668 = arith.constant 0 : i32
      %dma_start3A_669 = tpu.memref_slice %arg7[%dma_start3A_664, %dma_start3A_667, %dma_start3A_668] : memref<6x56x128xf32, #tpu.memory_space<vmem>> -> memref<1x56x128xf32, #tpu.memory_space<vmem>>
      %dma_start3A_670 = tpu.memref_squeeze %dma_start3A_669 : memref<1x56x128xf32, #tpu.memory_space<vmem>> -> memref<56x128xf32, #tpu.memory_space<vmem>>
      %dma_start3A_671 = arith.constant 0 : i32
      %dma_start3A_672 = tpu.memref_slice %arg6[%dma_start3A_665, %dma_start3A_666, %dma_start3A_671] : memref<12x2x56xi32, #tpu.memory_space<vmem>> -> memref<1x1x56xi32, #tpu.memory_space<vmem>>
      %dma_start3A_673 = tpu.memref_squeeze %dma_start3A_672 : memref<1x1x56xi32, #tpu.memory_space<vmem>> -> memref<56xi32, #tpu.memory_space<vmem>>
      %dma_start3A_674 = arith.constant 0 : i32
      %dma_start3A_675 = arith.constant 0 : i32
      %dma_start3A_676 = tpu.memref_slice %arg8[%dma_start3A_674, %dma_start3A_675] : memref<10112x128xf32, #tpu.memory_space<vmem_shared>> -> memref<10112x128xf32, #tpu.memory_space<vmem_shared>>
      tpu.enqueue_indirect_dma source(%dma_start3A_670 : memref<56x128xf32, #tpu.memory_space<vmem>>) target(%dma_start3A_676 : memref<10112x128xf32, #tpu.memory_space<vmem_shared>>) offsets(%dma_start3A_673 : memref<56xi32, #tpu.memory_space<vmem>>) semaphore(%arg27 : memref<!tpu.dma_semaphore, #tpu.memory_space<semaphore_mem>>) {add = true}
      %dma_wait3A_677 = arith.constant 1 : i32
      %dma_wait3A_678 = arith.constant 0 : i32
      %dma_wait3A_679 = arith.constant 1 : i32
      %dma_wait3A_680 = arith.constant 0 : i32
      %dma_wait3A_681 = arith.constant 0 : i32
      %dma_wait3A_682 = tpu.memref_slice %arg7[%dma_wait3A_679, %dma_wait3A_680, %dma_wait3A_681] : memref<6x56x128xf32, #tpu.memory_space<vmem>> -> memref<1x56x128xf32, #tpu.memory_space<vmem>>
      %dma_wait3A_683 = tpu.memref_squeeze %dma_wait3A_682 : memref<1x56x128xf32, #tpu.memory_space<vmem>> -> memref<56x128xf32, #tpu.memory_space<vmem>>
      %dma_wait3A_684 = arith.constant 0 : i32
      %dma_wait3A_685 = tpu.memref_slice %arg6[%dma_wait3A_677, %dma_wait3A_678, %dma_wait3A_684] : memref<12x2x56xi32, #tpu.memory_space<vmem>> -> memref<1x1x56xi32, #tpu.memory_space<vmem>>
      %dma_wait3A_686 = tpu.memref_squeeze %dma_wait3A_685 : memref<1x1x56xi32, #tpu.memory_space<vmem>> -> memref<56xi32, #tpu.memory_space<vmem>>
      %dma_wait3A_687 = arith.constant 0 : i32
      %dma_wait3A_688 = arith.constant 0 : i32
      %dma_wait3A_689 = tpu.memref_slice %arg3[%dma_wait3A_687, %dma_wait3A_688] : memref<10000x128xf32, #tpu.memory_space<hbm>> -> memref<10000x128xf32, #tpu.memory_space<hbm>>
      tpu.wait_indirect_dma semaphore(%arg22 : memref<!tpu.dma_semaphore, #tpu.memory_space<semaphore_mem>>) src(%dma_wait3A_689 : memref<10000x128xf32, #tpu.memory_space<hbm>>) dst(%dma_wait3A_683 : memref<56x128xf32, #tpu.memory_space<vmem>>)
      %dma_start3A_690 = arith.constant 1 : i32
      %dma_start3A_691 = arith.constant 1 : i32
      %dma_start3A_692 = arith.constant 1 : i32
      %dma_start3A_693 = arith.constant 0 : i32
      %dma_start3A_694 = arith.constant 0 : i32
      %dma_start3A_695 = tpu.memref_slice %arg7[%dma_start3A_690, %dma_start3A_693, %dma_start3A_694] : memref<6x56x128xf32, #tpu.memory_space<vmem>> -> memref<1x56x128xf32, #tpu.memory_space<vmem>>
      %dma_start3A_696 = tpu.memref_squeeze %dma_start3A_695 : memref<1x56x128xf32, #tpu.memory_space<vmem>> -> memref<56x128xf32, #tpu.memory_space<vmem>>
      %dma_start3A_697 = arith.constant 0 : i32
      %dma_start3A_698 = tpu.memref_slice %arg6[%dma_start3A_691, %dma_start3A_692, %dma_start3A_697] : memref<12x2x56xi32, #tpu.memory_space<vmem>> -> memref<1x1x56xi32, #tpu.memory_space<vmem>>
      %dma_start3A_699 = tpu.memref_squeeze %dma_start3A_698 : memref<1x1x56xi32, #tpu.memory_space<vmem>> -> memref<56xi32, #tpu.memory_space<vmem>>
      %dma_start3A_700 = arith.constant 0 : i32
      %dma_start3A_701 = arith.constant 0 : i32
      %dma_start3A_702 = tpu.memref_slice %arg8[%dma_start3A_700, %dma_start3A_701] : memref<10112x128xf32, #tpu.memory_space<vmem_shared>> -> memref<10112x128xf32, #tpu.memory_space<vmem_shared>>
      tpu.enqueue_indirect_dma source(%dma_start3A_696 : memref<56x128xf32, #tpu.memory_space<vmem>>) target(%dma_start3A_702 : memref<10112x128xf32, #tpu.memory_space<vmem_shared>>) offsets(%dma_start3A_699 : memref<56xi32, #tpu.memory_space<vmem>>) semaphore(%arg28 : memref<!tpu.dma_semaphore, #tpu.memory_space<semaphore_mem>>) {add = true}
      %dma_wait3A_703 = arith.constant 2 : i32
      %dma_wait3A_704 = arith.constant 0 : i32
      %dma_wait3A_705 = arith.constant 2 : i32
      %dma_wait3A_706 = arith.constant 0 : i32
      %dma_wait3A_707 = arith.constant 0 : i32
      %dma_wait3A_708 = tpu.memref_slice %arg7[%dma_wait3A_705, %dma_wait3A_706, %dma_wait3A_707] : memref<6x56x128xf32, #tpu.memory_space<vmem>> -> memref<1x56x128xf32, #tpu.memory_space<vmem>>
      %dma_wait3A_709 = tpu.memref_squeeze %dma_wait3A_708 : memref<1x56x128xf32, #tpu.memory_space<vmem>> -> memref<56x128xf32, #tpu.memory_space<vmem>>
      %dma_wait3A_710 = arith.constant 0 : i32
      %dma_wait3A_711 = tpu.memref_slice %arg6[%dma_wait3A_703, %dma_wait3A_704, %dma_wait3A_710] : memref<12x2x56xi32, #tpu.memory_space<vmem>> -> memref<1x1x56xi32, #tpu.memory_space<vmem>>
      %dma_wait3A_712 = tpu.memref_squeeze %dma_wait3A_711 : memref<1x1x56xi32, #tpu.memory_space<vmem>> -> memref<56xi32, #tpu.memory_space<vmem>>
      %dma_wait3A_713 = arith.constant 0 : i32
      %dma_wait3A_714 = arith.constant 0 : i32
      %dma_wait3A_715 = tpu.memref_slice %arg3[%dma_wait3A_713, %dma_wait3A_714] : memref<10000x128xf32, #tpu.memory_space<hbm>> -> memref<10000x128xf32, #tpu.memory_space<hbm>>
      tpu.wait_indirect_dma semaphore(%arg23 : memref<!tpu.dma_semaphore, #tpu.memory_space<semaphore_mem>>) src(%dma_wait3A_715 : memref<10000x128xf32, #tpu.memory_space<hbm>>) dst(%dma_wait3A_709 : memref<56x128xf32, #tpu.memory_space<vmem>>)
      %dma_start3A_716 = arith.constant 2 : i32
      %dma_start3A_717 = arith.constant 2 : i32
      %dma_start3A_718 = arith.constant 1 : i32
      %dma_start3A_719 = arith.constant 0 : i32
      %dma_start3A_720 = arith.constant 0 : i32
      %dma_start3A_721 = tpu.memref_slice %arg7[%dma_start3A_716, %dma_start3A_719, %dma_start3A_720] : memref<6x56x128xf32, #tpu.memory_space<vmem>> -> memref<1x56x128xf32, #tpu.memory_space<vmem>>
      %dma_start3A_722 = tpu.memref_squeeze %dma_start3A_721 : memref<1x56x128xf32, #tpu.memory_space<vmem>> -> memref<56x128xf32, #tpu.memory_space<vmem>>
      %dma_start3A_723 = arith.constant 0 : i32
      %dma_start3A_724 = tpu.memref_slice %arg6[%dma_start3A_717, %dma_start3A_718, %dma_start3A_723] : memref<12x2x56xi32, #tpu.memory_space<vmem>> -> memref<1x1x56xi32, #tpu.memory_space<vmem>>
      %dma_start3A_725 = tpu.memref_squeeze %dma_start3A_724 : memref<1x1x56xi32, #tpu.memory_space<vmem>> -> memref<56xi32, #tpu.memory_space<vmem>>
      %dma_start3A_726 = arith.constant 0 : i32
      %dma_start3A_727 = arith.constant 0 : i32
      %dma_start3A_728 = tpu.memref_slice %arg8[%dma_start3A_726, %dma_start3A_727] : memref<10112x128xf32, #tpu.memory_space<vmem_shared>> -> memref<10112x128xf32, #tpu.memory_space<vmem_shared>>
      tpu.enqueue_indirect_dma source(%dma_start3A_722 : memref<56x128xf32, #tpu.memory_space<vmem>>) target(%dma_start3A_728 : memref<10112x128xf32, #tpu.memory_space<vmem_shared>>) offsets(%dma_start3A_725 : memref<56xi32, #tpu.memory_space<vmem>>) semaphore(%arg29 : memref<!tpu.dma_semaphore, #tpu.memory_space<semaphore_mem>>) {add = true}
      %dma_wait3A_729 = arith.constant 3 : i32
      %dma_wait3A_730 = arith.constant 0 : i32
      %dma_wait3A_731 = arith.constant 3 : i32
      %dma_wait3A_732 = arith.constant 0 : i32
      %dma_wait3A_733 = arith.constant 0 : i32
      %dma_wait3A_734 = tpu.memref_slice %arg7[%dma_wait3A_731, %dma_wait3A_732, %dma_wait3A_733] : memref<6x56x128xf32, #tpu.memory_space<vmem>> -> memref<1x56x128xf32, #tpu.memory_space<vmem>>
      %dma_wait3A_735 = tpu.memref_squeeze %dma_wait3A_734 : memref<1x56x128xf32, #tpu.memory_space<vmem>> -> memref<56x128xf32, #tpu.memory_space<vmem>>
      %dma_wait3A_736 = arith.constant 0 : i32
      %dma_wait3A_737 = tpu.memref_slice %arg6[%dma_wait3A_729, %dma_wait3A_730, %dma_wait3A_736] : memref<12x2x56xi32, #tpu.memory_space<vmem>> -> memref<1x1x56xi32, #tpu.memory_space<vmem>>
      %dma_wait3A_738 = tpu.memref_squeeze %dma_wait3A_737 : memref<1x1x56xi32, #tpu.memory_space<vmem>> -> memref<56xi32, #tpu.memory_space<vmem>>
      %dma_wait3A_739 = arith.constant 0 : i32
      %dma_wait3A_740 = arith.constant 0 : i32
      %dma_wait3A_741 = tpu.memref_slice %arg3[%dma_wait3A_739, %dma_wait3A_740] : memref<10000x128xf32, #tpu.memory_space<hbm>> -> memref<10000x128xf32, #tpu.memory_space<hbm>>
      tpu.wait_indirect_dma semaphore(%arg24 : memref<!tpu.dma_semaphore, #tpu.memory_space<semaphore_mem>>) src(%dma_wait3A_741 : memref<10000x128xf32, #tpu.memory_space<hbm>>) dst(%dma_wait3A_735 : memref<56x128xf32, #tpu.memory_space<vmem>>)
      %dma_start3A_742 = arith.constant 3 : i32
      %dma_start3A_743 = arith.constant 3 : i32
      %dma_start3A_744 = arith.constant 1 : i32
      %dma_start3A_745 = arith.constant 0 : i32
      %dma_start3A_746 = arith.constant 0 : i32
      %dma_start3A_747 = tpu.memref_slice %arg7[%dma_start3A_742, %dma_start3A_745, %dma_start3A_746] : memref<6x56x128xf32, #tpu.memory_space<vmem>> -> memref<1x56x128xf32, #tpu.memory_space<vmem>>
      %dma_start3A_748 = tpu.memref_squeeze %dma_start3A_747 : memref<1x56x128xf32, #tpu.memory_space<vmem>> -> memref<56x128xf32, #tpu.memory_space<vmem>>
      %dma_start3A_749 = arith.constant 0 : i32
      %dma_start3A_750 = tpu.memref_slice %arg6[%dma_start3A_743, %dma_start3A_744, %dma_start3A_749] : memref<12x2x56xi32, #tpu.memory_space<vmem>> -> memref<1x1x56xi32, #tpu.memory_space<vmem>>
      %dma_start3A_751 = tpu.memref_squeeze %dma_start3A_750 : memref<1x1x56xi32, #tpu.memory_space<vmem>> -> memref<56xi32, #tpu.memory_space<vmem>>
      %dma_start3A_752 = arith.constant 0 : i32
      %dma_start3A_753 = arith.constant 0 : i32
      %dma_start3A_754 = tpu.memref_slice %arg8[%dma_start3A_752, %dma_start3A_753] : memref<10112x128xf32, #tpu.memory_space<vmem_shared>> -> memref<10112x128xf32, #tpu.memory_space<vmem_shared>>
      tpu.enqueue_indirect_dma source(%dma_start3A_748 : memref<56x128xf32, #tpu.memory_space<vmem>>) target(%dma_start3A_754 : memref<10112x128xf32, #tpu.memory_space<vmem_shared>>) offsets(%dma_start3A_751 : memref<56xi32, #tpu.memory_space<vmem>>) semaphore(%arg30 : memref<!tpu.dma_semaphore, #tpu.memory_space<semaphore_mem>>) {add = true}
      %dma_wait3A_755 = arith.constant 4 : i32
      %dma_wait3A_756 = arith.constant 0 : i32
      %dma_wait3A_757 = arith.constant 4 : i32
      %dma_wait3A_758 = arith.constant 0 : i32
      %dma_wait3A_759 = arith.constant 0 : i32
      %dma_wait3A_760 = tpu.memref_slice %arg7[%dma_wait3A_757, %dma_wait3A_758, %dma_wait3A_759] : memref<6x56x128xf32, #tpu.memory_space<vmem>> -> memref<1x56x128xf32, #tpu.memory_space<vmem>>
      %dma_wait3A_761 = tpu.memref_squeeze %dma_wait3A_760 : memref<1x56x128xf32, #tpu.memory_space<vmem>> -> memref<56x128xf32, #tpu.memory_space<vmem>>
      %dma_wait3A_762 = arith.constant 0 : i32
      %dma_wait3A_763 = tpu.memref_slice %arg6[%dma_wait3A_755, %dma_wait3A_756, %dma_wait3A_762] : memref<12x2x56xi32, #tpu.memory_space<vmem>> -> memref<1x1x56xi32, #tpu.memory_space<vmem>>
      %dma_wait3A_764 = tpu.memref_squeeze %dma_wait3A_763 : memref<1x1x56xi32, #tpu.memory_space<vmem>> -> memref<56xi32, #tpu.memory_space<vmem>>
      %dma_wait3A_765 = arith.constant 0 : i32
      %dma_wait3A_766 = arith.constant 0 : i32
      %dma_wait3A_767 = tpu.memref_slice %arg3[%dma_wait3A_765, %dma_wait3A_766] : memref<10000x128xf32, #tpu.memory_space<hbm>> -> memref<10000x128xf32, #tpu.memory_space<hbm>>
      tpu.wait_indirect_dma semaphore(%arg25 : memref<!tpu.dma_semaphore, #tpu.memory_space<semaphore_mem>>) src(%dma_wait3A_767 : memref<10000x128xf32, #tpu.memory_space<hbm>>) dst(%dma_wait3A_761 : memref<56x128xf32, #tpu.memory_space<vmem>>)
      %dma_start3A_768 = arith.constant 4 : i32
      %dma_start3A_769 = arith.constant 4 : i32
      %dma_start3A_770 = arith.constant 1 : i32
      %dma_start3A_771 = arith.constant 0 : i32
      %dma_start3A_772 = arith.constant 0 : i32
      %dma_start3A_773 = tpu.memref_slice %arg7[%dma_start3A_768, %dma_start3A_771, %dma_start3A_772] : memref<6x56x128xf32, #tpu.memory_space<vmem>> -> memref<1x56x128xf32, #tpu.memory_space<vmem>>
      %dma_start3A_774 = tpu.memref_squeeze %dma_start3A_773 : memref<1x56x128xf32, #tpu.memory_space<vmem>> -> memref<56x128xf32, #tpu.memory_space<vmem>>
      %dma_start3A_775 = arith.constant 0 : i32
      %dma_start3A_776 = tpu.memref_slice %arg6[%dma_start3A_769, %dma_start3A_770, %dma_start3A_775] : memref<12x2x56xi32, #tpu.memory_space<vmem>> -> memref<1x1x56xi32, #tpu.memory_space<vmem>>
      %dma_start3A_777 = tpu.memref_squeeze %dma_start3A_776 : memref<1x1x56xi32, #tpu.memory_space<vmem>> -> memref<56xi32, #tpu.memory_space<vmem>>
      %dma_start3A_778 = arith.constant 0 : i32
      %dma_start3A_779 = arith.constant 0 : i32
      %dma_start3A_780 = tpu.memref_slice %arg8[%dma_start3A_778, %dma_start3A_779] : memref<10112x128xf32, #tpu.memory_space<vmem_shared>> -> memref<10112x128xf32, #tpu.memory_space<vmem_shared>>
      tpu.enqueue_indirect_dma source(%dma_start3A_774 : memref<56x128xf32, #tpu.memory_space<vmem>>) target(%dma_start3A_780 : memref<10112x128xf32, #tpu.memory_space<vmem_shared>>) offsets(%dma_start3A_777 : memref<56xi32, #tpu.memory_space<vmem>>) semaphore(%arg31 : memref<!tpu.dma_semaphore, #tpu.memory_space<semaphore_mem>>) {add = true}
      %dma_wait3A_781 = arith.constant 5 : i32
      %dma_wait3A_782 = arith.constant 0 : i32
      %dma_wait3A_783 = arith.constant 5 : i32
      %dma_wait3A_784 = arith.constant 0 : i32
      %dma_wait3A_785 = arith.constant 0 : i32
      %dma_wait3A_786 = tpu.memref_slice %arg7[%dma_wait3A_783, %dma_wait3A_784, %dma_wait3A_785] : memref<6x56x128xf32, #tpu.memory_space<vmem>> -> memref<1x56x128xf32, #tpu.memory_space<vmem>>
      %dma_wait3A_787 = tpu.memref_squeeze %dma_wait3A_786 : memref<1x56x128xf32, #tpu.memory_space<vmem>> -> memref<56x128xf32, #tpu.memory_space<vmem>>
      %dma_wait3A_788 = arith.constant 0 : i32
      %dma_wait3A_789 = tpu.memref_slice %arg6[%dma_wait3A_781, %dma_wait3A_782, %dma_wait3A_788] : memref<12x2x56xi32, #tpu.memory_space<vmem>> -> memref<1x1x56xi32, #tpu.memory_space<vmem>>
      %dma_wait3A_790 = tpu.memref_squeeze %dma_wait3A_789 : memref<1x1x56xi32, #tpu.memory_space<vmem>> -> memref<56xi32, #tpu.memory_space<vmem>>
      %dma_wait3A_791 = arith.constant 0 : i32
      %dma_wait3A_792 = arith.constant 0 : i32
      %dma_wait3A_793 = tpu.memref_slice %arg3[%dma_wait3A_791, %dma_wait3A_792] : memref<10000x128xf32, #tpu.memory_space<hbm>> -> memref<10000x128xf32, #tpu.memory_space<hbm>>
      tpu.wait_indirect_dma semaphore(%arg26 : memref<!tpu.dma_semaphore, #tpu.memory_space<semaphore_mem>>) src(%dma_wait3A_793 : memref<10000x128xf32, #tpu.memory_space<hbm>>) dst(%dma_wait3A_787 : memref<56x128xf32, #tpu.memory_space<vmem>>)
      %dma_start3A_794 = arith.constant 5 : i32
      %dma_start3A_795 = arith.constant 5 : i32
      %dma_start3A_796 = arith.constant 1 : i32
      %dma_start3A_797 = arith.constant 0 : i32
      %dma_start3A_798 = arith.constant 0 : i32
      %dma_start3A_799 = tpu.memref_slice %arg7[%dma_start3A_794, %dma_start3A_797, %dma_start3A_798] : memref<6x56x128xf32, #tpu.memory_space<vmem>> -> memref<1x56x128xf32, #tpu.memory_space<vmem>>
      %dma_start3A_800 = tpu.memref_squeeze %dma_start3A_799 : memref<1x56x128xf32, #tpu.memory_space<vmem>> -> memref<56x128xf32, #tpu.memory_space<vmem>>
      %dma_start3A_801 = arith.constant 0 : i32
      %dma_start3A_802 = tpu.memref_slice %arg6[%dma_start3A_795, %dma_start3A_796, %dma_start3A_801] : memref<12x2x56xi32, #tpu.memory_space<vmem>> -> memref<1x1x56xi32, #tpu.memory_space<vmem>>
      %dma_start3A_803 = tpu.memref_squeeze %dma_start3A_802 : memref<1x1x56xi32, #tpu.memory_space<vmem>> -> memref<56xi32, #tpu.memory_space<vmem>>
      %dma_start3A_804 = arith.constant 0 : i32
      %dma_start3A_805 = arith.constant 0 : i32
      %dma_start3A_806 = tpu.memref_slice %arg8[%dma_start3A_804, %dma_start3A_805] : memref<10112x128xf32, #tpu.memory_space<vmem_shared>> -> memref<10112x128xf32, #tpu.memory_space<vmem_shared>>
      tpu.enqueue_indirect_dma source(%dma_start3A_800 : memref<56x128xf32, #tpu.memory_space<vmem>>) target(%dma_start3A_806 : memref<10112x128xf32, #tpu.memory_space<vmem_shared>>) offsets(%dma_start3A_803 : memref<56xi32, #tpu.memory_space<vmem>>) semaphore(%arg32 : memref<!tpu.dma_semaphore, #tpu.memory_space<semaphore_mem>>) {add = true}
      %add3A_807 = arith.constant 6 : i32
      %add3A_808 = arith.addi %mul3A_311, %add3A_807 : i32
      %dma_wait3A_809 = arith.constant 0 : i32
      %dma_wait3A_810 = arith.constant 0 : i32
      %dma_wait3A_811 = arith.constant 1 : i32
      %dma_wait3A_812 = arith.constant 0 : i32
      %dma_wait3A_813 = arith.constant 0 : i32
      %dma_wait3A_814 = tpu.memref_slice %arg7[%dma_wait3A_809, %dma_wait3A_812, %dma_wait3A_813] : memref<6x56x128xf32, #tpu.memory_space<vmem>> -> memref<1x56x128xf32, #tpu.memory_space<vmem>>
      %dma_wait3A_815 = tpu.memref_squeeze %dma_wait3A_814 : memref<1x56x128xf32, #tpu.memory_space<vmem>> -> memref<56x128xf32, #tpu.memory_space<vmem>>
      %dma_wait3A_816 = arith.constant 0 : i32
      %dma_wait3A_817 = tpu.memref_slice %arg6[%dma_wait3A_810, %dma_wait3A_811, %dma_wait3A_816] : memref<12x2x56xi32, #tpu.memory_space<vmem>> -> memref<1x1x56xi32, #tpu.memory_space<vmem>>
      %dma_wait3A_818 = tpu.memref_squeeze %dma_wait3A_817 : memref<1x1x56xi32, #tpu.memory_space<vmem>> -> memref<56xi32, #tpu.memory_space<vmem>>
      %dma_wait3A_819 = arith.constant 0 : i32
      %dma_wait3A_820 = arith.constant 0 : i32
      %dma_wait3A_821 = tpu.memref_slice %arg8[%dma_wait3A_819, %dma_wait3A_820] : memref<10112x128xf32, #tpu.memory_space<vmem_shared>> -> memref<10112x128xf32, #tpu.memory_space<vmem_shared>>
      tpu.wait_indirect_dma semaphore(%arg27 : memref<!tpu.dma_semaphore, #tpu.memory_space<semaphore_mem>>) src(%dma_wait3A_815 : memref<56x128xf32, #tpu.memory_space<vmem>>) dst(%dma_wait3A_821 : memref<10112x128xf32, #tpu.memory_space<vmem_shared>>)
      %add3A_822 = arith.constant 6 : i32
      %add3A_823 = arith.addi %add3A_808, %add3A_822 : i32
      %dma_start3A_824 = arith.constant 0 : i32
      %dma_start3A_825 = arith.constant 0 : i32
      %dma_start3A_826 = arith.constant 0 : i32
      %dma_start3A_827 = tpu.memref_slice %arg6[%dma_start3A_824, %dma_start3A_825, %dma_start3A_826] : memref<12x2x56xi32, #tpu.memory_space<vmem>> -> memref<1x2x56xi32, #tpu.memory_space<vmem>>
      %dma_start3A_828 = tpu.memref_squeeze %dma_start3A_827 : memref<1x2x56xi32, #tpu.memory_space<vmem>> -> memref<2x56xi32, #tpu.memory_space<vmem>>
      %dma_start3A_829 = arith.constant 0 : i32
      %dma_start3A_830 = arith.constant 0 : i32
      %dma_start3A_831 = tpu.memref_slice %arg2[%add3A, %add3A_823, %dma_start3A_829, %dma_start3A_830] : memref<32x186x2x56xi32, #tpu.memory_space<hbm>> -> memref<1x1x2x56xi32, #tpu.memory_space<hbm>>
      %dma_start3A_832 = tpu.memref_squeeze %dma_start3A_831 : memref<1x1x2x56xi32, #tpu.memory_space<hbm>> -> memref<2x56xi32, #tpu.memory_space<hbm>>
      %dma_start3A_833 = arith.constant 0 : i32
      %dma_start3A_834 = arith.constant 0 : i32
      %dma_start3A_835 = tpu.memref_slice %arg6[%dma_start3A_824, %dma_start3A_833, %dma_start3A_834] : memref<12x2x56xi32, #tpu.memory_space<vmem>> -> memref<1x2x56xi32, #tpu.memory_space<vmem>>
      %dma_start3A_836 = tpu.memref_squeeze %dma_start3A_835 : memref<1x2x56xi32, #tpu.memory_space<vmem>> -> memref<2x56xi32, #tpu.memory_space<vmem>>
      %dma_start3A_837 = arith.constant 0 : i32
      %dma_start3A_838 = arith.constant 0 : i32
      %dma_start3A_839 = tpu.memref_slice %arg2[%add3A, %add3A_823, %dma_start3A_837, %dma_start3A_838] : memref<32x186x2x56xi32, #tpu.memory_space<hbm>> -> memref<1x1x2x56xi32, #tpu.memory_space<hbm>>
      %dma_start3A_840 = tpu.memref_squeeze %dma_start3A_839 : memref<1x1x2x56xi32, #tpu.memory_space<hbm>> -> memref<2x56xi32, #tpu.memory_space<hbm>>
      tpu.enqueue_dma source(%dma_start3A_840 : memref<2x56xi32, #tpu.memory_space<hbm>>) target(%dma_start3A_836 : memref<2x56xi32, #tpu.memory_space<vmem>>) target_semaphore(%arg9 : memref<!tpu.dma_semaphore, #tpu.memory_space<semaphore_mem>>)
      %dma_wait3A_841 = arith.constant 0 : i32
      %dma_wait3A_842 = arith.constant 6 : i32
      %dma_wait3A_843 = arith.constant 0 : i32
      %dma_wait3A_844 = arith.constant 0 : i32
      %dma_wait3A_845 = tpu.memref_slice %arg6[%dma_wait3A_842, %dma_wait3A_843, %dma_wait3A_844] : memref<12x2x56xi32, #tpu.memory_space<vmem>> -> memref<1x2x56xi32, #tpu.memory_space<vmem>>
      %dma_wait3A_846 = tpu.memref_squeeze %dma_wait3A_845 : memref<1x2x56xi32, #tpu.memory_space<vmem>> -> memref<2x56xi32, #tpu.memory_space<vmem>>
      %dma_wait3A_847 = arith.constant 0 : i32
      %dma_wait3A_848 = arith.constant 0 : i32
      %dma_wait3A_849 = tpu.memref_slice %arg2[%add3A, %dma_wait3A_841, %dma_wait3A_847, %dma_wait3A_848] : memref<32x186x2x56xi32, #tpu.memory_space<hbm>> -> memref<1x1x2x56xi32, #tpu.memory_space<hbm>>
      %dma_wait3A_850 = tpu.memref_squeeze %dma_wait3A_849 : memref<1x1x2x56xi32, #tpu.memory_space<hbm>> -> memref<2x56xi32, #tpu.memory_space<hbm>>
      %dma_wait3A_851 = arith.constant 0 : i32
      %dma_wait3A_852 = arith.constant 0 : i32
      %dma_wait3A_853 = tpu.memref_slice %arg6[%dma_wait3A_842, %dma_wait3A_851, %dma_wait3A_852] : memref<12x2x56xi32, #tpu.memory_space<vmem>> -> memref<1x2x56xi32, #tpu.memory_space<vmem>>
      %dma_wait3A_854 = tpu.memref_squeeze %dma_wait3A_853 : memref<1x2x56xi32, #tpu.memory_space<vmem>> -> memref<2x56xi32, #tpu.memory_space<vmem>>
      %dma_wait3A_855 = arith.constant 0 : i32
      %dma_wait3A_856 = arith.constant 0 : i32
      %dma_wait3A_857 = tpu.memref_slice %arg2[%add3A, %dma_wait3A_841, %dma_wait3A_855, %dma_wait3A_856] : memref<32x186x2x56xi32, #tpu.memory_space<hbm>> -> memref<1x1x2x56xi32, #tpu.memory_space<hbm>>
      %dma_wait3A_858 = tpu.memref_squeeze %dma_wait3A_857 : memref<1x1x2x56xi32, #tpu.memory_space<hbm>> -> memref<2x56xi32, #tpu.memory_space<hbm>>
      tpu.wait_dma2 semaphore(%arg15 : memref<!tpu.dma_semaphore, #tpu.memory_space<semaphore_mem>>) src(%dma_wait3A_858 : memref<2x56xi32, #tpu.memory_space<hbm>>) dst(%dma_wait3A_854 : memref<2x56xi32, #tpu.memory_space<vmem>>)
      %dma_start3A_859 = arith.constant 6 : i32
      %dma_start3A_860 = arith.constant 0 : i32
      %dma_start3A_861 = arith.constant 0 : i32
      %dma_start3A_862 = arith.constant 0 : i32
      %dma_start3A_863 = arith.constant 0 : i32
      %dma_start3A_864 = tpu.memref_slice %arg7[%dma_start3A_861, %dma_start3A_862, %dma_start3A_863] : memref<6x56x128xf32, #tpu.memory_space<vmem>> -> memref<1x56x128xf32, #tpu.memory_space<vmem>>
      %dma_start3A_865 = tpu.memref_squeeze %dma_start3A_864 : memref<1x56x128xf32, #tpu.memory_space<vmem>> -> memref<56x128xf32, #tpu.memory_space<vmem>>
      %dma_start3A_866 = arith.constant 0 : i32
      %dma_start3A_867 = tpu.memref_slice %arg6[%dma_start3A_859, %dma_start3A_860, %dma_start3A_866] : memref<12x2x56xi32, #tpu.memory_space<vmem>> -> memref<1x1x56xi32, #tpu.memory_space<vmem>>
      %dma_start3A_868 = tpu.memref_squeeze %dma_start3A_867 : memref<1x1x56xi32, #tpu.memory_space<vmem>> -> memref<56xi32, #tpu.memory_space<vmem>>
      %dma_start3A_869 = arith.constant 0 : i32
      %dma_start3A_870 = arith.constant 0 : i32
      %dma_start3A_871 = tpu.memref_slice %arg3[%dma_start3A_869, %dma_start3A_870] : memref<10000x128xf32, #tpu.memory_space<hbm>> -> memref<10000x128xf32, #tpu.memory_space<hbm>>
      tpu.enqueue_indirect_dma source(%dma_start3A_871 : memref<10000x128xf32, #tpu.memory_space<hbm>>) target(%dma_start3A_865 : memref<56x128xf32, #tpu.memory_space<vmem>>) offsets(%dma_start3A_868 : memref<56xi32, #tpu.memory_space<vmem>>) semaphore(%arg21 : memref<!tpu.dma_semaphore, #tpu.memory_space<semaphore_mem>>)
      %add3A_872 = arith.constant 7 : i32
      %add3A_873 = arith.addi %mul3A_311, %add3A_872 : i32
      %dma_wait3A_874 = arith.constant 1 : i32
      %dma_wait3A_875 = arith.constant 1 : i32
      %dma_wait3A_876 = arith.constant 1 : i32
      %dma_wait3A_877 = arith.constant 0 : i32
      %dma_wait3A_878 = arith.constant 0 : i32
      %dma_wait3A_879 = tpu.memref_slice %arg7[%dma_wait3A_874, %dma_wait3A_877, %dma_wait3A_878] : memref<6x56x128xf32, #tpu.memory_space<vmem>> -> memref<1x56x128xf32, #tpu.memory_space<vmem>>
      %dma_wait3A_880 = tpu.memref_squeeze %dma_wait3A_879 : memref<1x56x128xf32, #tpu.memory_space<vmem>> -> memref<56x128xf32, #tpu.memory_space<vmem>>
      %dma_wait3A_881 = arith.constant 0 : i32
      %dma_wait3A_882 = tpu.memref_slice %arg6[%dma_wait3A_875, %dma_wait3A_876, %dma_wait3A_881] : memref<12x2x56xi32, #tpu.memory_space<vmem>> -> memref<1x1x56xi32, #tpu.memory_space<vmem>>
      %dma_wait3A_883 = tpu.memref_squeeze %dma_wait3A_882 : memref<1x1x56xi32, #tpu.memory_space<vmem>> -> memref<56xi32, #tpu.memory_space<vmem>>
      %dma_wait3A_884 = arith.constant 0 : i32
      %dma_wait3A_885 = arith.constant 0 : i32
      %dma_wait3A_886 = tpu.memref_slice %arg8[%dma_wait3A_884, %dma_wait3A_885] : memref<10112x128xf32, #tpu.memory_space<vmem_shared>> -> memref<10112x128xf32, #tpu.memory_space<vmem_shared>>
      tpu.wait_indirect_dma semaphore(%arg28 : memref<!tpu.dma_semaphore, #tpu.memory_space<semaphore_mem>>) src(%dma_wait3A_880 : memref<56x128xf32, #tpu.memory_space<vmem>>) dst(%dma_wait3A_886 : memref<10112x128xf32, #tpu.memory_space<vmem_shared>>)
      %add3A_887 = arith.constant 6 : i32
      %add3A_888 = arith.addi %add3A_873, %add3A_887 : i32
      %dma_start3A_889 = arith.constant 1 : i32
      %dma_start3A_890 = arith.constant 0 : i32
      %dma_start3A_891 = arith.constant 0 : i32
      %dma_start3A_892 = tpu.memref_slice %arg6[%dma_start3A_889, %dma_start3A_890, %dma_start3A_891] : memref<12x2x56xi32, #tpu.memory_space<vmem>> -> memref<1x2x56xi32, #tpu.memory_space<vmem>>
      %dma_start3A_893 = tpu.memref_squeeze %dma_start3A_892 : memref<1x2x56xi32, #tpu.memory_space<vmem>> -> memref<2x56xi32, #tpu.memory_space<vmem>>
      %dma_start3A_894 = arith.constant 0 : i32
      %dma_start3A_895 = arith.constant 0 : i32
      %dma_start3A_896 = tpu.memref_slice %arg2[%add3A, %add3A_888, %dma_start3A_894, %dma_start3A_895] : memref<32x186x2x56xi32, #tpu.memory_space<hbm>> -> memref<1x1x2x56xi32, #tpu.memory_space<hbm>>
      %dma_start3A_897 = tpu.memref_squeeze %dma_start3A_896 : memref<1x1x2x56xi32, #tpu.memory_space<hbm>> -> memref<2x56xi32, #tpu.memory_space<hbm>>
      %dma_start3A_898 = arith.constant 0 : i32
      %dma_start3A_899 = arith.constant 0 : i32
      %dma_start3A_900 = tpu.memref_slice %arg6[%dma_start3A_889, %dma_start3A_898, %dma_start3A_899] : memref<12x2x56xi32, #tpu.memory_space<vmem>> -> memref<1x2x56xi32, #tpu.memory_space<vmem>>
      %dma_start3A_901 = tpu.memref_squeeze %dma_start3A_900 : memref<1x2x56xi32, #tpu.memory_space<vmem>> -> memref<2x56xi32, #tpu.memory_space<vmem>>
      %dma_start3A_902 = arith.constant 0 : i32
      %dma_start3A_903 = arith.constant 0 : i32
      %dma_start3A_904 = tpu.memref_slice %arg2[%add3A, %add3A_888, %dma_start3A_902, %dma_start3A_903] : memref<32x186x2x56xi32, #tpu.memory_space<hbm>> -> memref<1x1x2x56xi32, #tpu.memory_space<hbm>>
      %dma_start3A_905 = tpu.memref_squeeze %dma_start3A_904 : memref<1x1x2x56xi32, #tpu.memory_space<hbm>> -> memref<2x56xi32, #tpu.memory_space<hbm>>
      tpu.enqueue_dma source(%dma_start3A_905 : memref<2x56xi32, #tpu.memory_space<hbm>>) target(%dma_start3A_901 : memref<2x56xi32, #tpu.memory_space<vmem>>) target_semaphore(%arg10 : memref<!tpu.dma_semaphore, #tpu.memory_space<semaphore_mem>>)
      %dma_wait3A_906 = arith.constant 0 : i32
      %dma_wait3A_907 = arith.constant 7 : i32
      %dma_wait3A_908 = arith.constant 0 : i32
      %dma_wait3A_909 = arith.constant 0 : i32
      %dma_wait3A_910 = tpu.memref_slice %arg6[%dma_wait3A_907, %dma_wait3A_908, %dma_wait3A_909] : memref<12x2x56xi32, #tpu.memory_space<vmem>> -> memref<1x2x56xi32, #tpu.memory_space<vmem>>
      %dma_wait3A_911 = tpu.memref_squeeze %dma_wait3A_910 : memref<1x2x56xi32, #tpu.memory_space<vmem>> -> memref<2x56xi32, #tpu.memory_space<vmem>>
      %dma_wait3A_912 = arith.constant 0 : i32
      %dma_wait3A_913 = arith.constant 0 : i32
      %dma_wait3A_914 = tpu.memref_slice %arg2[%add3A, %dma_wait3A_906, %dma_wait3A_912, %dma_wait3A_913] : memref<32x186x2x56xi32, #tpu.memory_space<hbm>> -> memref<1x1x2x56xi32, #tpu.memory_space<hbm>>
      %dma_wait3A_915 = tpu.memref_squeeze %dma_wait3A_914 : memref<1x1x2x56xi32, #tpu.memory_space<hbm>> -> memref<2x56xi32, #tpu.memory_space<hbm>>
      %dma_wait3A_916 = arith.constant 0 : i32
      %dma_wait3A_917 = arith.constant 0 : i32
      %dma_wait3A_918 = tpu.memref_slice %arg6[%dma_wait3A_907, %dma_wait3A_916, %dma_wait3A_917] : memref<12x2x56xi32, #tpu.memory_space<vmem>> -> memref<1x2x56xi32, #tpu.memory_space<vmem>>
      %dma_wait3A_919 = tpu.memref_squeeze %dma_wait3A_918 : memref<1x2x56xi32, #tpu.memory_space<vmem>> -> memref<2x56xi32, #tpu.memory_space<vmem>>
      %dma_wait3A_920 = arith.constant 0 : i32
      %dma_wait3A_921 = arith.constant 0 : i32
      %dma_wait3A_922 = tpu.memref_slice %arg2[%add3A, %dma_wait3A_906, %dma_wait3A_920, %dma_wait3A_921] : memref<32x186x2x56xi32, #tpu.memory_space<hbm>> -> memref<1x1x2x56xi32, #tpu.memory_space<hbm>>
      %dma_wait3A_923 = tpu.memref_squeeze %dma_wait3A_922 : memref<1x1x2x56xi32, #tpu.memory_space<hbm>> -> memref<2x56xi32, #tpu.memory_space<hbm>>
      tpu.wait_dma2 semaphore(%arg16 : memref<!tpu.dma_semaphore, #tpu.memory_space<semaphore_mem>>) src(%dma_wait3A_923 : memref<2x56xi32, #tpu.memory_space<hbm>>) dst(%dma_wait3A_919 : memref<2x56xi32, #tpu.memory_space<vmem>>)
      %dma_start3A_924 = arith.constant 7 : i32
      %dma_start3A_925 = arith.constant 0 : i32
      %dma_start3A_926 = arith.constant 1 : i32
      %dma_start3A_927 = arith.constant 0 : i32
      %dma_start3A_928 = arith.constant 0 : i32
      %dma_start3A_929 = tpu.memref_slice %arg7[%dma_start3A_926, %dma_start3A_927, %dma_start3A_928] : memref<6x56x128xf32, #tpu.memory_space<vmem>> -> memref<1x56x128xf32, #tpu.memory_space<vmem>>
      %dma_start3A_930 = tpu.memref_squeeze %dma_start3A_929 : memref<1x56x128xf32, #tpu.memory_space<vmem>> -> memref<56x128xf32, #tpu.memory_space<vmem>>
      %dma_start3A_931 = arith.constant 0 : i32
      %dma_start3A_932 = tpu.memref_slice %arg6[%dma_start3A_924, %dma_start3A_925, %dma_start3A_931] : memref<12x2x56xi32, #tpu.memory_space<vmem>> -> memref<1x1x56xi32, #tpu.memory_space<vmem>>
      %dma_start3A_933 = tpu.memref_squeeze %dma_start3A_932 : memref<1x1x56xi32, #tpu.memory_space<vmem>> -> memref<56xi32, #tpu.memory_space<vmem>>
      %dma_start3A_934 = arith.constant 0 : i32
      %dma_start3A_935 = arith.constant 0 : i32
      %dma_start3A_936 = tpu.memref_slice %arg3[%dma_start3A_934, %dma_start3A_935] : memref<10000x128xf32, #tpu.memory_space<hbm>> -> memref<10000x128xf32, #tpu.memory_space<hbm>>
      tpu.enqueue_indirect_dma source(%dma_start3A_936 : memref<10000x128xf32, #tpu.memory_space<hbm>>) target(%dma_start3A_930 : memref<56x128xf32, #tpu.memory_space<vmem>>) offsets(%dma_start3A_933 : memref<56xi32, #tpu.memory_space<vmem>>) semaphore(%arg22 : memref<!tpu.dma_semaphore, #tpu.memory_space<semaphore_mem>>)
      %add3A_937 = arith.constant 8 : i32
      %add3A_938 = arith.addi %mul3A_311, %add3A_937 : i32
      %dma_wait3A_939 = arith.constant 2 : i32
      %dma_wait3A_940 = arith.constant 2 : i32
      %dma_wait3A_941 = arith.constant 1 : i32
      %dma_wait3A_942 = arith.constant 0 : i32
      %dma_wait3A_943 = arith.constant 0 : i32
      %dma_wait3A_944 = tpu.memref_slice %arg7[%dma_wait3A_939, %dma_wait3A_942, %dma_wait3A_943] : memref<6x56x128xf32, #tpu.memory_space<vmem>> -> memref<1x56x128xf32, #tpu.memory_space<vmem>>
      %dma_wait3A_945 = tpu.memref_squeeze %dma_wait3A_944 : memref<1x56x128xf32, #tpu.memory_space<vmem>> -> memref<56x128xf32, #tpu.memory_space<vmem>>
      %dma_wait3A_946 = arith.constant 0 : i32
      %dma_wait3A_947 = tpu.memref_slice %arg6[%dma_wait3A_940, %dma_wait3A_941, %dma_wait3A_946] : memref<12x2x56xi32, #tpu.memory_space<vmem>> -> memref<1x1x56xi32, #tpu.memory_space<vmem>>
      %dma_wait3A_948 = tpu.memref_squeeze %dma_wait3A_947 : memref<1x1x56xi32, #tpu.memory_space<vmem>> -> memref<56xi32, #tpu.memory_space<vmem>>
      %dma_wait3A_949 = arith.constant 0 : i32
      %dma_wait3A_950 = arith.constant 0 : i32
      %dma_wait3A_951 = tpu.memref_slice %arg8[%dma_wait3A_949, %dma_wait3A_950] : memref<10112x128xf32, #tpu.memory_space<vmem_shared>> -> memref<10112x128xf32, #tpu.memory_space<vmem_shared>>
      tpu.wait_indirect_dma semaphore(%arg29 : memref<!tpu.dma_semaphore, #tpu.memory_space<semaphore_mem>>) src(%dma_wait3A_945 : memref<56x128xf32, #tpu.memory_space<vmem>>) dst(%dma_wait3A_951 : memref<10112x128xf32, #tpu.memory_space<vmem_shared>>)
      %add3A_952 = arith.constant 6 : i32
      %add3A_953 = arith.addi %add3A_938, %add3A_952 : i32
      %dma_start3A_954 = arith.constant 2 : i32
      %dma_start3A_955 = arith.constant 0 : i32
      %dma_start3A_956 = arith.constant 0 : i32
      %dma_start3A_957 = tpu.memref_slice %arg6[%dma_start3A_954, %dma_start3A_955, %dma_start3A_956] : memref<12x2x56xi32, #tpu.memory_space<vmem>> -> memref<1x2x56xi32, #tpu.memory_space<vmem>>
      %dma_start3A_958 = tpu.memref_squeeze %dma_start3A_957 : memref<1x2x56xi32, #tpu.memory_space<vmem>> -> memref<2x56xi32, #tpu.memory_space<vmem>>
      %dma_start3A_959 = arith.constant 0 : i32
      %dma_start3A_960 = arith.constant 0 : i32
      %dma_start3A_961 = tpu.memref_slice %arg2[%add3A, %add3A_953, %dma_start3A_959, %dma_start3A_960] : memref<32x186x2x56xi32, #tpu.memory_space<hbm>> -> memref<1x1x2x56xi32, #tpu.memory_space<hbm>>
      %dma_start3A_962 = tpu.memref_squeeze %dma_start3A_961 : memref<1x1x2x56xi32, #tpu.memory_space<hbm>> -> memref<2x56xi32, #tpu.memory_space<hbm>>
      %dma_start3A_963 = arith.constant 0 : i32
      %dma_start3A_964 = arith.constant 0 : i32
      %dma_start3A_965 = tpu.memref_slice %arg6[%dma_start3A_954, %dma_start3A_963, %dma_start3A_964] : memref<12x2x56xi32, #tpu.memory_space<vmem>> -> memref<1x2x56xi32, #tpu.memory_space<vmem>>
      %dma_start3A_966 = tpu.memref_squeeze %dma_start3A_965 : memref<1x2x56xi32, #tpu.memory_space<vmem>> -> memref<2x56xi32, #tpu.memory_space<vmem>>
      %dma_start3A_967 = arith.constant 0 : i32
      %dma_start3A_968 = arith.constant 0 : i32
      %dma_start3A_969 = tpu.memref_slice %arg2[%add3A, %add3A_953, %dma_start3A_967, %dma_start3A_968] : memref<32x186x2x56xi32, #tpu.memory_space<hbm>> -> memref<1x1x2x56xi32, #tpu.memory_space<hbm>>
      %dma_start3A_970 = tpu.memref_squeeze %dma_start3A_969 : memref<1x1x2x56xi32, #tpu.memory_space<hbm>> -> memref<2x56xi32, #tpu.memory_space<hbm>>
      tpu.enqueue_dma source(%dma_start3A_970 : memref<2x56xi32, #tpu.memory_space<hbm>>) target(%dma_start3A_966 : memref<2x56xi32, #tpu.memory_space<vmem>>) target_semaphore(%arg11 : memref<!tpu.dma_semaphore, #tpu.memory_space<semaphore_mem>>)
      %dma_wait3A_971 = arith.constant 0 : i32
      %dma_wait3A_972 = arith.constant 8 : i32
      %dma_wait3A_973 = arith.constant 0 : i32
      %dma_wait3A_974 = arith.constant 0 : i32
      %dma_wait3A_975 = tpu.memref_slice %arg6[%dma_wait3A_972, %dma_wait3A_973, %dma_wait3A_974] : memref<12x2x56xi32, #tpu.memory_space<vmem>> -> memref<1x2x56xi32, #tpu.memory_space<vmem>>
      %dma_wait3A_976 = tpu.memref_squeeze %dma_wait3A_975 : memref<1x2x56xi32, #tpu.memory_space<vmem>> -> memref<2x56xi32, #tpu.memory_space<vmem>>
      %dma_wait3A_977 = arith.constant 0 : i32
      %dma_wait3A_978 = arith.constant 0 : i32
      %dma_wait3A_979 = tpu.memref_slice %arg2[%add3A, %dma_wait3A_971, %dma_wait3A_977, %dma_wait3A_978] : memref<32x186x2x56xi32, #tpu.memory_space<hbm>> -> memref<1x1x2x56xi32, #tpu.memory_space<hbm>>
      %dma_wait3A_980 = tpu.memref_squeeze %dma_wait3A_979 : memref<1x1x2x56xi32, #tpu.memory_space<hbm>> -> memref<2x56xi32, #tpu.memory_space<hbm>>
      %dma_wait3A_981 = arith.constant 0 : i32
      %dma_wait3A_982 = arith.constant 0 : i32
      %dma_wait3A_983 = tpu.memref_slice %arg6[%dma_wait3A_972, %dma_wait3A_981, %dma_wait3A_982] : memref<12x2x56xi32, #tpu.memory_space<vmem>> -> memref<1x2x56xi32, #tpu.memory_space<vmem>>
      %dma_wait3A_984 = tpu.memref_squeeze %dma_wait3A_983 : memref<1x2x56xi32, #tpu.memory_space<vmem>> -> memref<2x56xi32, #tpu.memory_space<vmem>>
      %dma_wait3A_985 = arith.constant 0 : i32
      %dma_wait3A_986 = arith.constant 0 : i32
      %dma_wait3A_987 = tpu.memref_slice %arg2[%add3A, %dma_wait3A_971, %dma_wait3A_985, %dma_wait3A_986] : memref<32x186x2x56xi32, #tpu.memory_space<hbm>> -> memref<1x1x2x56xi32, #tpu.memory_space<hbm>>
      %dma_wait3A_988 = tpu.memref_squeeze %dma_wait3A_987 : memref<1x1x2x56xi32, #tpu.memory_space<hbm>> -> memref<2x56xi32, #tpu.memory_space<hbm>>
      tpu.wait_dma2 semaphore(%arg17 : memref<!tpu.dma_semaphore, #tpu.memory_space<semaphore_mem>>) src(%dma_wait3A_988 : memref<2x56xi32, #tpu.memory_space<hbm>>) dst(%dma_wait3A_984 : memref<2x56xi32, #tpu.memory_space<vmem>>)
      %dma_start3A_989 = arith.constant 8 : i32
      %dma_start3A_990 = arith.constant 0 : i32
      %dma_start3A_991 = arith.constant 2 : i32
      %dma_start3A_992 = arith.constant 0 : i32
      %dma_start3A_993 = arith.constant 0 : i32
      %dma_start3A_994 = tpu.memref_slice %arg7[%dma_start3A_991, %dma_start3A_992, %dma_start3A_993] : memref<6x56x128xf32, #tpu.memory_space<vmem>> -> memref<1x56x128xf32, #tpu.memory_space<vmem>>
      %dma_start3A_995 = tpu.memref_squeeze %dma_start3A_994 : memref<1x56x128xf32, #tpu.memory_space<vmem>> -> memref<56x128xf32, #tpu.memory_space<vmem>>
      %dma_start3A_996 = arith.constant 0 : i32
      %dma_start3A_997 = tpu.memref_slice %arg6[%dma_start3A_989, %dma_start3A_990, %dma_start3A_996] : memref<12x2x56xi32, #tpu.memory_space<vmem>> -> memref<1x1x56xi32, #tpu.memory_space<vmem>>
      %dma_start3A_998 = tpu.memref_squeeze %dma_start3A_997 : memref<1x1x56xi32, #tpu.memory_space<vmem>> -> memref<56xi32, #tpu.memory_space<vmem>>
      %dma_start3A_999 = arith.constant 0 : i32
      %dma_start3A_1000 = arith.constant 0 : i32
      %dma_start3A_1001 = tpu.memref_slice %arg3[%dma_start3A_999, %dma_start3A_1000] : memref<10000x128xf32, #tpu.memory_space<hbm>> -> memref<10000x128xf32, #tpu.memory_space<hbm>>
      tpu.enqueue_indirect_dma source(%dma_start3A_1001 : memref<10000x128xf32, #tpu.memory_space<hbm>>) target(%dma_start3A_995 : memref<56x128xf32, #tpu.memory_space<vmem>>) offsets(%dma_start3A_998 : memref<56xi32, #tpu.memory_space<vmem>>) semaphore(%arg23 : memref<!tpu.dma_semaphore, #tpu.memory_space<semaphore_mem>>)
      %add3A_1002 = arith.constant 9 : i32
      %add3A_1003 = arith.addi %mul3A_311, %add3A_1002 : i32
      %dma_wait3A_1004 = arith.constant 3 : i32
      %dma_wait3A_1005 = arith.constant 3 : i32
      %dma_wait3A_1006 = arith.constant 1 : i32
      %dma_wait3A_1007 = arith.constant 0 : i32
      %dma_wait3A_1008 = arith.constant 0 : i32
      %dma_wait3A_1009 = tpu.memref_slice %arg7[%dma_wait3A_1004, %dma_wait3A_1007, %dma_wait3A_1008] : memref<6x56x128xf32, #tpu.memory_space<vmem>> -> memref<1x56x128xf32, #tpu.memory_space<vmem>>
      %dma_wait3A_1010 = tpu.memref_squeeze %dma_wait3A_1009 : memref<1x56x128xf32, #tpu.memory_space<vmem>> -> memref<56x128xf32, #tpu.memory_space<vmem>>
      %dma_wait3A_1011 = arith.constant 0 : i32
      %dma_wait3A_1012 = tpu.memref_slice %arg6[%dma_wait3A_1005, %dma_wait3A_1006, %dma_wait3A_1011] : memref<12x2x56xi32, #tpu.memory_space<vmem>> -> memref<1x1x56xi32, #tpu.memory_space<vmem>>
      %dma_wait3A_1013 = tpu.memref_squeeze %dma_wait3A_1012 : memref<1x1x56xi32, #tpu.memory_space<vmem>> -> memref<56xi32, #tpu.memory_space<vmem>>
      %dma_wait3A_1014 = arith.constant 0 : i32
      %dma_wait3A_1015 = arith.constant 0 : i32
      %dma_wait3A_1016 = tpu.memref_slice %arg8[%dma_wait3A_1014, %dma_wait3A_1015] : memref<10112x128xf32, #tpu.memory_space<vmem_shared>> -> memref<10112x128xf32, #tpu.memory_space<vmem_shared>>
      tpu.wait_indirect_dma semaphore(%arg30 : memref<!tpu.dma_semaphore, #tpu.memory_space<semaphore_mem>>) src(%dma_wait3A_1010 : memref<56x128xf32, #tpu.memory_space<vmem>>) dst(%dma_wait3A_1016 : memref<10112x128xf32, #tpu.memory_space<vmem_shared>>)
      %add3A_1017 = arith.constant 6 : i32
      %add3A_1018 = arith.addi %add3A_1003, %add3A_1017 : i32
      %dma_start3A_1019 = arith.constant 3 : i32
      %dma_start3A_1020 = arith.constant 0 : i32
      %dma_start3A_1021 = arith.constant 0 : i32
      %dma_start3A_1022 = tpu.memref_slice %arg6[%dma_start3A_1019, %dma_start3A_1020, %dma_start3A_1021] : memref<12x2x56xi32, #tpu.memory_space<vmem>> -> memref<1x2x56xi32, #tpu.memory_space<vmem>>
      %dma_start3A_1023 = tpu.memref_squeeze %dma_start3A_1022 : memref<1x2x56xi32, #tpu.memory_space<vmem>> -> memref<2x56xi32, #tpu.memory_space<vmem>>
      %dma_start3A_1024 = arith.constant 0 : i32
      %dma_start3A_1025 = arith.constant 0 : i32
      %dma_start3A_1026 = tpu.memref_slice %arg2[%add3A, %add3A_1018, %dma_start3A_1024, %dma_start3A_1025] : memref<32x186x2x56xi32, #tpu.memory_space<hbm>> -> memref<1x1x2x56xi32, #tpu.memory_space<hbm>>
      %dma_start3A_1027 = tpu.memref_squeeze %dma_start3A_1026 : memref<1x1x2x56xi32, #tpu.memory_space<hbm>> -> memref<2x56xi32, #tpu.memory_space<hbm>>
      %dma_start3A_1028 = arith.constant 0 : i32
      %dma_start3A_1029 = arith.constant 0 : i32
      %dma_start3A_1030 = tpu.memref_slice %arg6[%dma_start3A_1019, %dma_start3A_1028, %dma_start3A_1029] : memref<12x2x56xi32, #tpu.memory_space<vmem>> -> memref<1x2x56xi32, #tpu.memory_space<vmem>>
      %dma_start3A_1031 = tpu.memref_squeeze %dma_start3A_1030 : memref<1x2x56xi32, #tpu.memory_space<vmem>> -> memref<2x56xi32, #tpu.memory_space<vmem>>
      %dma_start3A_1032 = arith.constant 0 : i32
      %dma_start3A_1033 = arith.constant 0 : i32
      %dma_start3A_1034 = tpu.memref_slice %arg2[%add3A, %add3A_1018, %dma_start3A_1032, %dma_start3A_1033] : memref<32x186x2x56xi32, #tpu.memory_space<hbm>> -> memref<1x1x2x56xi32, #tpu.memory_space<hbm>>
      %dma_start3A_1035 = tpu.memref_squeeze %dma_start3A_1034 : memref<1x1x2x56xi32, #tpu.memory_space<hbm>> -> memref<2x56xi32, #tpu.memory_space<hbm>>
      tpu.enqueue_dma source(%dma_start3A_1035 : memref<2x56xi32, #tpu.memory_space<hbm>>) target(%dma_start3A_1031 : memref<2x56xi32, #tpu.memory_space<vmem>>) target_semaphore(%arg12 : memref<!tpu.dma_semaphore, #tpu.memory_space<semaphore_mem>>)
      %dma_wait3A_1036 = arith.constant 0 : i32
      %dma_wait3A_1037 = arith.constant 9 : i32
      %dma_wait3A_1038 = arith.constant 0 : i32
      %dma_wait3A_1039 = arith.constant 0 : i32
      %dma_wait3A_1040 = tpu.memref_slice %arg6[%dma_wait3A_1037, %dma_wait3A_1038, %dma_wait3A_1039] : memref<12x2x56xi32, #tpu.memory_space<vmem>> -> memref<1x2x56xi32, #tpu.memory_space<vmem>>
      %dma_wait3A_1041 = tpu.memref_squeeze %dma_wait3A_1040 : memref<1x2x56xi32, #tpu.memory_space<vmem>> -> memref<2x56xi32, #tpu.memory_space<vmem>>
      %dma_wait3A_1042 = arith.constant 0 : i32
      %dma_wait3A_1043 = arith.constant 0 : i32
      %dma_wait3A_1044 = tpu.memref_slice %arg2[%add3A, %dma_wait3A_1036, %dma_wait3A_1042, %dma_wait3A_1043] : memref<32x186x2x56xi32, #tpu.memory_space<hbm>> -> memref<1x1x2x56xi32, #tpu.memory_space<hbm>>
      %dma_wait3A_1045 = tpu.memref_squeeze %dma_wait3A_1044 : memref<1x1x2x56xi32, #tpu.memory_space<hbm>> -> memref<2x56xi32, #tpu.memory_space<hbm>>
      %dma_wait3A_1046 = arith.constant 0 : i32
      %dma_wait3A_1047 = arith.constant 0 : i32
      %dma_wait3A_1048 = tpu.memref_slice %arg6[%dma_wait3A_1037, %dma_wait3A_1046, %dma_wait3A_1047] : memref<12x2x56xi32, #tpu.memory_space<vmem>> -> memref<1x2x56xi32, #tpu.memory_space<vmem>>
      %dma_wait3A_1049 = tpu.memref_squeeze %dma_wait3A_1048 : memref<1x2x56xi32, #tpu.memory_space<vmem>> -> memref<2x56xi32, #tpu.memory_space<vmem>>
      %dma_wait3A_1050 = arith.constant 0 : i32
      %dma_wait3A_1051 = arith.constant 0 : i32
      %dma_wait3A_1052 = tpu.memref_slice %arg2[%add3A, %dma_wait3A_1036, %dma_wait3A_1050, %dma_wait3A_1051] : memref<32x186x2x56xi32, #tpu.memory_space<hbm>> -> memref<1x1x2x56xi32, #tpu.memory_space<hbm>>
      %dma_wait3A_1053 = tpu.memref_squeeze %dma_wait3A_1052 : memref<1x1x2x56xi32, #tpu.memory_space<hbm>> -> memref<2x56xi32, #tpu.memory_space<hbm>>
      tpu.wait_dma2 semaphore(%arg18 : memref<!tpu.dma_semaphore, #tpu.memory_space<semaphore_mem>>) src(%dma_wait3A_1053 : memref<2x56xi32, #tpu.memory_space<hbm>>) dst(%dma_wait3A_1049 : memref<2x56xi32, #tpu.memory_space<vmem>>)
      %dma_start3A_1054 = arith.constant 9 : i32
      %dma_start3A_1055 = arith.constant 0 : i32
      %dma_start3A_1056 = arith.constant 3 : i32
      %dma_start3A_1057 = arith.constant 0 : i32
      %dma_start3A_1058 = arith.constant 0 : i32
      %dma_start3A_1059 = tpu.memref_slice %arg7[%dma_start3A_1056, %dma_start3A_1057, %dma_start3A_1058] : memref<6x56x128xf32, #tpu.memory_space<vmem>> -> memref<1x56x128xf32, #tpu.memory_space<vmem>>
      %dma_start3A_1060 = tpu.memref_squeeze %dma_start3A_1059 : memref<1x56x128xf32, #tpu.memory_space<vmem>> -> memref<56x128xf32, #tpu.memory_space<vmem>>
      %dma_start3A_1061 = arith.constant 0 : i32
      %dma_start3A_1062 = tpu.memref_slice %arg6[%dma_start3A_1054, %dma_start3A_1055, %dma_start3A_1061] : memref<12x2x56xi32, #tpu.memory_space<vmem>> -> memref<1x1x56xi32, #tpu.memory_space<vmem>>
      %dma_start3A_1063 = tpu.memref_squeeze %dma_start3A_1062 : memref<1x1x56xi32, #tpu.memory_space<vmem>> -> memref<56xi32, #tpu.memory_space<vmem>>
      %dma_start3A_1064 = arith.constant 0 : i32
      %dma_start3A_1065 = arith.constant 0 : i32
      %dma_start3A_1066 = tpu.memref_slice %arg3[%dma_start3A_1064, %dma_start3A_1065] : memref<10000x128xf32, #tpu.memory_space<hbm>> -> memref<10000x128xf32, #tpu.memory_space<hbm>>
      tpu.enqueue_indirect_dma source(%dma_start3A_1066 : memref<10000x128xf32, #tpu.memory_space<hbm>>) target(%dma_start3A_1060 : memref<56x128xf32, #tpu.memory_space<vmem>>) offsets(%dma_start3A_1063 : memref<56xi32, #tpu.memory_space<vmem>>) semaphore(%arg24 : memref<!tpu.dma_semaphore, #tpu.memory_space<semaphore_mem>>)
      %add3A_1067 = arith.constant 10 : i32
      %add3A_1068 = arith.addi %mul3A_311, %add3A_1067 : i32
      %dma_wait3A_1069 = arith.constant 4 : i32
      %dma_wait3A_1070 = arith.constant 4 : i32
      %dma_wait3A_1071 = arith.constant 1 : i32
      %dma_wait3A_1072 = arith.constant 0 : i32
      %dma_wait3A_1073 = arith.constant 0 : i32
      %dma_wait3A_1074 = tpu.memref_slice %arg7[%dma_wait3A_1069, %dma_wait3A_1072, %dma_wait3A_1073] : memref<6x56x128xf32, #tpu.memory_space<vmem>> -> memref<1x56x128xf32, #tpu.memory_space<vmem>>
      %dma_wait3A_1075 = tpu.memref_squeeze %dma_wait3A_1074 : memref<1x56x128xf32, #tpu.memory_space<vmem>> -> memref<56x128xf32, #tpu.memory_space<vmem>>
      %dma_wait3A_1076 = arith.constant 0 : i32
      %dma_wait3A_1077 = tpu.memref_slice %arg6[%dma_wait3A_1070, %dma_wait3A_1071, %dma_wait3A_1076] : memref<12x2x56xi32, #tpu.memory_space<vmem>> -> memref<1x1x56xi32, #tpu.memory_space<vmem>>
      %dma_wait3A_1078 = tpu.memref_squeeze %dma_wait3A_1077 : memref<1x1x56xi32, #tpu.memory_space<vmem>> -> memref<56xi32, #tpu.memory_space<vmem>>
      %dma_wait3A_1079 = arith.constant 0 : i32
      %dma_wait3A_1080 = arith.constant 0 : i32
      %dma_wait3A_1081 = tpu.memref_slice %arg8[%dma_wait3A_1079, %dma_wait3A_1080] : memref<10112x128xf32, #tpu.memory_space<vmem_shared>> -> memref<10112x128xf32, #tpu.memory_space<vmem_shared>>
      tpu.wait_indirect_dma semaphore(%arg31 : memref<!tpu.dma_semaphore, #tpu.memory_space<semaphore_mem>>) src(%dma_wait3A_1075 : memref<56x128xf32, #tpu.memory_space<vmem>>) dst(%dma_wait3A_1081 : memref<10112x128xf32, #tpu.memory_space<vmem_shared>>)
      %add3A_1082 = arith.constant 6 : i32
      %add3A_1083 = arith.addi %add3A_1068, %add3A_1082 : i32
      %dma_start3A_1084 = arith.constant 4 : i32
      %dma_start3A_1085 = arith.constant 0 : i32
      %dma_start3A_1086 = arith.constant 0 : i32
      %dma_start3A_1087 = tpu.memref_slice %arg6[%dma_start3A_1084, %dma_start3A_1085, %dma_start3A_1086] : memref<12x2x56xi32, #tpu.memory_space<vmem>> -> memref<1x2x56xi32, #tpu.memory_space<vmem>>
      %dma_start3A_1088 = tpu.memref_squeeze %dma_start3A_1087 : memref<1x2x56xi32, #tpu.memory_space<vmem>> -> memref<2x56xi32, #tpu.memory_space<vmem>>
      %dma_start3A_1089 = arith.constant 0 : i32
      %dma_start3A_1090 = arith.constant 0 : i32
      %dma_start3A_1091 = tpu.memref_slice %arg2[%add3A, %add3A_1083, %dma_start3A_1089, %dma_start3A_1090] : memref<32x186x2x56xi32, #tpu.memory_space<hbm>> -> memref<1x1x2x56xi32, #tpu.memory_space<hbm>>
      %dma_start3A_1092 = tpu.memref_squeeze %dma_start3A_1091 : memref<1x1x2x56xi32, #tpu.memory_space<hbm>> -> memref<2x56xi32, #tpu.memory_space<hbm>>
      %dma_start3A_1093 = arith.constant 0 : i32
      %dma_start3A_1094 = arith.constant 0 : i32
      %dma_start3A_1095 = tpu.memref_slice %arg6[%dma_start3A_1084, %dma_start3A_1093, %dma_start3A_1094] : memref<12x2x56xi32, #tpu.memory_space<vmem>> -> memref<1x2x56xi32, #tpu.memory_space<vmem>>
      %dma_start3A_1096 = tpu.memref_squeeze %dma_start3A_1095 : memref<1x2x56xi32, #tpu.memory_space<vmem>> -> memref<2x56xi32, #tpu.memory_space<vmem>>
      %dma_start3A_1097 = arith.constant 0 : i32
      %dma_start3A_1098 = arith.constant 0 : i32
      %dma_start3A_1099 = tpu.memref_slice %arg2[%add3A, %add3A_1083, %dma_start3A_1097, %dma_start3A_1098] : memref<32x186x2x56xi32, #tpu.memory_space<hbm>> -> memref<1x1x2x56xi32, #tpu.memory_space<hbm>>
      %dma_start3A_1100 = tpu.memref_squeeze %dma_start3A_1099 : memref<1x1x2x56xi32, #tpu.memory_space<hbm>> -> memref<2x56xi32, #tpu.memory_space<hbm>>
      tpu.enqueue_dma source(%dma_start3A_1100 : memref<2x56xi32, #tpu.memory_space<hbm>>) target(%dma_start3A_1096 : memref<2x56xi32, #tpu.memory_space<vmem>>) target_semaphore(%arg13 : memref<!tpu.dma_semaphore, #tpu.memory_space<semaphore_mem>>)
      %dma_wait3A_1101 = arith.constant 0 : i32
      %dma_wait3A_1102 = arith.constant 10 : i32
      %dma_wait3A_1103 = arith.constant 0 : i32
      %dma_wait3A_1104 = arith.constant 0 : i32
      %dma_wait3A_1105 = tpu.memref_slice %arg6[%dma_wait3A_1102, %dma_wait3A_1103, %dma_wait3A_1104] : memref<12x2x56xi32, #tpu.memory_space<vmem>> -> memref<1x2x56xi32, #tpu.memory_space<vmem>>
      %dma_wait3A_1106 = tpu.memref_squeeze %dma_wait3A_1105 : memref<1x2x56xi32, #tpu.memory_space<vmem>> -> memref<2x56xi32, #tpu.memory_space<vmem>>
      %dma_wait3A_1107 = arith.constant 0 : i32
      %dma_wait3A_1108 = arith.constant 0 : i32
      %dma_wait3A_1109 = tpu.memref_slice %arg2[%add3A, %dma_wait3A_1101, %dma_wait3A_1107, %dma_wait3A_1108] : memref<32x186x2x56xi32, #tpu.memory_space<hbm>> -> memref<1x1x2x56xi32, #tpu.memory_space<hbm>>
      %dma_wait3A_1110 = tpu.memref_squeeze %dma_wait3A_1109 : memref<1x1x2x56xi32, #tpu.memory_space<hbm>> -> memref<2x56xi32, #tpu.memory_space<hbm>>
      %dma_wait3A_1111 = arith.constant 0 : i32
      %dma_wait3A_1112 = arith.constant 0 : i32
      %dma_wait3A_1113 = tpu.memref_slice %arg6[%dma_wait3A_1102, %dma_wait3A_1111, %dma_wait3A_1112] : memref<12x2x56xi32, #tpu.memory_space<vmem>> -> memref<1x2x56xi32, #tpu.memory_space<vmem>>
      %dma_wait3A_1114 = tpu.memref_squeeze %dma_wait3A_1113 : memref<1x2x56xi32, #tpu.memory_space<vmem>> -> memref<2x56xi32, #tpu.memory_space<vmem>>
      %dma_wait3A_1115 = arith.constant 0 : i32
      %dma_wait3A_1116 = arith.constant 0 : i32
      %dma_wait3A_1117 = tpu.memref_slice %arg2[%add3A, %dma_wait3A_1101, %dma_wait3A_1115, %dma_wait3A_1116] : memref<32x186x2x56xi32, #tpu.memory_space<hbm>> -> memref<1x1x2x56xi32, #tpu.memory_space<hbm>>
      %dma_wait3A_1118 = tpu.memref_squeeze %dma_wait3A_1117 : memref<1x1x2x56xi32, #tpu.memory_space<hbm>> -> memref<2x56xi32, #tpu.memory_space<hbm>>
      tpu.wait_dma2 semaphore(%arg19 : memref<!tpu.dma_semaphore, #tpu.memory_space<semaphore_mem>>) src(%dma_wait3A_1118 : memref<2x56xi32, #tpu.memory_space<hbm>>) dst(%dma_wait3A_1114 : memref<2x56xi32, #tpu.memory_space<vmem>>)
      %dma_start3A_1119 = arith.constant 10 : i32
      %dma_start3A_1120 = arith.constant 0 : i32
      %dma_start3A_1121 = arith.constant 4 : i32
      %dma_start3A_1122 = arith.constant 0 : i32
      %dma_start3A_1123 = arith.constant 0 : i32
      %dma_start3A_1124 = tpu.memref_slice %arg7[%dma_start3A_1121, %dma_start3A_1122, %dma_start3A_1123] : memref<6x56x128xf32, #tpu.memory_space<vmem>> -> memref<1x56x128xf32, #tpu.memory_space<vmem>>
      %dma_start3A_1125 = tpu.memref_squeeze %dma_start3A_1124 : memref<1x56x128xf32, #tpu.memory_space<vmem>> -> memref<56x128xf32, #tpu.memory_space<vmem>>
      %dma_start3A_1126 = arith.constant 0 : i32
      %dma_start3A_1127 = tpu.memref_slice %arg6[%dma_start3A_1119, %dma_start3A_1120, %dma_start3A_1126] : memref<12x2x56xi32, #tpu.memory_space<vmem>> -> memref<1x1x56xi32, #tpu.memory_space<vmem>>
      %dma_start3A_1128 = tpu.memref_squeeze %dma_start3A_1127 : memref<1x1x56xi32, #tpu.memory_space<vmem>> -> memref<56xi32, #tpu.memory_space<vmem>>
      %dma_start3A_1129 = arith.constant 0 : i32
      %dma_start3A_1130 = arith.constant 0 : i32
      %dma_start3A_1131 = tpu.memref_slice %arg3[%dma_start3A_1129, %dma_start3A_1130] : memref<10000x128xf32, #tpu.memory_space<hbm>> -> memref<10000x128xf32, #tpu.memory_space<hbm>>
      tpu.enqueue_indirect_dma source(%dma_start3A_1131 : memref<10000x128xf32, #tpu.memory_space<hbm>>) target(%dma_start3A_1125 : memref<56x128xf32, #tpu.memory_space<vmem>>) offsets(%dma_start3A_1128 : memref<56xi32, #tpu.memory_space<vmem>>) semaphore(%arg25 : memref<!tpu.dma_semaphore, #tpu.memory_space<semaphore_mem>>)
      %add3A_1132 = arith.constant 11 : i32
      %add3A_1133 = arith.addi %mul3A_311, %add3A_1132 : i32
      %dma_wait3A_1134 = arith.constant 5 : i32
      %dma_wait3A_1135 = arith.constant 5 : i32
      %dma_wait3A_1136 = arith.constant 1 : i32
      %dma_wait3A_1137 = arith.constant 0 : i32
      %dma_wait3A_1138 = arith.constant 0 : i32
      %dma_wait3A_1139 = tpu.memref_slice %arg7[%dma_wait3A_1134, %dma_wait3A_1137, %dma_wait3A_1138] : memref<6x56x128xf32, #tpu.memory_space<vmem>> -> memref<1x56x128xf32, #tpu.memory_space<vmem>>
      %dma_wait3A_1140 = tpu.memref_squeeze %dma_wait3A_1139 : memref<1x56x128xf32, #tpu.memory_space<vmem>> -> memref<56x128xf32, #tpu.memory_space<vmem>>
      %dma_wait3A_1141 = arith.constant 0 : i32
      %dma_wait3A_1142 = tpu.memref_slice %arg6[%dma_wait3A_1135, %dma_wait3A_1136, %dma_wait3A_1141] : memref<12x2x56xi32, #tpu.memory_space<vmem>> -> memref<1x1x56xi32, #tpu.memory_space<vmem>>
      %dma_wait3A_1143 = tpu.memref_squeeze %dma_wait3A_1142 : memref<1x1x56xi32, #tpu.memory_space<vmem>> -> memref<56xi32, #tpu.memory_space<vmem>>
      %dma_wait3A_1144 = arith.constant 0 : i32
      %dma_wait3A_1145 = arith.constant 0 : i32
      %dma_wait3A_1146 = tpu.memref_slice %arg8[%dma_wait3A_1144, %dma_wait3A_1145] : memref<10112x128xf32, #tpu.memory_space<vmem_shared>> -> memref<10112x128xf32, #tpu.memory_space<vmem_shared>>
      tpu.wait_indirect_dma semaphore(%arg32 : memref<!tpu.dma_semaphore, #tpu.memory_space<semaphore_mem>>) src(%dma_wait3A_1140 : memref<56x128xf32, #tpu.memory_space<vmem>>) dst(%dma_wait3A_1146 : memref<10112x128xf32, #tpu.memory_space<vmem_shared>>)
      %add3A_1147 = arith.constant 6 : i32
      %add3A_1148 = arith.addi %add3A_1133, %add3A_1147 : i32
      %dma_start3A_1149 = arith.constant 5 : i32
      %dma_start3A_1150 = arith.constant 0 : i32
      %dma_start3A_1151 = arith.constant 0 : i32
      %dma_start3A_1152 = tpu.memref_slice %arg6[%dma_start3A_1149, %dma_start3A_1150, %dma_start3A_1151] : memref<12x2x56xi32, #tpu.memory_space<vmem>> -> memref<1x2x56xi32, #tpu.memory_space<vmem>>
      %dma_start3A_1153 = tpu.memref_squeeze %dma_start3A_1152 : memref<1x2x56xi32, #tpu.memory_space<vmem>> -> memref<2x56xi32, #tpu.memory_space<vmem>>
      %dma_start3A_1154 = arith.constant 0 : i32
      %dma_start3A_1155 = arith.constant 0 : i32
      %dma_start3A_1156 = tpu.memref_slice %arg2[%add3A, %add3A_1148, %dma_start3A_1154, %dma_start3A_1155] : memref<32x186x2x56xi32, #tpu.memory_space<hbm>> -> memref<1x1x2x56xi32, #tpu.memory_space<hbm>>
      %dma_start3A_1157 = tpu.memref_squeeze %dma_start3A_1156 : memref<1x1x2x56xi32, #tpu.memory_space<hbm>> -> memref<2x56xi32, #tpu.memory_space<hbm>>
      %dma_start3A_1158 = arith.constant 0 : i32
      %dma_start3A_1159 = arith.constant 0 : i32
      %dma_start3A_1160 = tpu.memref_slice %arg6[%dma_start3A_1149, %dma_start3A_1158, %dma_start3A_1159] : memref<12x2x56xi32, #tpu.memory_space<vmem>> -> memref<1x2x56xi32, #tpu.memory_space<vmem>>
      %dma_start3A_1161 = tpu.memref_squeeze %dma_start3A_1160 : memref<1x2x56xi32, #tpu.memory_space<vmem>> -> memref<2x56xi32, #tpu.memory_space<vmem>>
      %dma_start3A_1162 = arith.constant 0 : i32
      %dma_start3A_1163 = arith.constant 0 : i32
      %dma_start3A_1164 = tpu.memref_slice %arg2[%add3A, %add3A_1148, %dma_start3A_1162, %dma_start3A_1163] : memref<32x186x2x56xi32, #tpu.memory_space<hbm>> -> memref<1x1x2x56xi32, #tpu.memory_space<hbm>>
      %dma_start3A_1165 = tpu.memref_squeeze %dma_start3A_1164 : memref<1x1x2x56xi32, #tpu.memory_space<hbm>> -> memref<2x56xi32, #tpu.memory_space<hbm>>
      tpu.enqueue_dma source(%dma_start3A_1165 : memref<2x56xi32, #tpu.memory_space<hbm>>) target(%dma_start3A_1161 : memref<2x56xi32, #tpu.memory_space<vmem>>) target_semaphore(%arg14 : memref<!tpu.dma_semaphore, #tpu.memory_space<semaphore_mem>>)
      %dma_wait3A_1166 = arith.constant 0 : i32
      %dma_wait3A_1167 = arith.constant 11 : i32
      %dma_wait3A_1168 = arith.constant 0 : i32
      %dma_wait3A_1169 = arith.constant 0 : i32
      %dma_wait3A_1170 = tpu.memref_slice %arg6[%dma_wait3A_1167, %dma_wait3A_1168, %dma_wait3A_1169] : memref<12x2x56xi32, #tpu.memory_space<vmem>> -> memref<1x2x56xi32, #tpu.memory_space<vmem>>
      %dma_wait3A_1171 = tpu.memref_squeeze %dma_wait3A_1170 : memref<1x2x56xi32, #tpu.memory_space<vmem>> -> memref<2x56xi32, #tpu.memory_space<vmem>>
      %dma_wait3A_1172 = arith.constant 0 : i32
      %dma_wait3A_1173 = arith.constant 0 : i32
      %dma_wait3A_1174 = tpu.memref_slice %arg2[%add3A, %dma_wait3A_1166, %dma_wait3A_1172, %dma_wait3A_1173] : memref<32x186x2x56xi32, #tpu.memory_space<hbm>> -> memref<1x1x2x56xi32, #tpu.memory_space<hbm>>
      %dma_wait3A_1175 = tpu.memref_squeeze %dma_wait3A_1174 : memref<1x1x2x56xi32, #tpu.memory_space<hbm>> -> memref<2x56xi32, #tpu.memory_space<hbm>>
      %dma_wait3A_1176 = arith.constant 0 : i32
      %dma_wait3A_1177 = arith.constant 0 : i32
      %dma_wait3A_1178 = tpu.memref_slice %arg6[%dma_wait3A_1167, %dma_wait3A_1176, %dma_wait3A_1177] : memref<12x2x56xi32, #tpu.memory_space<vmem>> -> memref<1x2x56xi32, #tpu.memory_space<vmem>>
      %dma_wait3A_1179 = tpu.memref_squeeze %dma_wait3A_1178 : memref<1x2x56xi32, #tpu.memory_space<vmem>> -> memref<2x56xi32, #tpu.memory_space<vmem>>
      %dma_wait3A_1180 = arith.constant 0 : i32
      %dma_wait3A_1181 = arith.constant 0 : i32
      %dma_wait3A_1182 = tpu.memref_slice %arg2[%add3A, %dma_wait3A_1166, %dma_wait3A_1180, %dma_wait3A_1181] : memref<32x186x2x56xi32, #tpu.memory_space<hbm>> -> memref<1x1x2x56xi32, #tpu.memory_space<hbm>>
      %dma_wait3A_1183 = tpu.memref_squeeze %dma_wait3A_1182 : memref<1x1x2x56xi32, #tpu.memory_space<hbm>> -> memref<2x56xi32, #tpu.memory_space<hbm>>
      tpu.wait_dma2 semaphore(%arg20 : memref<!tpu.dma_semaphore, #tpu.memory_space<semaphore_mem>>) src(%dma_wait3A_1183 : memref<2x56xi32, #tpu.memory_space<hbm>>) dst(%dma_wait3A_1179 : memref<2x56xi32, #tpu.memory_space<vmem>>)
      %dma_start3A_1184 = arith.constant 11 : i32
      %dma_start3A_1185 = arith.constant 0 : i32
      %dma_start3A_1186 = arith.constant 5 : i32
      %dma_start3A_1187 = arith.constant 0 : i32
      %dma_start3A_1188 = arith.constant 0 : i32
      %dma_start3A_1189 = tpu.memref_slice %arg7[%dma_start3A_1186, %dma_start3A_1187, %dma_start3A_1188] : memref<6x56x128xf32, #tpu.memory_space<vmem>> -> memref<1x56x128xf32, #tpu.memory_space<vmem>>
      %dma_start3A_1190 = tpu.memref_squeeze %dma_start3A_1189 : memref<1x56x128xf32, #tpu.memory_space<vmem>> -> memref<56x128xf32, #tpu.memory_space<vmem>>
      %dma_start3A_1191 = arith.constant 0 : i32
      %dma_start3A_1192 = tpu.memref_slice %arg6[%dma_start3A_1184, %dma_start3A_1185, %dma_start3A_1191] : memref<12x2x56xi32, #tpu.memory_space<vmem>> -> memref<1x1x56xi32, #tpu.memory_space<vmem>>
      %dma_start3A_1193 = tpu.memref_squeeze %dma_start3A_1192 : memref<1x1x56xi32, #tpu.memory_space<vmem>> -> memref<56xi32, #tpu.memory_space<vmem>>
      %dma_start3A_1194 = arith.constant 0 : i32
      %dma_start3A_1195 = arith.constant 0 : i32
      %dma_start3A_1196 = tpu.memref_slice %arg3[%dma_start3A_1194, %dma_start3A_1195] : memref<10000x128xf32, #tpu.memory_space<hbm>> -> memref<10000x128xf32, #tpu.memory_space<hbm>>
      tpu.enqueue_indirect_dma source(%dma_start3A_1196 : memref<10000x128xf32, #tpu.memory_space<hbm>>) target(%dma_start3A_1190 : memref<56x128xf32, #tpu.memory_space<vmem>>) offsets(%dma_start3A_1193 : memref<56xi32, #tpu.memory_space<vmem>>) semaphore(%arg26 : memref<!tpu.dma_semaphore, #tpu.memory_space<semaphore_mem>>)
      %dma_wait3A_1197 = arith.constant 6 : i32
      %dma_wait3A_1198 = arith.constant 0 : i32
      %dma_wait3A_1199 = arith.constant 0 : i32
      %dma_wait3A_1200 = arith.constant 0 : i32
      %dma_wait3A_1201 = arith.constant 0 : i32
      %dma_wait3A_1202 = tpu.memref_slice %arg7[%dma_wait3A_1199, %dma_wait3A_1200, %dma_wait3A_1201] : memref<6x56x128xf32, #tpu.memory_space<vmem>> -> memref<1x56x128xf32, #tpu.memory_space<vmem>>
      %dma_wait3A_1203 = tpu.memref_squeeze %dma_wait3A_1202 : memref<1x56x128xf32, #tpu.memory_space<vmem>> -> memref<56x128xf32, #tpu.memory_space<vmem>>
      %dma_wait3A_1204 = arith.constant 0 : i32
      %dma_wait3A_1205 = tpu.memref_slice %arg6[%dma_wait3A_1197, %dma_wait3A_1198, %dma_wait3A_1204] : memref<12x2x56xi32, #tpu.memory_space<vmem>> -> memref<1x1x56xi32, #tpu.memory_space<vmem>>
      %dma_wait3A_1206 = tpu.memref_squeeze %dma_wait3A_1205 : memref<1x1x56xi32, #tpu.memory_space<vmem>> -> memref<56xi32, #tpu.memory_space<vmem>>
      %dma_wait3A_1207 = arith.constant 0 : i32
      %dma_wait3A_1208 = arith.constant 0 : i32
      %dma_wait3A_1209 = tpu.memref_slice %arg3[%dma_wait3A_1207, %dma_wait3A_1208] : memref<10000x128xf32, #tpu.memory_space<hbm>> -> memref<10000x128xf32, #tpu.memory_space<hbm>>
      tpu.wait_indirect_dma semaphore(%arg21 : memref<!tpu.dma_semaphore, #tpu.memory_space<semaphore_mem>>) src(%dma_wait3A_1209 : memref<10000x128xf32, #tpu.memory_space<hbm>>) dst(%dma_wait3A_1203 : memref<56x128xf32, #tpu.memory_space<vmem>>)
      %dma_start3A_1210 = arith.constant 0 : i32
      %dma_start3A_1211 = arith.constant 6 : i32
      %dma_start3A_1212 = arith.constant 1 : i32
      %dma_start3A_1213 = arith.constant 0 : i32
      %dma_start3A_1214 = arith.constant 0 : i32
      %dma_start3A_1215 = tpu.memref_slice %arg7[%dma_start3A_1210, %dma_start3A_1213, %dma_start3A_1214] : memref<6x56x128xf32, #tpu.memory_space<vmem>> -> memref<1x56x128xf32, #tpu.memory_space<vmem>>
      %dma_start3A_1216 = tpu.memref_squeeze %dma_start3A_1215 : memref<1x56x128xf32, #tpu.memory_space<vmem>> -> memref<56x128xf32, #tpu.memory_space<vmem>>
      %dma_start3A_1217 = arith.constant 0 : i32
      %dma_start3A_1218 = tpu.memref_slice %arg6[%dma_start3A_1211, %dma_start3A_1212, %dma_start3A_1217] : memref<12x2x56xi32, #tpu.memory_space<vmem>> -> memref<1x1x56xi32, #tpu.memory_space<vmem>>
      %dma_start3A_1219 = tpu.memref_squeeze %dma_start3A_1218 : memref<1x1x56xi32, #tpu.memory_space<vmem>> -> memref<56xi32, #tpu.memory_space<vmem>>
      %dma_start3A_1220 = arith.constant 0 : i32
      %dma_start3A_1221 = arith.constant 0 : i32
      %dma_start3A_1222 = tpu.memref_slice %arg8[%dma_start3A_1220, %dma_start3A_1221] : memref<10112x128xf32, #tpu.memory_space<vmem_shared>> -> memref<10112x128xf32, #tpu.memory_space<vmem_shared>>
      tpu.enqueue_indirect_dma source(%dma_start3A_1216 : memref<56x128xf32, #tpu.memory_space<vmem>>) target(%dma_start3A_1222 : memref<10112x128xf32, #tpu.memory_space<vmem_shared>>) offsets(%dma_start3A_1219 : memref<56xi32, #tpu.memory_space<vmem>>) semaphore(%arg27 : memref<!tpu.dma_semaphore, #tpu.memory_space<semaphore_mem>>) {add = true}
      %dma_wait3A_1223 = arith.constant 7 : i32
      %dma_wait3A_1224 = arith.constant 0 : i32
      %dma_wait3A_1225 = arith.constant 1 : i32
      %dma_wait3A_1226 = arith.constant 0 : i32
      %dma_wait3A_1227 = arith.constant 0 : i32
      %dma_wait3A_1228 = tpu.memref_slice %arg7[%dma_wait3A_1225, %dma_wait3A_1226, %dma_wait3A_1227] : memref<6x56x128xf32, #tpu.memory_space<vmem>> -> memref<1x56x128xf32, #tpu.memory_space<vmem>>
      %dma_wait3A_1229 = tpu.memref_squeeze %dma_wait3A_1228 : memref<1x56x128xf32, #tpu.memory_space<vmem>> -> memref<56x128xf32, #tpu.memory_space<vmem>>
      %dma_wait3A_1230 = arith.constant 0 : i32
      %dma_wait3A_1231 = tpu.memref_slice %arg6[%dma_wait3A_1223, %dma_wait3A_1224, %dma_wait3A_1230] : memref<12x2x56xi32, #tpu.memory_space<vmem>> -> memref<1x1x56xi32, #tpu.memory_space<vmem>>
      %dma_wait3A_1232 = tpu.memref_squeeze %dma_wait3A_1231 : memref<1x1x56xi32, #tpu.memory_space<vmem>> -> memref<56xi32, #tpu.memory_space<vmem>>
      %dma_wait3A_1233 = arith.constant 0 : i32
      %dma_wait3A_1234 = arith.constant 0 : i32
      %dma_wait3A_1235 = tpu.memref_slice %arg3[%dma_wait3A_1233, %dma_wait3A_1234] : memref<10000x128xf32, #tpu.memory_space<hbm>> -> memref<10000x128xf32, #tpu.memory_space<hbm>>
      tpu.wait_indirect_dma semaphore(%arg22 : memref<!tpu.dma_semaphore, #tpu.memory_space<semaphore_mem>>) src(%dma_wait3A_1235 : memref<10000x128xf32, #tpu.memory_space<hbm>>) dst(%dma_wait3A_1229 : memref<56x128xf32, #tpu.memory_space<vmem>>)
      %dma_start3A_1236 = arith.constant 1 : i32
      %dma_start3A_1237 = arith.constant 7 : i32
      %dma_start3A_1238 = arith.constant 1 : i32
      %dma_start3A_1239 = arith.constant 0 : i32
      %dma_start3A_1240 = arith.constant 0 : i32
      %dma_start3A_1241 = tpu.memref_slice %arg7[%dma_start3A_1236, %dma_start3A_1239, %dma_start3A_1240] : memref<6x56x128xf32, #tpu.memory_space<vmem>> -> memref<1x56x128xf32, #tpu.memory_space<vmem>>
      %dma_start3A_1242 = tpu.memref_squeeze %dma_start3A_1241 : memref<1x56x128xf32, #tpu.memory_space<vmem>> -> memref<56x128xf32, #tpu.memory_space<vmem>>
      %dma_start3A_1243 = arith.constant 0 : i32
      %dma_start3A_1244 = tpu.memref_slice %arg6[%dma_start3A_1237, %dma_start3A_1238, %dma_start3A_1243] : memref<12x2x56xi32, #tpu.memory_space<vmem>> -> memref<1x1x56xi32, #tpu.memory_space<vmem>>
      %dma_start3A_1245 = tpu.memref_squeeze %dma_start3A_1244 : memref<1x1x56xi32, #tpu.memory_space<vmem>> -> memref<56xi32, #tpu.memory_space<vmem>>
      %dma_start3A_1246 = arith.constant 0 : i32
      %dma_start3A_1247 = arith.constant 0 : i32
      %dma_start3A_1248 = tpu.memref_slice %arg8[%dma_start3A_1246, %dma_start3A_1247] : memref<10112x128xf32, #tpu.memory_space<vmem_shared>> -> memref<10112x128xf32, #tpu.memory_space<vmem_shared>>
      tpu.enqueue_indirect_dma source(%dma_start3A_1242 : memref<56x128xf32, #tpu.memory_space<vmem>>) target(%dma_start3A_1248 : memref<10112x128xf32, #tpu.memory_space<vmem_shared>>) offsets(%dma_start3A_1245 : memref<56xi32, #tpu.memory_space<vmem>>) semaphore(%arg28 : memref<!tpu.dma_semaphore, #tpu.memory_space<semaphore_mem>>) {add = true}
      %dma_wait3A_1249 = arith.constant 8 : i32
      %dma_wait3A_1250 = arith.constant 0 : i32
      %dma_wait3A_1251 = arith.constant 2 : i32
      %dma_wait3A_1252 = arith.constant 0 : i32
      %dma_wait3A_1253 = arith.constant 0 : i32
      %dma_wait3A_1254 = tpu.memref_slice %arg7[%dma_wait3A_1251, %dma_wait3A_1252, %dma_wait3A_1253] : memref<6x56x128xf32, #tpu.memory_space<vmem>> -> memref<1x56x128xf32, #tpu.memory_space<vmem>>
      %dma_wait3A_1255 = tpu.memref_squeeze %dma_wait3A_1254 : memref<1x56x128xf32, #tpu.memory_space<vmem>> -> memref<56x128xf32, #tpu.memory_space<vmem>>
      %dma_wait3A_1256 = arith.constant 0 : i32
      %dma_wait3A_1257 = tpu.memref_slice %arg6[%dma_wait3A_1249, %dma_wait3A_1250, %dma_wait3A_1256] : memref<12x2x56xi32, #tpu.memory_space<vmem>> -> memref<1x1x56xi32, #tpu.memory_space<vmem>>
      %dma_wait3A_1258 = tpu.memref_squeeze %dma_wait3A_1257 : memref<1x1x56xi32, #tpu.memory_space<vmem>> -> memref<56xi32, #tpu.memory_space<vmem>>
      %dma_wait3A_1259 = arith.constant 0 : i32
      %dma_wait3A_1260 = arith.constant 0 : i32
      %dma_wait3A_1261 = tpu.memref_slice %arg3[%dma_wait3A_1259, %dma_wait3A_1260] : memref<10000x128xf32, #tpu.memory_space<hbm>> -> memref<10000x128xf32, #tpu.memory_space<hbm>>
      tpu.wait_indirect_dma semaphore(%arg23 : memref<!tpu.dma_semaphore, #tpu.memory_space<semaphore_mem>>) src(%dma_wait3A_1261 : memref<10000x128xf32, #tpu.memory_space<hbm>>) dst(%dma_wait3A_1255 : memref<56x128xf32, #tpu.memory_space<vmem>>)
      %dma_start3A_1262 = arith.constant 2 : i32
      %dma_start3A_1263 = arith.constant 8 : i32
      %dma_start3A_1264 = arith.constant 1 : i32
      %dma_start3A_1265 = arith.constant 0 : i32
      %dma_start3A_1266 = arith.constant 0 : i32
      %dma_start3A_1267 = tpu.memref_slice %arg7[%dma_start3A_1262, %dma_start3A_1265, %dma_start3A_1266] : memref<6x56x128xf32, #tpu.memory_space<vmem>> -> memref<1x56x128xf32, #tpu.memory_space<vmem>>
      %dma_start3A_1268 = tpu.memref_squeeze %dma_start3A_1267 : memref<1x56x128xf32, #tpu.memory_space<vmem>> -> memref<56x128xf32, #tpu.memory_space<vmem>>
      %dma_start3A_1269 = arith.constant 0 : i32
      %dma_start3A_1270 = tpu.memref_slice %arg6[%dma_start3A_1263, %dma_start3A_1264, %dma_start3A_1269] : memref<12x2x56xi32, #tpu.memory_space<vmem>> -> memref<1x1x56xi32, #tpu.memory_space<vmem>>
      %dma_start3A_1271 = tpu.memref_squeeze %dma_start3A_1270 : memref<1x1x56xi32, #tpu.memory_space<vmem>> -> memref<56xi32, #tpu.memory_space<vmem>>
      %dma_start3A_1272 = arith.constant 0 : i32
      %dma_start3A_1273 = arith.constant 0 : i32
      %dma_start3A_1274 = tpu.memref_slice %arg8[%dma_start3A_1272, %dma_start3A_1273] : memref<10112x128xf32, #tpu.memory_space<vmem_shared>> -> memref<10112x128xf32, #tpu.memory_space<vmem_shared>>
      tpu.enqueue_indirect_dma source(%dma_start3A_1268 : memref<56x128xf32, #tpu.memory_space<vmem>>) target(%dma_start3A_1274 : memref<10112x128xf32, #tpu.memory_space<vmem_shared>>) offsets(%dma_start3A_1271 : memref<56xi32, #tpu.memory_space<vmem>>) semaphore(%arg29 : memref<!tpu.dma_semaphore, #tpu.memory_space<semaphore_mem>>) {add = true}
      %dma_wait3A_1275 = arith.constant 9 : i32
      %dma_wait3A_1276 = arith.constant 0 : i32
      %dma_wait3A_1277 = arith.constant 3 : i32
      %dma_wait3A_1278 = arith.constant 0 : i32
      %dma_wait3A_1279 = arith.constant 0 : i32
      %dma_wait3A_1280 = tpu.memref_slice %arg7[%dma_wait3A_1277, %dma_wait3A_1278, %dma_wait3A_1279] : memref<6x56x128xf32, #tpu.memory_space<vmem>> -> memref<1x56x128xf32, #tpu.memory_space<vmem>>
      %dma_wait3A_1281 = tpu.memref_squeeze %dma_wait3A_1280 : memref<1x56x128xf32, #tpu.memory_space<vmem>> -> memref<56x128xf32, #tpu.memory_space<vmem>>
      %dma_wait3A_1282 = arith.constant 0 : i32
      %dma_wait3A_1283 = tpu.memref_slice %arg6[%dma_wait3A_1275, %dma_wait3A_1276, %dma_wait3A_1282] : memref<12x2x56xi32, #tpu.memory_space<vmem>> -> memref<1x1x56xi32, #tpu.memory_space<vmem>>
      %dma_wait3A_1284 = tpu.memref_squeeze %dma_wait3A_1283 : memref<1x1x56xi32, #tpu.memory_space<vmem>> -> memref<56xi32, #tpu.memory_space<vmem>>
      %dma_wait3A_1285 = arith.constant 0 : i32
      %dma_wait3A_1286 = arith.constant 0 : i32
      %dma_wait3A_1287 = tpu.memref_slice %arg3[%dma_wait3A_1285, %dma_wait3A_1286] : memref<10000x128xf32, #tpu.memory_space<hbm>> -> memref<10000x128xf32, #tpu.memory_space<hbm>>
      tpu.wait_indirect_dma semaphore(%arg24 : memref<!tpu.dma_semaphore, #tpu.memory_space<semaphore_mem>>) src(%dma_wait3A_1287 : memref<10000x128xf32, #tpu.memory_space<hbm>>) dst(%dma_wait3A_1281 : memref<56x128xf32, #tpu.memory_space<vmem>>)
      %dma_start3A_1288 = arith.constant 3 : i32
      %dma_start3A_1289 = arith.constant 9 : i32
      %dma_start3A_1290 = arith.constant 1 : i32
      %dma_start3A_1291 = arith.constant 0 : i32
      %dma_start3A_1292 = arith.constant 0 : i32
      %dma_start3A_1293 = tpu.memref_slice %arg7[%dma_start3A_1288, %dma_start3A_1291, %dma_start3A_1292] : memref<6x56x128xf32, #tpu.memory_space<vmem>> -> memref<1x56x128xf32, #tpu.memory_space<vmem>>
      %dma_start3A_1294 = tpu.memref_squeeze %dma_start3A_1293 : memref<1x56x128xf32, #tpu.memory_space<vmem>> -> memref<56x128xf32, #tpu.memory_space<vmem>>
      %dma_start3A_1295 = arith.constant 0 : i32
      %dma_start3A_1296 = tpu.memref_slice %arg6[%dma_start3A_1289, %dma_start3A_1290, %dma_start3A_1295] : memref<12x2x56xi32, #tpu.memory_space<vmem>> -> memref<1x1x56xi32, #tpu.memory_space<vmem>>
      %dma_start3A_1297 = tpu.memref_squeeze %dma_start3A_1296 : memref<1x1x56xi32, #tpu.memory_space<vmem>> -> memref<56xi32, #tpu.memory_space<vmem>>
      %dma_start3A_1298 = arith.constant 0 : i32
      %dma_start3A_1299 = arith.constant 0 : i32
      %dma_start3A_1300 = tpu.memref_slice %arg8[%dma_start3A_1298, %dma_start3A_1299] : memref<10112x128xf32, #tpu.memory_space<vmem_shared>> -> memref<10112x128xf32, #tpu.memory_space<vmem_shared>>
      tpu.enqueue_indirect_dma source(%dma_start3A_1294 : memref<56x128xf32, #tpu.memory_space<vmem>>) target(%dma_start3A_1300 : memref<10112x128xf32, #tpu.memory_space<vmem_shared>>) offsets(%dma_start3A_1297 : memref<56xi32, #tpu.memory_space<vmem>>) semaphore(%arg30 : memref<!tpu.dma_semaphore, #tpu.memory_space<semaphore_mem>>) {add = true}
      %dma_wait3A_1301 = arith.constant 10 : i32
      %dma_wait3A_1302 = arith.constant 0 : i32
      %dma_wait3A_1303 = arith.constant 4 : i32
      %dma_wait3A_1304 = arith.constant 0 : i32
      %dma_wait3A_1305 = arith.constant 0 : i32
      %dma_wait3A_1306 = tpu.memref_slice %arg7[%dma_wait3A_1303, %dma_wait3A_1304, %dma_wait3A_1305] : memref<6x56x128xf32, #tpu.memory_space<vmem>> -> memref<1x56x128xf32, #tpu.memory_space<vmem>>
      %dma_wait3A_1307 = tpu.memref_squeeze %dma_wait3A_1306 : memref<1x56x128xf32, #tpu.memory_space<vmem>> -> memref<56x128xf32, #tpu.memory_space<vmem>>
      %dma_wait3A_1308 = arith.constant 0 : i32
      %dma_wait3A_1309 = tpu.memref_slice %arg6[%dma_wait3A_1301, %dma_wait3A_1302, %dma_wait3A_1308] : memref<12x2x56xi32, #tpu.memory_space<vmem>> -> memref<1x1x56xi32, #tpu.memory_space<vmem>>
      %dma_wait3A_1310 = tpu.memref_squeeze %dma_wait3A_1309 : memref<1x1x56xi32, #tpu.memory_space<vmem>> -> memref<56xi32, #tpu.memory_space<vmem>>
      %dma_wait3A_1311 = arith.constant 0 : i32
      %dma_wait3A_1312 = arith.constant 0 : i32
      %dma_wait3A_1313 = tpu.memref_slice %arg3[%dma_wait3A_1311, %dma_wait3A_1312] : memref<10000x128xf32, #tpu.memory_space<hbm>> -> memref<10000x128xf32, #tpu.memory_space<hbm>>
      tpu.wait_indirect_dma semaphore(%arg25 : memref<!tpu.dma_semaphore, #tpu.memory_space<semaphore_mem>>) src(%dma_wait3A_1313 : memref<10000x128xf32, #tpu.memory_space<hbm>>) dst(%dma_wait3A_1307 : memref<56x128xf32, #tpu.memory_space<vmem>>)
      %dma_start3A_1314 = arith.constant 4 : i32
      %dma_start3A_1315 = arith.constant 10 : i32
      %dma_start3A_1316 = arith.constant 1 : i32
      %dma_start3A_1317 = arith.constant 0 : i32
      %dma_start3A_1318 = arith.constant 0 : i32
      %dma_start3A_1319 = tpu.memref_slice %arg7[%dma_start3A_1314, %dma_start3A_1317, %dma_start3A_1318] : memref<6x56x128xf32, #tpu.memory_space<vmem>> -> memref<1x56x128xf32, #tpu.memory_space<vmem>>
      %dma_start3A_1320 = tpu.memref_squeeze %dma_start3A_1319 : memref<1x56x128xf32, #tpu.memory_space<vmem>> -> memref<56x128xf32, #tpu.memory_space<vmem>>
      %dma_start3A_1321 = arith.constant 0 : i32
      %dma_start3A_1322 = tpu.memref_slice %arg6[%dma_start3A_1315, %dma_start3A_1316, %dma_start3A_1321] : memref<12x2x56xi32, #tpu.memory_space<vmem>> -> memref<1x1x56xi32, #tpu.memory_space<vmem>>
      %dma_start3A_1323 = tpu.memref_squeeze %dma_start3A_1322 : memref<1x1x56xi32, #tpu.memory_space<vmem>> -> memref<56xi32, #tpu.memory_space<vmem>>
      %dma_start3A_1324 = arith.constant 0 : i32
      %dma_start3A_1325 = arith.constant 0 : i32
      %dma_start3A_1326 = tpu.memref_slice %arg8[%dma_start3A_1324, %dma_start3A_1325] : memref<10112x128xf32, #tpu.memory_space<vmem_shared>> -> memref<10112x128xf32, #tpu.memory_space<vmem_shared>>
      tpu.enqueue_indirect_dma source(%dma_start3A_1320 : memref<56x128xf32, #tpu.memory_space<vmem>>) target(%dma_start3A_1326 : memref<10112x128xf32, #tpu.memory_space<vmem_shared>>) offsets(%dma_start3A_1323 : memref<56xi32, #tpu.memory_space<vmem>>) semaphore(%arg31 : memref<!tpu.dma_semaphore, #tpu.memory_space<semaphore_mem>>) {add = true}
      %dma_wait3A_1327 = arith.constant 11 : i32
      %dma_wait3A_1328 = arith.constant 0 : i32
      %dma_wait3A_1329 = arith.constant 5 : i32
      %dma_wait3A_1330 = arith.constant 0 : i32
      %dma_wait3A_1331 = arith.constant 0 : i32
      %dma_wait3A_1332 = tpu.memref_slice %arg7[%dma_wait3A_1329, %dma_wait3A_1330, %dma_wait3A_1331] : memref<6x56x128xf32, #tpu.memory_space<vmem>> -> memref<1x56x128xf32, #tpu.memory_space<vmem>>
      %dma_wait3A_1333 = tpu.memref_squeeze %dma_wait3A_1332 : memref<1x56x128xf32, #tpu.memory_space<vmem>> -> memref<56x128xf32, #tpu.memory_space<vmem>>
      %dma_wait3A_1334 = arith.constant 0 : i32
      %dma_wait3A_1335 = tpu.memref_slice %arg6[%dma_wait3A_1327, %dma_wait3A_1328, %dma_wait3A_1334] : memref<12x2x56xi32, #tpu.memory_space<vmem>> -> memref<1x1x56xi32, #tpu.memory_space<vmem>>
      %dma_wait3A_1336 = tpu.memref_squeeze %dma_wait3A_1335 : memref<1x1x56xi32, #tpu.memory_space<vmem>> -> memref<56xi32, #tpu.memory_space<vmem>>
      %dma_wait3A_1337 = arith.constant 0 : i32
      %dma_wait3A_1338 = arith.constant 0 : i32
      %dma_wait3A_1339 = tpu.memref_slice %arg3[%dma_wait3A_1337, %dma_wait3A_1338] : memref<10000x128xf32, #tpu.memory_space<hbm>> -> memref<10000x128xf32, #tpu.memory_space<hbm>>
      tpu.wait_indirect_dma semaphore(%arg26 : memref<!tpu.dma_semaphore, #tpu.memory_space<semaphore_mem>>) src(%dma_wait3A_1339 : memref<10000x128xf32, #tpu.memory_space<hbm>>) dst(%dma_wait3A_1333 : memref<56x128xf32, #tpu.memory_space<vmem>>)
      %dma_start3A_1340 = arith.constant 5 : i32
      %dma_start3A_1341 = arith.constant 11 : i32
      %dma_start3A_1342 = arith.constant 1 : i32
      %dma_start3A_1343 = arith.constant 0 : i32
      %dma_start3A_1344 = arith.constant 0 : i32
      %dma_start3A_1345 = tpu.memref_slice %arg7[%dma_start3A_1340, %dma_start3A_1343, %dma_start3A_1344] : memref<6x56x128xf32, #tpu.memory_space<vmem>> -> memref<1x56x128xf32, #tpu.memory_space<vmem>>
      %dma_start3A_1346 = tpu.memref_squeeze %dma_start3A_1345 : memref<1x56x128xf32, #tpu.memory_space<vmem>> -> memref<56x128xf32, #tpu.memory_space<vmem>>
      %dma_start3A_1347 = arith.constant 0 : i32
      %dma_start3A_1348 = tpu.memref_slice %arg6[%dma_start3A_1341, %dma_start3A_1342, %dma_start3A_1347] : memref<12x2x56xi32, #tpu.memory_space<vmem>> -> memref<1x1x56xi32, #tpu.memory_space<vmem>>
      %dma_start3A_1349 = tpu.memref_squeeze %dma_start3A_1348 : memref<1x1x56xi32, #tpu.memory_space<vmem>> -> memref<56xi32, #tpu.memory_space<vmem>>
      %dma_start3A_1350 = arith.constant 0 : i32
      %dma_start3A_1351 = arith.constant 0 : i32
      %dma_start3A_1352 = tpu.memref_slice %arg8[%dma_start3A_1350, %dma_start3A_1351] : memref<10112x128xf32, #tpu.memory_space<vmem_shared>> -> memref<10112x128xf32, #tpu.memory_space<vmem_shared>>
      tpu.enqueue_indirect_dma source(%dma_start3A_1346 : memref<56x128xf32, #tpu.memory_space<vmem>>) target(%dma_start3A_1352 : memref<10112x128xf32, #tpu.memory_space<vmem_shared>>) offsets(%dma_start3A_1349 : memref<56xi32, #tpu.memory_space<vmem>>) semaphore(%arg32 : memref<!tpu.dma_semaphore, #tpu.memory_space<semaphore_mem>>) {add = true}
    }
    %while3A_120 = arith.constant 1 : i32
    scf.for %while3A_309 = %while3A_118 to %while3A_114 step %while3A_120  : i32 {
      %mul3A_310 = arith.constant 12 : i32
      %mul3A_311 = arith.muli %while3A_309, %mul3A_310 : i32
      %add3A_312 = arith.constant 0 : i32
      %add3A_313 = arith.addi %mul3A_311, %add3A_312 : i32
      %gt3A = arith.constant 0 : i32
      %gt3A_314 = arith.cmpi sgt, %while3A_309, %gt3A : i32
      %convert_element_type3A = arith.extui %gt3A_314 : i1 to i32
      %cond3A = arith.constant 0 : i32
      %cond3A_315 = arith.cmpi ne, %convert_element_type3A, %cond3A : i32
      scf.if %cond3A_315 {
        %dma_wait3A_1353 = arith.constant 0 : i32
        %dma_wait3A_1354 = arith.constant 6 : i32
        %dma_wait3A_1355 = arith.constant 1 : i32
        %dma_wait3A_1356 = arith.constant 0 : i32
        %dma_wait3A_1357 = arith.constant 0 : i32
        %dma_wait3A_1358 = tpu.memref_slice %arg7[%dma_wait3A_1353, %dma_wait3A_1356, %dma_wait3A_1357] : memref<6x56x128xf32, #tpu.memory_space<vmem>> -> memref<1x56x128xf32, #tpu.memory_space<vmem>>
        %dma_wait3A_1359 = tpu.memref_squeeze %dma_wait3A_1358 : memref<1x56x128xf32, #tpu.memory_space<vmem>> -> memref<56x128xf32, #tpu.memory_space<vmem>>
        %dma_wait3A_1360 = arith.constant 0 : i32
        %dma_wait3A_1361 = tpu.memref_slice %arg6[%dma_wait3A_1354, %dma_wait3A_1355, %dma_wait3A_1360] : memref<12x2x56xi32, #tpu.memory_space<vmem>> -> memref<1x1x56xi32, #tpu.memory_space<vmem>>
        %dma_wait3A_1362 = tpu.memref_squeeze %dma_wait3A_1361 : memref<1x1x56xi32, #tpu.memory_space<vmem>> -> memref<56xi32, #tpu.memory_space<vmem>>
        %dma_wait3A_1363 = arith.constant 0 : i32
        %dma_wait3A_1364 = arith.constant 0 : i32
        %dma_wait3A_1365 = tpu.memref_slice %arg8[%dma_wait3A_1363, %dma_wait3A_1364] : memref<10112x128xf32, #tpu.memory_space<vmem_shared>> -> memref<10112x128xf32, #tpu.memory_space<vmem_shared>>
        tpu.wait_indirect_dma semaphore(%arg27 : memref<!tpu.dma_semaphore, #tpu.memory_space<semaphore_mem>>) src(%dma_wait3A_1359 : memref<56x128xf32, #tpu.memory_space<vmem>>) dst(%dma_wait3A_1365 : memref<10112x128xf32, #tpu.memory_space<vmem_shared>>)
      } else {
      }
      %add3A_316 = arith.constant 6 : i32
      %add3A_317 = arith.addi %add3A_313, %add3A_316 : i32
      %dma_start3A_318 = arith.constant 6 : i32
      %dma_start3A_319 = arith.constant 0 : i32
      %dma_start3A_320 = arith.constant 0 : i32
      %dma_start3A_321 = tpu.memref_slice %arg6[%dma_start3A_318, %dma_start3A_319, %dma_start3A_320] : memref<12x2x56xi32, #tpu.memory_space<vmem>> -> memref<1x2x56xi32, #tpu.memory_space<vmem>>
      %dma_start3A_322 = tpu.memref_squeeze %dma_start3A_321 : memref<1x2x56xi32, #tpu.memory_space<vmem>> -> memref<2x56xi32, #tpu.memory_space<vmem>>
      %dma_start3A_323 = arith.constant 0 : i32
      %dma_start3A_324 = arith.constant 0 : i32
      %dma_start3A_325 = tpu.memref_slice %arg2[%add3A, %add3A_317, %dma_start3A_323, %dma_start3A_324] : memref<32x186x2x56xi32, #tpu.memory_space<hbm>> -> memref<1x1x2x56xi32, #tpu.memory_space<hbm>>
      %dma_start3A_326 = tpu.memref_squeeze %dma_start3A_325 : memref<1x1x2x56xi32, #tpu.memory_space<hbm>> -> memref<2x56xi32, #tpu.memory_space<hbm>>
      %dma_start3A_327 = arith.constant 0 : i32
      %dma_start3A_328 = arith.constant 0 : i32
      %dma_start3A_329 = tpu.memref_slice %arg6[%dma_start3A_318, %dma_start3A_327, %dma_start3A_328] : memref<12x2x56xi32, #tpu.memory_space<vmem>> -> memref<1x2x56xi32, #tpu.memory_space<vmem>>
      %dma_start3A_330 = tpu.memref_squeeze %dma_start3A_329 : memref<1x2x56xi32, #tpu.memory_space<vmem>> -> memref<2x56xi32, #tpu.memory_space<vmem>>
      %dma_start3A_331 = arith.constant 0 : i32
      %dma_start3A_332 = arith.constant 0 : i32
      %dma_start3A_333 = tpu.memref_slice %arg2[%add3A, %add3A_317, %dma_start3A_331, %dma_start3A_332] : memref<32x186x2x56xi32, #tpu.memory_space<hbm>> -> memref<1x1x2x56xi32, #tpu.memory_space<hbm>>
      %dma_start3A_334 = tpu.memref_squeeze %dma_start3A_333 : memref<1x1x2x56xi32, #tpu.memory_space<hbm>> -> memref<2x56xi32, #tpu.memory_space<hbm>>
      tpu.enqueue_dma source(%dma_start3A_334 : memref<2x56xi32, #tpu.memory_space<hbm>>) target(%dma_start3A_330 : memref<2x56xi32, #tpu.memory_space<vmem>>) target_semaphore(%arg15 : memref<!tpu.dma_semaphore, #tpu.memory_space<semaphore_mem>>)
      %dma_wait3A_335 = arith.constant 0 : i32
      %dma_wait3A_336 = arith.constant 0 : i32
      %dma_wait3A_337 = arith.constant 0 : i32
      %dma_wait3A_338 = arith.constant 0 : i32
      %dma_wait3A_339 = tpu.memref_slice %arg6[%dma_wait3A_336, %dma_wait3A_337, %dma_wait3A_338] : memref<12x2x56xi32, #tpu.memory_space<vmem>> -> memref<1x2x56xi32, #tpu.memory_space<vmem>>
      %dma_wait3A_340 = tpu.memref_squeeze %dma_wait3A_339 : memref<1x2x56xi32, #tpu.memory_space<vmem>> -> memref<2x56xi32, #tpu.memory_space<vmem>>
      %dma_wait3A_341 = arith.constant 0 : i32
      %dma_wait3A_342 = arith.constant 0 : i32
      %dma_wait3A_343 = tpu.memref_slice %arg2[%add3A, %dma_wait3A_335, %dma_wait3A_341, %dma_wait3A_342] : memref<32x186x2x56xi32, #tpu.memory_space<hbm>> -> memref<1x1x2x56xi32, #tpu.memory_space<hbm>>
      %dma_wait3A_344 = tpu.memref_squeeze %dma_wait3A_343 : memref<1x1x2x56xi32, #tpu.memory_space<hbm>> -> memref<2x56xi32, #tpu.memory_space<hbm>>
      %dma_wait3A_345 = arith.constant 0 : i32
      %dma_wait3A_346 = arith.constant 0 : i32
      %dma_wait3A_347 = tpu.memref_slice %arg6[%dma_wait3A_336, %dma_wait3A_345, %dma_wait3A_346] : memref<12x2x56xi32, #tpu.memory_space<vmem>> -> memref<1x2x56xi32, #tpu.memory_space<vmem>>
      %dma_wait3A_348 = tpu.memref_squeeze %dma_wait3A_347 : memref<1x2x56xi32, #tpu.memory_space<vmem>> -> memref<2x56xi32, #tpu.memory_space<vmem>>
      %dma_wait3A_349 = arith.constant 0 : i32
      %dma_wait3A_350 = arith.constant 0 : i32
      %dma_wait3A_351 = tpu.memref_slice %arg2[%add3A, %dma_wait3A_335, %dma_wait3A_349, %dma_wait3A_350] : memref<32x186x2x56xi32, #tpu.memory_space<hbm>> -> memref<1x1x2x56xi32, #tpu.memory_space<hbm>>
      %dma_wait3A_352 = tpu.memref_squeeze %dma_wait3A_351 : memref<1x1x2x56xi32, #tpu.memory_space<hbm>> -> memref<2x56xi32, #tpu.memory_space<hbm>>
      tpu.wait_dma2 semaphore(%arg9 : memref<!tpu.dma_semaphore, #tpu.memory_space<semaphore_mem>>) src(%dma_wait3A_352 : memref<2x56xi32, #tpu.memory_space<hbm>>) dst(%dma_wait3A_348 : memref<2x56xi32, #tpu.memory_space<vmem>>)
      %dma_start3A_353 = arith.constant 0 : i32
      %dma_start3A_354 = arith.constant 0 : i32
      %dma_start3A_355 = arith.constant 0 : i32
      %dma_start3A_356 = arith.constant 0 : i32
      %dma_start3A_357 = arith.constant 0 : i32
      %dma_start3A_358 = tpu.memref_slice %arg7[%dma_start3A_355, %dma_start3A_356, %dma_start3A_357] : memref<6x56x128xf32, #tpu.memory_space<vmem>> -> memref<1x56x128xf32, #tpu.memory_space<vmem>>
      %dma_start3A_359 = tpu.memref_squeeze %dma_start3A_358 : memref<1x56x128xf32, #tpu.memory_space<vmem>> -> memref<56x128xf32, #tpu.memory_space<vmem>>
      %dma_start3A_360 = arith.constant 0 : i32
      %dma_start3A_361 = tpu.memref_slice %arg6[%dma_start3A_353, %dma_start3A_354, %dma_start3A_360] : memref<12x2x56xi32, #tpu.memory_space<vmem>> -> memref<1x1x56xi32, #tpu.memory_space<vmem>>
      %dma_start3A_362 = tpu.memref_squeeze %dma_start3A_361 : memref<1x1x56xi32, #tpu.memory_space<vmem>> -> memref<56xi32, #tpu.memory_space<vmem>>
      %dma_start3A_363 = arith.constant 0 : i32
      %dma_start3A_364 = arith.constant 0 : i32
      %dma_start3A_365 = tpu.memref_slice %arg3[%dma_start3A_363, %dma_start3A_364] : memref<10000x128xf32, #tpu.memory_space<hbm>> -> memref<10000x128xf32, #tpu.memory_space<hbm>>
      tpu.enqueue_indirect_dma source(%dma_start3A_365 : memref<10000x128xf32, #tpu.memory_space<hbm>>) target(%dma_start3A_359 : memref<56x128xf32, #tpu.memory_space<vmem>>) offsets(%dma_start3A_362 : memref<56xi32, #tpu.memory_space<vmem>>) semaphore(%arg21 : memref<!tpu.dma_semaphore, #tpu.memory_space<semaphore_mem>>)
      %add3A_366 = arith.constant 1 : i32
      %add3A_367 = arith.addi %mul3A_311, %add3A_366 : i32
      %gt3A_368 = arith.constant 0 : i32
      %gt3A_369 = arith.cmpi sgt, %while3A_309, %gt3A_368 : i32
      %convert_element_type3A_370 = arith.extui %gt3A_369 : i1 to i32
      %cond3A_371 = arith.constant 0 : i32
      %cond3A_372 = arith.cmpi ne, %convert_element_type3A_370, %cond3A_371 : i32
      scf.if %cond3A_372 {
        %dma_wait3A_1353 = arith.constant 1 : i32
        %dma_wait3A_1354 = arith.constant 7 : i32
        %dma_wait3A_1355 = arith.constant 1 : i32
        %dma_wait3A_1356 = arith.constant 0 : i32
        %dma_wait3A_1357 = arith.constant 0 : i32
        %dma_wait3A_1358 = tpu.memref_slice %arg7[%dma_wait3A_1353, %dma_wait3A_1356, %dma_wait3A_1357] : memref<6x56x128xf32, #tpu.memory_space<vmem>> -> memref<1x56x128xf32, #tpu.memory_space<vmem>>
        %dma_wait3A_1359 = tpu.memref_squeeze %dma_wait3A_1358 : memref<1x56x128xf32, #tpu.memory_space<vmem>> -> memref<56x128xf32, #tpu.memory_space<vmem>>
        %dma_wait3A_1360 = arith.constant 0 : i32
        %dma_wait3A_1361 = tpu.memref_slice %arg6[%dma_wait3A_1354, %dma_wait3A_1355, %dma_wait3A_1360] : memref<12x2x56xi32, #tpu.memory_space<vmem>> -> memref<1x1x56xi32, #tpu.memory_space<vmem>>
        %dma_wait3A_1362 = tpu.memref_squeeze %dma_wait3A_1361 : memref<1x1x56xi32, #tpu.memory_space<vmem>> -> memref<56xi32, #tpu.memory_space<vmem>>
        %dma_wait3A_1363 = arith.constant 0 : i32
        %dma_wait3A_1364 = arith.constant 0 : i32
        %dma_wait3A_1365 = tpu.memref_slice %arg8[%dma_wait3A_1363, %dma_wait3A_1364] : memref<10112x128xf32, #tpu.memory_space<vmem_shared>> -> memref<10112x128xf32, #tpu.memory_space<vmem_shared>>
        tpu.wait_indirect_dma semaphore(%arg28 : memref<!tpu.dma_semaphore, #tpu.memory_space<semaphore_mem>>) src(%dma_wait3A_1359 : memref<56x128xf32, #tpu.memory_space<vmem>>) dst(%dma_wait3A_1365 : memref<10112x128xf32, #tpu.memory_space<vmem_shared>>)
      } else {
      }
      %add3A_373 = arith.constant 6 : i32
      %add3A_374 = arith.addi %add3A_367, %add3A_373 : i32
      %dma_start3A_375 = arith.constant 7 : i32
      %dma_start3A_376 = arith.constant 0 : i32
      %dma_start3A_377 = arith.constant 0 : i32
      %dma_start3A_378 = tpu.memref_slice %arg6[%dma_start3A_375, %dma_start3A_376, %dma_start3A_377] : memref<12x2x56xi32, #tpu.memory_space<vmem>> -> memref<1x2x56xi32, #tpu.memory_space<vmem>>
      %dma_start3A_379 = tpu.memref_squeeze %dma_start3A_378 : memref<1x2x56xi32, #tpu.memory_space<vmem>> -> memref<2x56xi32, #tpu.memory_space<vmem>>
      %dma_start3A_380 = arith.constant 0 : i32
      %dma_start3A_381 = arith.constant 0 : i32
      %dma_start3A_382 = tpu.memref_slice %arg2[%add3A, %add3A_374, %dma_start3A_380, %dma_start3A_381] : memref<32x186x2x56xi32, #tpu.memory_space<hbm>> -> memref<1x1x2x56xi32, #tpu.memory_space<hbm>>
      %dma_start3A_383 = tpu.memref_squeeze %dma_start3A_382 : memref<1x1x2x56xi32, #tpu.memory_space<hbm>> -> memref<2x56xi32, #tpu.memory_space<hbm>>
      %dma_start3A_384 = arith.constant 0 : i32
      %dma_start3A_385 = arith.constant 0 : i32
      %dma_start3A_386 = tpu.memref_slice %arg6[%dma_start3A_375, %dma_start3A_384, %dma_start3A_385] : memref<12x2x56xi32, #tpu.memory_space<vmem>> -> memref<1x2x56xi32, #tpu.memory_space<vmem>>
      %dma_start3A_387 = tpu.memref_squeeze %dma_start3A_386 : memref<1x2x56xi32, #tpu.memory_space<vmem>> -> memref<2x56xi32, #tpu.memory_space<vmem>>
      %dma_start3A_388 = arith.constant 0 : i32
      %dma_start3A_389 = arith.constant 0 : i32
      %dma_start3A_390 = tpu.memref_slice %arg2[%add3A, %add3A_374, %dma_start3A_388, %dma_start3A_389] : memref<32x186x2x56xi32, #tpu.memory_space<hbm>> -> memref<1x1x2x56xi32, #tpu.memory_space<hbm>>
      %dma_start3A_391 = tpu.memref_squeeze %dma_start3A_390 : memref<1x1x2x56xi32, #tpu.memory_space<hbm>> -> memref<2x56xi32, #tpu.memory_space<hbm>>
      tpu.enqueue_dma source(%dma_start3A_391 : memref<2x56xi32, #tpu.memory_space<hbm>>) target(%dma_start3A_387 : memref<2x56xi32, #tpu.memory_space<vmem>>) target_semaphore(%arg16 : memref<!tpu.dma_semaphore, #tpu.memory_space<semaphore_mem>>)
      %dma_wait3A_392 = arith.constant 0 : i32
      %dma_wait3A_393 = arith.constant 1 : i32
      %dma_wait3A_394 = arith.constant 0 : i32
      %dma_wait3A_395 = arith.constant 0 : i32
      %dma_wait3A_396 = tpu.memref_slice %arg6[%dma_wait3A_393, %dma_wait3A_394, %dma_wait3A_395] : memref<12x2x56xi32, #tpu.memory_space<vmem>> -> memref<1x2x56xi32, #tpu.memory_space<vmem>>
      %dma_wait3A_397 = tpu.memref_squeeze %dma_wait3A_396 : memref<1x2x56xi32, #tpu.memory_space<vmem>> -> memref<2x56xi32, #tpu.memory_space<vmem>>
      %dma_wait3A_398 = arith.constant 0 : i32
      %dma_wait3A_399 = arith.constant 0 : i32
      %dma_wait3A_400 = tpu.memref_slice %arg2[%add3A, %dma_wait3A_392, %dma_wait3A_398, %dma_wait3A_399] : memref<32x186x2x56xi32, #tpu.memory_space<hbm>> -> memref<1x1x2x56xi32, #tpu.memory_space<hbm>>
      %dma_wait3A_401 = tpu.memref_squeeze %dma_wait3A_400 : memref<1x1x2x56xi32, #tpu.memory_space<hbm>> -> memref<2x56xi32, #tpu.memory_space<hbm>>
      %dma_wait3A_402 = arith.constant 0 : i32
      %dma_wait3A_403 = arith.constant 0 : i32
      %dma_wait3A_404 = tpu.memref_slice %arg6[%dma_wait3A_393, %dma_wait3A_402, %dma_wait3A_403] : memref<12x2x56xi32, #tpu.memory_space<vmem>> -> memref<1x2x56xi32, #tpu.memory_space<vmem>>
      %dma_wait3A_405 = tpu.memref_squeeze %dma_wait3A_404 : memref<1x2x56xi32, #tpu.memory_space<vmem>> -> memref<2x56xi32, #tpu.memory_space<vmem>>
      %dma_wait3A_406 = arith.constant 0 : i32
      %dma_wait3A_407 = arith.constant 0 : i32
      %dma_wait3A_408 = tpu.memref_slice %arg2[%add3A, %dma_wait3A_392, %dma_wait3A_406, %dma_wait3A_407] : memref<32x186x2x56xi32, #tpu.memory_space<hbm>> -> memref<1x1x2x56xi32, #tpu.memory_space<hbm>>
      %dma_wait3A_409 = tpu.memref_squeeze %dma_wait3A_408 : memref<1x1x2x56xi32, #tpu.memory_space<hbm>> -> memref<2x56xi32, #tpu.memory_space<hbm>>
      tpu.wait_dma2 semaphore(%arg10 : memref<!tpu.dma_semaphore, #tpu.memory_space<semaphore_mem>>) src(%dma_wait3A_409 : memref<2x56xi32, #tpu.memory_space<hbm>>) dst(%dma_wait3A_405 : memref<2x56xi32, #tpu.memory_space<vmem>>)
      %dma_start3A_410 = arith.constant 1 : i32
      %dma_start3A_411 = arith.constant 0 : i32
      %dma_start3A_412 = arith.constant 1 : i32
      %dma_start3A_413 = arith.constant 0 : i32
      %dma_start3A_414 = arith.constant 0 : i32
      %dma_start3A_415 = tpu.memref_slice %arg7[%dma_start3A_412, %dma_start3A_413, %dma_start3A_414] : memref<6x56x128xf32, #tpu.memory_space<vmem>> -> memref<1x56x128xf32, #tpu.memory_space<vmem>>
      %dma_start3A_416 = tpu.memref_squeeze %dma_start3A_415 : memref<1x56x128xf32, #tpu.memory_space<vmem>> -> memref<56x128xf32, #tpu.memory_space<vmem>>
      %dma_start3A_417 = arith.constant 0 : i32
      %dma_start3A_418 = tpu.memref_slice %arg6[%dma_start3A_410, %dma_start3A_411, %dma_start3A_417] : memref<12x2x56xi32, #tpu.memory_space<vmem>> -> memref<1x1x56xi32, #tpu.memory_space<vmem>>
      %dma_start3A_419 = tpu.memref_squeeze %dma_start3A_418 : memref<1x1x56xi32, #tpu.memory_space<vmem>> -> memref<56xi32, #tpu.memory_space<vmem>>
      %dma_start3A_420 = arith.constant 0 : i32
      %dma_start3A_421 = arith.constant 0 : i32
      %dma_start3A_422 = tpu.memref_slice %arg3[%dma_start3A_420, %dma_start3A_421] : memref<10000x128xf32, #tpu.memory_space<hbm>> -> memref<10000x128xf32, #tpu.memory_space<hbm>>
      tpu.enqueue_indirect_dma source(%dma_start3A_422 : memref<10000x128xf32, #tpu.memory_space<hbm>>) target(%dma_start3A_416 : memref<56x128xf32, #tpu.memory_space<vmem>>) offsets(%dma_start3A_419 : memref<56xi32, #tpu.memory_space<vmem>>) semaphore(%arg22 : memref<!tpu.dma_semaphore, #tpu.memory_space<semaphore_mem>>)
      %add3A_423 = arith.constant 2 : i32
      %add3A_424 = arith.addi %mul3A_311, %add3A_423 : i32
      %gt3A_425 = arith.constant 0 : i32
      %gt3A_426 = arith.cmpi sgt, %while3A_309, %gt3A_425 : i32
      %convert_element_type3A_427 = arith.extui %gt3A_426 : i1 to i32
      %cond3A_428 = arith.constant 0 : i32
      %cond3A_429 = arith.cmpi ne, %convert_element_type3A_427, %cond3A_428 : i32
      scf.if %cond3A_429 {
        %dma_wait3A_1353 = arith.constant 2 : i32
        %dma_wait3A_1354 = arith.constant 8 : i32
        %dma_wait3A_1355 = arith.constant 1 : i32
        %dma_wait3A_1356 = arith.constant 0 : i32
        %dma_wait3A_1357 = arith.constant 0 : i32
        %dma_wait3A_1358 = tpu.memref_slice %arg7[%dma_wait3A_1353, %dma_wait3A_1356, %dma_wait3A_1357] : memref<6x56x128xf32, #tpu.memory_space<vmem>> -> memref<1x56x128xf32, #tpu.memory_space<vmem>>
        %dma_wait3A_1359 = tpu.memref_squeeze %dma_wait3A_1358 : memref<1x56x128xf32, #tpu.memory_space<vmem>> -> memref<56x128xf32, #tpu.memory_space<vmem>>
        %dma_wait3A_1360 = arith.constant 0 : i32
        %dma_wait3A_1361 = tpu.memref_slice %arg6[%dma_wait3A_1354, %dma_wait3A_1355, %dma_wait3A_1360] : memref<12x2x56xi32, #tpu.memory_space<vmem>> -> memref<1x1x56xi32, #tpu.memory_space<vmem>>
        %dma_wait3A_1362 = tpu.memref_squeeze %dma_wait3A_1361 : memref<1x1x56xi32, #tpu.memory_space<vmem>> -> memref<56xi32, #tpu.memory_space<vmem>>
        %dma_wait3A_1363 = arith.constant 0 : i32
        %dma_wait3A_1364 = arith.constant 0 : i32
        %dma_wait3A_1365 = tpu.memref_slice %arg8[%dma_wait3A_1363, %dma_wait3A_1364] : memref<10112x128xf32, #tpu.memory_space<vmem_shared>> -> memref<10112x128xf32, #tpu.memory_space<vmem_shared>>
        tpu.wait_indirect_dma semaphore(%arg29 : memref<!tpu.dma_semaphore, #tpu.memory_space<semaphore_mem>>) src(%dma_wait3A_1359 : memref<56x128xf32, #tpu.memory_space<vmem>>) dst(%dma_wait3A_1365 : memref<10112x128xf32, #tpu.memory_space<vmem_shared>>)
      } else {
      }
      %add3A_430 = arith.constant 6 : i32
      %add3A_431 = arith.addi %add3A_424, %add3A_430 : i32
      %dma_start3A_432 = arith.constant 8 : i32
      %dma_start3A_433 = arith.constant 0 : i32
      %dma_start3A_434 = arith.constant 0 : i32
      %dma_start3A_435 = tpu.memref_slice %arg6[%dma_start3A_432, %dma_start3A_433, %dma_start3A_434] : memref<12x2x56xi32, #tpu.memory_space<vmem>> -> memref<1x2x56xi32, #tpu.memory_space<vmem>>
      %dma_start3A_436 = tpu.memref_squeeze %dma_start3A_435 : memref<1x2x56xi32, #tpu.memory_space<vmem>> -> memref<2x56xi32, #tpu.memory_space<vmem>>
      %dma_start3A_437 = arith.constant 0 : i32
      %dma_start3A_438 = arith.constant 0 : i32
      %dma_start3A_439 = tpu.memref_slice %arg2[%add3A, %add3A_431, %dma_start3A_437, %dma_start3A_438] : memref<32x186x2x56xi32, #tpu.memory_space<hbm>> -> memref<1x1x2x56xi32, #tpu.memory_space<hbm>>
      %dma_start3A_440 = tpu.memref_squeeze %dma_start3A_439 : memref<1x1x2x56xi32, #tpu.memory_space<hbm>> -> memref<2x56xi32, #tpu.memory_space<hbm>>
      %dma_start3A_441 = arith.constant 0 : i32
      %dma_start3A_442 = arith.constant 0 : i32
      %dma_start3A_443 = tpu.memref_slice %arg6[%dma_start3A_432, %dma_start3A_441, %dma_start3A_442] : memref<12x2x56xi32, #tpu.memory_space<vmem>> -> memref<1x2x56xi32, #tpu.memory_space<vmem>>
      %dma_start3A_444 = tpu.memref_squeeze %dma_start3A_443 : memref<1x2x56xi32, #tpu.memory_space<vmem>> -> memref<2x56xi32, #tpu.memory_space<vmem>>
      %dma_start3A_445 = arith.constant 0 : i32
      %dma_start3A_446 = arith.constant 0 : i32
      %dma_start3A_447 = tpu.memref_slice %arg2[%add3A, %add3A_431, %dma_start3A_445, %dma_start3A_446] : memref<32x186x2x56xi32, #tpu.memory_space<hbm>> -> memref<1x1x2x56xi32, #tpu.memory_space<hbm>>
      %dma_start3A_448 = tpu.memref_squeeze %dma_start3A_447 : memref<1x1x2x56xi32, #tpu.memory_space<hbm>> -> memref<2x56xi32, #tpu.memory_space<hbm>>
      tpu.enqueue_dma source(%dma_start3A_448 : memref<2x56xi32, #tpu.memory_space<hbm>>) target(%dma_start3A_444 : memref<2x56xi32, #tpu.memory_space<vmem>>) target_semaphore(%arg17 : memref<!tpu.dma_semaphore, #tpu.memory_space<semaphore_mem>>)
      %dma_wait3A_449 = arith.constant 0 : i32
      %dma_wait3A_450 = arith.constant 2 : i32
      %dma_wait3A_451 = arith.constant 0 : i32
      %dma_wait3A_452 = arith.constant 0 : i32
      %dma_wait3A_453 = tpu.memref_slice %arg6[%dma_wait3A_450, %dma_wait3A_451, %dma_wait3A_452] : memref<12x2x56xi32, #tpu.memory_space<vmem>> -> memref<1x2x56xi32, #tpu.memory_space<vmem>>
      %dma_wait3A_454 = tpu.memref_squeeze %dma_wait3A_453 : memref<1x2x56xi32, #tpu.memory_space<vmem>> -> memref<2x56xi32, #tpu.memory_space<vmem>>
      %dma_wait3A_455 = arith.constant 0 : i32
      %dma_wait3A_456 = arith.constant 0 : i32
      %dma_wait3A_457 = tpu.memref_slice %arg2[%add3A, %dma_wait3A_449, %dma_wait3A_455, %dma_wait3A_456] : memref<32x186x2x56xi32, #tpu.memory_space<hbm>> -> memref<1x1x2x56xi32, #tpu.memory_space<hbm>>
      %dma_wait3A_458 = tpu.memref_squeeze %dma_wait3A_457 : memref<1x1x2x56xi32, #tpu.memory_space<hbm>> -> memref<2x56xi32, #tpu.memory_space<hbm>>
      %dma_wait3A_459 = arith.constant 0 : i32
      %dma_wait3A_460 = arith.constant 0 : i32
      %dma_wait3A_461 = tpu.memref_slice %arg6[%dma_wait3A_450, %dma_wait3A_459, %dma_wait3A_460] : memref<12x2x56xi32, #tpu.memory_space<vmem>> -> memref<1x2x56xi32, #tpu.memory_space<vmem>>
      %dma_wait3A_462 = tpu.memref_squeeze %dma_wait3A_461 : memref<1x2x56xi32, #tpu.memory_space<vmem>> -> memref<2x56xi32, #tpu.memory_space<vmem>>
      %dma_wait3A_463 = arith.constant 0 : i32
      %dma_wait3A_464 = arith.constant 0 : i32
      %dma_wait3A_465 = tpu.memref_slice %arg2[%add3A, %dma_wait3A_449, %dma_wait3A_463, %dma_wait3A_464] : memref<32x186x2x56xi32, #tpu.memory_space<hbm>> -> memref<1x1x2x56xi32, #tpu.memory_space<hbm>>
      %dma_wait3A_466 = tpu.memref_squeeze %dma_wait3A_465 : memref<1x1x2x56xi32, #tpu.memory_space<hbm>> -> memref<2x56xi32, #tpu.memory_space<hbm>>
      tpu.wait_dma2 semaphore(%arg11 : memref<!tpu.dma_semaphore, #tpu.memory_space<semaphore_mem>>) src(%dma_wait3A_466 : memref<2x56xi32, #tpu.memory_space<hbm>>) dst(%dma_wait3A_462 : memref<2x56xi32, #tpu.memory_space<vmem>>)
      %dma_start3A_467 = arith.constant 2 : i32
      %dma_start3A_468 = arith.constant 0 : i32
      %dma_start3A_469 = arith.constant 2 : i32
      %dma_start3A_470 = arith.constant 0 : i32
      %dma_start3A_471 = arith.constant 0 : i32
      %dma_start3A_472 = tpu.memref_slice %arg7[%dma_start3A_469, %dma_start3A_470, %dma_start3A_471] : memref<6x56x128xf32, #tpu.memory_space<vmem>> -> memref<1x56x128xf32, #tpu.memory_space<vmem>>
      %dma_start3A_473 = tpu.memref_squeeze %dma_start3A_472 : memref<1x56x128xf32, #tpu.memory_space<vmem>> -> memref<56x128xf32, #tpu.memory_space<vmem>>
      %dma_start3A_474 = arith.constant 0 : i32
      %dma_start3A_475 = tpu.memref_slice %arg6[%dma_start3A_467, %dma_start3A_468, %dma_start3A_474] : memref<12x2x56xi32, #tpu.memory_space<vmem>> -> memref<1x1x56xi32, #tpu.memory_space<vmem>>
      %dma_start3A_476 = tpu.memref_squeeze %dma_start3A_475 : memref<1x1x56xi32, #tpu.memory_space<vmem>> -> memref<56xi32, #tpu.memory_space<vmem>>
      %dma_start3A_477 = arith.constant 0 : i32
      %dma_start3A_478 = arith.constant 0 : i32
      %dma_start3A_479 = tpu.memref_slice %arg3[%dma_start3A_477, %dma_start3A_478] : memref<10000x128xf32, #tpu.memory_space<hbm>> -> memref<10000x128xf32, #tpu.memory_space<hbm>>
      tpu.enqueue_indirect_dma source(%dma_start3A_479 : memref<10000x128xf32, #tpu.memory_space<hbm>>) target(%dma_start3A_473 : memref<56x128xf32, #tpu.memory_space<vmem>>) offsets(%dma_start3A_476 : memref<56xi32, #tpu.memory_space<vmem>>) semaphore(%arg23 : memref<!tpu.dma_semaphore, #tpu.memory_space<semaphore_mem>>)
      %add3A_480 = arith.constant 3 : i32
      %add3A_481 = arith.addi %mul3A_311, %add3A_480 : i32
      %gt3A_482 = arith.constant 0 : i32
      %gt3A_483 = arith.cmpi sgt, %while3A_309, %gt3A_482 : i32
      %convert_element_type3A_484 = arith.extui %gt3A_483 : i1 to i32
      %cond3A_485 = arith.constant 0 : i32
      %cond3A_486 = arith.cmpi ne, %convert_element_type3A_484, %cond3A_485 : i32
      scf.if %cond3A_486 {
        %dma_wait3A_1353 = arith.constant 3 : i32
        %dma_wait3A_1354 = arith.constant 9 : i32
        %dma_wait3A_1355 = arith.constant 1 : i32
        %dma_wait3A_1356 = arith.constant 0 : i32
        %dma_wait3A_1357 = arith.constant 0 : i32
        %dma_wait3A_1358 = tpu.memref_slice %arg7[%dma_wait3A_1353, %dma_wait3A_1356, %dma_wait3A_1357] : memref<6x56x128xf32, #tpu.memory_space<vmem>> -> memref<1x56x128xf32, #tpu.memory_space<vmem>>
        %dma_wait3A_1359 = tpu.memref_squeeze %dma_wait3A_1358 : memref<1x56x128xf32, #tpu.memory_space<vmem>> -> memref<56x128xf32, #tpu.memory_space<vmem>>
        %dma_wait3A_1360 = arith.constant 0 : i32
        %dma_wait3A_1361 = tpu.memref_slice %arg6[%dma_wait3A_1354, %dma_wait3A_1355, %dma_wait3A_1360] : memref<12x2x56xi32, #tpu.memory_space<vmem>> -> memref<1x1x56xi32, #tpu.memory_space<vmem>>
        %dma_wait3A_1362 = tpu.memref_squeeze %dma_wait3A_1361 : memref<1x1x56xi32, #tpu.memory_space<vmem>> -> memref<56xi32, #tpu.memory_space<vmem>>
        %dma_wait3A_1363 = arith.constant 0 : i32
        %dma_wait3A_1364 = arith.constant 0 : i32
        %dma_wait3A_1365 = tpu.memref_slice %arg8[%dma_wait3A_1363, %dma_wait3A_1364] : memref<10112x128xf32, #tpu.memory_space<vmem_shared>> -> memref<10112x128xf32, #tpu.memory_space<vmem_shared>>
        tpu.wait_indirect_dma semaphore(%arg30 : memref<!tpu.dma_semaphore, #tpu.memory_space<semaphore_mem>>) src(%dma_wait3A_1359 : memref<56x128xf32, #tpu.memory_space<vmem>>) dst(%dma_wait3A_1365 : memref<10112x128xf32, #tpu.memory_space<vmem_shared>>)
      } else {
      }
      %add3A_487 = arith.constant 6 : i32
      %add3A_488 = arith.addi %add3A_481, %add3A_487 : i32
      %dma_start3A_489 = arith.constant 9 : i32
      %dma_start3A_490 = arith.constant 0 : i32
      %dma_start3A_491 = arith.constant 0 : i32
      %dma_start3A_492 = tpu.memref_slice %arg6[%dma_start3A_489, %dma_start3A_490, %dma_start3A_491] : memref<12x2x56xi32, #tpu.memory_space<vmem>> -> memref<1x2x56xi32, #tpu.memory_space<vmem>>
      %dma_start3A_493 = tpu.memref_squeeze %dma_start3A_492 : memref<1x2x56xi32, #tpu.memory_space<vmem>> -> memref<2x56xi32, #tpu.memory_space<vmem>>
      %dma_start3A_494 = arith.constant 0 : i32
      %dma_start3A_495 = arith.constant 0 : i32
      %dma_start3A_496 = tpu.memref_slice %arg2[%add3A, %add3A_488, %dma_start3A_494, %dma_start3A_495] : memref<32x186x2x56xi32, #tpu.memory_space<hbm>> -> memref<1x1x2x56xi32, #tpu.memory_space<hbm>>
      %dma_start3A_497 = tpu.memref_squeeze %dma_start3A_496 : memref<1x1x2x56xi32, #tpu.memory_space<hbm>> -> memref<2x56xi32, #tpu.memory_space<hbm>>
      %dma_start3A_498 = arith.constant 0 : i32
      %dma_start3A_499 = arith.constant 0 : i32
      %dma_start3A_500 = tpu.memref_slice %arg6[%dma_start3A_489, %dma_start3A_498, %dma_start3A_499] : memref<12x2x56xi32, #tpu.memory_space<vmem>> -> memref<1x2x56xi32, #tpu.memory_space<vmem>>
      %dma_start3A_501 = tpu.memref_squeeze %dma_start3A_500 : memref<1x2x56xi32, #tpu.memory_space<vmem>> -> memref<2x56xi32, #tpu.memory_space<vmem>>
      %dma_start3A_502 = arith.constant 0 : i32
      %dma_start3A_503 = arith.constant 0 : i32
      %dma_start3A_504 = tpu.memref_slice %arg2[%add3A, %add3A_488, %dma_start3A_502, %dma_start3A_503] : memref<32x186x2x56xi32, #tpu.memory_space<hbm>> -> memref<1x1x2x56xi32, #tpu.memory_space<hbm>>
      %dma_start3A_505 = tpu.memref_squeeze %dma_start3A_504 : memref<1x1x2x56xi32, #tpu.memory_space<hbm>> -> memref<2x56xi32, #tpu.memory_space<hbm>>
      tpu.enqueue_dma source(%dma_start3A_505 : memref<2x56xi32, #tpu.memory_space<hbm>>) target(%dma_start3A_501 : memref<2x56xi32, #tpu.memory_space<vmem>>) target_semaphore(%arg18 : memref<!tpu.dma_semaphore, #tpu.memory_space<semaphore_mem>>)
      %dma_wait3A_506 = arith.constant 0 : i32
      %dma_wait3A_507 = arith.constant 3 : i32
      %dma_wait3A_508 = arith.constant 0 : i32
      %dma_wait3A_509 = arith.constant 0 : i32
      %dma_wait3A_510 = tpu.memref_slice %arg6[%dma_wait3A_507, %dma_wait3A_508, %dma_wait3A_509] : memref<12x2x56xi32, #tpu.memory_space<vmem>> -> memref<1x2x56xi32, #tpu.memory_space<vmem>>
      %dma_wait3A_511 = tpu.memref_squeeze %dma_wait3A_510 : memref<1x2x56xi32, #tpu.memory_space<vmem>> -> memref<2x56xi32, #tpu.memory_space<vmem>>
      %dma_wait3A_512 = arith.constant 0 : i32
      %dma_wait3A_513 = arith.constant 0 : i32
      %dma_wait3A_514 = tpu.memref_slice %arg2[%add3A, %dma_wait3A_506, %dma_wait3A_512, %dma_wait3A_513] : memref<32x186x2x56xi32, #tpu.memory_space<hbm>> -> memref<1x1x2x56xi32, #tpu.memory_space<hbm>>
      %dma_wait3A_515 = tpu.memref_squeeze %dma_wait3A_514 : memref<1x1x2x56xi32, #tpu.memory_space<hbm>> -> memref<2x56xi32, #tpu.memory_space<hbm>>
      %dma_wait3A_516 = arith.constant 0 : i32
      %dma_wait3A_517 = arith.constant 0 : i32
      %dma_wait3A_518 = tpu.memref_slice %arg6[%dma_wait3A_507, %dma_wait3A_516, %dma_wait3A_517] : memref<12x2x56xi32, #tpu.memory_space<vmem>> -> memref<1x2x56xi32, #tpu.memory_space<vmem>>
      %dma_wait3A_519 = tpu.memref_squeeze %dma_wait3A_518 : memref<1x2x56xi32, #tpu.memory_space<vmem>> -> memref<2x56xi32, #tpu.memory_space<vmem>>
      %dma_wait3A_520 = arith.constant 0 : i32
      %dma_wait3A_521 = arith.constant 0 : i32
      %dma_wait3A_522 = tpu.memref_slice %arg2[%add3A, %dma_wait3A_506, %dma_wait3A_520, %dma_wait3A_521] : memref<32x186x2x56xi32, #tpu.memory_space<hbm>> -> memref<1x1x2x56xi32, #tpu.memory_space<hbm>>
      %dma_wait3A_523 = tpu.memref_squeeze %dma_wait3A_522 : memref<1x1x2x56xi32, #tpu.memory_space<hbm>> -> memref<2x56xi32, #tpu.memory_space<hbm>>
      tpu.wait_dma2 semaphore(%arg12 : memref<!tpu.dma_semaphore, #tpu.memory_space<semaphore_mem>>) src(%dma_wait3A_523 : memref<2x56xi32, #tpu.memory_space<hbm>>) dst(%dma_wait3A_519 : memref<2x56xi32, #tpu.memory_space<vmem>>)
      %dma_start3A_524 = arith.constant 3 : i32
      %dma_start3A_525 = arith.constant 0 : i32
      %dma_start3A_526 = arith.constant 3 : i32
      %dma_start3A_527 = arith.constant 0 : i32
      %dma_start3A_528 = arith.constant 0 : i32
      %dma_start3A_529 = tpu.memref_slice %arg7[%dma_start3A_526, %dma_start3A_527, %dma_start3A_528] : memref<6x56x128xf32, #tpu.memory_space<vmem>> -> memref<1x56x128xf32, #tpu.memory_space<vmem>>
      %dma_start3A_530 = tpu.memref_squeeze %dma_start3A_529 : memref<1x56x128xf32, #tpu.memory_space<vmem>> -> memref<56x128xf32, #tpu.memory_space<vmem>>
      %dma_start3A_531 = arith.constant 0 : i32
      %dma_start3A_532 = tpu.memref_slice %arg6[%dma_start3A_524, %dma_start3A_525, %dma_start3A_531] : memref<12x2x56xi32, #tpu.memory_space<vmem>> -> memref<1x1x56xi32, #tpu.memory_space<vmem>>
      %dma_start3A_533 = tpu.memref_squeeze %dma_start3A_532 : memref<1x1x56xi32, #tpu.memory_space<vmem>> -> memref<56xi32, #tpu.memory_space<vmem>>
      %dma_start3A_534 = arith.constant 0 : i32
      %dma_start3A_535 = arith.constant 0 : i32
      %dma_start3A_536 = tpu.memref_slice %arg3[%dma_start3A_534, %dma_start3A_535] : memref<10000x128xf32, #tpu.memory_space<hbm>> -> memref<10000x128xf32, #tpu.memory_space<hbm>>
      tpu.enqueue_indirect_dma source(%dma_start3A_536 : memref<10000x128xf32, #tpu.memory_space<hbm>>) target(%dma_start3A_530 : memref<56x128xf32, #tpu.memory_space<vmem>>) offsets(%dma_start3A_533 : memref<56xi32, #tpu.memory_space<vmem>>) semaphore(%arg24 : memref<!tpu.dma_semaphore, #tpu.memory_space<semaphore_mem>>)
      %add3A_537 = arith.constant 4 : i32
      %add3A_538 = arith.addi %mul3A_311, %add3A_537 : i32
      %gt3A_539 = arith.constant 0 : i32
      %gt3A_540 = arith.cmpi sgt, %while3A_309, %gt3A_539 : i32
      %convert_element_type3A_541 = arith.extui %gt3A_540 : i1 to i32
      %cond3A_542 = arith.constant 0 : i32
      %cond3A_543 = arith.cmpi ne, %convert_element_type3A_541, %cond3A_542 : i32
      scf.if %cond3A_543 {
        %dma_wait3A_1353 = arith.constant 4 : i32
        %dma_wait3A_1354 = arith.constant 10 : i32
        %dma_wait3A_1355 = arith.constant 1 : i32
        %dma_wait3A_1356 = arith.constant 0 : i32
        %dma_wait3A_1357 = arith.constant 0 : i32
        %dma_wait3A_1358 = tpu.memref_slice %arg7[%dma_wait3A_1353, %dma_wait3A_1356, %dma_wait3A_1357] : memref<6x56x128xf32, #tpu.memory_space<vmem>> -> memref<1x56x128xf32, #tpu.memory_space<vmem>>
        %dma_wait3A_1359 = tpu.memref_squeeze %dma_wait3A_1358 : memref<1x56x128xf32, #tpu.memory_space<vmem>> -> memref<56x128xf32, #tpu.memory_space<vmem>>
        %dma_wait3A_1360 = arith.constant 0 : i32
        %dma_wait3A_1361 = tpu.memref_slice %arg6[%dma_wait3A_1354, %dma_wait3A_1355, %dma_wait3A_1360] : memref<12x2x56xi32, #tpu.memory_space<vmem>> -> memref<1x1x56xi32, #tpu.memory_space<vmem>>
        %dma_wait3A_1362 = tpu.memref_squeeze %dma_wait3A_1361 : memref<1x1x56xi32, #tpu.memory_space<vmem>> -> memref<56xi32, #tpu.memory_space<vmem>>
        %dma_wait3A_1363 = arith.constant 0 : i32
        %dma_wait3A_1364 = arith.constant 0 : i32
        %dma_wait3A_1365 = tpu.memref_slice %arg8[%dma_wait3A_1363, %dma_wait3A_1364] : memref<10112x128xf32, #tpu.memory_space<vmem_shared>> -> memref<10112x128xf32, #tpu.memory_space<vmem_shared>>
        tpu.wait_indirect_dma semaphore(%arg31 : memref<!tpu.dma_semaphore, #tpu.memory_space<semaphore_mem>>) src(%dma_wait3A_1359 : memref<56x128xf32, #tpu.memory_space<vmem>>) dst(%dma_wait3A_1365 : memref<10112x128xf32, #tpu.memory_space<vmem_shared>>)
      } else {
      }
      %add3A_544 = arith.constant 6 : i32
      %add3A_545 = arith.addi %add3A_538, %add3A_544 : i32
      %dma_start3A_546 = arith.constant 10 : i32
      %dma_start3A_547 = arith.constant 0 : i32
      %dma_start3A_548 = arith.constant 0 : i32
      %dma_start3A_549 = tpu.memref_slice %arg6[%dma_start3A_546, %dma_start3A_547, %dma_start3A_548] : memref<12x2x56xi32, #tpu.memory_space<vmem>> -> memref<1x2x56xi32, #tpu.memory_space<vmem>>
      %dma_start3A_550 = tpu.memref_squeeze %dma_start3A_549 : memref<1x2x56xi32, #tpu.memory_space<vmem>> -> memref<2x56xi32, #tpu.memory_space<vmem>>
      %dma_start3A_551 = arith.constant 0 : i32
      %dma_start3A_552 = arith.constant 0 : i32
      %dma_start3A_553 = tpu.memref_slice %arg2[%add3A, %add3A_545, %dma_start3A_551, %dma_start3A_552] : memref<32x186x2x56xi32, #tpu.memory_space<hbm>> -> memref<1x1x2x56xi32, #tpu.memory_space<hbm>>
      %dma_start3A_554 = tpu.memref_squeeze %dma_start3A_553 : memref<1x1x2x56xi32, #tpu.memory_space<hbm>> -> memref<2x56xi32, #tpu.memory_space<hbm>>
      %dma_start3A_555 = arith.constant 0 : i32
      %dma_start3A_556 = arith.constant 0 : i32
      %dma_start3A_557 = tpu.memref_slice %arg6[%dma_start3A_546, %dma_start3A_555, %dma_start3A_556] : memref<12x2x56xi32, #tpu.memory_space<vmem>> -> memref<1x2x56xi32, #tpu.memory_space<vmem>>
      %dma_start3A_558 = tpu.memref_squeeze %dma_start3A_557 : memref<1x2x56xi32, #tpu.memory_space<vmem>> -> memref<2x56xi32, #tpu.memory_space<vmem>>
      %dma_start3A_559 = arith.constant 0 : i32
      %dma_start3A_560 = arith.constant 0 : i32
      %dma_start3A_561 = tpu.memref_slice %arg2[%add3A, %add3A_545, %dma_start3A_559, %dma_start3A_560] : memref<32x186x2x56xi32, #tpu.memory_space<hbm>> -> memref<1x1x2x56xi32, #tpu.memory_space<hbm>>
      %dma_start3A_562 = tpu.memref_squeeze %dma_start3A_561 : memref<1x1x2x56xi32, #tpu.memory_space<hbm>> -> memref<2x56xi32, #tpu.memory_space<hbm>>
      tpu.enqueue_dma source(%dma_start3A_562 : memref<2x56xi32, #tpu.memory_space<hbm>>) target(%dma_start3A_558 : memref<2x56xi32, #tpu.memory_space<vmem>>) target_semaphore(%arg19 : memref<!tpu.dma_semaphore, #tpu.memory_space<semaphore_mem>>)
      %dma_wait3A_563 = arith.constant 0 : i32
      %dma_wait3A_564 = arith.constant 4 : i32
      %dma_wait3A_565 = arith.constant 0 : i32
      %dma_wait3A_566 = arith.constant 0 : i32
      %dma_wait3A_567 = tpu.memref_slice %arg6[%dma_wait3A_564, %dma_wait3A_565, %dma_wait3A_566] : memref<12x2x56xi32, #tpu.memory_space<vmem>> -> memref<1x2x56xi32, #tpu.memory_space<vmem>>
      %dma_wait3A_568 = tpu.memref_squeeze %dma_wait3A_567 : memref<1x2x56xi32, #tpu.memory_space<vmem>> -> memref<2x56xi32, #tpu.memory_space<vmem>>
      %dma_wait3A_569 = arith.constant 0 : i32
      %dma_wait3A_570 = arith.constant 0 : i32
      %dma_wait3A_571 = tpu.memref_slice %arg2[%add3A, %dma_wait3A_563, %dma_wait3A_569, %dma_wait3A_570] : memref<32x186x2x56xi32, #tpu.memory_space<hbm>> -> memref<1x1x2x56xi32, #tpu.memory_space<hbm>>
      %dma_wait3A_572 = tpu.memref_squeeze %dma_wait3A_571 : memref<1x1x2x56xi32, #tpu.memory_space<hbm>> -> memref<2x56xi32, #tpu.memory_space<hbm>>
      %dma_wait3A_573 = arith.constant 0 : i32
      %dma_wait3A_574 = arith.constant 0 : i32
      %dma_wait3A_575 = tpu.memref_slice %arg6[%dma_wait3A_564, %dma_wait3A_573, %dma_wait3A_574] : memref<12x2x56xi32, #tpu.memory_space<vmem>> -> memref<1x2x56xi32, #tpu.memory_space<vmem>>
      %dma_wait3A_576 = tpu.memref_squeeze %dma_wait3A_575 : memref<1x2x56xi32, #tpu.memory_space<vmem>> -> memref<2x56xi32, #tpu.memory_space<vmem>>
      %dma_wait3A_577 = arith.constant 0 : i32
      %dma_wait3A_578 = arith.constant 0 : i32
      %dma_wait3A_579 = tpu.memref_slice %arg2[%add3A, %dma_wait3A_563, %dma_wait3A_577, %dma_wait3A_578] : memref<32x186x2x56xi32, #tpu.memory_space<hbm>> -> memref<1x1x2x56xi32, #tpu.memory_space<hbm>>
      %dma_wait3A_580 = tpu.memref_squeeze %dma_wait3A_579 : memref<1x1x2x56xi32, #tpu.memory_space<hbm>> -> memref<2x56xi32, #tpu.memory_space<hbm>>
      tpu.wait_dma2 semaphore(%arg13 : memref<!tpu.dma_semaphore, #tpu.memory_space<semaphore_mem>>) src(%dma_wait3A_580 : memref<2x56xi32, #tpu.memory_space<hbm>>) dst(%dma_wait3A_576 : memref<2x56xi32, #tpu.memory_space<vmem>>)
      %dma_start3A_581 = arith.constant 4 : i32
      %dma_start3A_582 = arith.constant 0 : i32
      %dma_start3A_583 = arith.constant 4 : i32
      %dma_start3A_584 = arith.constant 0 : i32
      %dma_start3A_585 = arith.constant 0 : i32
      %dma_start3A_586 = tpu.memref_slice %arg7[%dma_start3A_583, %dma_start3A_584, %dma_start3A_585] : memref<6x56x128xf32, #tpu.memory_space<vmem>> -> memref<1x56x128xf32, #tpu.memory_space<vmem>>
      %dma_start3A_587 = tpu.memref_squeeze %dma_start3A_586 : memref<1x56x128xf32, #tpu.memory_space<vmem>> -> memref<56x128xf32, #tpu.memory_space<vmem>>
      %dma_start3A_588 = arith.constant 0 : i32
      %dma_start3A_589 = tpu.memref_slice %arg6[%dma_start3A_581, %dma_start3A_582, %dma_start3A_588] : memref<12x2x56xi32, #tpu.memory_space<vmem>> -> memref<1x1x56xi32, #tpu.memory_space<vmem>>
      %dma_start3A_590 = tpu.memref_squeeze %dma_start3A_589 : memref<1x1x56xi32, #tpu.memory_space<vmem>> -> memref<56xi32, #tpu.memory_space<vmem>>
      %dma_start3A_591 = arith.constant 0 : i32
      %dma_start3A_592 = arith.constant 0 : i32
      %dma_start3A_593 = tpu.memref_slice %arg3[%dma_start3A_591, %dma_start3A_592] : memref<10000x128xf32, #tpu.memory_space<hbm>> -> memref<10000x128xf32, #tpu.memory_space<hbm>>
      tpu.enqueue_indirect_dma source(%dma_start3A_593 : memref<10000x128xf32, #tpu.memory_space<hbm>>) target(%dma_start3A_587 : memref<56x128xf32, #tpu.memory_space<vmem>>) offsets(%dma_start3A_590 : memref<56xi32, #tpu.memory_space<vmem>>) semaphore(%arg25 : memref<!tpu.dma_semaphore, #tpu.memory_space<semaphore_mem>>)
      %add3A_594 = arith.constant 5 : i32
      %add3A_595 = arith.addi %mul3A_311, %add3A_594 : i32
      %gt3A_596 = arith.constant 0 : i32
      %gt3A_597 = arith.cmpi sgt, %while3A_309, %gt3A_596 : i32
      %convert_element_type3A_598 = arith.extui %gt3A_597 : i1 to i32
      %cond3A_599 = arith.constant 0 : i32
      %cond3A_600 = arith.cmpi ne, %convert_element_type3A_598, %cond3A_599 : i32
      scf.if %cond3A_600 {
        %dma_wait3A_1353 = arith.constant 5 : i32
        %dma_wait3A_1354 = arith.constant 11 : i32
        %dma_wait3A_1355 = arith.constant 1 : i32
        %dma_wait3A_1356 = arith.constant 0 : i32
        %dma_wait3A_1357 = arith.constant 0 : i32
        %dma_wait3A_1358 = tpu.memref_slice %arg7[%dma_wait3A_1353, %dma_wait3A_1356, %dma_wait3A_1357] : memref<6x56x128xf32, #tpu.memory_space<vmem>> -> memref<1x56x128xf32, #tpu.memory_space<vmem>>
        %dma_wait3A_1359 = tpu.memref_squeeze %dma_wait3A_1358 : memref<1x56x128xf32, #tpu.memory_space<vmem>> -> memref<56x128xf32, #tpu.memory_space<vmem>>
        %dma_wait3A_1360 = arith.constant 0 : i32
        %dma_wait3A_1361 = tpu.memref_slice %arg6[%dma_wait3A_1354, %dma_wait3A_1355, %dma_wait3A_1360] : memref<12x2x56xi32, #tpu.memory_space<vmem>> -> memref<1x1x56xi32, #tpu.memory_space<vmem>>
        %dma_wait3A_1362 = tpu.memref_squeeze %dma_wait3A_1361 : memref<1x1x56xi32, #tpu.memory_space<vmem>> -> memref<56xi32, #tpu.memory_space<vmem>>
        %dma_wait3A_1363 = arith.constant 0 : i32
        %dma_wait3A_1364 = arith.constant 0 : i32
        %dma_wait3A_1365 = tpu.memref_slice %arg8[%dma_wait3A_1363, %dma_wait3A_1364] : memref<10112x128xf32, #tpu.memory_space<vmem_shared>> -> memref<10112x128xf32, #tpu.memory_space<vmem_shared>>
        tpu.wait_indirect_dma semaphore(%arg32 : memref<!tpu.dma_semaphore, #tpu.memory_space<semaphore_mem>>) src(%dma_wait3A_1359 : memref<56x128xf32, #tpu.memory_space<vmem>>) dst(%dma_wait3A_1365 : memref<10112x128xf32, #tpu.memory_space<vmem_shared>>)
      } else {
      }
      %add3A_601 = arith.constant 6 : i32
      %add3A_602 = arith.addi %add3A_595, %add3A_601 : i32
      %dma_start3A_603 = arith.constant 11 : i32
      %dma_start3A_604 = arith.constant 0 : i32
      %dma_start3A_605 = arith.constant 0 : i32
      %dma_start3A_606 = tpu.memref_slice %arg6[%dma_start3A_603, %dma_start3A_604, %dma_start3A_605] : memref<12x2x56xi32, #tpu.memory_space<vmem>> -> memref<1x2x56xi32, #tpu.memory_space<vmem>>
      %dma_start3A_607 = tpu.memref_squeeze %dma_start3A_606 : memref<1x2x56xi32, #tpu.memory_space<vmem>> -> memref<2x56xi32, #tpu.memory_space<vmem>>
      %dma_start3A_608 = arith.constant 0 : i32
      %dma_start3A_609 = arith.constant 0 : i32
      %dma_start3A_610 = tpu.memref_slice %arg2[%add3A, %add3A_602, %dma_start3A_608, %dma_start3A_609] : memref<32x186x2x56xi32, #tpu.memory_space<hbm>> -> memref<1x1x2x56xi32, #tpu.memory_space<hbm>>
      %dma_start3A_611 = tpu.memref_squeeze %dma_start3A_610 : memref<1x1x2x56xi32, #tpu.memory_space<hbm>> -> memref<2x56xi32, #tpu.memory_space<hbm>>
      %dma_start3A_612 = arith.constant 0 : i32
      %dma_start3A_613 = arith.constant 0 : i32
      %dma_start3A_614 = tpu.memref_slice %arg6[%dma_start3A_603, %dma_start3A_612, %dma_start3A_613] : memref<12x2x56xi32, #tpu.memory_space<vmem>> -> memref<1x2x56xi32, #tpu.memory_space<vmem>>
      %dma_start3A_615 = tpu.memref_squeeze %dma_start3A_614 : memref<1x2x56xi32, #tpu.memory_space<vmem>> -> memref<2x56xi32, #tpu.memory_space<vmem>>
      %dma_start3A_616 = arith.constant 0 : i32
      %dma_start3A_617 = arith.constant 0 : i32
      %dma_start3A_618 = tpu.memref_slice %arg2[%add3A, %add3A_602, %dma_start3A_616, %dma_start3A_617] : memref<32x186x2x56xi32, #tpu.memory_space<hbm>> -> memref<1x1x2x56xi32, #tpu.memory_space<hbm>>
      %dma_start3A_619 = tpu.memref_squeeze %dma_start3A_618 : memref<1x1x2x56xi32, #tpu.memory_space<hbm>> -> memref<2x56xi32, #tpu.memory_space<hbm>>
      tpu.enqueue_dma source(%dma_start3A_619 : memref<2x56xi32, #tpu.memory_space<hbm>>) target(%dma_start3A_615 : memref<2x56xi32, #tpu.memory_space<vmem>>) target_semaphore(%arg20 : memref<!tpu.dma_semaphore, #tpu.memory_space<semaphore_mem>>)
      %dma_wait3A_620 = arith.constant 0 : i32
      %dma_wait3A_621 = arith.constant 5 : i32
      %dma_wait3A_622 = arith.constant 0 : i32
      %dma_wait3A_623 = arith.constant 0 : i32
      %dma_wait3A_624 = tpu.memref_slice %arg6[%dma_wait3A_621, %dma_wait3A_622, %dma_wait3A_623] : memref<12x2x56xi32, #tpu.memory_space<vmem>> -> memref<1x2x56xi32, #tpu.memory_space<vmem>>
      %dma_wait3A_625 = tpu.memref_squeeze %dma_wait3A_624 : memref<1x2x56xi32, #tpu.memory_space<vmem>> -> memref<2x56xi32, #tpu.memory_space<vmem>>
      %dma_wait3A_626 = arith.constant 0 : i32
      %dma_wait3A_627 = arith.constant 0 : i32
      %dma_wait3A_628 = tpu.memref_slice %arg2[%add3A, %dma_wait3A_620, %dma_wait3A_626, %dma_wait3A_627] : memref<32x186x2x56xi32, #tpu.memory_space<hbm>> -> memref<1x1x2x56xi32, #tpu.memory_space<hbm>>
      %dma_wait3A_629 = tpu.memref_squeeze %dma_wait3A_628 : memref<1x1x2x56xi32, #tpu.memory_space<hbm>> -> memref<2x56xi32, #tpu.memory_space<hbm>>
      %dma_wait3A_630 = arith.constant 0 : i32
      %dma_wait3A_631 = arith.constant 0 : i32
      %dma_wait3A_632 = tpu.memref_slice %arg6[%dma_wait3A_621, %dma_wait3A_630, %dma_wait3A_631] : memref<12x2x56xi32, #tpu.memory_space<vmem>> -> memref<1x2x56xi32, #tpu.memory_space<vmem>>
      %dma_wait3A_633 = tpu.memref_squeeze %dma_wait3A_632 : memref<1x2x56xi32, #tpu.memory_space<vmem>> -> memref<2x56xi32, #tpu.memory_space<vmem>>
      %dma_wait3A_634 = arith.constant 0 : i32
      %dma_wait3A_635 = arith.constant 0 : i32
      %dma_wait3A_636 = tpu.memref_slice %arg2[%add3A, %dma_wait3A_620, %dma_wait3A_634, %dma_wait3A_635] : memref<32x186x2x56xi32, #tpu.memory_space<hbm>> -> memref<1x1x2x56xi32, #tpu.memory_space<hbm>>
      %dma_wait3A_637 = tpu.memref_squeeze %dma_wait3A_636 : memref<1x1x2x56xi32, #tpu.memory_space<hbm>> -> memref<2x56xi32, #tpu.memory_space<hbm>>
      tpu.wait_dma2 semaphore(%arg14 : memref<!tpu.dma_semaphore, #tpu.memory_space<semaphore_mem>>) src(%dma_wait3A_637 : memref<2x56xi32, #tpu.memory_space<hbm>>) dst(%dma_wait3A_633 : memref<2x56xi32, #tpu.memory_space<vmem>>)
      %dma_start3A_638 = arith.constant 5 : i32
      %dma_start3A_639 = arith.constant 0 : i32
      %dma_start3A_640 = arith.constant 5 : i32
      %dma_start3A_641 = arith.constant 0 : i32
      %dma_start3A_642 = arith.constant 0 : i32
      %dma_start3A_643 = tpu.memref_slice %arg7[%dma_start3A_640, %dma_start3A_641, %dma_start3A_642] : memref<6x56x128xf32, #tpu.memory_space<vmem>> -> memref<1x56x128xf32, #tpu.memory_space<vmem>>
      %dma_start3A_644 = tpu.memref_squeeze %dma_start3A_643 : memref<1x56x128xf32, #tpu.memory_space<vmem>> -> memref<56x128xf32, #tpu.memory_space<vmem>>
      %dma_start3A_645 = arith.constant 0 : i32
      %dma_start3A_646 = tpu.memref_slice %arg6[%dma_start3A_638, %dma_start3A_639, %dma_start3A_645] : memref<12x2x56xi32, #tpu.memory_space<vmem>> -> memref<1x1x56xi32, #tpu.memory_space<vmem>>
      %dma_start3A_647 = tpu.memref_squeeze %dma_start3A_646 : memref<1x1x56xi32, #tpu.memory_space<vmem>> -> memref<56xi32, #tpu.memory_space<vmem>>
      %dma_start3A_648 = arith.constant 0 : i32
      %dma_start3A_649 = arith.constant 0 : i32
      %dma_start3A_650 = tpu.memref_slice %arg3[%dma_start3A_648, %dma_start3A_649] : memref<10000x128xf32, #tpu.memory_space<hbm>> -> memref<10000x128xf32, #tpu.memory_space<hbm>>
      tpu.enqueue_indirect_dma source(%dma_start3A_650 : memref<10000x128xf32, #tpu.memory_space<hbm>>) target(%dma_start3A_644 : memref<56x128xf32, #tpu.memory_space<vmem>>) offsets(%dma_start3A_647 : memref<56xi32, #tpu.memory_space<vmem>>) semaphore(%arg26 : memref<!tpu.dma_semaphore, #tpu.memory_space<semaphore_mem>>)
      %dma_wait3A_651 = arith.constant 0 : i32
      %dma_wait3A_652 = arith.constant 0 : i32
      %dma_wait3A_653 = arith.constant 0 : i32
      %dma_wait3A_654 = arith.constant 0 : i32
      %dma_wait3A_655 = arith.constant 0 : i32
      %dma_wait3A_656 = tpu.memref_slice %arg7[%dma_wait3A_653, %dma_wait3A_654, %dma_wait3A_655] : memref<6x56x128xf32, #tpu.memory_space<vmem>> -> memref<1x56x128xf32, #tpu.memory_space<vmem>>
      %dma_wait3A_657 = tpu.memref_squeeze %dma_wait3A_656 : memref<1x56x128xf32, #tpu.memory_space<vmem>> -> memref<56x128xf32, #tpu.memory_space<vmem>>
      %dma_wait3A_658 = arith.constant 0 : i32
      %dma_wait3A_659 = tpu.memref_slice %arg6[%dma_wait3A_651, %dma_wait3A_652, %dma_wait3A_658] : memref<12x2x56xi32, #tpu.memory_space<vmem>> -> memref<1x1x56xi32, #tpu.memory_space<vmem>>
      %dma_wait3A_660 = tpu.memref_squeeze %dma_wait3A_659 : memref<1x1x56xi32, #tpu.memory_space<vmem>> -> memref<56xi32, #tpu.memory_space<vmem>>
      %dma_wait3A_661 = arith.constant 0 : i32
      %dma_wait3A_662 = arith.constant 0 : i32
      %dma_wait3A_663 = tpu.memref_slice %arg3[%dma_wait3A_661, %dma_wait3A_662] : memref<10000x128xf32, #tpu.memory_space<hbm>> -> memref<10000x128xf32, #tpu.memory_space<hbm>>
      tpu.wait_indirect_dma semaphore(%arg21 : memref<!tpu.dma_semaphore, #tpu.memory_space<semaphore_mem>>) src(%dma_wait3A_663 : memref<10000x128xf32, #tpu.memory_space<hbm>>) dst(%dma_wait3A_657 : memref<56x128xf32, #tpu.memory_space<vmem>>)
      %dma_start3A_664 = arith.constant 0 : i32
      %dma_start3A_665 = arith.constant 0 : i32
      %dma_start3A_666 = arith.constant 1 : i32
      %dma_start3A_667 = arith.constant 0 : i32
      %dma_start3A_668 = arith.constant 0 : i32
      %dma_start3A_669 = tpu.memref_slice %arg7[%dma_start3A_664, %dma_start3A_667, %dma_start3A_668] : memref<6x56x128xf32, #tpu.memory_space<vmem>> -> memref<1x56x128xf32, #tpu.memory_space<vmem>>
      %dma_start3A_670 = tpu.memref_squeeze %dma_start3A_669 : memref<1x56x128xf32, #tpu.memory_space<vmem>> -> memref<56x128xf32, #tpu.memory_space<vmem>>
      %dma_start3A_671 = arith.constant 0 : i32
      %dma_start3A_672 = tpu.memref_slice %arg6[%dma_start3A_665, %dma_start3A_666, %dma_start3A_671] : memref<12x2x56xi32, #tpu.memory_space<vmem>> -> memref<1x1x56xi32, #tpu.memory_space<vmem>>
      %dma_start3A_673 = tpu.memref_squeeze %dma_start3A_672 : memref<1x1x56xi32, #tpu.memory_space<vmem>> -> memref<56xi32, #tpu.memory_space<vmem>>
      %dma_start3A_674 = arith.constant 0 : i32
      %dma_start3A_675 = arith.constant 0 : i32
      %dma_start3A_676 = tpu.memref_slice %arg8[%dma_start3A_674, %dma_start3A_675] : memref<10112x128xf32, #tpu.memory_space<vmem_shared>> -> memref<10112x128xf32, #tpu.memory_space<vmem_shared>>
      tpu.enqueue_indirect_dma source(%dma_start3A_670 : memref<56x128xf32, #tpu.memory_space<vmem>>) target(%dma_start3A_676 : memref<10112x128xf32, #tpu.memory_space<vmem_shared>>) offsets(%dma_start3A_673 : memref<56xi32, #tpu.memory_space<vmem>>) semaphore(%arg27 : memref<!tpu.dma_semaphore, #tpu.memory_space<semaphore_mem>>) {add = true}
      %dma_wait3A_677 = arith.constant 1 : i32
      %dma_wait3A_678 = arith.constant 0 : i32
      %dma_wait3A_679 = arith.constant 1 : i32
      %dma_wait3A_680 = arith.constant 0 : i32
      %dma_wait3A_681 = arith.constant 0 : i32
      %dma_wait3A_682 = tpu.memref_slice %arg7[%dma_wait3A_679, %dma_wait3A_680, %dma_wait3A_681] : memref<6x56x128xf32, #tpu.memory_space<vmem>> -> memref<1x56x128xf32, #tpu.memory_space<vmem>>
      %dma_wait3A_683 = tpu.memref_squeeze %dma_wait3A_682 : memref<1x56x128xf32, #tpu.memory_space<vmem>> -> memref<56x128xf32, #tpu.memory_space<vmem>>
      %dma_wait3A_684 = arith.constant 0 : i32
      %dma_wait3A_685 = tpu.memref_slice %arg6[%dma_wait3A_677, %dma_wait3A_678, %dma_wait3A_684] : memref<12x2x56xi32, #tpu.memory_space<vmem>> -> memref<1x1x56xi32, #tpu.memory_space<vmem>>
      %dma_wait3A_686 = tpu.memref_squeeze %dma_wait3A_685 : memref<1x1x56xi32, #tpu.memory_space<vmem>> -> memref<56xi32, #tpu.memory_space<vmem>>
      %dma_wait3A_687 = arith.constant 0 : i32
      %dma_wait3A_688 = arith.constant 0 : i32
      %dma_wait3A_689 = tpu.memref_slice %arg3[%dma_wait3A_687, %dma_wait3A_688] : memref<10000x128xf32, #tpu.memory_space<hbm>> -> memref<10000x128xf32, #tpu.memory_space<hbm>>
      tpu.wait_indirect_dma semaphore(%arg22 : memref<!tpu.dma_semaphore, #tpu.memory_space<semaphore_mem>>) src(%dma_wait3A_689 : memref<10000x128xf32, #tpu.memory_space<hbm>>) dst(%dma_wait3A_683 : memref<56x128xf32, #tpu.memory_space<vmem>>)
      %dma_start3A_690 = arith.constant 1 : i32
      %dma_start3A_691 = arith.constant 1 : i32
      %dma_start3A_692 = arith.constant 1 : i32
      %dma_start3A_693 = arith.constant 0 : i32
      %dma_start3A_694 = arith.constant 0 : i32
      %dma_start3A_695 = tpu.memref_slice %arg7[%dma_start3A_690, %dma_start3A_693, %dma_start3A_694] : memref<6x56x128xf32, #tpu.memory_space<vmem>> -> memref<1x56x128xf32, #tpu.memory_space<vmem>>
      %dma_start3A_696 = tpu.memref_squeeze %dma_start3A_695 : memref<1x56x128xf32, #tpu.memory_space<vmem>> -> memref<56x128xf32, #tpu.memory_space<vmem>>
      %dma_start3A_697 = arith.constant 0 : i32
      %dma_start3A_698 = tpu.memref_slice %arg6[%dma_start3A_691, %dma_start3A_692, %dma_start3A_697] : memref<12x2x56xi32, #tpu.memory_space<vmem>> -> memref<1x1x56xi32, #tpu.memory_space<vmem>>
      %dma_start3A_699 = tpu.memref_squeeze %dma_start3A_698 : memref<1x1x56xi32, #tpu.memory_space<vmem>> -> memref<56xi32, #tpu.memory_space<vmem>>
      %dma_start3A_700 = arith.constant 0 : i32
      %dma_start3A_701 = arith.constant 0 : i32
      %dma_start3A_702 = tpu.memref_slice %arg8[%dma_start3A_700, %dma_start3A_701] : memref<10112x128xf32, #tpu.memory_space<vmem_shared>> -> memref<10112x128xf32, #tpu.memory_space<vmem_shared>>
      tpu.enqueue_indirect_dma source(%dma_start3A_696 : memref<56x128xf32, #tpu.memory_space<vmem>>) target(%dma_start3A_702 : memref<10112x128xf32, #tpu.memory_space<vmem_shared>>) offsets(%dma_start3A_699 : memref<56xi32, #tpu.memory_space<vmem>>) semaphore(%arg28 : memref<!tpu.dma_semaphore, #tpu.memory_space<semaphore_mem>>) {add = true}
      %dma_wait3A_703 = arith.constant 2 : i32
      %dma_wait3A_704 = arith.constant 0 : i32
      %dma_wait3A_705 = arith.constant 2 : i32
      %dma_wait3A_706 = arith.constant 0 : i32
      %dma_wait3A_707 = arith.constant 0 : i32
      %dma_wait3A_708 = tpu.memref_slice %arg7[%dma_wait3A_705, %dma_wait3A_706, %dma_wait3A_707] : memref<6x56x128xf32, #tpu.memory_space<vmem>> -> memref<1x56x128xf32, #tpu.memory_space<vmem>>
      %dma_wait3A_709 = tpu.memref_squeeze %dma_wait3A_708 : memref<1x56x128xf32, #tpu.memory_space<vmem>> -> memref<56x128xf32, #tpu.memory_space<vmem>>
      %dma_wait3A_710 = arith.constant 0 : i32
      %dma_wait3A_711 = tpu.memref_slice %arg6[%dma_wait3A_703, %dma_wait3A_704, %dma_wait3A_710] : memref<12x2x56xi32, #tpu.memory_space<vmem>> -> memref<1x1x56xi32, #tpu.memory_space<vmem>>
      %dma_wait3A_712 = tpu.memref_squeeze %dma_wait3A_711 : memref<1x1x56xi32, #tpu.memory_space<vmem>> -> memref<56xi32, #tpu.memory_space<vmem>>
      %dma_wait3A_713 = arith.constant 0 : i32
      %dma_wait3A_714 = arith.constant 0 : i32
      %dma_wait3A_715 = tpu.memref_slice %arg3[%dma_wait3A_713, %dma_wait3A_714] : memref<10000x128xf32, #tpu.memory_space<hbm>> -> memref<10000x128xf32, #tpu.memory_space<hbm>>
      tpu.wait_indirect_dma semaphore(%arg23 : memref<!tpu.dma_semaphore, #tpu.memory_space<semaphore_mem>>) src(%dma_wait3A_715 : memref<10000x128xf32, #tpu.memory_space<hbm>>) dst(%dma_wait3A_709 : memref<56x128xf32, #tpu.memory_space<vmem>>)
      %dma_start3A_716 = arith.constant 2 : i32
      %dma_start3A_717 = arith.constant 2 : i32
      %dma_start3A_718 = arith.constant 1 : i32
      %dma_start3A_719 = arith.constant 0 : i32
      %dma_start3A_720 = arith.constant 0 : i32
      %dma_start3A_721 = tpu.memref_slice %arg7[%dma_start3A_716, %dma_start3A_719, %dma_start3A_720] : memref<6x56x128xf32, #tpu.memory_space<vmem>> -> memref<1x56x128xf32, #tpu.memory_space<vmem>>
      %dma_start3A_722 = tpu.memref_squeeze %dma_start3A_721 : memref<1x56x128xf32, #tpu.memory_space<vmem>> -> memref<56x128xf32, #tpu.memory_space<vmem>>
      %dma_start3A_723 = arith.constant 0 : i32
      %dma_start3A_724 = tpu.memref_slice %arg6[%dma_start3A_717, %dma_start3A_718, %dma_start3A_723] : memref<12x2x56xi32, #tpu.memory_space<vmem>> -> memref<1x1x56xi32, #tpu.memory_space<vmem>>
      %dma_start3A_725 = tpu.memref_squeeze %dma_start3A_724 : memref<1x1x56xi32, #tpu.memory_space<vmem>> -> memref<56xi32, #tpu.memory_space<vmem>>
      %dma_start3A_726 = arith.constant 0 : i32
      %dma_start3A_727 = arith.constant 0 : i32
      %dma_start3A_728 = tpu.memref_slice %arg8[%dma_start3A_726, %dma_start3A_727] : memref<10112x128xf32, #tpu.memory_space<vmem_shared>> -> memref<10112x128xf32, #tpu.memory_space<vmem_shared>>
      tpu.enqueue_indirect_dma source(%dma_start3A_722 : memref<56x128xf32, #tpu.memory_space<vmem>>) target(%dma_start3A_728 : memref<10112x128xf32, #tpu.memory_space<vmem_shared>>) offsets(%dma_start3A_725 : memref<56xi32, #tpu.memory_space<vmem>>) semaphore(%arg29 : memref<!tpu.dma_semaphore, #tpu.memory_space<semaphore_mem>>) {add = true}
      %dma_wait3A_729 = arith.constant 3 : i32
      %dma_wait3A_730 = arith.constant 0 : i32
      %dma_wait3A_731 = arith.constant 3 : i32
      %dma_wait3A_732 = arith.constant 0 : i32
      %dma_wait3A_733 = arith.constant 0 : i32
      %dma_wait3A_734 = tpu.memref_slice %arg7[%dma_wait3A_731, %dma_wait3A_732, %dma_wait3A_733] : memref<6x56x128xf32, #tpu.memory_space<vmem>> -> memref<1x56x128xf32, #tpu.memory_space<vmem>>
      %dma_wait3A_735 = tpu.memref_squeeze %dma_wait3A_734 : memref<1x56x128xf32, #tpu.memory_space<vmem>> -> memref<56x128xf32, #tpu.memory_space<vmem>>
      %dma_wait3A_736 = arith.constant 0 : i32
      %dma_wait3A_737 = tpu.memref_slice %arg6[%dma_wait3A_729, %dma_wait3A_730, %dma_wait3A_736] : memref<12x2x56xi32, #tpu.memory_space<vmem>> -> memref<1x1x56xi32, #tpu.memory_space<vmem>>
      %dma_wait3A_738 = tpu.memref_squeeze %dma_wait3A_737 : memref<1x1x56xi32, #tpu.memory_space<vmem>> -> memref<56xi32, #tpu.memory_space<vmem>>
      %dma_wait3A_739 = arith.constant 0 : i32
      %dma_wait3A_740 = arith.constant 0 : i32
      %dma_wait3A_741 = tpu.memref_slice %arg3[%dma_wait3A_739, %dma_wait3A_740] : memref<10000x128xf32, #tpu.memory_space<hbm>> -> memref<10000x128xf32, #tpu.memory_space<hbm>>
      tpu.wait_indirect_dma semaphore(%arg24 : memref<!tpu.dma_semaphore, #tpu.memory_space<semaphore_mem>>) src(%dma_wait3A_741 : memref<10000x128xf32, #tpu.memory_space<hbm>>) dst(%dma_wait3A_735 : memref<56x128xf32, #tpu.memory_space<vmem>>)
      %dma_start3A_742 = arith.constant 3 : i32
      %dma_start3A_743 = arith.constant 3 : i32
      %dma_start3A_744 = arith.constant 1 : i32
      %dma_start3A_745 = arith.constant 0 : i32
      %dma_start3A_746 = arith.constant 0 : i32
      %dma_start3A_747 = tpu.memref_slice %arg7[%dma_start3A_742, %dma_start3A_745, %dma_start3A_746] : memref<6x56x128xf32, #tpu.memory_space<vmem>> -> memref<1x56x128xf32, #tpu.memory_space<vmem>>
      %dma_start3A_748 = tpu.memref_squeeze %dma_start3A_747 : memref<1x56x128xf32, #tpu.memory_space<vmem>> -> memref<56x128xf32, #tpu.memory_space<vmem>>
      %dma_start3A_749 = arith.constant 0 : i32
      %dma_start3A_750 = tpu.memref_slice %arg6[%dma_start3A_743, %dma_start3A_744, %dma_start3A_749] : memref<12x2x56xi32, #tpu.memory_space<vmem>> -> memref<1x1x56xi32, #tpu.memory_space<vmem>>
      %dma_start3A_751 = tpu.memref_squeeze %dma_start3A_750 : memref<1x1x56xi32, #tpu.memory_space<vmem>> -> memref<56xi32, #tpu.memory_space<vmem>>
      %dma_start3A_752 = arith.constant 0 : i32
      %dma_start3A_753 = arith.constant 0 : i32
      %dma_start3A_754 = tpu.memref_slice %arg8[%dma_start3A_752, %dma_start3A_753] : memref<10112x128xf32, #tpu.memory_space<vmem_shared>> -> memref<10112x128xf32, #tpu.memory_space<vmem_shared>>
      tpu.enqueue_indirect_dma source(%dma_start3A_748 : memref<56x128xf32, #tpu.memory_space<vmem>>) target(%dma_start3A_754 : memref<10112x128xf32, #tpu.memory_space<vmem_shared>>) offsets(%dma_start3A_751 : memref<56xi32, #tpu.memory_space<vmem>>) semaphore(%arg30 : memref<!tpu.dma_semaphore, #tpu.memory_space<semaphore_mem>>) {add = true}
      %dma_wait3A_755 = arith.constant 4 : i32
      %dma_wait3A_756 = arith.constant 0 : i32
      %dma_wait3A_757 = arith.constant 4 : i32
      %dma_wait3A_758 = arith.constant 0 : i32
      %dma_wait3A_759 = arith.constant 0 : i32
      %dma_wait3A_760 = tpu.memref_slice %arg7[%dma_wait3A_757, %dma_wait3A_758, %dma_wait3A_759] : memref<6x56x128xf32, #tpu.memory_space<vmem>> -> memref<1x56x128xf32, #tpu.memory_space<vmem>>
      %dma_wait3A_761 = tpu.memref_squeeze %dma_wait3A_760 : memref<1x56x128xf32, #tpu.memory_space<vmem>> -> memref<56x128xf32, #tpu.memory_space<vmem>>
      %dma_wait3A_762 = arith.constant 0 : i32
      %dma_wait3A_763 = tpu.memref_slice %arg6[%dma_wait3A_755, %dma_wait3A_756, %dma_wait3A_762] : memref<12x2x56xi32, #tpu.memory_space<vmem>> -> memref<1x1x56xi32, #tpu.memory_space<vmem>>
      %dma_wait3A_764 = tpu.memref_squeeze %dma_wait3A_763 : memref<1x1x56xi32, #tpu.memory_space<vmem>> -> memref<56xi32, #tpu.memory_space<vmem>>
      %dma_wait3A_765 = arith.constant 0 : i32
      %dma_wait3A_766 = arith.constant 0 : i32
      %dma_wait3A_767 = tpu.memref_slice %arg3[%dma_wait3A_765, %dma_wait3A_766] : memref<10000x128xf32, #tpu.memory_space<hbm>> -> memref<10000x128xf32, #tpu.memory_space<hbm>>
      tpu.wait_indirect_dma semaphore(%arg25 : memref<!tpu.dma_semaphore, #tpu.memory_space<semaphore_mem>>) src(%dma_wait3A_767 : memref<10000x128xf32, #tpu.memory_space<hbm>>) dst(%dma_wait3A_761 : memref<56x128xf32, #tpu.memory_space<vmem>>)
      %dma_start3A_768 = arith.constant 4 : i32
      %dma_start3A_769 = arith.constant 4 : i32
      %dma_start3A_770 = arith.constant 1 : i32
      %dma_start3A_771 = arith.constant 0 : i32
      %dma_start3A_772 = arith.constant 0 : i32
      %dma_start3A_773 = tpu.memref_slice %arg7[%dma_start3A_768, %dma_start3A_771, %dma_start3A_772] : memref<6x56x128xf32, #tpu.memory_space<vmem>> -> memref<1x56x128xf32, #tpu.memory_space<vmem>>
      %dma_start3A_774 = tpu.memref_squeeze %dma_start3A_773 : memref<1x56x128xf32, #tpu.memory_space<vmem>> -> memref<56x128xf32, #tpu.memory_space<vmem>>
      %dma_start3A_775 = arith.constant 0 : i32
      %dma_start3A_776 = tpu.memref_slice %arg6[%dma_start3A_769, %dma_start3A_770, %dma_start3A_775] : memref<12x2x56xi32, #tpu.memory_space<vmem>> -> memref<1x1x56xi32, #tpu.memory_space<vmem>>
      %dma_start3A_777 = tpu.memref_squeeze %dma_start3A_776 : memref<1x1x56xi32, #tpu.memory_space<vmem>> -> memref<56xi32, #tpu.memory_space<vmem>>
      %dma_start3A_778 = arith.constant 0 : i32
      %dma_start3A_779 = arith.constant 0 : i32
      %dma_start3A_780 = tpu.memref_slice %arg8[%dma_start3A_778, %dma_start3A_779] : memref<10112x128xf32, #tpu.memory_space<vmem_shared>> -> memref<10112x128xf32, #tpu.memory_space<vmem_shared>>
      tpu.enqueue_indirect_dma source(%dma_start3A_774 : memref<56x128xf32, #tpu.memory_space<vmem>>) target(%dma_start3A_780 : memref<10112x128xf32, #tpu.memory_space<vmem_shared>>) offsets(%dma_start3A_777 : memref<56xi32, #tpu.memory_space<vmem>>) semaphore(%arg31 : memref<!tpu.dma_semaphore, #tpu.memory_space<semaphore_mem>>) {add = true}
      %dma_wait3A_781 = arith.constant 5 : i32
      %dma_wait3A_782 = arith.constant 0 : i32
      %dma_wait3A_783 = arith.constant 5 : i32
      %dma_wait3A_784 = arith.constant 0 : i32
      %dma_wait3A_785 = arith.constant 0 : i32
      %dma_wait3A_786 = tpu.memref_slice %arg7[%dma_wait3A_783, %dma_wait3A_784, %dma_wait3A_785] : memref<6x56x128xf32, #tpu.memory_space<vmem>> -> memref<1x56x128xf32, #tpu.memory_space<vmem>>
      %dma_wait3A_787 = tpu.memref_squeeze %dma_wait3A_786 : memref<1x56x128xf32, #tpu.memory_space<vmem>> -> memref<56x128xf32, #tpu.memory_space<vmem>>
      %dma_wait3A_788 = arith.constant 0 : i32
      %dma_wait3A_789 = tpu.memref_slice %arg6[%dma_wait3A_781, %dma_wait3A_782, %dma_wait3A_788] : memref<12x2x56xi32, #tpu.memory_space<vmem>> -> memref<1x1x56xi32, #tpu.memory_space<vmem>>
      %dma_wait3A_790 = tpu.memref_squeeze %dma_wait3A_789 : memref<1x1x56xi32, #tpu.memory_space<vmem>> -> memref<56xi32, #tpu.memory_space<vmem>>
      %dma_wait3A_791 = arith.constant 0 : i32
      %dma_wait3A_792 = arith.constant 0 : i32
      %dma_wait3A_793 = tpu.memref_slice %arg3[%dma_wait3A_791, %dma_wait3A_792] : memref<10000x128xf32, #tpu.memory_space<hbm>> -> memref<10000x128xf32, #tpu.memory_space<hbm>>
      tpu.wait_indirect_dma semaphore(%arg26 : memref<!tpu.dma_semaphore, #tpu.memory_space<semaphore_mem>>) src(%dma_wait3A_793 : memref<10000x128xf32, #tpu.memory_space<hbm>>) dst(%dma_wait3A_787 : memref<56x128xf32, #tpu.memory_space<vmem>>)
      %dma_start3A_794 = arith.constant 5 : i32
      %dma_start3A_795 = arith.constant 5 : i32
      %dma_start3A_796 = arith.constant 1 : i32
      %dma_start3A_797 = arith.constant 0 : i32
      %dma_start3A_798 = arith.constant 0 : i32
      %dma_start3A_799 = tpu.memref_slice %arg7[%dma_start3A_794, %dma_start3A_797, %dma_start3A_798] : memref<6x56x128xf32, #tpu.memory_space<vmem>> -> memref<1x56x128xf32, #tpu.memory_space<vmem>>
      %dma_start3A_800 = tpu.memref_squeeze %dma_start3A_799 : memref<1x56x128xf32, #tpu.memory_space<vmem>> -> memref<56x128xf32, #tpu.memory_space<vmem>>
      %dma_start3A_801 = arith.constant 0 : i32
      %dma_start3A_802 = tpu.memref_slice %arg6[%dma_start3A_795, %dma_start3A_796, %dma_start3A_801] : memref<12x2x56xi32, #tpu.memory_space<vmem>> -> memref<1x1x56xi32, #tpu.memory_space<vmem>>
      %dma_start3A_803 = tpu.memref_squeeze %dma_start3A_802 : memref<1x1x56xi32, #tpu.memory_space<vmem>> -> memref<56xi32, #tpu.memory_space<vmem>>
      %dma_start3A_804 = arith.constant 0 : i32
      %dma_start3A_805 = arith.constant 0 : i32
      %dma_start3A_806 = tpu.memref_slice %arg8[%dma_start3A_804, %dma_start3A_805] : memref<10112x128xf32, #tpu.memory_space<vmem_shared>> -> memref<10112x128xf32, #tpu.memory_space<vmem_shared>>
      tpu.enqueue_indirect_dma source(%dma_start3A_800 : memref<56x128xf32, #tpu.memory_space<vmem>>) target(%dma_start3A_806 : memref<10112x128xf32, #tpu.memory_space<vmem_shared>>) offsets(%dma_start3A_803 : memref<56xi32, #tpu.memory_space<vmem>>) semaphore(%arg32 : memref<!tpu.dma_semaphore, #tpu.memory_space<semaphore_mem>>) {add = true}
      %add3A_807 = arith.constant 6 : i32
      %add3A_808 = arith.addi %mul3A_311, %add3A_807 : i32
      %dma_wait3A_809 = arith.constant 0 : i32
      %dma_wait3A_810 = arith.constant 0 : i32
      %dma_wait3A_811 = arith.constant 1 : i32
      %dma_wait3A_812 = arith.constant 0 : i32
      %dma_wait3A_813 = arith.constant 0 : i32
      %dma_wait3A_814 = tpu.memref_slice %arg7[%dma_wait3A_809, %dma_wait3A_812, %dma_wait3A_813] : memref<6x56x128xf32, #tpu.memory_space<vmem>> -> memref<1x56x128xf32, #tpu.memory_space<vmem>>
      %dma_wait3A_815 = tpu.memref_squeeze %dma_wait3A_814 : memref<1x56x128xf32, #tpu.memory_space<vmem>> -> memref<56x128xf32, #tpu.memory_space<vmem>>
      %dma_wait3A_816 = arith.constant 0 : i32
      %dma_wait3A_817 = tpu.memref_slice %arg6[%dma_wait3A_810, %dma_wait3A_811, %dma_wait3A_816] : memref<12x2x56xi32, #tpu.memory_space<vmem>> -> memref<1x1x56xi32, #tpu.memory_space<vmem>>
      %dma_wait3A_818 = tpu.memref_squeeze %dma_wait3A_817 : memref<1x1x56xi32, #tpu.memory_space<vmem>> -> memref<56xi32, #tpu.memory_space<vmem>>
      %dma_wait3A_819 = arith.constant 0 : i32
      %dma_wait3A_820 = arith.constant 0 : i32
      %dma_wait3A_821 = tpu.memref_slice %arg8[%dma_wait3A_819, %dma_wait3A_820] : memref<10112x128xf32, #tpu.memory_space<vmem_shared>> -> memref<10112x128xf32, #tpu.memory_space<vmem_shared>>
      tpu.wait_indirect_dma semaphore(%arg27 : memref<!tpu.dma_semaphore, #tpu.memory_space<semaphore_mem>>) src(%dma_wait3A_815 : memref<56x128xf32, #tpu.memory_space<vmem>>) dst(%dma_wait3A_821 : memref<10112x128xf32, #tpu.memory_space<vmem_shared>>)
      %add3A_822 = arith.constant 6 : i32
      %add3A_823 = arith.addi %add3A_808, %add3A_822 : i32
      %dma_start3A_824 = arith.constant 0 : i32
      %dma_start3A_825 = arith.constant 0 : i32
      %dma_start3A_826 = arith.constant 0 : i32
      %dma_start3A_827 = tpu.memref_slice %arg6[%dma_start3A_824, %dma_start3A_825, %dma_start3A_826] : memref<12x2x56xi32, #tpu.memory_space<vmem>> -> memref<1x2x56xi32, #tpu.memory_space<vmem>>
      %dma_start3A_828 = tpu.memref_squeeze %dma_start3A_827 : memref<1x2x56xi32, #tpu.memory_space<vmem>> -> memref<2x56xi32, #tpu.memory_space<vmem>>
      %dma_start3A_829 = arith.constant 0 : i32
      %dma_start3A_830 = arith.constant 0 : i32
      %dma_start3A_831 = tpu.memref_slice %arg2[%add3A, %add3A_823, %dma_start3A_829, %dma_start3A_830] : memref<32x186x2x56xi32, #tpu.memory_space<hbm>> -> memref<1x1x2x56xi32, #tpu.memory_space<hbm>>
      %dma_start3A_832 = tpu.memref_squeeze %dma_start3A_831 : memref<1x1x2x56xi32, #tpu.memory_space<hbm>> -> memref<2x56xi32, #tpu.memory_space<hbm>>
      %dma_start3A_833 = arith.constant 0 : i32
      %dma_start3A_834 = arith.constant 0 : i32
      %dma_start3A_835 = tpu.memref_slice %arg6[%dma_start3A_824, %dma_start3A_833, %dma_start3A_834] : memref<12x2x56xi32, #tpu.memory_space<vmem>> -> memref<1x2x56xi32, #tpu.memory_space<vmem>>
      %dma_start3A_836 = tpu.memref_squeeze %dma_start3A_835 : memref<1x2x56xi32, #tpu.memory_space<vmem>> -> memref<2x56xi32, #tpu.memory_space<vmem>>
      %dma_start3A_837 = arith.constant 0 : i32
      %dma_start3A_838 = arith.constant 0 : i32
      %dma_start3A_839 = tpu.memref_slice %arg2[%add3A, %add3A_823, %dma_start3A_837, %dma_start3A_838] : memref<32x186x2x56xi32, #tpu.memory_space<hbm>> -> memref<1x1x2x56xi32, #tpu.memory_space<hbm>>
      %dma_start3A_840 = tpu.memref_squeeze %dma_start3A_839 : memref<1x1x2x56xi32, #tpu.memory_space<hbm>> -> memref<2x56xi32, #tpu.memory_space<hbm>>
      tpu.enqueue_dma source(%dma_start3A_840 : memref<2x56xi32, #tpu.memory_space<hbm>>) target(%dma_start3A_836 : memref<2x56xi32, #tpu.memory_space<vmem>>) target_semaphore(%arg9 : memref<!tpu.dma_semaphore, #tpu.memory_space<semaphore_mem>>)
      %dma_wait3A_841 = arith.constant 0 : i32
      %dma_wait3A_842 = arith.constant 6 : i32
      %dma_wait3A_843 = arith.constant 0 : i32
      %dma_wait3A_844 = arith.constant 0 : i32
      %dma_wait3A_845 = tpu.memref_slice %arg6[%dma_wait3A_842, %dma_wait3A_843, %dma_wait3A_844] : memref<12x2x56xi32, #tpu.memory_space<vmem>> -> memref<1x2x56xi32, #tpu.memory_space<vmem>>
      %dma_wait3A_846 = tpu.memref_squeeze %dma_wait3A_845 : memref<1x2x56xi32, #tpu.memory_space<vmem>> -> memref<2x56xi32, #tpu.memory_space<vmem>>
      %dma_wait3A_847 = arith.constant 0 : i32
      %dma_wait3A_848 = arith.constant 0 : i32
      %dma_wait3A_849 = tpu.memref_slice %arg2[%add3A, %dma_wait3A_841, %dma_wait3A_847, %dma_wait3A_848] : memref<32x186x2x56xi32, #tpu.memory_space<hbm>> -> memref<1x1x2x56xi32, #tpu.memory_space<hbm>>
      %dma_wait3A_850 = tpu.memref_squeeze %dma_wait3A_849 : memref<1x1x2x56xi32, #tpu.memory_space<hbm>> -> memref<2x56xi32, #tpu.memory_space<hbm>>
      %dma_wait3A_851 = arith.constant 0 : i32
      %dma_wait3A_852 = arith.constant 0 : i32
      %dma_wait3A_853 = tpu.memref_slice %arg6[%dma_wait3A_842, %dma_wait3A_851, %dma_wait3A_852] : memref<12x2x56xi32, #tpu.memory_space<vmem>> -> memref<1x2x56xi32, #tpu.memory_space<vmem>>
      %dma_wait3A_854 = tpu.memref_squeeze %dma_wait3A_853 : memref<1x2x56xi32, #tpu.memory_space<vmem>> -> memref<2x56xi32, #tpu.memory_space<vmem>>
      %dma_wait3A_855 = arith.constant 0 : i32
      %dma_wait3A_856 = arith.constant 0 : i32
      %dma_wait3A_857 = tpu.memref_slice %arg2[%add3A, %dma_wait3A_841, %dma_wait3A_855, %dma_wait3A_856] : memref<32x186x2x56xi32, #tpu.memory_space<hbm>> -> memref<1x1x2x56xi32, #tpu.memory_space<hbm>>
      %dma_wait3A_858 = tpu.memref_squeeze %dma_wait3A_857 : memref<1x1x2x56xi32, #tpu.memory_space<hbm>> -> memref<2x56xi32, #tpu.memory_space<hbm>>
      tpu.wait_dma2 semaphore(%arg15 : memref<!tpu.dma_semaphore, #tpu.memory_space<semaphore_mem>>) src(%dma_wait3A_858 : memref<2x56xi32, #tpu.memory_space<hbm>>) dst(%dma_wait3A_854 : memref<2x56xi32, #tpu.memory_space<vmem>>)
      %dma_start3A_859 = arith.constant 6 : i32
      %dma_start3A_860 = arith.constant 0 : i32
      %dma_start3A_861 = arith.constant 0 : i32
      %dma_start3A_862 = arith.constant 0 : i32
      %dma_start3A_863 = arith.constant 0 : i32
      %dma_start3A_864 = tpu.memref_slice %arg7[%dma_start3A_861, %dma_start3A_862, %dma_start3A_863] : memref<6x56x128xf32, #tpu.memory_space<vmem>> -> memref<1x56x128xf32, #tpu.memory_space<vmem>>
      %dma_start3A_865 = tpu.memref_squeeze %dma_start3A_864 : memref<1x56x128xf32, #tpu.memory_space<vmem>> -> memref<56x128xf32, #tpu.memory_space<vmem>>
      %dma_start3A_866 = arith.constant 0 : i32
      %dma_start3A_867 = tpu.memref_slice %arg6[%dma_start3A_859, %dma_start3A_860, %dma_start3A_866] : memref<12x2x56xi32, #tpu.memory_space<vmem>> -> memref<1x1x56xi32, #tpu.memory_space<vmem>>
      %dma_start3A_868 = tpu.memref_squeeze %dma_start3A_867 : memref<1x1x56xi32, #tpu.memory_space<vmem>> -> memref<56xi32, #tpu.memory_space<vmem>>
      %dma_start3A_869 = arith.constant 0 : i32
      %dma_start3A_870 = arith.constant 0 : i32
      %dma_start3A_871 = tpu.memref_slice %arg3[%dma_start3A_869, %dma_start3A_870] : memref<10000x128xf32, #tpu.memory_space<hbm>> -> memref<10000x128xf32, #tpu.memory_space<hbm>>
      tpu.enqueue_indirect_dma source(%dma_start3A_871 : memref<10000x128xf32, #tpu.memory_space<hbm>>) target(%dma_start3A_865 : memref<56x128xf32, #tpu.memory_space<vmem>>) offsets(%dma_start3A_868 : memref<56xi32, #tpu.memory_space<vmem>>) semaphore(%arg21 : memref<!tpu.dma_semaphore, #tpu.memory_space<semaphore_mem>>)
      %add3A_872 = arith.constant 7 : i32
      %add3A_873 = arith.addi %mul3A_311, %add3A_872 : i32
      %dma_wait3A_874 = arith.constant 1 : i32
      %dma_wait3A_875 = arith.constant 1 : i32
      %dma_wait3A_876 = arith.constant 1 : i32
      %dma_wait3A_877 = arith.constant 0 : i32
      %dma_wait3A_878 = arith.constant 0 : i32
      %dma_wait3A_879 = tpu.memref_slice %arg7[%dma_wait3A_874, %dma_wait3A_877, %dma_wait3A_878] : memref<6x56x128xf32, #tpu.memory_space<vmem>> -> memref<1x56x128xf32, #tpu.memory_space<vmem>>
      %dma_wait3A_880 = tpu.memref_squeeze %dma_wait3A_879 : memref<1x56x128xf32, #tpu.memory_space<vmem>> -> memref<56x128xf32, #tpu.memory_space<vmem>>
      %dma_wait3A_881 = arith.constant 0 : i32
      %dma_wait3A_882 = tpu.memref_slice %arg6[%dma_wait3A_875, %dma_wait3A_876, %dma_wait3A_881] : memref<12x2x56xi32, #tpu.memory_space<vmem>> -> memref<1x1x56xi32, #tpu.memory_space<vmem>>
      %dma_wait3A_883 = tpu.memref_squeeze %dma_wait3A_882 : memref<1x1x56xi32, #tpu.memory_space<vmem>> -> memref<56xi32, #tpu.memory_space<vmem>>
      %dma_wait3A_884 = arith.constant 0 : i32
      %dma_wait3A_885 = arith.constant 0 : i32
      %dma_wait3A_886 = tpu.memref_slice %arg8[%dma_wait3A_884, %dma_wait3A_885] : memref<10112x128xf32, #tpu.memory_space<vmem_shared>> -> memref<10112x128xf32, #tpu.memory_space<vmem_shared>>
      tpu.wait_indirect_dma semaphore(%arg28 : memref<!tpu.dma_semaphore, #tpu.memory_space<semaphore_mem>>) src(%dma_wait3A_880 : memref<56x128xf32, #tpu.memory_space<vmem>>) dst(%dma_wait3A_886 : memref<10112x128xf32, #tpu.memory_space<vmem_shared>>)
      %add3A_887 = arith.constant 6 : i32
      %add3A_888 = arith.addi %add3A_873, %add3A_887 : i32
      %dma_start3A_889 = arith.constant 1 : i32
      %dma_start3A_890 = arith.constant 0 : i32
      %dma_start3A_891 = arith.constant 0 : i32
      %dma_start3A_892 = tpu.memref_slice %arg6[%dma_start3A_889, %dma_start3A_890, %dma_start3A_891] : memref<12x2x56xi32, #tpu.memory_space<vmem>> -> memref<1x2x56xi32, #tpu.memory_space<vmem>>
      %dma_start3A_893 = tpu.memref_squeeze %dma_start3A_892 : memref<1x2x56xi32, #tpu.memory_space<vmem>> -> memref<2x56xi32, #tpu.memory_space<vmem>>
      %dma_start3A_894 = arith.constant 0 : i32
      %dma_start3A_895 = arith.constant 0 : i32
      %dma_start3A_896 = tpu.memref_slice %arg2[%add3A, %add3A_888, %dma_start3A_894, %dma_start3A_895] : memref<32x186x2x56xi32, #tpu.memory_space<hbm>> -> memref<1x1x2x56xi32, #tpu.memory_space<hbm>>
      %dma_start3A_897 = tpu.memref_squeeze %dma_start3A_896 : memref<1x1x2x56xi32, #tpu.memory_space<hbm>> -> memref<2x56xi32, #tpu.memory_space<hbm>>
      %dma_start3A_898 = arith.constant 0 : i32
      %dma_start3A_899 = arith.constant 0 : i32
      %dma_start3A_900 = tpu.memref_slice %arg6[%dma_start3A_889, %dma_start3A_898, %dma_start3A_899] : memref<12x2x56xi32, #tpu.memory_space<vmem>> -> memref<1x2x56xi32, #tpu.memory_space<vmem>>
      %dma_start3A_901 = tpu.memref_squeeze %dma_start3A_900 : memref<1x2x56xi32, #tpu.memory_space<vmem>> -> memref<2x56xi32, #tpu.memory_space<vmem>>
      %dma_start3A_902 = arith.constant 0 : i32
      %dma_start3A_903 = arith.constant 0 : i32
      %dma_start3A_904 = tpu.memref_slice %arg2[%add3A, %add3A_888, %dma_start3A_902, %dma_start3A_903] : memref<32x186x2x56xi32, #tpu.memory_space<hbm>> -> memref<1x1x2x56xi32, #tpu.memory_space<hbm>>
      %dma_start3A_905 = tpu.memref_squeeze %dma_start3A_904 : memref<1x1x2x56xi32, #tpu.memory_space<hbm>> -> memref<2x56xi32, #tpu.memory_space<hbm>>
      tpu.enqueue_dma source(%dma_start3A_905 : memref<2x56xi32, #tpu.memory_space<hbm>>) target(%dma_start3A_901 : memref<2x56xi32, #tpu.memory_space<vmem>>) target_semaphore(%arg10 : memref<!tpu.dma_semaphore, #tpu.memory_space<semaphore_mem>>)
      %dma_wait3A_906 = arith.constant 0 : i32
      %dma_wait3A_907 = arith.constant 7 : i32
      %dma_wait3A_908 = arith.constant 0 : i32
      %dma_wait3A_909 = arith.constant 0 : i32
      %dma_wait3A_910 = tpu.memref_slice %arg6[%dma_wait3A_907, %dma_wait3A_908, %dma_wait3A_909] : memref<12x2x56xi32, #tpu.memory_space<vmem>> -> memref<1x2x56xi32, #tpu.memory_space<vmem>>
      %dma_wait3A_911 = tpu.memref_squeeze %dma_wait3A_910 : memref<1x2x56xi32, #tpu.memory_space<vmem>> -> memref<2x56xi32, #tpu.memory_space<vmem>>
      %dma_wait3A_912 = arith.constant 0 : i32
      %dma_wait3A_913 = arith.constant 0 : i32
      %dma_wait3A_914 = tpu.memref_slice %arg2[%add3A, %dma_wait3A_906, %dma_wait3A_912, %dma_wait3A_913] : memref<32x186x2x56xi32, #tpu.memory_space<hbm>> -> memref<1x1x2x56xi32, #tpu.memory_space<hbm>>
      %dma_wait3A_915 = tpu.memref_squeeze %dma_wait3A_914 : memref<1x1x2x56xi32, #tpu.memory_space<hbm>> -> memref<2x56xi32, #tpu.memory_space<hbm>>
      %dma_wait3A_916 = arith.constant 0 : i32
      %dma_wait3A_917 = arith.constant 0 : i32
      %dma_wait3A_918 = tpu.memref_slice %arg6[%dma_wait3A_907, %dma_wait3A_916, %dma_wait3A_917] : memref<12x2x56xi32, #tpu.memory_space<vmem>> -> memref<1x2x56xi32, #tpu.memory_space<vmem>>
      %dma_wait3A_919 = tpu.memref_squeeze %dma_wait3A_918 : memref<1x2x56xi32, #tpu.memory_space<vmem>> -> memref<2x56xi32, #tpu.memory_space<vmem>>
      %dma_wait3A_920 = arith.constant 0 : i32
      %dma_wait3A_921 = arith.constant 0 : i32
      %dma_wait3A_922 = tpu.memref_slice %arg2[%add3A, %dma_wait3A_906, %dma_wait3A_920, %dma_wait3A_921] : memref<32x186x2x56xi32, #tpu.memory_space<hbm>> -> memref<1x1x2x56xi32, #tpu.memory_space<hbm>>
      %dma_wait3A_923 = tpu.memref_squeeze %dma_wait3A_922 : memref<1x1x2x56xi32, #tpu.memory_space<hbm>> -> memref<2x56xi32, #tpu.memory_space<hbm>>
      tpu.wait_dma2 semaphore(%arg16 : memref<!tpu.dma_semaphore, #tpu.memory_space<semaphore_mem>>) src(%dma_wait3A_923 : memref<2x56xi32, #tpu.memory_space<hbm>>) dst(%dma_wait3A_919 : memref<2x56xi32, #tpu.memory_space<vmem>>)
      %dma_start3A_924 = arith.constant 7 : i32
      %dma_start3A_925 = arith.constant 0 : i32
      %dma_start3A_926 = arith.constant 1 : i32
      %dma_start3A_927 = arith.constant 0 : i32
      %dma_start3A_928 = arith.constant 0 : i32
      %dma_start3A_929 = tpu.memref_slice %arg7[%dma_start3A_926, %dma_start3A_927, %dma_start3A_928] : memref<6x56x128xf32, #tpu.memory_space<vmem>> -> memref<1x56x128xf32, #tpu.memory_space<vmem>>
      %dma_start3A_930 = tpu.memref_squeeze %dma_start3A_929 : memref<1x56x128xf32, #tpu.memory_space<vmem>> -> memref<56x128xf32, #tpu.memory_space<vmem>>
      %dma_start3A_931 = arith.constant 0 : i32
      %dma_start3A_932 = tpu.memref_slice %arg6[%dma_start3A_924, %dma_start3A_925, %dma_start3A_931] : memref<12x2x56xi32, #tpu.memory_space<vmem>> -> memref<1x1x56xi32, #tpu.memory_space<vmem>>
      %dma_start3A_933 = tpu.memref_squeeze %dma_start3A_932 : memref<1x1x56xi32, #tpu.memory_space<vmem>> -> memref<56xi32, #tpu.memory_space<vmem>>
      %dma_start3A_934 = arith.constant 0 : i32
      %dma_start3A_935 = arith.constant 0 : i32
      %dma_start3A_936 = tpu.memref_slice %arg3[%dma_start3A_934, %dma_start3A_935] : memref<10000x128xf32, #tpu.memory_space<hbm>> -> memref<10000x128xf32, #tpu.memory_space<hbm>>
      tpu.enqueue_indirect_dma source(%dma_start3A_936 : memref<10000x128xf32, #tpu.memory_space<hbm>>) target(%dma_start3A_930 : memref<56x128xf32, #tpu.memory_space<vmem>>) offsets(%dma_start3A_933 : memref<56xi32, #tpu.memory_space<vmem>>) semaphore(%arg22 : memref<!tpu.dma_semaphore, #tpu.memory_space<semaphore_mem>>)
      %add3A_937 = arith.constant 8 : i32
      %add3A_938 = arith.addi %mul3A_311, %add3A_937 : i32
      %dma_wait3A_939 = arith.constant 2 : i32
      %dma_wait3A_940 = arith.constant 2 : i32
      %dma_wait3A_941 = arith.constant 1 : i32
      %dma_wait3A_942 = arith.constant 0 : i32
      %dma_wait3A_943 = arith.constant 0 : i32
      %dma_wait3A_944 = tpu.memref_slice %arg7[%dma_wait3A_939, %dma_wait3A_942, %dma_wait3A_943] : memref<6x56x128xf32, #tpu.memory_space<vmem>> -> memref<1x56x128xf32, #tpu.memory_space<vmem>>
      %dma_wait3A_945 = tpu.memref_squeeze %dma_wait3A_944 : memref<1x56x128xf32, #tpu.memory_space<vmem>> -> memref<56x128xf32, #tpu.memory_space<vmem>>
      %dma_wait3A_946 = arith.constant 0 : i32
      %dma_wait3A_947 = tpu.memref_slice %arg6[%dma_wait3A_940, %dma_wait3A_941, %dma_wait3A_946] : memref<12x2x56xi32, #tpu.memory_space<vmem>> -> memref<1x1x56xi32, #tpu.memory_space<vmem>>
      %dma_wait3A_948 = tpu.memref_squeeze %dma_wait3A_947 : memref<1x1x56xi32, #tpu.memory_space<vmem>> -> memref<56xi32, #tpu.memory_space<vmem>>
      %dma_wait3A_949 = arith.constant 0 : i32
      %dma_wait3A_950 = arith.constant 0 : i32
      %dma_wait3A_951 = tpu.memref_slice %arg8[%dma_wait3A_949, %dma_wait3A_950] : memref<10112x128xf32, #tpu.memory_space<vmem_shared>> -> memref<10112x128xf32, #tpu.memory_space<vmem_shared>>
      tpu.wait_indirect_dma semaphore(%arg29 : memref<!tpu.dma_semaphore, #tpu.memory_space<semaphore_mem>>) src(%dma_wait3A_945 : memref<56x128xf32, #tpu.memory_space<vmem>>) dst(%dma_wait3A_951 : memref<10112x128xf32, #tpu.memory_space<vmem_shared>>)
      %add3A_952 = arith.constant 6 : i32
      %add3A_953 = arith.addi %add3A_938, %add3A_952 : i32
      %dma_start3A_954 = arith.constant 2 : i32
      %dma_start3A_955 = arith.constant 0 : i32
      %dma_start3A_956 = arith.constant 0 : i32
      %dma_start3A_957 = tpu.memref_slice %arg6[%dma_start3A_954, %dma_start3A_955, %dma_start3A_956] : memref<12x2x56xi32, #tpu.memory_space<vmem>> -> memref<1x2x56xi32, #tpu.memory_space<vmem>>
      %dma_start3A_958 = tpu.memref_squeeze %dma_start3A_957 : memref<1x2x56xi32, #tpu.memory_space<vmem>> -> memref<2x56xi32, #tpu.memory_space<vmem>>
      %dma_start3A_959 = arith.constant 0 : i32
      %dma_start3A_960 = arith.constant 0 : i32
      %dma_start3A_961 = tpu.memref_slice %arg2[%add3A, %add3A_953, %dma_start3A_959, %dma_start3A_960] : memref<32x186x2x56xi32, #tpu.memory_space<hbm>> -> memref<1x1x2x56xi32, #tpu.memory_space<hbm>>
      %dma_start3A_962 = tpu.memref_squeeze %dma_start3A_961 : memref<1x1x2x56xi32, #tpu.memory_space<hbm>> -> memref<2x56xi32, #tpu.memory_space<hbm>>
      %dma_start3A_963 = arith.constant 0 : i32
      %dma_start3A_964 = arith.constant 0 : i32
      %dma_start3A_965 = tpu.memref_slice %arg6[%dma_start3A_954, %dma_start3A_963, %dma_start3A_964] : memref<12x2x56xi32, #tpu.memory_space<vmem>> -> memref<1x2x56xi32, #tpu.memory_space<vmem>>
      %dma_start3A_966 = tpu.memref_squeeze %dma_start3A_965 : memref<1x2x56xi32, #tpu.memory_space<vmem>> -> memref<2x56xi32, #tpu.memory_space<vmem>>
      %dma_start3A_967 = arith.constant 0 : i32
      %dma_start3A_968 = arith.constant 0 : i32
      %dma_start3A_969 = tpu.memref_slice %arg2[%add3A, %add3A_953, %dma_start3A_967, %dma_start3A_968] : memref<32x186x2x56xi32, #tpu.memory_space<hbm>> -> memref<1x1x2x56xi32, #tpu.memory_space<hbm>>
      %dma_start3A_970 = tpu.memref_squeeze %dma_start3A_969 : memref<1x1x2x56xi32, #tpu.memory_space<hbm>> -> memref<2x56xi32, #tpu.memory_space<hbm>>
      tpu.enqueue_dma source(%dma_start3A_970 : memref<2x56xi32, #tpu.memory_space<hbm>>) target(%dma_start3A_966 : memref<2x56xi32, #tpu.memory_space<vmem>>) target_semaphore(%arg11 : memref<!tpu.dma_semaphore, #tpu.memory_space<semaphore_mem>>)
      %dma_wait3A_971 = arith.constant 0 : i32
      %dma_wait3A_972 = arith.constant 8 : i32
      %dma_wait3A_973 = arith.constant 0 : i32
      %dma_wait3A_974 = arith.constant 0 : i32
      %dma_wait3A_975 = tpu.memref_slice %arg6[%dma_wait3A_972, %dma_wait3A_973, %dma_wait3A_974] : memref<12x2x56xi32, #tpu.memory_space<vmem>> -> memref<1x2x56xi32, #tpu.memory_space<vmem>>
      %dma_wait3A_976 = tpu.memref_squeeze %dma_wait3A_975 : memref<1x2x56xi32, #tpu.memory_space<vmem>> -> memref<2x56xi32, #tpu.memory_space<vmem>>
      %dma_wait3A_977 = arith.constant 0 : i32
      %dma_wait3A_978 = arith.constant 0 : i32
      %dma_wait3A_979 = tpu.memref_slice %arg2[%add3A, %dma_wait3A_971, %dma_wait3A_977, %dma_wait3A_978] : memref<32x186x2x56xi32, #tpu.memory_space<hbm>> -> memref<1x1x2x56xi32, #tpu.memory_space<hbm>>
      %dma_wait3A_980 = tpu.memref_squeeze %dma_wait3A_979 : memref<1x1x2x56xi32, #tpu.memory_space<hbm>> -> memref<2x56xi32, #tpu.memory_space<hbm>>
      %dma_wait3A_981 = arith.constant 0 : i32
      %dma_wait3A_982 = arith.constant 0 : i32
      %dma_wait3A_983 = tpu.memref_slice %arg6[%dma_wait3A_972, %dma_wait3A_981, %dma_wait3A_982] : memref<12x2x56xi32, #tpu.memory_space<vmem>> -> memref<1x2x56xi32, #tpu.memory_space<vmem>>
      %dma_wait3A_984 = tpu.memref_squeeze %dma_wait3A_983 : memref<1x2x56xi32, #tpu.memory_space<vmem>> -> memref<2x56xi32, #tpu.memory_space<vmem>>
      %dma_wait3A_985 = arith.constant 0 : i32
      %dma_wait3A_986 = arith.constant 0 : i32
      %dma_wait3A_987 = tpu.memref_slice %arg2[%add3A, %dma_wait3A_971, %dma_wait3A_985, %dma_wait3A_986] : memref<32x186x2x56xi32, #tpu.memory_space<hbm>> -> memref<1x1x2x56xi32, #tpu.memory_space<hbm>>
      %dma_wait3A_988 = tpu.memref_squeeze %dma_wait3A_987 : memref<1x1x2x56xi32, #tpu.memory_space<hbm>> -> memref<2x56xi32, #tpu.memory_space<hbm>>
      tpu.wait_dma2 semaphore(%arg17 : memref<!tpu.dma_semaphore, #tpu.memory_space<semaphore_mem>>) src(%dma_wait3A_988 : memref<2x56xi32, #tpu.memory_space<hbm>>) dst(%dma_wait3A_984 : memref<2x56xi32, #tpu.memory_space<vmem>>)
      %dma_start3A_989 = arith.constant 8 : i32
      %dma_start3A_990 = arith.constant 0 : i32
      %dma_start3A_991 = arith.constant 2 : i32
      %dma_start3A_992 = arith.constant 0 : i32
      %dma_start3A_993 = arith.constant 0 : i32
      %dma_start3A_994 = tpu.memref_slice %arg7[%dma_start3A_991, %dma_start3A_992, %dma_start3A_993] : memref<6x56x128xf32, #tpu.memory_space<vmem>> -> memref<1x56x128xf32, #tpu.memory_space<vmem>>
      %dma_start3A_995 = tpu.memref_squeeze %dma_start3A_994 : memref<1x56x128xf32, #tpu.memory_space<vmem>> -> memref<56x128xf32, #tpu.memory_space<vmem>>
      %dma_start3A_996 = arith.constant 0 : i32
      %dma_start3A_997 = tpu.memref_slice %arg6[%dma_start3A_989, %dma_start3A_990, %dma_start3A_996] : memref<12x2x56xi32, #tpu.memory_space<vmem>> -> memref<1x1x56xi32, #tpu.memory_space<vmem>>
      %dma_start3A_998 = tpu.memref_squeeze %dma_start3A_997 : memref<1x1x56xi32, #tpu.memory_space<vmem>> -> memref<56xi32, #tpu.memory_space<vmem>>
      %dma_start3A_999 = arith.constant 0 : i32
      %dma_start3A_1000 = arith.constant 0 : i32
      %dma_start3A_1001 = tpu.memref_slice %arg3[%dma_start3A_999, %dma_start3A_1000] : memref<10000x128xf32, #tpu.memory_space<hbm>> -> memref<10000x128xf32, #tpu.memory_space<hbm>>
      tpu.enqueue_indirect_dma source(%dma_start3A_1001 : memref<10000x128xf32, #tpu.memory_space<hbm>>) target(%dma_start3A_995 : memref<56x128xf32, #tpu.memory_space<vmem>>) offsets(%dma_start3A_998 : memref<56xi32, #tpu.memory_space<vmem>>) semaphore(%arg23 : memref<!tpu.dma_semaphore, #tpu.memory_space<semaphore_mem>>)
      %add3A_1002 = arith.constant 9 : i32
      %add3A_1003 = arith.addi %mul3A_311, %add3A_1002 : i32
      %dma_wait3A_1004 = arith.constant 3 : i32
      %dma_wait3A_1005 = arith.constant 3 : i32
      %dma_wait3A_1006 = arith.constant 1 : i32
      %dma_wait3A_1007 = arith.constant 0 : i32
      %dma_wait3A_1008 = arith.constant 0 : i32
      %dma_wait3A_1009 = tpu.memref_slice %arg7[%dma_wait3A_1004, %dma_wait3A_1007, %dma_wait3A_1008] : memref<6x56x128xf32, #tpu.memory_space<vmem>> -> memref<1x56x128xf32, #tpu.memory_space<vmem>>
      %dma_wait3A_1010 = tpu.memref_squeeze %dma_wait3A_1009 : memref<1x56x128xf32, #tpu.memory_space<vmem>> -> memref<56x128xf32, #tpu.memory_space<vmem>>
      %dma_wait3A_1011 = arith.constant 0 : i32
      %dma_wait3A_1012 = tpu.memref_slice %arg6[%dma_wait3A_1005, %dma_wait3A_1006, %dma_wait3A_1011] : memref<12x2x56xi32, #tpu.memory_space<vmem>> -> memref<1x1x56xi32, #tpu.memory_space<vmem>>
      %dma_wait3A_1013 = tpu.memref_squeeze %dma_wait3A_1012 : memref<1x1x56xi32, #tpu.memory_space<vmem>> -> memref<56xi32, #tpu.memory_space<vmem>>
      %dma_wait3A_1014 = arith.constant 0 : i32
      %dma_wait3A_1015 = arith.constant 0 : i32
      %dma_wait3A_1016 = tpu.memref_slice %arg8[%dma_wait3A_1014, %dma_wait3A_1015] : memref<10112x128xf32, #tpu.memory_space<vmem_shared>> -> memref<10112x128xf32, #tpu.memory_space<vmem_shared>>
      tpu.wait_indirect_dma semaphore(%arg30 : memref<!tpu.dma_semaphore, #tpu.memory_space<semaphore_mem>>) src(%dma_wait3A_1010 : memref<56x128xf32, #tpu.memory_space<vmem>>) dst(%dma_wait3A_1016 : memref<10112x128xf32, #tpu.memory_space<vmem_shared>>)
      %add3A_1017 = arith.constant 6 : i32
      %add3A_1018 = arith.addi %add3A_1003, %add3A_1017 : i32
      %dma_start3A_1019 = arith.constant 3 : i32
      %dma_start3A_1020 = arith.constant 0 : i32
      %dma_start3A_1021 = arith.constant 0 : i32
      %dma_start3A_1022 = tpu.memref_slice %arg6[%dma_start3A_1019, %dma_start3A_1020, %dma_start3A_1021] : memref<12x2x56xi32, #tpu.memory_space<vmem>> -> memref<1x2x56xi32, #tpu.memory_space<vmem>>
      %dma_start3A_1023 = tpu.memref_squeeze %dma_start3A_1022 : memref<1x2x56xi32, #tpu.memory_space<vmem>> -> memref<2x56xi32, #tpu.memory_space<vmem>>
      %dma_start3A_1024 = arith.constant 0 : i32
      %dma_start3A_1025 = arith.constant 0 : i32
      %dma_start3A_1026 = tpu.memref_slice %arg2[%add3A, %add3A_1018, %dma_start3A_1024, %dma_start3A_1025] : memref<32x186x2x56xi32, #tpu.memory_space<hbm>> -> memref<1x1x2x56xi32, #tpu.memory_space<hbm>>
      %dma_start3A_1027 = tpu.memref_squeeze %dma_start3A_1026 : memref<1x1x2x56xi32, #tpu.memory_space<hbm>> -> memref<2x56xi32, #tpu.memory_space<hbm>>
      %dma_start3A_1028 = arith.constant 0 : i32
      %dma_start3A_1029 = arith.constant 0 : i32
      %dma_start3A_1030 = tpu.memref_slice %arg6[%dma_start3A_1019, %dma_start3A_1028, %dma_start3A_1029] : memref<12x2x56xi32, #tpu.memory_space<vmem>> -> memref<1x2x56xi32, #tpu.memory_space<vmem>>
      %dma_start3A_1031 = tpu.memref_squeeze %dma_start3A_1030 : memref<1x2x56xi32, #tpu.memory_space<vmem>> -> memref<2x56xi32, #tpu.memory_space<vmem>>
      %dma_start3A_1032 = arith.constant 0 : i32
      %dma_start3A_1033 = arith.constant 0 : i32
      %dma_start3A_1034 = tpu.memref_slice %arg2[%add3A, %add3A_1018, %dma_start3A_1032, %dma_start3A_1033] : memref<32x186x2x56xi32, #tpu.memory_space<hbm>> -> memref<1x1x2x56xi32, #tpu.memory_space<hbm>>
      %dma_start3A_1035 = tpu.memref_squeeze %dma_start3A_1034 : memref<1x1x2x56xi32, #tpu.memory_space<hbm>> -> memref<2x56xi32, #tpu.memory_space<hbm>>
      tpu.enqueue_dma source(%dma_start3A_1035 : memref<2x56xi32, #tpu.memory_space<hbm>>) target(%dma_start3A_1031 : memref<2x56xi32, #tpu.memory_space<vmem>>) target_semaphore(%arg12 : memref<!tpu.dma_semaphore, #tpu.memory_space<semaphore_mem>>)
      %dma_wait3A_1036 = arith.constant 0 : i32
      %dma_wait3A_1037 = arith.constant 9 : i32
      %dma_wait3A_1038 = arith.constant 0 : i32
      %dma_wait3A_1039 = arith.constant 0 : i32
      %dma_wait3A_1040 = tpu.memref_slice %arg6[%dma_wait3A_1037, %dma_wait3A_1038, %dma_wait3A_1039] : memref<12x2x56xi32, #tpu.memory_space<vmem>> -> memref<1x2x56xi32, #tpu.memory_space<vmem>>
      %dma_wait3A_1041 = tpu.memref_squeeze %dma_wait3A_1040 : memref<1x2x56xi32, #tpu.memory_space<vmem>> -> memref<2x56xi32, #tpu.memory_space<vmem>>
      %dma_wait3A_1042 = arith.constant 0 : i32
      %dma_wait3A_1043 = arith.constant 0 : i32
      %dma_wait3A_1044 = tpu.memref_slice %arg2[%add3A, %dma_wait3A_1036, %dma_wait3A_1042, %dma_wait3A_1043] : memref<32x186x2x56xi32, #tpu.memory_space<hbm>> -> memref<1x1x2x56xi32, #tpu.memory_space<hbm>>
      %dma_wait3A_1045 = tpu.memref_squeeze %dma_wait3A_1044 : memref<1x1x2x56xi32, #tpu.memory_space<hbm>> -> memref<2x56xi32, #tpu.memory_space<hbm>>
      %dma_wait3A_1046 = arith.constant 0 : i32
      %dma_wait3A_1047 = arith.constant 0 : i32
      %dma_wait3A_1048 = tpu.memref_slice %arg6[%dma_wait3A_1037, %dma_wait3A_1046, %dma_wait3A_1047] : memref<12x2x56xi32, #tpu.memory_space<vmem>> -> memref<1x2x56xi32, #tpu.memory_space<vmem>>
      %dma_wait3A_1049 = tpu.memref_squeeze %dma_wait3A_1048 : memref<1x2x56xi32, #tpu.memory_space<vmem>> -> memref<2x56xi32, #tpu.memory_space<vmem>>
      %dma_wait3A_1050 = arith.constant 0 : i32
      %dma_wait3A_1051 = arith.constant 0 : i32
      %dma_wait3A_1052 = tpu.memref_slice %arg2[%add3A, %dma_wait3A_1036, %dma_wait3A_1050, %dma_wait3A_1051] : memref<32x186x2x56xi32, #tpu.memory_space<hbm>> -> memref<1x1x2x56xi32, #tpu.memory_space<hbm>>
      %dma_wait3A_1053 = tpu.memref_squeeze %dma_wait3A_1052 : memref<1x1x2x56xi32, #tpu.memory_space<hbm>> -> memref<2x56xi32, #tpu.memory_space<hbm>>
      tpu.wait_dma2 semaphore(%arg18 : memref<!tpu.dma_semaphore, #tpu.memory_space<semaphore_mem>>) src(%dma_wait3A_1053 : memref<2x56xi32, #tpu.memory_space<hbm>>) dst(%dma_wait3A_1049 : memref<2x56xi32, #tpu.memory_space<vmem>>)
      %dma_start3A_1054 = arith.constant 9 : i32
      %dma_start3A_1055 = arith.constant 0 : i32
      %dma_start3A_1056 = arith.constant 3 : i32
      %dma_start3A_1057 = arith.constant 0 : i32
      %dma_start3A_1058 = arith.constant 0 : i32
      %dma_start3A_1059 = tpu.memref_slice %arg7[%dma_start3A_1056, %dma_start3A_1057, %dma_start3A_1058] : memref<6x56x128xf32, #tpu.memory_space<vmem>> -> memref<1x56x128xf32, #tpu.memory_space<vmem>>
      %dma_start3A_1060 = tpu.memref_squeeze %dma_start3A_1059 : memref<1x56x128xf32, #tpu.memory_space<vmem>> -> memref<56x128xf32, #tpu.memory_space<vmem>>
      %dma_start3A_1061 = arith.constant 0 : i32
      %dma_start3A_1062 = tpu.memref_slice %arg6[%dma_start3A_1054, %dma_start3A_1055, %dma_start3A_1061] : memref<12x2x56xi32, #tpu.memory_space<vmem>> -> memref<1x1x56xi32, #tpu.memory_space<vmem>>
      %dma_start3A_1063 = tpu.memref_squeeze %dma_start3A_1062 : memref<1x1x56xi32, #tpu.memory_space<vmem>> -> memref<56xi32, #tpu.memory_space<vmem>>
      %dma_start3A_1064 = arith.constant 0 : i32
      %dma_start3A_1065 = arith.constant 0 : i32
      %dma_start3A_1066 = tpu.memref_slice %arg3[%dma_start3A_1064, %dma_start3A_1065] : memref<10000x128xf32, #tpu.memory_space<hbm>> -> memref<10000x128xf32, #tpu.memory_space<hbm>>
      tpu.enqueue_indirect_dma source(%dma_start3A_1066 : memref<10000x128xf32, #tpu.memory_space<hbm>>) target(%dma_start3A_1060 : memref<56x128xf32, #tpu.memory_space<vmem>>) offsets(%dma_start3A_1063 : memref<56xi32, #tpu.memory_space<vmem>>) semaphore(%arg24 : memref<!tpu.dma_semaphore, #tpu.memory_space<semaphore_mem>>)
      %add3A_1067 = arith.constant 10 : i32
      %add3A_1068 = arith.addi %mul3A_311, %add3A_1067 : i32
      %dma_wait3A_1069 = arith.constant 4 : i32
      %dma_wait3A_1070 = arith.constant 4 : i32
      %dma_wait3A_1071 = arith.constant 1 : i32
      %dma_wait3A_1072 = arith.constant 0 : i32
      %dma_wait3A_1073 = arith.constant 0 : i32
      %dma_wait3A_1074 = tpu.memref_slice %arg7[%dma_wait3A_1069, %dma_wait3A_1072, %dma_wait3A_1073] : memref<6x56x128xf32, #tpu.memory_space<vmem>> -> memref<1x56x128xf32, #tpu.memory_space<vmem>>
      %dma_wait3A_1075 = tpu.memref_squeeze %dma_wait3A_1074 : memref<1x56x128xf32, #tpu.memory_space<vmem>> -> memref<56x128xf32, #tpu.memory_space<vmem>>
      %dma_wait3A_1076 = arith.constant 0 : i32
      %dma_wait3A_1077 = tpu.memref_slice %arg6[%dma_wait3A_1070, %dma_wait3A_1071, %dma_wait3A_1076] : memref<12x2x56xi32, #tpu.memory_space<vmem>> -> memref<1x1x56xi32, #tpu.memory_space<vmem>>
      %dma_wait3A_1078 = tpu.memref_squeeze %dma_wait3A_1077 : memref<1x1x56xi32, #tpu.memory_space<vmem>> -> memref<56xi32, #tpu.memory_space<vmem>>
      %dma_wait3A_1079 = arith.constant 0 : i32
      %dma_wait3A_1080 = arith.constant 0 : i32
      %dma_wait3A_1081 = tpu.memref_slice %arg8[%dma_wait3A_1079, %dma_wait3A_1080] : memref<10112x128xf32, #tpu.memory_space<vmem_shared>> -> memref<10112x128xf32, #tpu.memory_space<vmem_shared>>
      tpu.wait_indirect_dma semaphore(%arg31 : memref<!tpu.dma_semaphore, #tpu.memory_space<semaphore_mem>>) src(%dma_wait3A_1075 : memref<56x128xf32, #tpu.memory_space<vmem>>) dst(%dma_wait3A_1081 : memref<10112x128xf32, #tpu.memory_space<vmem_shared>>)
      %add3A_1082 = arith.constant 6 : i32
      %add3A_1083 = arith.addi %add3A_1068, %add3A_1082 : i32
      %dma_start3A_1084 = arith.constant 4 : i32
      %dma_start3A_1085 = arith.constant 0 : i32
      %dma_start3A_1086 = arith.constant 0 : i32
      %dma_start3A_1087 = tpu.memref_slice %arg6[%dma_start3A_1084, %dma_start3A_1085, %dma_start3A_1086] : memref<12x2x56xi32, #tpu.memory_space<vmem>> -> memref<1x2x56xi32, #tpu.memory_space<vmem>>
      %dma_start3A_1088 = tpu.memref_squeeze %dma_start3A_1087 : memref<1x2x56xi32, #tpu.memory_space<vmem>> -> memref<2x56xi32, #tpu.memory_space<vmem>>
      %dma_start3A_1089 = arith.constant 0 : i32
      %dma_start3A_1090 = arith.constant 0 : i32
      %dma_start3A_1091 = tpu.memref_slice %arg2[%add3A, %add3A_1083, %dma_start3A_1089, %dma_start3A_1090] : memref<32x186x2x56xi32, #tpu.memory_space<hbm>> -> memref<1x1x2x56xi32, #tpu.memory_space<hbm>>
      %dma_start3A_1092 = tpu.memref_squeeze %dma_start3A_1091 : memref<1x1x2x56xi32, #tpu.memory_space<hbm>> -> memref<2x56xi32, #tpu.memory_space<hbm>>
      %dma_start3A_1093 = arith.constant 0 : i32
      %dma_start3A_1094 = arith.constant 0 : i32
      %dma_start3A_1095 = tpu.memref_slice %arg6[%dma_start3A_1084, %dma_start3A_1093, %dma_start3A_1094] : memref<12x2x56xi32, #tpu.memory_space<vmem>> -> memref<1x2x56xi32, #tpu.memory_space<vmem>>
      %dma_start3A_1096 = tpu.memref_squeeze %dma_start3A_1095 : memref<1x2x56xi32, #tpu.memory_space<vmem>> -> memref<2x56xi32, #tpu.memory_space<vmem>>
      %dma_start3A_1097 = arith.constant 0 : i32
      %dma_start3A_1098 = arith.constant 0 : i32
      %dma_start3A_1099 = tpu.memref_slice %arg2[%add3A, %add3A_1083, %dma_start3A_1097, %dma_start3A_1098] : memref<32x186x2x56xi32, #tpu.memory_space<hbm>> -> memref<1x1x2x56xi32, #tpu.memory_space<hbm>>
      %dma_start3A_1100 = tpu.memref_squeeze %dma_start3A_1099 : memref<1x1x2x56xi32, #tpu.memory_space<hbm>> -> memref<2x56xi32, #tpu.memory_space<hbm>>
      tpu.enqueue_dma source(%dma_start3A_1100 : memref<2x56xi32, #tpu.memory_space<hbm>>) target(%dma_start3A_1096 : memref<2x56xi32, #tpu.memory_space<vmem>>) target_semaphore(%arg13 : memref<!tpu.dma_semaphore, #tpu.memory_space<semaphore_mem>>)
      %dma_wait3A_1101 = arith.constant 0 : i32
      %dma_wait3A_1102 = arith.constant 10 : i32
      %dma_wait3A_1103 = arith.constant 0 : i32
      %dma_wait3A_1104 = arith.constant 0 : i32
      %dma_wait3A_1105 = tpu.memref_slice %arg6[%dma_wait3A_1102, %dma_wait3A_1103, %dma_wait3A_1104] : memref<12x2x56xi32, #tpu.memory_space<vmem>> -> memref<1x2x56xi32, #tpu.memory_space<vmem>>
      %dma_wait3A_1106 = tpu.memref_squeeze %dma_wait3A_1105 : memref<1x2x56xi32, #tpu.memory_space<vmem>> -> memref<2x56xi32, #tpu.memory_space<vmem>>
      %dma_wait3A_1107 = arith.constant 0 : i32
      %dma_wait3A_1108 = arith.constant 0 : i32
      %dma_wait3A_1109 = tpu.memref_slice %arg2[%add3A, %dma_wait3A_1101, %dma_wait3A_1107, %dma_wait3A_1108] : memref<32x186x2x56xi32, #tpu.memory_space<hbm>> -> memref<1x1x2x56xi32, #tpu.memory_space<hbm>>
      %dma_wait3A_1110 = tpu.memref_squeeze %dma_wait3A_1109 : memref<1x1x2x56xi32, #tpu.memory_space<hbm>> -> memref<2x56xi32, #tpu.memory_space<hbm>>
      %dma_wait3A_1111 = arith.constant 0 : i32
      %dma_wait3A_1112 = arith.constant 0 : i32
      %dma_wait3A_1113 = tpu.memref_slice %arg6[%dma_wait3A_1102, %dma_wait3A_1111, %dma_wait3A_1112] : memref<12x2x56xi32, #tpu.memory_space<vmem>> -> memref<1x2x56xi32, #tpu.memory_space<vmem>>
      %dma_wait3A_1114 = tpu.memref_squeeze %dma_wait3A_1113 : memref<1x2x56xi32, #tpu.memory_space<vmem>> -> memref<2x56xi32, #tpu.memory_space<vmem>>
      %dma_wait3A_1115 = arith.constant 0 : i32
      %dma_wait3A_1116 = arith.constant 0 : i32
      %dma_wait3A_1117 = tpu.memref_slice %arg2[%add3A, %dma_wait3A_1101, %dma_wait3A_1115, %dma_wait3A_1116] : memref<32x186x2x56xi32, #tpu.memory_space<hbm>> -> memref<1x1x2x56xi32, #tpu.memory_space<hbm>>
      %dma_wait3A_1118 = tpu.memref_squeeze %dma_wait3A_1117 : memref<1x1x2x56xi32, #tpu.memory_space<hbm>> -> memref<2x56xi32, #tpu.memory_space<hbm>>
      tpu.wait_dma2 semaphore(%arg19 : memref<!tpu.dma_semaphore, #tpu.memory_space<semaphore_mem>>) src(%dma_wait3A_1118 : memref<2x56xi32, #tpu.memory_space<hbm>>) dst(%dma_wait3A_1114 : memref<2x56xi32, #tpu.memory_space<vmem>>)
      %dma_start3A_1119 = arith.constant 10 : i32
      %dma_start3A_1120 = arith.constant 0 : i32
      %dma_start3A_1121 = arith.constant 4 : i32
      %dma_start3A_1122 = arith.constant 0 : i32
      %dma_start3A_1123 = arith.constant 0 : i32
      %dma_start3A_1124 = tpu.memref_slice %arg7[%dma_start3A_1121, %dma_start3A_1122, %dma_start3A_1123] : memref<6x56x128xf32, #tpu.memory_space<vmem>> -> memref<1x56x128xf32, #tpu.memory_space<vmem>>
      %dma_start3A_1125 = tpu.memref_squeeze %dma_start3A_1124 : memref<1x56x128xf32, #tpu.memory_space<vmem>> -> memref<56x128xf32, #tpu.memory_space<vmem>>
      %dma_start3A_1126 = arith.constant 0 : i32
      %dma_start3A_1127 = tpu.memref_slice %arg6[%dma_start3A_1119, %dma_start3A_1120, %dma_start3A_1126] : memref<12x2x56xi32, #tpu.memory_space<vmem>> -> memref<1x1x56xi32, #tpu.memory_space<vmem>>
      %dma_start3A_1128 = tpu.memref_squeeze %dma_start3A_1127 : memref<1x1x56xi32, #tpu.memory_space<vmem>> -> memref<56xi32, #tpu.memory_space<vmem>>
      %dma_start3A_1129 = arith.constant 0 : i32
      %dma_start3A_1130 = arith.constant 0 : i32
      %dma_start3A_1131 = tpu.memref_slice %arg3[%dma_start3A_1129, %dma_start3A_1130] : memref<10000x128xf32, #tpu.memory_space<hbm>> -> memref<10000x128xf32, #tpu.memory_space<hbm>>
      tpu.enqueue_indirect_dma source(%dma_start3A_1131 : memref<10000x128xf32, #tpu.memory_space<hbm>>) target(%dma_start3A_1125 : memref<56x128xf32, #tpu.memory_space<vmem>>) offsets(%dma_start3A_1128 : memref<56xi32, #tpu.memory_space<vmem>>) semaphore(%arg25 : memref<!tpu.dma_semaphore, #tpu.memory_space<semaphore_mem>>)
      %add3A_1132 = arith.constant 11 : i32
      %add3A_1133 = arith.addi %mul3A_311, %add3A_1132 : i32
      %dma_wait3A_1134 = arith.constant 5 : i32
      %dma_wait3A_1135 = arith.constant 5 : i32
      %dma_wait3A_1136 = arith.constant 1 : i32
      %dma_wait3A_1137 = arith.constant 0 : i32
      %dma_wait3A_1138 = arith.constant 0 : i32
      %dma_wait3A_1139 = tpu.memref_slice %arg7[%dma_wait3A_1134, %dma_wait3A_1137, %dma_wait3A_1138] : memref<6x56x128xf32, #tpu.memory_space<vmem>> -> memref<1x56x128xf32, #tpu.memory_space<vmem>>
      %dma_wait3A_1140 = tpu.memref_squeeze %dma_wait3A_1139 : memref<1x56x128xf32, #tpu.memory_space<vmem>> -> memref<56x128xf32, #tpu.memory_space<vmem>>
      %dma_wait3A_1141 = arith.constant 0 : i32
      %dma_wait3A_1142 = tpu.memref_slice %arg6[%dma_wait3A_1135, %dma_wait3A_1136, %dma_wait3A_1141] : memref<12x2x56xi32, #tpu.memory_space<vmem>> -> memref<1x1x56xi32, #tpu.memory_space<vmem>>
      %dma_wait3A_1143 = tpu.memref_squeeze %dma_wait3A_1142 : memref<1x1x56xi32, #tpu.memory_space<vmem>> -> memref<56xi32, #tpu.memory_space<vmem>>
      %dma_wait3A_1144 = arith.constant 0 : i32
      %dma_wait3A_1145 = arith.constant 0 : i32
      %dma_wait3A_1146 = tpu.memref_slice %arg8[%dma_wait3A_1144, %dma_wait3A_1145] : memref<10112x128xf32, #tpu.memory_space<vmem_shared>> -> memref<10112x128xf32, #tpu.memory_space<vmem_shared>>
      tpu.wait_indirect_dma semaphore(%arg32 : memref<!tpu.dma_semaphore, #tpu.memory_space<semaphore_mem>>) src(%dma_wait3A_1140 : memref<56x128xf32, #tpu.memory_space<vmem>>) dst(%dma_wait3A_1146 : memref<10112x128xf32, #tpu.memory_space<vmem_shared>>)
      %add3A_1147 = arith.constant 6 : i32
      %add3A_1148 = arith.addi %add3A_1133, %add3A_1147 : i32
      %dma_start3A_1149 = arith.constant 5 : i32
      %dma_start3A_1150 = arith.constant 0 : i32
      %dma_start3A_1151 = arith.constant 0 : i32
      %dma_start3A_1152 = tpu.memref_slice %arg6[%dma_start3A_1149, %dma_start3A_1150, %dma_start3A_1151] : memref<12x2x56xi32, #tpu.memory_space<vmem>> -> memref<1x2x56xi32, #tpu.memory_space<vmem>>
      %dma_start3A_1153 = tpu.memref_squeeze %dma_start3A_1152 : memref<1x2x56xi32, #tpu.memory_space<vmem>> -> memref<2x56xi32, #tpu.memory_space<vmem>>
      %dma_start3A_1154 = arith.constant 0 : i32
      %dma_start3A_1155 = arith.constant 0 : i32
      %dma_start3A_1156 = tpu.memref_slice %arg2[%add3A, %add3A_1148, %dma_start3A_1154, %dma_start3A_1155] : memref<32x186x2x56xi32, #tpu.memory_space<hbm>> -> memref<1x1x2x56xi32, #tpu.memory_space<hbm>>
      %dma_start3A_1157 = tpu.memref_squeeze %dma_start3A_1156 : memref<1x1x2x56xi32, #tpu.memory_space<hbm>> -> memref<2x56xi32, #tpu.memory_space<hbm>>
      %dma_start3A_1158 = arith.constant 0 : i32
      %dma_start3A_1159 = arith.constant 0 : i32
      %dma_start3A_1160 = tpu.memref_slice %arg6[%dma_start3A_1149, %dma_start3A_1158, %dma_start3A_1159] : memref<12x2x56xi32, #tpu.memory_space<vmem>> -> memref<1x2x56xi32, #tpu.memory_space<vmem>>
      %dma_start3A_1161 = tpu.memref_squeeze %dma_start3A_1160 : memref<1x2x56xi32, #tpu.memory_space<vmem>> -> memref<2x56xi32, #tpu.memory_space<vmem>>
      %dma_start3A_1162 = arith.constant 0 : i32
      %dma_start3A_1163 = arith.constant 0 : i32
      %dma_start3A_1164 = tpu.memref_slice %arg2[%add3A, %add3A_1148, %dma_start3A_1162, %dma_start3A_1163] : memref<32x186x2x56xi32, #tpu.memory_space<hbm>> -> memref<1x1x2x56xi32, #tpu.memory_space<hbm>>
      %dma_start3A_1165 = tpu.memref_squeeze %dma_start3A_1164 : memref<1x1x2x56xi32, #tpu.memory_space<hbm>> -> memref<2x56xi32, #tpu.memory_space<hbm>>
      tpu.enqueue_dma source(%dma_start3A_1165 : memref<2x56xi32, #tpu.memory_space<hbm>>) target(%dma_start3A_1161 : memref<2x56xi32, #tpu.memory_space<vmem>>) target_semaphore(%arg14 : memref<!tpu.dma_semaphore, #tpu.memory_space<semaphore_mem>>)
      %dma_wait3A_1166 = arith.constant 0 : i32
      %dma_wait3A_1167 = arith.constant 11 : i32
      %dma_wait3A_1168 = arith.constant 0 : i32
      %dma_wait3A_1169 = arith.constant 0 : i32
      %dma_wait3A_1170 = tpu.memref_slice %arg6[%dma_wait3A_1167, %dma_wait3A_1168, %dma_wait3A_1169] : memref<12x2x56xi32, #tpu.memory_space<vmem>> -> memref<1x2x56xi32, #tpu.memory_space<vmem>>
      %dma_wait3A_1171 = tpu.memref_squeeze %dma_wait3A_1170 : memref<1x2x56xi32, #tpu.memory_space<vmem>> -> memref<2x56xi32, #tpu.memory_space<vmem>>
      %dma_wait3A_1172 = arith.constant 0 : i32
      %dma_wait3A_1173 = arith.constant 0 : i32
      %dma_wait3A_1174 = tpu.memref_slice %arg2[%add3A, %dma_wait3A_1166, %dma_wait3A_1172, %dma_wait3A_1173] : memref<32x186x2x56xi32, #tpu.memory_space<hbm>> -> memref<1x1x2x56xi32, #tpu.memory_space<hbm>>
      %dma_wait3A_1175 = tpu.memref_squeeze %dma_wait3A_1174 : memref<1x1x2x56xi32, #tpu.memory_space<hbm>> -> memref<2x56xi32, #tpu.memory_space<hbm>>
      %dma_wait3A_1176 = arith.constant 0 : i32
      %dma_wait3A_1177 = arith.constant 0 : i32
      %dma_wait3A_1178 = tpu.memref_slice %arg6[%dma_wait3A_1167, %dma_wait3A_1176, %dma_wait3A_1177] : memref<12x2x56xi32, #tpu.memory_space<vmem>> -> memref<1x2x56xi32, #tpu.memory_space<vmem>>
      %dma_wait3A_1179 = tpu.memref_squeeze %dma_wait3A_1178 : memref<1x2x56xi32, #tpu.memory_space<vmem>> -> memref<2x56xi32, #tpu.memory_space<vmem>>
      %dma_wait3A_1180 = arith.constant 0 : i32
      %dma_wait3A_1181 = arith.constant 0 : i32
      %dma_wait3A_1182 = tpu.memref_slice %arg2[%add3A, %dma_wait3A_1166, %dma_wait3A_1180, %dma_wait3A_1181] : memref<32x186x2x56xi32, #tpu.memory_space<hbm>> -> memref<1x1x2x56xi32, #tpu.memory_space<hbm>>
      %dma_wait3A_1183 = tpu.memref_squeeze %dma_wait3A_1182 : memref<1x1x2x56xi32, #tpu.memory_space<hbm>> -> memref<2x56xi32, #tpu.memory_space<hbm>>
      tpu.wait_dma2 semaphore(%arg20 : memref<!tpu.dma_semaphore, #tpu.memory_space<semaphore_mem>>) src(%dma_wait3A_1183 : memref<2x56xi32, #tpu.memory_space<hbm>>) dst(%dma_wait3A_1179 : memref<2x56xi32, #tpu.memory_space<vmem>>)
      %dma_start3A_1184 = arith.constant 11 : i32
      %dma_start3A_1185 = arith.constant 0 : i32
      %dma_start3A_1186 = arith.constant 5 : i32
      %dma_start3A_1187 = arith.constant 0 : i32
      %dma_start3A_1188 = arith.constant 0 : i32
      %dma_start3A_1189 = tpu.memref_slice %arg7[%dma_start3A_1186, %dma_start3A_1187, %dma_start3A_1188] : memref<6x56x128xf32, #tpu.memory_space<vmem>> -> memref<1x56x128xf32, #tpu.memory_space<vmem>>
      %dma_start3A_1190 = tpu.memref_squeeze %dma_start3A_1189 : memref<1x56x128xf32, #tpu.memory_space<vmem>> -> memref<56x128xf32, #tpu.memory_space<vmem>>
      %dma_start3A_1191 = arith.constant 0 : i32
      %dma_start3A_1192 = tpu.memref_slice %arg6[%dma_start3A_1184, %dma_start3A_1185, %dma_start3A_1191] : memref<12x2x56xi32, #tpu.memory_space<vmem>> -> memref<1x1x56xi32, #tpu.memory_space<vmem>>
      %dma_start3A_1193 = tpu.memref_squeeze %dma_start3A_1192 : memref<1x1x56xi32, #tpu.memory_space<vmem>> -> memref<56xi32, #tpu.memory_space<vmem>>
      %dma_start3A_1194 = arith.constant 0 : i32
      %dma_start3A_1195 = arith.constant 0 : i32
      %dma_start3A_1196 = tpu.memref_slice %arg3[%dma_start3A_1194, %dma_start3A_1195] : memref<10000x128xf32, #tpu.memory_space<hbm>> -> memref<10000x128xf32, #tpu.memory_space<hbm>>
      tpu.enqueue_indirect_dma source(%dma_start3A_1196 : memref<10000x128xf32, #tpu.memory_space<hbm>>) target(%dma_start3A_1190 : memref<56x128xf32, #tpu.memory_space<vmem>>) offsets(%dma_start3A_1193 : memref<56xi32, #tpu.memory_space<vmem>>) semaphore(%arg26 : memref<!tpu.dma_semaphore, #tpu.memory_space<semaphore_mem>>)
      %dma_wait3A_1197 = arith.constant 6 : i32
      %dma_wait3A_1198 = arith.constant 0 : i32
      %dma_wait3A_1199 = arith.constant 0 : i32
      %dma_wait3A_1200 = arith.constant 0 : i32
      %dma_wait3A_1201 = arith.constant 0 : i32
      %dma_wait3A_1202 = tpu.memref_slice %arg7[%dma_wait3A_1199, %dma_wait3A_1200, %dma_wait3A_1201] : memref<6x56x128xf32, #tpu.memory_space<vmem>> -> memref<1x56x128xf32, #tpu.memory_space<vmem>>
      %dma_wait3A_1203 = tpu.memref_squeeze %dma_wait3A_1202 : memref<1x56x128xf32, #tpu.memory_space<vmem>> -> memref<56x128xf32, #tpu.memory_space<vmem>>
      %dma_wait3A_1204 = arith.constant 0 : i32
      %dma_wait3A_1205 = tpu.memref_slice %arg6[%dma_wait3A_1197, %dma_wait3A_1198, %dma_wait3A_1204] : memref<12x2x56xi32, #tpu.memory_space<vmem>> -> memref<1x1x56xi32, #tpu.memory_space<vmem>>
      %dma_wait3A_1206 = tpu.memref_squeeze %dma_wait3A_1205 : memref<1x1x56xi32, #tpu.memory_space<vmem>> -> memref<56xi32, #tpu.memory_space<vmem>>
      %dma_wait3A_1207 = arith.constant 0 : i32
      %dma_wait3A_1208 = arith.constant 0 : i32
      %dma_wait3A_1209 = tpu.memref_slice %arg3[%dma_wait3A_1207, %dma_wait3A_1208] : memref<10000x128xf32, #tpu.memory_space<hbm>> -> memref<10000x128xf32, #tpu.memory_space<hbm>>
      tpu.wait_indirect_dma semaphore(%arg21 : memref<!tpu.dma_semaphore, #tpu.memory_space<semaphore_mem>>) src(%dma_wait3A_1209 : memref<10000x128xf32, #tpu.memory_space<hbm>>) dst(%dma_wait3A_1203 : memref<56x128xf32, #tpu.memory_space<vmem>>)
      %dma_start3A_1210 = arith.constant 0 : i32
      %dma_start3A_1211 = arith.constant 6 : i32
      %dma_start3A_1212 = arith.constant 1 : i32
      %dma_start3A_1213 = arith.constant 0 : i32
      %dma_start3A_1214 = arith.constant 0 : i32
      %dma_start3A_1215 = tpu.memref_slice %arg7[%dma_start3A_1210, %dma_start3A_1213, %dma_start3A_1214] : memref<6x56x128xf32, #tpu.memory_space<vmem>> -> memref<1x56x128xf32, #tpu.memory_space<vmem>>
      %dma_start3A_1216 = tpu.memref_squeeze %dma_start3A_1215 : memref<1x56x128xf32, #tpu.memory_space<vmem>> -> memref<56x128xf32, #tpu.memory_space<vmem>>
      %dma_start3A_1217 = arith.constant 0 : i32
      %dma_start3A_1218 = tpu.memref_slice %arg6[%dma_start3A_1211, %dma_start3A_1212, %dma_start3A_1217] : memref<12x2x56xi32, #tpu.memory_space<vmem>> -> memref<1x1x56xi32, #tpu.memory_space<vmem>>
      %dma_start3A_1219 = tpu.memref_squeeze %dma_start3A_1218 : memref<1x1x56xi32, #tpu.memory_space<vmem>> -> memref<56xi32, #tpu.memory_space<vmem>>
      %dma_start3A_1220 = arith.constant 0 : i32
      %dma_start3A_1221 = arith.constant 0 : i32
      %dma_start3A_1222 = tpu.memref_slice %arg8[%dma_start3A_1220, %dma_start3A_1221] : memref<10112x128xf32, #tpu.memory_space<vmem_shared>> -> memref<10112x128xf32, #tpu.memory_space<vmem_shared>>
      tpu.enqueue_indirect_dma source(%dma_start3A_1216 : memref<56x128xf32, #tpu.memory_space<vmem>>) target(%dma_start3A_1222 : memref<10112x128xf32, #tpu.memory_space<vmem_shared>>) offsets(%dma_start3A_1219 : memref<56xi32, #tpu.memory_space<vmem>>) semaphore(%arg27 : memref<!tpu.dma_semaphore, #tpu.memory_space<semaphore_mem>>) {add = true}
      %dma_wait3A_1223 = arith.constant 7 : i32
      %dma_wait3A_1224 = arith.constant 0 : i32
      %dma_wait3A_1225 = arith.constant 1 : i32
      %dma_wait3A_1226 = arith.constant 0 : i32
      %dma_wait3A_1227 = arith.constant 0 : i32
      %dma_wait3A_1228 = tpu.memref_slice %arg7[%dma_wait3A_1225, %dma_wait3A_1226, %dma_wait3A_1227] : memref<6x56x128xf32, #tpu.memory_space<vmem>> -> memref<1x56x128xf32, #tpu.memory_space<vmem>>
      %dma_wait3A_1229 = tpu.memref_squeeze %dma_wait3A_1228 : memref<1x56x128xf32, #tpu.memory_space<vmem>> -> memref<56x128xf32, #tpu.memory_space<vmem>>
      %dma_wait3A_1230 = arith.constant 0 : i32
      %dma_wait3A_1231 = tpu.memref_slice %arg6[%dma_wait3A_1223, %dma_wait3A_1224, %dma_wait3A_1230] : memref<12x2x56xi32, #tpu.memory_space<vmem>> -> memref<1x1x56xi32, #tpu.memory_space<vmem>>
      %dma_wait3A_1232 = tpu.memref_squeeze %dma_wait3A_1231 : memref<1x1x56xi32, #tpu.memory_space<vmem>> -> memref<56xi32, #tpu.memory_space<vmem>>
      %dma_wait3A_1233 = arith.constant 0 : i32
      %dma_wait3A_1234 = arith.constant 0 : i32
      %dma_wait3A_1235 = tpu.memref_slice %arg3[%dma_wait3A_1233, %dma_wait3A_1234] : memref<10000x128xf32, #tpu.memory_space<hbm>> -> memref<10000x128xf32, #tpu.memory_space<hbm>>
      tpu.wait_indirect_dma semaphore(%arg22 : memref<!tpu.dma_semaphore, #tpu.memory_space<semaphore_mem>>) src(%dma_wait3A_1235 : memref<10000x128xf32, #tpu.memory_space<hbm>>) dst(%dma_wait3A_1229 : memref<56x128xf32, #tpu.memory_space<vmem>>)
      %dma_start3A_1236 = arith.constant 1 : i32
      %dma_start3A_1237 = arith.constant 7 : i32
      %dma_start3A_1238 = arith.constant 1 : i32
      %dma_start3A_1239 = arith.constant 0 : i32
      %dma_start3A_1240 = arith.constant 0 : i32
      %dma_start3A_1241 = tpu.memref_slice %arg7[%dma_start3A_1236, %dma_start3A_1239, %dma_start3A_1240] : memref<6x56x128xf32, #tpu.memory_space<vmem>> -> memref<1x56x128xf32, #tpu.memory_space<vmem>>
      %dma_start3A_1242 = tpu.memref_squeeze %dma_start3A_1241 : memref<1x56x128xf32, #tpu.memory_space<vmem>> -> memref<56x128xf32, #tpu.memory_space<vmem>>
      %dma_start3A_1243 = arith.constant 0 : i32
      %dma_start3A_1244 = tpu.memref_slice %arg6[%dma_start3A_1237, %dma_start3A_1238, %dma_start3A_1243] : memref<12x2x56xi32, #tpu.memory_space<vmem>> -> memref<1x1x56xi32, #tpu.memory_space<vmem>>
      %dma_start3A_1245 = tpu.memref_squeeze %dma_start3A_1244 : memref<1x1x56xi32, #tpu.memory_space<vmem>> -> memref<56xi32, #tpu.memory_space<vmem>>
      %dma_start3A_1246 = arith.constant 0 : i32
      %dma_start3A_1247 = arith.constant 0 : i32
      %dma_start3A_1248 = tpu.memref_slice %arg8[%dma_start3A_1246, %dma_start3A_1247] : memref<10112x128xf32, #tpu.memory_space<vmem_shared>> -> memref<10112x128xf32, #tpu.memory_space<vmem_shared>>
      tpu.enqueue_indirect_dma source(%dma_start3A_1242 : memref<56x128xf32, #tpu.memory_space<vmem>>) target(%dma_start3A_1248 : memref<10112x128xf32, #tpu.memory_space<vmem_shared>>) offsets(%dma_start3A_1245 : memref<56xi32, #tpu.memory_space<vmem>>) semaphore(%arg28 : memref<!tpu.dma_semaphore, #tpu.memory_space<semaphore_mem>>) {add = true}
      %dma_wait3A_1249 = arith.constant 8 : i32
      %dma_wait3A_1250 = arith.constant 0 : i32
      %dma_wait3A_1251 = arith.constant 2 : i32
      %dma_wait3A_1252 = arith.constant 0 : i32
      %dma_wait3A_1253 = arith.constant 0 : i32
      %dma_wait3A_1254 = tpu.memref_slice %arg7[%dma_wait3A_1251, %dma_wait3A_1252, %dma_wait3A_1253] : memref<6x56x128xf32, #tpu.memory_space<vmem>> -> memref<1x56x128xf32, #tpu.memory_space<vmem>>
      %dma_wait3A_1255 = tpu.memref_squeeze %dma_wait3A_1254 : memref<1x56x128xf32, #tpu.memory_space<vmem>> -> memref<56x128xf32, #tpu.memory_space<vmem>>
      %dma_wait3A_1256 = arith.constant 0 : i32
      %dma_wait3A_1257 = tpu.memref_slice %arg6[%dma_wait3A_1249, %dma_wait3A_1250, %dma_wait3A_1256] : memref<12x2x56xi32, #tpu.memory_space<vmem>> -> memref<1x1x56xi32, #tpu.memory_space<vmem>>
      %dma_wait3A_1258 = tpu.memref_squeeze %dma_wait3A_1257 : memref<1x1x56xi32, #tpu.memory_space<vmem>> -> memref<56xi32, #tpu.memory_space<vmem>>
      %dma_wait3A_1259 = arith.constant 0 : i32
      %dma_wait3A_1260 = arith.constant 0 : i32
      %dma_wait3A_1261 = tpu.memref_slice %arg3[%dma_wait3A_1259, %dma_wait3A_1260] : memref<10000x128xf32, #tpu.memory_space<hbm>> -> memref<10000x128xf32, #tpu.memory_space<hbm>>
      tpu.wait_indirect_dma semaphore(%arg23 : memref<!tpu.dma_semaphore, #tpu.memory_space<semaphore_mem>>) src(%dma_wait3A_1261 : memref<10000x128xf32, #tpu.memory_space<hbm>>) dst(%dma_wait3A_1255 : memref<56x128xf32, #tpu.memory_space<vmem>>)
      %dma_start3A_1262 = arith.constant 2 : i32
      %dma_start3A_1263 = arith.constant 8 : i32
      %dma_start3A_1264 = arith.constant 1 : i32
      %dma_start3A_1265 = arith.constant 0 : i32
      %dma_start3A_1266 = arith.constant 0 : i32
      %dma_start3A_1267 = tpu.memref_slice %arg7[%dma_start3A_1262, %dma_start3A_1265, %dma_start3A_1266] : memref<6x56x128xf32, #tpu.memory_space<vmem>> -> memref<1x56x128xf32, #tpu.memory_space<vmem>>
      %dma_start3A_1268 = tpu.memref_squeeze %dma_start3A_1267 : memref<1x56x128xf32, #tpu.memory_space<vmem>> -> memref<56x128xf32, #tpu.memory_space<vmem>>
      %dma_start3A_1269 = arith.constant 0 : i32
      %dma_start3A_1270 = tpu.memref_slice %arg6[%dma_start3A_1263, %dma_start3A_1264, %dma_start3A_1269] : memref<12x2x56xi32, #tpu.memory_space<vmem>> -> memref<1x1x56xi32, #tpu.memory_space<vmem>>
      %dma_start3A_1271 = tpu.memref_squeeze %dma_start3A_1270 : memref<1x1x56xi32, #tpu.memory_space<vmem>> -> memref<56xi32, #tpu.memory_space<vmem>>
      %dma_start3A_1272 = arith.constant 0 : i32
      %dma_start3A_1273 = arith.constant 0 : i32
      %dma_start3A_1274 = tpu.memref_slice %arg8[%dma_start3A_1272, %dma_start3A_1273] : memref<10112x128xf32, #tpu.memory_space<vmem_shared>> -> memref<10112x128xf32, #tpu.memory_space<vmem_shared>>
      tpu.enqueue_indirect_dma source(%dma_start3A_1268 : memref<56x128xf32, #tpu.memory_space<vmem>>) target(%dma_start3A_1274 : memref<10112x128xf32, #tpu.memory_space<vmem_shared>>) offsets(%dma_start3A_1271 : memref<56xi32, #tpu.memory_space<vmem>>) semaphore(%arg29 : memref<!tpu.dma_semaphore, #tpu.memory_space<semaphore_mem>>) {add = true}
      %dma_wait3A_1275 = arith.constant 9 : i32
      %dma_wait3A_1276 = arith.constant 0 : i32
      %dma_wait3A_1277 = arith.constant 3 : i32
      %dma_wait3A_1278 = arith.constant 0 : i32
      %dma_wait3A_1279 = arith.constant 0 : i32
      %dma_wait3A_1280 = tpu.memref_slice %arg7[%dma_wait3A_1277, %dma_wait3A_1278, %dma_wait3A_1279] : memref<6x56x128xf32, #tpu.memory_space<vmem>> -> memref<1x56x128xf32, #tpu.memory_space<vmem>>
      %dma_wait3A_1281 = tpu.memref_squeeze %dma_wait3A_1280 : memref<1x56x128xf32, #tpu.memory_space<vmem>> -> memref<56x128xf32, #tpu.memory_space<vmem>>
      %dma_wait3A_1282 = arith.constant 0 : i32
      %dma_wait3A_1283 = tpu.memref_slice %arg6[%dma_wait3A_1275, %dma_wait3A_1276, %dma_wait3A_1282] : memref<12x2x56xi32, #tpu.memory_space<vmem>> -> memref<1x1x56xi32, #tpu.memory_space<vmem>>
      %dma_wait3A_1284 = tpu.memref_squeeze %dma_wait3A_1283 : memref<1x1x56xi32, #tpu.memory_space<vmem>> -> memref<56xi32, #tpu.memory_space<vmem>>
      %dma_wait3A_1285 = arith.constant 0 : i32
      %dma_wait3A_1286 = arith.constant 0 : i32
      %dma_wait3A_1287 = tpu.memref_slice %arg3[%dma_wait3A_1285, %dma_wait3A_1286] : memref<10000x128xf32, #tpu.memory_space<hbm>> -> memref<10000x128xf32, #tpu.memory_space<hbm>>
      tpu.wait_indirect_dma semaphore(%arg24 : memref<!tpu.dma_semaphore, #tpu.memory_space<semaphore_mem>>) src(%dma_wait3A_1287 : memref<10000x128xf32, #tpu.memory_space<hbm>>) dst(%dma_wait3A_1281 : memref<56x128xf32, #tpu.memory_space<vmem>>)
      %dma_start3A_1288 = arith.constant 3 : i32
      %dma_start3A_1289 = arith.constant 9 : i32
      %dma_start3A_1290 = arith.constant 1 : i32
      %dma_start3A_1291 = arith.constant 0 : i32
      %dma_start3A_1292 = arith.constant 0 : i32
      %dma_start3A_1293 = tpu.memref_slice %arg7[%dma_start3A_1288, %dma_start3A_1291, %dma_start3A_1292] : memref<6x56x128xf32, #tpu.memory_space<vmem>> -> memref<1x56x128xf32, #tpu.memory_space<vmem>>
      %dma_start3A_1294 = tpu.memref_squeeze %dma_start3A_1293 : memref<1x56x128xf32, #tpu.memory_space<vmem>> -> memref<56x128xf32, #tpu.memory_space<vmem>>
      %dma_start3A_1295 = arith.constant 0 : i32
      %dma_start3A_1296 = tpu.memref_slice %arg6[%dma_start3A_1289, %dma_start3A_1290, %dma_start3A_1295] : memref<12x2x56xi32, #tpu.memory_space<vmem>> -> memref<1x1x56xi32, #tpu.memory_space<vmem>>
      %dma_start3A_1297 = tpu.memref_squeeze %dma_start3A_1296 : memref<1x1x56xi32, #tpu.memory_space<vmem>> -> memref<56xi32, #tpu.memory_space<vmem>>
      %dma_start3A_1298 = arith.constant 0 : i32
      %dma_start3A_1299 = arith.constant 0 : i32
      %dma_start3A_1300 = tpu.memref_slice %arg8[%dma_start3A_1298, %dma_start3A_1299] : memref<10112x128xf32, #tpu.memory_space<vmem_shared>> -> memref<10112x128xf32, #tpu.memory_space<vmem_shared>>
      tpu.enqueue_indirect_dma source(%dma_start3A_1294 : memref<56x128xf32, #tpu.memory_space<vmem>>) target(%dma_start3A_1300 : memref<10112x128xf32, #tpu.memory_space<vmem_shared>>) offsets(%dma_start3A_1297 : memref<56xi32, #tpu.memory_space<vmem>>) semaphore(%arg30 : memref<!tpu.dma_semaphore, #tpu.memory_space<semaphore_mem>>) {add = true}
      %dma_wait3A_1301 = arith.constant 10 : i32
      %dma_wait3A_1302 = arith.constant 0 : i32
      %dma_wait3A_1303 = arith.constant 4 : i32
      %dma_wait3A_1304 = arith.constant 0 : i32
      %dma_wait3A_1305 = arith.constant 0 : i32
      %dma_wait3A_1306 = tpu.memref_slice %arg7[%dma_wait3A_1303, %dma_wait3A_1304, %dma_wait3A_1305] : memref<6x56x128xf32, #tpu.memory_space<vmem>> -> memref<1x56x128xf32, #tpu.memory_space<vmem>>
      %dma_wait3A_1307 = tpu.memref_squeeze %dma_wait3A_1306 : memref<1x56x128xf32, #tpu.memory_space<vmem>> -> memref<56x128xf32, #tpu.memory_space<vmem>>
      %dma_wait3A_1308 = arith.constant 0 : i32
      %dma_wait3A_1309 = tpu.memref_slice %arg6[%dma_wait3A_1301, %dma_wait3A_1302, %dma_wait3A_1308] : memref<12x2x56xi32, #tpu.memory_space<vmem>> -> memref<1x1x56xi32, #tpu.memory_space<vmem>>
      %dma_wait3A_1310 = tpu.memref_squeeze %dma_wait3A_1309 : memref<1x1x56xi32, #tpu.memory_space<vmem>> -> memref<56xi32, #tpu.memory_space<vmem>>
      %dma_wait3A_1311 = arith.constant 0 : i32
      %dma_wait3A_1312 = arith.constant 0 : i32
      %dma_wait3A_1313 = tpu.memref_slice %arg3[%dma_wait3A_1311, %dma_wait3A_1312] : memref<10000x128xf32, #tpu.memory_space<hbm>> -> memref<10000x128xf32, #tpu.memory_space<hbm>>
      tpu.wait_indirect_dma semaphore(%arg25 : memref<!tpu.dma_semaphore, #tpu.memory_space<semaphore_mem>>) src(%dma_wait3A_1313 : memref<10000x128xf32, #tpu.memory_space<hbm>>) dst(%dma_wait3A_1307 : memref<56x128xf32, #tpu.memory_space<vmem>>)
      %dma_start3A_1314 = arith.constant 4 : i32
      %dma_start3A_1315 = arith.constant 10 : i32
      %dma_start3A_1316 = arith.constant 1 : i32
      %dma_start3A_1317 = arith.constant 0 : i32
      %dma_start3A_1318 = arith.constant 0 : i32
      %dma_start3A_1319 = tpu.memref_slice %arg7[%dma_start3A_1314, %dma_start3A_1317, %dma_start3A_1318] : memref<6x56x128xf32, #tpu.memory_space<vmem>> -> memref<1x56x128xf32, #tpu.memory_space<vmem>>
      %dma_start3A_1320 = tpu.memref_squeeze %dma_start3A_1319 : memref<1x56x128xf32, #tpu.memory_space<vmem>> -> memref<56x128xf32, #tpu.memory_space<vmem>>
      %dma_start3A_1321 = arith.constant 0 : i32
      %dma_start3A_1322 = tpu.memref_slice %arg6[%dma_start3A_1315, %dma_start3A_1316, %dma_start3A_1321] : memref<12x2x56xi32, #tpu.memory_space<vmem>> -> memref<1x1x56xi32, #tpu.memory_space<vmem>>
      %dma_start3A_1323 = tpu.memref_squeeze %dma_start3A_1322 : memref<1x1x56xi32, #tpu.memory_space<vmem>> -> memref<56xi32, #tpu.memory_space<vmem>>
      %dma_start3A_1324 = arith.constant 0 : i32
      %dma_start3A_1325 = arith.constant 0 : i32
      %dma_start3A_1326 = tpu.memref_slice %arg8[%dma_start3A_1324, %dma_start3A_1325] : memref<10112x128xf32, #tpu.memory_space<vmem_shared>> -> memref<10112x128xf32, #tpu.memory_space<vmem_shared>>
      tpu.enqueue_indirect_dma source(%dma_start3A_1320 : memref<56x128xf32, #tpu.memory_space<vmem>>) target(%dma_start3A_1326 : memref<10112x128xf32, #tpu.memory_space<vmem_shared>>) offsets(%dma_start3A_1323 : memref<56xi32, #tpu.memory_space<vmem>>) semaphore(%arg31 : memref<!tpu.dma_semaphore, #tpu.memory_space<semaphore_mem>>) {add = true}
      %dma_wait3A_1327 = arith.constant 11 : i32
      %dma_wait3A_1328 = arith.constant 0 : i32
      %dma_wait3A_1329 = arith.constant 5 : i32
      %dma_wait3A_1330 = arith.constant 0 : i32
      %dma_wait3A_1331 = arith.constant 0 : i32
      %dma_wait3A_1332 = tpu.memref_slice %arg7[%dma_wait3A_1329, %dma_wait3A_1330, %dma_wait3A_1331] : memref<6x56x128xf32, #tpu.memory_space<vmem>> -> memref<1x56x128xf32, #tpu.memory_space<vmem>>
      %dma_wait3A_1333 = tpu.memref_squeeze %dma_wait3A_1332 : memref<1x56x128xf32, #tpu.memory_space<vmem>> -> memref<56x128xf32, #tpu.memory_space<vmem>>
      %dma_wait3A_1334 = arith.constant 0 : i32
      %dma_wait3A_1335 = tpu.memref_slice %arg6[%dma_wait3A_1327, %dma_wait3A_1328, %dma_wait3A_1334] : memref<12x2x56xi32, #tpu.memory_space<vmem>> -> memref<1x1x56xi32, #tpu.memory_space<vmem>>
      %dma_wait3A_1336 = tpu.memref_squeeze %dma_wait3A_1335 : memref<1x1x56xi32, #tpu.memory_space<vmem>> -> memref<56xi32, #tpu.memory_space<vmem>>
      %dma_wait3A_1337 = arith.constant 0 : i32
      %dma_wait3A_1338 = arith.constant 0 : i32
      %dma_wait3A_1339 = tpu.memref_slice %arg3[%dma_wait3A_1337, %dma_wait3A_1338] : memref<10000x128xf32, #tpu.memory_space<hbm>> -> memref<10000x128xf32, #tpu.memory_space<hbm>>
      tpu.wait_indirect_dma semaphore(%arg26 : memref<!tpu.dma_semaphore, #tpu.memory_space<semaphore_mem>>) src(%dma_wait3A_1339 : memref<10000x128xf32, #tpu.memory_space<hbm>>) dst(%dma_wait3A_1333 : memref<56x128xf32, #tpu.memory_space<vmem>>)
      %dma_start3A_1340 = arith.constant 5 : i32
      %dma_start3A_1341 = arith.constant 11 : i32
      %dma_start3A_1342 = arith.constant 1 : i32
      %dma_start3A_1343 = arith.constant 0 : i32
      %dma_start3A_1344 = arith.constant 0 : i32
      %dma_start3A_1345 = tpu.memref_slice %arg7[%dma_start3A_1340, %dma_start3A_1343, %dma_start3A_1344] : memref<6x56x128xf32, #tpu.memory_space<vmem>> -> memref<1x56x128xf32, #tpu.memory_space<vmem>>
      %dma_start3A_1346 = tpu.memref_squeeze %dma_start3A_1345 : memref<1x56x128xf32, #tpu.memory_space<vmem>> -> memref<56x128xf32, #tpu.memory_space<vmem>>
      %dma_start3A_1347 = arith.constant 0 : i32
      %dma_start3A_1348 = tpu.memref_slice %arg6[%dma_start3A_1341, %dma_start3A_1342, %dma_start3A_1347] : memref<12x2x56xi32, #tpu.memory_space<vmem>> -> memref<1x1x56xi32, #tpu.memory_space<vmem>>
      %dma_start3A_1349 = tpu.memref_squeeze %dma_start3A_1348 : memref<1x1x56xi32, #tpu.memory_space<vmem>> -> memref<56xi32, #tpu.memory_space<vmem>>
      %dma_start3A_1350 = arith.constant 0 : i32
      %dma_start3A_1351 = arith.constant 0 : i32
      %dma_start3A_1352 = tpu.memref_slice %arg8[%dma_start3A_1350, %dma_start3A_1351] : memref<10112x128xf32, #tpu.memory_space<vmem_shared>> -> memref<10112x128xf32, #tpu.memory_space<vmem_shared>>
      tpu.enqueue_indirect_dma source(%dma_start3A_1346 : memref<56x128xf32, #tpu.memory_space<vmem>>) target(%dma_start3A_1352 : memref<10112x128xf32, #tpu.memory_space<vmem_shared>>) offsets(%dma_start3A_1349 : memref<56xi32, #tpu.memory_space<vmem>>) semaphore(%arg32 : memref<!tpu.dma_semaphore, #tpu.memory_space<semaphore_mem>>) {add = true}
    }
    %dma_wait3A = arith.constant 0 : i32
    %dma_wait3A_121 = arith.constant 6 : i32
    %dma_wait3A_122 = arith.constant 1 : i32
    %dma_wait3A_123 = arith.constant 0 : i32
    %dma_wait3A_124 = arith.constant 0 : i32
    %dma_wait3A_125 = tpu.memref_slice %arg7[%dma_wait3A, %dma_wait3A_123, %dma_wait3A_124] : memref<6x56x128xf32, #tpu.memory_space<vmem>> -> memref<1x56x128xf32, #tpu.memory_space<vmem>>
    %dma_wait3A_126 = tpu.memref_squeeze %dma_wait3A_125 : memref<1x56x128xf32, #tpu.memory_space<vmem>> -> memref<56x128xf32, #tpu.memory_space<vmem>>
    %dma_wait3A_127 = arith.constant 0 : i32
    %dma_wait3A_128 = tpu.memref_slice %arg6[%dma_wait3A_121, %dma_wait3A_122, %dma_wait3A_127] : memref<12x2x56xi32, #tpu.memory_space<vmem>> -> memref<1x1x56xi32, #tpu.memory_space<vmem>>
    %dma_wait3A_129 = tpu.memref_squeeze %dma_wait3A_128 : memref<1x1x56xi32, #tpu.memory_space<vmem>> -> memref<56xi32, #tpu.memory_space<vmem>>
    %dma_wait3A_130 = arith.constant 0 : i32
    %dma_wait3A_131 = arith.constant 0 : i32
    %dma_wait3A_132 = tpu.memref_slice %arg8[%dma_wait3A_130, %dma_wait3A_131] : memref<10112x128xf32, #tpu.memory_space<vmem_shared>> -> memref<10112x128xf32, #tpu.memory_space<vmem_shared>>
    tpu.wait_indirect_dma semaphore(%arg27 : memref<!tpu.dma_semaphore, #tpu.memory_space<semaphore_mem>>) src(%dma_wait3A_126 : memref<56x128xf32, #tpu.memory_space<vmem>>) dst(%dma_wait3A_132 : memref<10112x128xf32, #tpu.memory_space<vmem_shared>>)
    %dma_wait3A_133 = arith.constant 0 : i32
    %dma_wait3A_134 = arith.constant 0 : i32
    %dma_wait3A_135 = arith.constant 0 : i32
    %dma_wait3A_136 = arith.constant 0 : i32
    %dma_wait3A_137 = tpu.memref_slice %arg6[%dma_wait3A_134, %dma_wait3A_135, %dma_wait3A_136] : memref<12x2x56xi32, #tpu.memory_space<vmem>> -> memref<1x2x56xi32, #tpu.memory_space<vmem>>
    %dma_wait3A_138 = tpu.memref_squeeze %dma_wait3A_137 : memref<1x2x56xi32, #tpu.memory_space<vmem>> -> memref<2x56xi32, #tpu.memory_space<vmem>>
    %dma_wait3A_139 = arith.constant 0 : i32
    %dma_wait3A_140 = arith.constant 0 : i32
    %dma_wait3A_141 = tpu.memref_slice %arg2[%add3A, %dma_wait3A_133, %dma_wait3A_139, %dma_wait3A_140] : memref<32x186x2x56xi32, #tpu.memory_space<hbm>> -> memref<1x1x2x56xi32, #tpu.memory_space<hbm>>
    %dma_wait3A_142 = tpu.memref_squeeze %dma_wait3A_141 : memref<1x1x2x56xi32, #tpu.memory_space<hbm>> -> memref<2x56xi32, #tpu.memory_space<hbm>>
    %dma_wait3A_143 = arith.constant 0 : i32
    %dma_wait3A_144 = arith.constant 0 : i32
    %dma_wait3A_145 = tpu.memref_slice %arg6[%dma_wait3A_134, %dma_wait3A_143, %dma_wait3A_144] : memref<12x2x56xi32, #tpu.memory_space<vmem>> -> memref<1x2x56xi32, #tpu.memory_space<vmem>>
    %dma_wait3A_146 = tpu.memref_squeeze %dma_wait3A_145 : memref<1x2x56xi32, #tpu.memory_space<vmem>> -> memref<2x56xi32, #tpu.memory_space<vmem>>
    %dma_wait3A_147 = arith.constant 0 : i32
    %dma_wait3A_148 = arith.constant 0 : i32
    %dma_wait3A_149 = tpu.memref_slice %arg2[%add3A, %dma_wait3A_133, %dma_wait3A_147, %dma_wait3A_148] : memref<32x186x2x56xi32, #tpu.memory_space<hbm>> -> memref<1x1x2x56xi32, #tpu.memory_space<hbm>>
    %dma_wait3A_150 = tpu.memref_squeeze %dma_wait3A_149 : memref<1x1x2x56xi32, #tpu.memory_space<hbm>> -> memref<2x56xi32, #tpu.memory_space<hbm>>
    tpu.wait_dma2 semaphore(%arg9 : memref<!tpu.dma_semaphore, #tpu.memory_space<semaphore_mem>>) src(%dma_wait3A_150 : memref<2x56xi32, #tpu.memory_space<hbm>>) dst(%dma_wait3A_146 : memref<2x56xi32, #tpu.memory_space<vmem>>)
    %dma_wait3A_151 = arith.constant 1 : i32
    %dma_wait3A_152 = arith.constant 7 : i32
    %dma_wait3A_153 = arith.constant 1 : i32
    %dma_wait3A_154 = arith.constant 0 : i32
    %dma_wait3A_155 = arith.constant 0 : i32
    %dma_wait3A_156 = tpu.memref_slice %arg7[%dma_wait3A_151, %dma_wait3A_154, %dma_wait3A_155] : memref<6x56x128xf32, #tpu.memory_space<vmem>> -> memref<1x56x128xf32, #tpu.memory_space<vmem>>
    %dma_wait3A_157 = tpu.memref_squeeze %dma_wait3A_156 : memref<1x56x128xf32, #tpu.memory_space<vmem>> -> memref<56x128xf32, #tpu.memory_space<vmem>>
    %dma_wait3A_158 = arith.constant 0 : i32
    %dma_wait3A_159 = tpu.memref_slice %arg6[%dma_wait3A_152, %dma_wait3A_153, %dma_wait3A_158] : memref<12x2x56xi32, #tpu.memory_space<vmem>> -> memref<1x1x56xi32, #tpu.memory_space<vmem>>
    %dma_wait3A_160 = tpu.memref_squeeze %dma_wait3A_159 : memref<1x1x56xi32, #tpu.memory_space<vmem>> -> memref<56xi32, #tpu.memory_space<vmem>>
    %dma_wait3A_161 = arith.constant 0 : i32
    %dma_wait3A_162 = arith.constant 0 : i32
    %dma_wait3A_163 = tpu.memref_slice %arg8[%dma_wait3A_161, %dma_wait3A_162] : memref<10112x128xf32, #tpu.memory_space<vmem_shared>> -> memref<10112x128xf32, #tpu.memory_space<vmem_shared>>
    tpu.wait_indirect_dma semaphore(%arg28 : memref<!tpu.dma_semaphore, #tpu.memory_space<semaphore_mem>>) src(%dma_wait3A_157 : memref<56x128xf32, #tpu.memory_space<vmem>>) dst(%dma_wait3A_163 : memref<10112x128xf32, #tpu.memory_space<vmem_shared>>)
    %dma_wait3A_164 = arith.constant 0 : i32
    %dma_wait3A_165 = arith.constant 1 : i32
    %dma_wait3A_166 = arith.constant 0 : i32
    %dma_wait3A_167 = arith.constant 0 : i32
    %dma_wait3A_168 = tpu.memref_slice %arg6[%dma_wait3A_165, %dma_wait3A_166, %dma_wait3A_167] : memref<12x2x56xi32, #tpu.memory_space<vmem>> -> memref<1x2x56xi32, #tpu.memory_space<vmem>>
    %dma_wait3A_169 = tpu.memref_squeeze %dma_wait3A_168 : memref<1x2x56xi32, #tpu.memory_space<vmem>> -> memref<2x56xi32, #tpu.memory_space<vmem>>
    %dma_wait3A_170 = arith.constant 0 : i32
    %dma_wait3A_171 = arith.constant 0 : i32
    %dma_wait3A_172 = tpu.memref_slice %arg2[%add3A, %dma_wait3A_164, %dma_wait3A_170, %dma_wait3A_171] : memref<32x186x2x56xi32, #tpu.memory_space<hbm>> -> memref<1x1x2x56xi32, #tpu.memory_space<hbm>>
    %dma_wait3A_173 = tpu.memref_squeeze %dma_wait3A_172 : memref<1x1x2x56xi32, #tpu.memory_space<hbm>> -> memref<2x56xi32, #tpu.memory_space<hbm>>
    %dma_wait3A_174 = arith.constant 0 : i32
    %dma_wait3A_175 = arith.constant 0 : i32
    %dma_wait3A_176 = tpu.memref_slice %arg6[%dma_wait3A_165, %dma_wait3A_174, %dma_wait3A_175] : memref<12x2x56xi32, #tpu.memory_space<vmem>> -> memref<1x2x56xi32, #tpu.memory_space<vmem>>
    %dma_wait3A_177 = tpu.memref_squeeze %dma_wait3A_176 : memref<1x2x56xi32, #tpu.memory_space<vmem>> -> memref<2x56xi32, #tpu.memory_space<vmem>>
    %dma_wait3A_178 = arith.constant 0 : i32
    %dma_wait3A_179 = arith.constant 0 : i32
    %dma_wait3A_180 = tpu.memref_slice %arg2[%add3A, %dma_wait3A_164, %dma_wait3A_178, %dma_wait3A_179] : memref<32x186x2x56xi32, #tpu.memory_space<hbm>> -> memref<1x1x2x56xi32, #tpu.memory_space<hbm>>
    %dma_wait3A_181 = tpu.memref_squeeze %dma_wait3A_180 : memref<1x1x2x56xi32, #tpu.memory_space<hbm>> -> memref<2x56xi32, #tpu.memory_space<hbm>>
    tpu.wait_dma2 semaphore(%arg10 : memref<!tpu.dma_semaphore, #tpu.memory_space<semaphore_mem>>) src(%dma_wait3A_181 : memref<2x56xi32, #tpu.memory_space<hbm>>) dst(%dma_wait3A_177 : memref<2x56xi32, #tpu.memory_space<vmem>>)
    %dma_wait3A_182 = arith.constant 2 : i32
    %dma_wait3A_183 = arith.constant 8 : i32
    %dma_wait3A_184 = arith.constant 1 : i32
    %dma_wait3A_185 = arith.constant 0 : i32
    %dma_wait3A_186 = arith.constant 0 : i32
    %dma_wait3A_187 = tpu.memref_slice %arg7[%dma_wait3A_182, %dma_wait3A_185, %dma_wait3A_186] : memref<6x56x128xf32, #tpu.memory_space<vmem>> -> memref<1x56x128xf32, #tpu.memory_space<vmem>>
    %dma_wait3A_188 = tpu.memref_squeeze %dma_wait3A_187 : memref<1x56x128xf32, #tpu.memory_space<vmem>> -> memref<56x128xf32, #tpu.memory_space<vmem>>
    %dma_wait3A_189 = arith.constant 0 : i32
    %dma_wait3A_190 = tpu.memref_slice %arg6[%dma_wait3A_183, %dma_wait3A_184, %dma_wait3A_189] : memref<12x2x56xi32, #tpu.memory_space<vmem>> -> memref<1x1x56xi32, #tpu.memory_space<vmem>>
    %dma_wait3A_191 = tpu.memref_squeeze %dma_wait3A_190 : memref<1x1x56xi32, #tpu.memory_space<vmem>> -> memref<56xi32, #tpu.memory_space<vmem>>
    %dma_wait3A_192 = arith.constant 0 : i32
    %dma_wait3A_193 = arith.constant 0 : i32
    %dma_wait3A_194 = tpu.memref_slice %arg8[%dma_wait3A_192, %dma_wait3A_193] : memref<10112x128xf32, #tpu.memory_space<vmem_shared>> -> memref<10112x128xf32, #tpu.memory_space<vmem_shared>>
    tpu.wait_indirect_dma semaphore(%arg29 : memref<!tpu.dma_semaphore, #tpu.memory_space<semaphore_mem>>) src(%dma_wait3A_188 : memref<56x128xf32, #tpu.memory_space<vmem>>) dst(%dma_wait3A_194 : memref<10112x128xf32, #tpu.memory_space<vmem_shared>>)
    %dma_wait3A_195 = arith.constant 0 : i32
    %dma_wait3A_196 = arith.constant 2 : i32
    %dma_wait3A_197 = arith.constant 0 : i32
    %dma_wait3A_198 = arith.constant 0 : i32
    %dma_wait3A_199 = tpu.memref_slice %arg6[%dma_wait3A_196, %dma_wait3A_197, %dma_wait3A_198] : memref<12x2x56xi32, #tpu.memory_space<vmem>> -> memref<1x2x56xi32, #tpu.memory_space<vmem>>
    %dma_wait3A_200 = tpu.memref_squeeze %dma_wait3A_199 : memref<1x2x56xi32, #tpu.memory_space<vmem>> -> memref<2x56xi32, #tpu.memory_space<vmem>>
    %dma_wait3A_201 = arith.constant 0 : i32
    %dma_wait3A_202 = arith.constant 0 : i32
    %dma_wait3A_203 = tpu.memref_slice %arg2[%add3A, %dma_wait3A_195, %dma_wait3A_201, %dma_wait3A_202] : memref<32x186x2x56xi32, #tpu.memory_space<hbm>> -> memref<1x1x2x56xi32, #tpu.memory_space<hbm>>
    %dma_wait3A_204 = tpu.memref_squeeze %dma_wait3A_203 : memref<1x1x2x56xi32, #tpu.memory_space<hbm>> -> memref<2x56xi32, #tpu.memory_space<hbm>>
    %dma_wait3A_205 = arith.constant 0 : i32
    %dma_wait3A_206 = arith.constant 0 : i32
    %dma_wait3A_207 = tpu.memref_slice %arg6[%dma_wait3A_196, %dma_wait3A_205, %dma_wait3A_206] : memref<12x2x56xi32, #tpu.memory_space<vmem>> -> memref<1x2x56xi32, #tpu.memory_space<vmem>>
    %dma_wait3A_208 = tpu.memref_squeeze %dma_wait3A_207 : memref<1x2x56xi32, #tpu.memory_space<vmem>> -> memref<2x56xi32, #tpu.memory_space<vmem>>
    %dma_wait3A_209 = arith.constant 0 : i32
    %dma_wait3A_210 = arith.constant 0 : i32
    %dma_wait3A_211 = tpu.memref_slice %arg2[%add3A, %dma_wait3A_195, %dma_wait3A_209, %dma_wait3A_210] : memref<32x186x2x56xi32, #tpu.memory_space<hbm>> -> memref<1x1x2x56xi32, #tpu.memory_space<hbm>>
    %dma_wait3A_212 = tpu.memref_squeeze %dma_wait3A_211 : memref<1x1x2x56xi32, #tpu.memory_space<hbm>> -> memref<2x56xi32, #tpu.memory_space<hbm>>
    tpu.wait_dma2 semaphore(%arg11 : memref<!tpu.dma_semaphore, #tpu.memory_space<semaphore_mem>>) src(%dma_wait3A_212 : memref<2x56xi32, #tpu.memory_space<hbm>>) dst(%dma_wait3A_208 : memref<2x56xi32, #tpu.memory_space<vmem>>)
    %dma_wait3A_213 = arith.constant 3 : i32
    %dma_wait3A_214 = arith.constant 9 : i32
    %dma_wait3A_215 = arith.constant 1 : i32
    %dma_wait3A_216 = arith.constant 0 : i32
    %dma_wait3A_217 = arith.constant 0 : i32
    %dma_wait3A_218 = tpu.memref_slice %arg7[%dma_wait3A_213, %dma_wait3A_216, %dma_wait3A_217] : memref<6x56x128xf32, #tpu.memory_space<vmem>> -> memref<1x56x128xf32, #tpu.memory_space<vmem>>
    %dma_wait3A_219 = tpu.memref_squeeze %dma_wait3A_218 : memref<1x56x128xf32, #tpu.memory_space<vmem>> -> memref<56x128xf32, #tpu.memory_space<vmem>>
    %dma_wait3A_220 = arith.constant 0 : i32
    %dma_wait3A_221 = tpu.memref_slice %arg6[%dma_wait3A_214, %dma_wait3A_215, %dma_wait3A_220] : memref<12x2x56xi32, #tpu.memory_space<vmem>> -> memref<1x1x56xi32, #tpu.memory_space<vmem>>
    %dma_wait3A_222 = tpu.memref_squeeze %dma_wait3A_221 : memref<1x1x56xi32, #tpu.memory_space<vmem>> -> memref<56xi32, #tpu.memory_space<vmem>>
    %dma_wait3A_223 = arith.constant 0 : i32
    %dma_wait3A_224 = arith.constant 0 : i32
    %dma_wait3A_225 = tpu.memref_slice %arg8[%dma_wait3A_223, %dma_wait3A_224] : memref<10112x128xf32, #tpu.memory_space<vmem_shared>> -> memref<10112x128xf32, #tpu.memory_space<vmem_shared>>
    tpu.wait_indirect_dma semaphore(%arg30 : memref<!tpu.dma_semaphore, #tpu.memory_space<semaphore_mem>>) src(%dma_wait3A_219 : memref<56x128xf32, #tpu.memory_space<vmem>>) dst(%dma_wait3A_225 : memref<10112x128xf32, #tpu.memory_space<vmem_shared>>)
    %dma_wait3A_226 = arith.constant 0 : i32
    %dma_wait3A_227 = arith.constant 3 : i32
    %dma_wait3A_228 = arith.constant 0 : i32
    %dma_wait3A_229 = arith.constant 0 : i32
    %dma_wait3A_230 = tpu.memref_slice %arg6[%dma_wait3A_227, %dma_wait3A_228, %dma_wait3A_229] : memref<12x2x56xi32, #tpu.memory_space<vmem>> -> memref<1x2x56xi32, #tpu.memory_space<vmem>>
    %dma_wait3A_231 = tpu.memref_squeeze %dma_wait3A_230 : memref<1x2x56xi32, #tpu.memory_space<vmem>> -> memref<2x56xi32, #tpu.memory_space<vmem>>
    %dma_wait3A_232 = arith.constant 0 : i32
    %dma_wait3A_233 = arith.constant 0 : i32
    %dma_wait3A_234 = tpu.memref_slice %arg2[%add3A, %dma_wait3A_226, %dma_wait3A_232, %dma_wait3A_233] : memref<32x186x2x56xi32, #tpu.memory_space<hbm>> -> memref<1x1x2x56xi32, #tpu.memory_space<hbm>>
    %dma_wait3A_235 = tpu.memref_squeeze %dma_wait3A_234 : memref<1x1x2x56xi32, #tpu.memory_space<hbm>> -> memref<2x56xi32, #tpu.memory_space<hbm>>
    %dma_wait3A_236 = arith.constant 0 : i32
    %dma_wait3A_237 = arith.constant 0 : i32
    %dma_wait3A_238 = tpu.memref_slice %arg6[%dma_wait3A_227, %dma_wait3A_236, %dma_wait3A_237] : memref<12x2x56xi32, #tpu.memory_space<vmem>> -> memref<1x2x56xi32, #tpu.memory_space<vmem>>
    %dma_wait3A_239 = tpu.memref_squeeze %dma_wait3A_238 : memref<1x2x56xi32, #tpu.memory_space<vmem>> -> memref<2x56xi32, #tpu.memory_space<vmem>>
    %dma_wait3A_240 = arith.constant 0 : i32
    %dma_wait3A_241 = arith.constant 0 : i32
    %dma_wait3A_242 = tpu.memref_slice %arg2[%add3A, %dma_wait3A_226, %dma_wait3A_240, %dma_wait3A_241] : memref<32x186x2x56xi32, #tpu.memory_space<hbm>> -> memref<1x1x2x56xi32, #tpu.memory_space<hbm>>
    %dma_wait3A_243 = tpu.memref_squeeze %dma_wait3A_242 : memref<1x1x2x56xi32, #tpu.memory_space<hbm>> -> memref<2x56xi32, #tpu.memory_space<hbm>>
    tpu.wait_dma2 semaphore(%arg12 : memref<!tpu.dma_semaphore, #tpu.memory_space<semaphore_mem>>) src(%dma_wait3A_243 : memref<2x56xi32, #tpu.memory_space<hbm>>) dst(%dma_wait3A_239 : memref<2x56xi32, #tpu.memory_space<vmem>>)
    %dma_wait3A_244 = arith.constant 4 : i32
    %dma_wait3A_245 = arith.constant 10 : i32
    %dma_wait3A_246 = arith.constant 1 : i32
    %dma_wait3A_247 = arith.constant 0 : i32
    %dma_wait3A_248 = arith.constant 0 : i32
    %dma_wait3A_249 = tpu.memref_slice %arg7[%dma_wait3A_244, %dma_wait3A_247, %dma_wait3A_248] : memref<6x56x128xf32, #tpu.memory_space<vmem>> -> memref<1x56x128xf32, #tpu.memory_space<vmem>>
    %dma_wait3A_250 = tpu.memref_squeeze %dma_wait3A_249 : memref<1x56x128xf32, #tpu.memory_space<vmem>> -> memref<56x128xf32, #tpu.memory_space<vmem>>
    %dma_wait3A_251 = arith.constant 0 : i32
    %dma_wait3A_252 = tpu.memref_slice %arg6[%dma_wait3A_245, %dma_wait3A_246, %dma_wait3A_251] : memref<12x2x56xi32, #tpu.memory_space<vmem>> -> memref<1x1x56xi32, #tpu.memory_space<vmem>>
    %dma_wait3A_253 = tpu.memref_squeeze %dma_wait3A_252 : memref<1x1x56xi32, #tpu.memory_space<vmem>> -> memref<56xi32, #tpu.memory_space<vmem>>
    %dma_wait3A_254 = arith.constant 0 : i32
    %dma_wait3A_255 = arith.constant 0 : i32
    %dma_wait3A_256 = tpu.memref_slice %arg8[%dma_wait3A_254, %dma_wait3A_255] : memref<10112x128xf32, #tpu.memory_space<vmem_shared>> -> memref<10112x128xf32, #tpu.memory_space<vmem_shared>>
    tpu.wait_indirect_dma semaphore(%arg31 : memref<!tpu.dma_semaphore, #tpu.memory_space<semaphore_mem>>) src(%dma_wait3A_250 : memref<56x128xf32, #tpu.memory_space<vmem>>) dst(%dma_wait3A_256 : memref<10112x128xf32, #tpu.memory_space<vmem_shared>>)
    %dma_wait3A_257 = arith.constant 0 : i32
    %dma_wait3A_258 = arith.constant 4 : i32
    %dma_wait3A_259 = arith.constant 0 : i32
    %dma_wait3A_260 = arith.constant 0 : i32
    %dma_wait3A_261 = tpu.memref_slice %arg6[%dma_wait3A_258, %dma_wait3A_259, %dma_wait3A_260] : memref<12x2x56xi32, #tpu.memory_space<vmem>> -> memref<1x2x56xi32, #tpu.memory_space<vmem>>
    %dma_wait3A_262 = tpu.memref_squeeze %dma_wait3A_261 : memref<1x2x56xi32, #tpu.memory_space<vmem>> -> memref<2x56xi32, #tpu.memory_space<vmem>>
    %dma_wait3A_263 = arith.constant 0 : i32
    %dma_wait3A_264 = arith.constant 0 : i32
    %dma_wait3A_265 = tpu.memref_slice %arg2[%add3A, %dma_wait3A_257, %dma_wait3A_263, %dma_wait3A_264] : memref<32x186x2x56xi32, #tpu.memory_space<hbm>> -> memref<1x1x2x56xi32, #tpu.memory_space<hbm>>
    %dma_wait3A_266 = tpu.memref_squeeze %dma_wait3A_265 : memref<1x1x2x56xi32, #tpu.memory_space<hbm>> -> memref<2x56xi32, #tpu.memory_space<hbm>>
    %dma_wait3A_267 = arith.constant 0 : i32
    %dma_wait3A_268 = arith.constant 0 : i32
    %dma_wait3A_269 = tpu.memref_slice %arg6[%dma_wait3A_258, %dma_wait3A_267, %dma_wait3A_268] : memref<12x2x56xi32, #tpu.memory_space<vmem>> -> memref<1x2x56xi32, #tpu.memory_space<vmem>>
    %dma_wait3A_270 = tpu.memref_squeeze %dma_wait3A_269 : memref<1x2x56xi32, #tpu.memory_space<vmem>> -> memref<2x56xi32, #tpu.memory_space<vmem>>
    %dma_wait3A_271 = arith.constant 0 : i32
    %dma_wait3A_272 = arith.constant 0 : i32
    %dma_wait3A_273 = tpu.memref_slice %arg2[%add3A, %dma_wait3A_257, %dma_wait3A_271, %dma_wait3A_272] : memref<32x186x2x56xi32, #tpu.memory_space<hbm>> -> memref<1x1x2x56xi32, #tpu.memory_space<hbm>>
    %dma_wait3A_274 = tpu.memref_squeeze %dma_wait3A_273 : memref<1x1x2x56xi32, #tpu.memory_space<hbm>> -> memref<2x56xi32, #tpu.memory_space<hbm>>
    tpu.wait_dma2 semaphore(%arg13 : memref<!tpu.dma_semaphore, #tpu.memory_space<semaphore_mem>>) src(%dma_wait3A_274 : memref<2x56xi32, #tpu.memory_space<hbm>>) dst(%dma_wait3A_270 : memref<2x56xi32, #tpu.memory_space<vmem>>)
    %dma_wait3A_275 = arith.constant 5 : i32
    %dma_wait3A_276 = arith.constant 11 : i32
    %dma_wait3A_277 = arith.constant 1 : i32
    %dma_wait3A_278 = arith.constant 0 : i32
    %dma_wait3A_279 = arith.constant 0 : i32
    %dma_wait3A_280 = tpu.memref_slice %arg7[%dma_wait3A_275, %dma_wait3A_278, %dma_wait3A_279] : memref<6x56x128xf32, #tpu.memory_space<vmem>> -> memref<1x56x128xf32, #tpu.memory_space<vmem>>
    %dma_wait3A_281 = tpu.memref_squeeze %dma_wait3A_280 : memref<1x56x128xf32, #tpu.memory_space<vmem>> -> memref<56x128xf32, #tpu.memory_space<vmem>>
    %dma_wait3A_282 = arith.constant 0 : i32
    %dma_wait3A_283 = tpu.memref_slice %arg6[%dma_wait3A_276, %dma_wait3A_277, %dma_wait3A_282] : memref<12x2x56xi32, #tpu.memory_space<vmem>> -> memref<1x1x56xi32, #tpu.memory_space<vmem>>
    %dma_wait3A_284 = tpu.memref_squeeze %dma_wait3A_283 : memref<1x1x56xi32, #tpu.memory_space<vmem>> -> memref<56xi32, #tpu.memory_space<vmem>>
    %dma_wait3A_285 = arith.constant 0 : i32
    %dma_wait3A_286 = arith.constant 0 : i32
    %dma_wait3A_287 = tpu.memref_slice %arg8[%dma_wait3A_285, %dma_wait3A_286] : memref<10112x128xf32, #tpu.memory_space<vmem_shared>> -> memref<10112x128xf32, #tpu.memory_space<vmem_shared>>
    tpu.wait_indirect_dma semaphore(%arg32 : memref<!tpu.dma_semaphore, #tpu.memory_space<semaphore_mem>>) src(%dma_wait3A_281 : memref<56x128xf32, #tpu.memory_space<vmem>>) dst(%dma_wait3A_287 : memref<10112x128xf32, #tpu.memory_space<vmem_shared>>)
    %dma_wait3A_288 = arith.constant 0 : i32
    %dma_wait3A_289 = arith.constant 5 : i32
    %dma_wait3A_290 = arith.constant 0 : i32
    %dma_wait3A_291 = arith.constant 0 : i32
    %dma_wait3A_292 = tpu.memref_slice %arg6[%dma_wait3A_289, %dma_wait3A_290, %dma_wait3A_291] : memref<12x2x56xi32, #tpu.memory_space<vmem>> -> memref<1x2x56xi32, #tpu.memory_space<vmem>>
    %dma_wait3A_293 = tpu.memref_squeeze %dma_wait3A_292 : memref<1x2x56xi32, #tpu.memory_space<vmem>> -> memref<2x56xi32, #tpu.memory_space<vmem>>
    %dma_wait3A_294 = arith.constant 0 : i32
    %dma_wait3A_295 = arith.constant 0 : i32
    %dma_wait3A_296 = tpu.memref_slice %arg2[%add3A, %dma_wait3A_288, %dma_wait3A_294, %dma_wait3A_295] : memref<32x186x2x56xi32, #tpu.memory_space<hbm>> -> memref<1x1x2x56xi32, #tpu.memory_space<hbm>>
    %dma_wait3A_297 = tpu.memref_squeeze %dma_wait3A_296 : memref<1x1x2x56xi32, #tpu.memory_space<hbm>> -> memref<2x56xi32, #tpu.memory_space<hbm>>
    %dma_wait3A_298 = arith.constant 0 : i32
    %dma_wait3A_299 = arith.constant 0 : i32
    %dma_wait3A_300 = tpu.memref_slice %arg6[%dma_wait3A_289, %dma_wait3A_298, %dma_wait3A_299] : memref<12x2x56xi32, #tpu.memory_space<vmem>> -> memref<1x2x56xi32, #tpu.memory_space<vmem>>
    %dma_wait3A_301 = tpu.memref_squeeze %dma_wait3A_300 : memref<1x2x56xi32, #tpu.memory_space<vmem>> -> memref<2x56xi32, #tpu.memory_space<vmem>>
    %dma_wait3A_302 = arith.constant 0 : i32
    %dma_wait3A_303 = arith.constant 0 : i32
    %dma_wait3A_304 = tpu.memref_slice %arg2[%add3A, %dma_wait3A_288, %dma_wait3A_302, %dma_wait3A_303] : memref<32x186x2x56xi32, #tpu.memory_space<hbm>> -> memref<1x1x2x56xi32, #tpu.memory_space<hbm>>
    %dma_wait3A_305 = tpu.memref_squeeze %dma_wait3A_304 : memref<1x1x2x56xi32, #tpu.memory_space<hbm>> -> memref<2x56xi32, #tpu.memory_space<hbm>>
    tpu.wait_dma2 semaphore(%arg14 : memref<!tpu.dma_semaphore, #tpu.memory_space<semaphore_mem>>) src(%dma_wait3A_305 : memref<2x56xi32, #tpu.memory_space<hbm>>) dst(%dma_wait3A_301 : memref<2x56xi32, #tpu.memory_space<vmem>>)
    %barrier3A_306 = arith.constant 0 : index
    tpu.barrier barrier_id(%barrier3A_306)
    %mul3A_307 = arith.constant 632 : i32
    %mul3A_308 = arith.muli %arg1, %mul3A_307 : i32
    "tpu.region"() ({
      %run_scoped3A = tpu.sem_alloc : memref<!tpu.dma_semaphore, #tpu.memory_space<semaphore_mem>>
      %dma_start3A_309 = arith.constant 0 : i32
      %dma_start3A_310 = tpu.memref_slice %arg5[%arg0, %mul3A_308, %dma_start3A_309] : memref<2x10112x128xf32, #tpu.memory_space<hbm>> -> memref<1x632x128xf32, #tpu.memory_space<hbm>>
      %dma_start3A_311 = tpu.memref_squeeze %dma_start3A_310 : memref<1x632x128xf32, #tpu.memory_space<hbm>> -> memref<632x128xf32, #tpu.memory_space<hbm>>
      %dma_start3A_312 = arith.constant 0 : i32
      %dma_start3A_313 = tpu.memref_slice %arg8[%mul3A_308, %dma_start3A_312] : memref<10112x128xf32, #tpu.memory_space<vmem_shared>> -> memref<632x128xf32, #tpu.memory_space<vmem_shared>>
      tpu.enqueue_dma source(%dma_start3A_313 : memref<632x128xf32, #tpu.memory_space<vmem_shared>>) target(%dma_start3A_311 : memref<632x128xf32, #tpu.memory_space<hbm>>) target_semaphore(%run_scoped3A : memref<!tpu.dma_semaphore, #tpu.memory_space<semaphore_mem>>)
      %dma_wait3A_314 = arith.constant 0 : i32
      %dma_wait3A_315 = tpu.memref_slice %arg5[%arg0, %mul3A_308, %dma_wait3A_314] : memref<2x10112x128xf32, #tpu.memory_space<hbm>> -> memref<1x632x128xf32, #tpu.memory_space<hbm>>
      %dma_wait3A_316 = tpu.memref_squeeze %dma_wait3A_315 : memref<1x632x128xf32, #tpu.memory_space<hbm>> -> memref<632x128xf32, #tpu.memory_space<hbm>>
      %dma_wait3A_317 = arith.constant 0 : i32
      %dma_wait3A_318 = tpu.memref_slice %arg8[%mul3A_308, %dma_wait3A_317] : memref<10112x128xf32, #tpu.memory_space<vmem_shared>> -> memref<632x128xf32, #tpu.memory_space<vmem_shared>>
      tpu.wait_dma2 semaphore(%run_scoped3A : memref<!tpu.dma_semaphore, #tpu.memory_space<semaphore_mem>>) src(%dma_wait3A_318 : memref<632x128xf32, #tpu.memory_space<vmem_shared>>) dst(%dma_wait3A_316 : memref<632x128xf32, #tpu.memory_space<hbm>>)
      tpu.yield
    }) : () -> ()
    return
  }
}

module attributes {stable_mosaic.version = 14 : i64} {
  func.func @_phi_body(%arg0: i32, %arg1: memref<2000x128xf32, #tpu.memory_space<vmem>>, %arg2: memref<128x128xf32, #tpu.memory_space<vmem>>, %arg3: memref<1x128xf32, #tpu.memory_space<vmem>>, %arg4: memref<128x128xf32, #tpu.memory_space<vmem>>, %arg5: memref<1x128xf32, #tpu.memory_space<vmem>>, %arg6: memref<2000x128xf32, #tpu.memory_space<vmem>>) attributes {dimension_semantics = [#tpu.dimension_semantics<arbitrary>], iteration_bounds = array<i64: 5>, scalar_prefetch = 0 : i64, scratch_operands = 0 : i64, tpu.core_type = #tpu.core_type<tc>, window_params = [{transform_indices = @transform_0, window_bounds = array<i64: 2000, 128>}, {pipeline_mode = #tpu.pipeline_mode<synchronous>, transform_indices = @transform_1, window_bounds = array<i64: 128, 128>}, {pipeline_mode = #tpu.pipeline_mode<synchronous>, transform_indices = @transform_2, window_bounds = array<i64: 1, 128>}, {pipeline_mode = #tpu.pipeline_mode<synchronous>, transform_indices = @transform_3, window_bounds = array<i64: 128, 128>}, {pipeline_mode = #tpu.pipeline_mode<synchronous>, transform_indices = @transform_4, window_bounds = array<i64: 1, 128>}, {transform_indices = @transform_5, window_bounds = array<i64: 2000, 128>}]} {
    %get3A = arith.constant 0 : index
    %get3A_0 = arith.constant 0 : index
    %get3A_1 = vector.load %arg1[%get3A, %get3A_0] : memref<2000x128xf32, #tpu.memory_space<vmem>>, vector<2000x128xf32>
    %get3A_2 = arith.constant 0 : index
    %get3A_3 = arith.constant 0 : index
    %get3A_4 = vector.load %arg2[%get3A_2, %get3A_3] : memref<128x128xf32, #tpu.memory_space<vmem>>, vector<128x128xf32>
    %dot_general3A = arith.constant dense<0.000000e+00> : vector<2000x128xf32>
    %dot_general3A_5 = tpu.matmul %get3A_1, %get3A_4, %dot_general3A {dimension_numbers = #tpu.dot_dimension_numbers<[1], [0], [0], [1], [0, 0, 1, 1], [], []>, transpose_lhs_hint = false} : vector<2000x128xf32>, vector<128x128xf32>, vector<2000x128xf32> -> vector<2000x128xf32>
    %get3A_6 = arith.constant 0 : index
    %get3A_7 = arith.constant 0 : index
    %get3A_8 = vector.load %arg3[%get3A_6, %get3A_7] : memref<1x128xf32, #tpu.memory_space<vmem>>, vector<1x128xf32>
    %add3A = vector.broadcast %get3A_8 : vector<1x128xf32> to vector<2000x128xf32>
    %add3A_9 = arith.addf %dot_general3A_5, %add3A : vector<2000x128xf32>
    %max3A = arith.constant 0.000000e+00 : f32
    %max3A_10 = vector.broadcast %max3A : f32 to vector<2000x128xf32>
    %max3A_11 = arith.maximumf %add3A_9, %max3A_10 : vector<2000x128xf32>
    %get3A_12 = arith.constant 0 : index
    %get3A_13 = arith.constant 0 : index
    %get3A_14 = vector.load %arg4[%get3A_12, %get3A_13] : memref<128x128xf32, #tpu.memory_space<vmem>>, vector<128x128xf32>
    %dot_general3A_15 = arith.constant dense<0.000000e+00> : vector<2000x128xf32>
    %dot_general3A_16 = tpu.matmul %max3A_11, %get3A_14, %dot_general3A_15 {dimension_numbers = #tpu.dot_dimension_numbers<[1], [0], [0], [1], [0, 0, 1, 1], [], []>, transpose_lhs_hint = false} : vector<2000x128xf32>, vector<128x128xf32>, vector<2000x128xf32> -> vector<2000x128xf32>
    %get3A_17 = arith.constant 0 : index
    %get3A_18 = arith.constant 0 : index
    %get3A_19 = vector.load %arg5[%get3A_17, %get3A_18] : memref<1x128xf32, #tpu.memory_space<vmem>>, vector<1x128xf32>
    %add3A_20 = vector.broadcast %get3A_19 : vector<1x128xf32> to vector<2000x128xf32>
    %add3A_21 = arith.addf %dot_general3A_16, %add3A_20 : vector<2000x128xf32>
    %max3A_22 = arith.constant 0.000000e+00 : f32
    %max3A_23 = vector.broadcast %max3A_22 : f32 to vector<2000x128xf32>
    %max3A_24 = arith.maximumf %add3A_21, %max3A_23 : vector<2000x128xf32>
    %swap3A = arith.constant 0 : index
    %swap3A_25 = arith.constant 0 : index
    %swap3A_26 = vector.load %arg6[%swap3A, %swap3A_25] : memref<2000x128xf32, #tpu.memory_space<vmem>>, vector<2000x128xf32>
    tpu.vector_store %arg6[%swap3A, %swap3A_25], %max3A_24 {strides = array<i32>} : memref<2000x128xf32, #tpu.memory_space<vmem>>, vector<2000x128xf32>,
    return
  }
  func.func @transform_0(%arg0: i32) -> (i32, i32) {
    %c0_i32 = arith.constant 0 : i32
    %c0_i32_0 = arith.constant 0 : i32
    return %arg0, %c0_i32 : i32, i32
  }
  func.func @transform_1(%arg0: i32) -> (i32, i32) {
    %c0_i32 = arith.constant 0 : i32
    %c0_i32_0 = arith.constant 0 : i32
    %c0_i32_1 = arith.constant 0 : i32
    return %c0_i32, %c0_i32_0 : i32, i32
  }
  func.func @transform_2(%arg0: i32) -> (i32, i32) {
    %c0_i32 = arith.constant 0 : i32
    %c0_i32_0 = arith.constant 0 : i32
    %c0_i32_1 = arith.constant 0 : i32
    return %c0_i32, %c0_i32_0 : i32, i32
  }
  func.func @transform_3(%arg0: i32) -> (i32, i32) {
    %c0_i32 = arith.constant 0 : i32
    %c0_i32_0 = arith.constant 0 : i32
    %c0_i32_1 = arith.constant 0 : i32
    return %c0_i32, %c0_i32_0 : i32, i32
  }
  func.func @transform_4(%arg0: i32) -> (i32, i32) {
    %c0_i32 = arith.constant 0 : i32
    %c0_i32_0 = arith.constant 0 : i32
    %c0_i32_1 = arith.constant 0 : i32
    return %c0_i32, %c0_i32_0 : i32, i32
  }
  func.func @transform_5(%arg0: i32) -> (i32, i32) {
    %c0_i32 = arith.constant 0 : i32
    %c0_i32_0 = arith.constant 0 : i32
    return %arg0, %c0_i32 : i32, i32
  }
}

module attributes {stable_mosaic.version = 14 : i64} {
  func.func @_rho_body(%arg0: i32, %arg1: memref<2000x128xf32, #tpu.memory_space<vmem>>, %arg2: memref<2000x128xf32, #tpu.memory_space<vmem>>, %arg3: memref<128x128xf32, #tpu.memory_space<vmem>>, %arg4: memref<1x128xf32, #tpu.memory_space<vmem>>, %arg5: memref<128x128xf32, #tpu.memory_space<vmem>>, %arg6: memref<1x128xf32, #tpu.memory_space<vmem>>, %arg7: memref<128x128xf32, #tpu.memory_space<vmem>>, %arg8: memref<1x128xf32, #tpu.memory_space<vmem>>, %arg9: memref<2000x128xf32, #tpu.memory_space<vmem>>) attributes {dimension_semantics = [#tpu.dimension_semantics<arbitrary>], iteration_bounds = array<i64: 5>, scalar_prefetch = 0 : i64, scratch_operands = 0 : i64, tpu.core_type = #tpu.core_type<tc>, window_params = [{transform_indices = @transform_0, window_bounds = array<i64: 2000, 128>}, {transform_indices = @transform_1, window_bounds = array<i64: 2000, 128>}, {pipeline_mode = #tpu.pipeline_mode<synchronous>, transform_indices = @transform_2, window_bounds = array<i64: 128, 128>}, {pipeline_mode = #tpu.pipeline_mode<synchronous>, transform_indices = @transform_3, window_bounds = array<i64: 1, 128>}, {pipeline_mode = #tpu.pipeline_mode<synchronous>, transform_indices = @transform_4, window_bounds = array<i64: 128, 128>}, {pipeline_mode = #tpu.pipeline_mode<synchronous>, transform_indices = @transform_5, window_bounds = array<i64: 1, 128>}, {pipeline_mode = #tpu.pipeline_mode<synchronous>, transform_indices = @transform_6, window_bounds = array<i64: 128, 128>}, {pipeline_mode = #tpu.pipeline_mode<synchronous>, transform_indices = @transform_7, window_bounds = array<i64: 1, 128>}, {transform_indices = @transform_8, window_bounds = array<i64: 2000, 128>}]} {
    %get3A = arith.constant 0 : index
    %get3A_0 = arith.constant 0 : index
    %get3A_1 = vector.load %arg1[%get3A, %get3A_0] : memref<2000x128xf32, #tpu.memory_space<vmem>>, vector<2000x128xf32>
    %get3A_2 = arith.constant 0 : index
    %get3A_3 = arith.constant 0 : index
    %get3A_4 = vector.load %arg2[%get3A_2, %get3A_3] : memref<2000x128xf32, #tpu.memory_space<vmem>>, vector<2000x128xf32>
    %add3A = arith.addf %get3A_1, %get3A_4 : vector<2000x128xf32>
    %get3A_5 = arith.constant 0 : index
    %get3A_6 = arith.constant 0 : index
    %get3A_7 = vector.load %arg3[%get3A_5, %get3A_6] : memref<128x128xf32, #tpu.memory_space<vmem>>, vector<128x128xf32>
    %dot_general3A = arith.constant dense<0.000000e+00> : vector<2000x128xf32>
    %dot_general3A_8 = tpu.matmul %add3A, %get3A_7, %dot_general3A {dimension_numbers = #tpu.dot_dimension_numbers<[1], [0], [0], [1], [0, 0, 1, 1], [], []>, transpose_lhs_hint = false} : vector<2000x128xf32>, vector<128x128xf32>, vector<2000x128xf32> -> vector<2000x128xf32>
    %get3A_9 = arith.constant 0 : index
    %get3A_10 = arith.constant 0 : index
    %get3A_11 = vector.load %arg4[%get3A_9, %get3A_10] : memref<1x128xf32, #tpu.memory_space<vmem>>, vector<1x128xf32>
    %add3A_12 = vector.broadcast %get3A_11 : vector<1x128xf32> to vector<2000x128xf32>
    %add3A_13 = arith.addf %dot_general3A_8, %add3A_12 : vector<2000x128xf32>
    %max3A = arith.constant 0.000000e+00 : f32
    %max3A_14 = vector.broadcast %max3A : f32 to vector<2000x128xf32>
    %max3A_15 = arith.maximumf %add3A_13, %max3A_14 : vector<2000x128xf32>
    %get3A_16 = arith.constant 0 : index
    %get3A_17 = arith.constant 0 : index
    %get3A_18 = vector.load %arg5[%get3A_16, %get3A_17] : memref<128x128xf32, #tpu.memory_space<vmem>>, vector<128x128xf32>
    %dot_general3A_19 = arith.constant dense<0.000000e+00> : vector<2000x128xf32>
    %dot_general3A_20 = tpu.matmul %max3A_15, %get3A_18, %dot_general3A_19 {dimension_numbers = #tpu.dot_dimension_numbers<[1], [0], [0], [1], [0, 0, 1, 1], [], []>, transpose_lhs_hint = false} : vector<2000x128xf32>, vector<128x128xf32>, vector<2000x128xf32> -> vector<2000x128xf32>
    %get3A_21 = arith.constant 0 : index
    %get3A_22 = arith.constant 0 : index
    %get3A_23 = vector.load %arg6[%get3A_21, %get3A_22] : memref<1x128xf32, #tpu.memory_space<vmem>>, vector<1x128xf32>
    %add3A_24 = vector.broadcast %get3A_23 : vector<1x128xf32> to vector<2000x128xf32>
    %add3A_25 = arith.addf %dot_general3A_20, %add3A_24 : vector<2000x128xf32>
    %max3A_26 = arith.constant 0.000000e+00 : f32
    %max3A_27 = vector.broadcast %max3A_26 : f32 to vector<2000x128xf32>
    %max3A_28 = arith.maximumf %add3A_25, %max3A_27 : vector<2000x128xf32>
    %get3A_29 = arith.constant 0 : index
    %get3A_30 = arith.constant 0 : index
    %get3A_31 = vector.load %arg7[%get3A_29, %get3A_30] : memref<128x128xf32, #tpu.memory_space<vmem>>, vector<128x128xf32>
    %dot_general3A_32 = arith.constant dense<0.000000e+00> : vector<2000x128xf32>
    %dot_general3A_33 = tpu.matmul %max3A_28, %get3A_31, %dot_general3A_32 {dimension_numbers = #tpu.dot_dimension_numbers<[1], [0], [0], [1], [0, 0, 1, 1], [], []>, transpose_lhs_hint = false} : vector<2000x128xf32>, vector<128x128xf32>, vector<2000x128xf32> -> vector<2000x128xf32>
    %get3A_34 = arith.constant 0 : index
    %get3A_35 = arith.constant 0 : index
    %get3A_36 = vector.load %arg8[%get3A_34, %get3A_35] : memref<1x128xf32, #tpu.memory_space<vmem>>, vector<1x128xf32>
    %add3A_37 = vector.broadcast %get3A_36 : vector<1x128xf32> to vector<2000x128xf32>
    %add3A_38 = arith.addf %dot_general3A_33, %add3A_37 : vector<2000x128xf32>
    %swap3A = arith.constant 0 : index
    %swap3A_39 = arith.constant 0 : index
    %swap3A_40 = vector.load %arg9[%swap3A, %swap3A_39] : memref<2000x128xf32, #tpu.memory_space<vmem>>, vector<2000x128xf32>
    tpu.vector_store %arg9[%swap3A, %swap3A_39], %add3A_38 {strides = array<i32>} : memref<2000x128xf32, #tpu.memory_space<vmem>>, vector<2000x128xf32>,
    return
  }
  func.func @transform_0(%arg0: i32) -> (i32, i32) {
    %c0_i32 = arith.constant 0 : i32
    %c0_i32_0 = arith.constant 0 : i32
    return %arg0, %c0_i32 : i32, i32
  }
  func.func @transform_1(%arg0: i32) -> (i32, i32) {
    %c0_i32 = arith.constant 0 : i32
    %c0_i32_0 = arith.constant 0 : i32
    return %arg0, %c0_i32 : i32, i32
  }
  func.func @transform_2(%arg0: i32) -> (i32, i32) {
    %c0_i32 = arith.constant 0 : i32
    %c0_i32_0 = arith.constant 0 : i32
    %c0_i32_1 = arith.constant 0 : i32
    return %c0_i32, %c0_i32_0 : i32, i32
  }
  func.func @transform_3(%arg0: i32) -> (i32, i32) {
    %c0_i32 = arith.constant 0 : i32
    %c0_i32_0 = arith.constant 0 : i32
    %c0_i32_1 = arith.constant 0 : i32
    return %c0_i32, %c0_i32_0 : i32, i32
  }
  func.func @transform_4(%arg0: i32) -> (i32, i32) {
    %c0_i32 = arith.constant 0 : i32
    %c0_i32_0 = arith.constant 0 : i32
    %c0_i32_1 = arith.constant 0 : i32
    return %c0_i32, %c0_i32_0 : i32, i32
  }
  func.func @transform_5(%arg0: i32) -> (i32, i32) {
    %c0_i32 = arith.constant 0 : i32
    %c0_i32_0 = arith.constant 0 : i32
    %c0_i32_1 = arith.constant 0 : i32
    return %c0_i32, %c0_i32_0 : i32, i32
  }
  func.func @transform_6(%arg0: i32) -> (i32, i32) {
    %c0_i32 = arith.constant 0 : i32
    %c0_i32_0 = arith.constant 0 : i32
    %c0_i32_1 = arith.constant 0 : i32
    return %c0_i32, %c0_i32_0 : i32, i32
  }
  func.func @transform_7(%arg0: i32) -> (i32, i32) {
    %c0_i32 = arith.constant 0 : i32
    %c0_i32_0 = arith.constant 0 : i32
    %c0_i32_1 = arith.constant 0 : i32
    return %c0_i32, %c0_i32_0 : i32, i32
  }
  func.func @transform_8(%arg0: i32) -> (i32, i32) {
    %c0_i32 = arith.constant 0 : i32
    %c0_i32_0 = arith.constant 0 : i32
    return %arg0, %c0_i32 : i32, i32
  }
}

</mosaic_0001>

<sc_bundles>
// kernel: gather_offload_async_start.1
scs
__scs_entry_jumppad:
0x0: {  	(pc) =	sbr.rel $0x88, $3  }
0x1: {  	(tag) =	ssettag $0x0;
	lr =	simm.s32 $0x1  }
0x2: {  	[smem:$0x3F94] =	sst lr;
	_ =	strace $0xD0000000  }
0x3: {  	_ = 	snop  }
0x4: {  	_ = 	snop  }
0x5: {  	_ = 	snop  }
0x6: {  	_ = 	snop  }
0x7: {  	_ = 	snop  }
__scs_overlays_trampoline_lowered:
0x8: {  	[smem:$0x3FA3] =	sst s0  }
0x9: {  	[smem:$0x3FA4] =	sst s1  }
0xa: {  	[smem:$0x3FA5] =	sst s2  }
0xb: {  	[smem:$0x3FA6] =	sst s3  }
0xc: {  	[smem:$0x3FA7] =	sst s4  }
0xd: {  	[smem:$0x3FA8] =	sst s5  }
0xe: {  	[smem:$0x3FA9] =	sst s6  }
0xf: {  	[smem:$0x3FAA] =	sst s7  }
0x10: {  	[smem:$0x3FAB] =	sst s8  }
0x11: {  	[smem:$0x3FAC] =	sst s9;
	s0 =	simm.s32 @!p0 $0x0  }
0x12: {  	s1 =	sld [smem:$0x3F92];
	s0 =	simm.s32 @p0 $0x1  }
0x13: {  	[smem:$0x3FAD] =	sst s0;
	s0 =	simm.s32 @!p1 $0x0  }
0x14: {  	s2 =	sld [smem:$0x3F91];
	s0 =	simm.s32 @p1 $0x1  }
0x15: {  	[smem:$0x3FAE] =	sst s0;
	s0 =	simm.s32 @!p2 $0x0  }
0x16: {  	s3 =	sld [smem:$0x3FDB];
	s0 =	simm.s32 @p2 $0x1  }
0x17: {  	s4 =	simm.s32 $0x1BF5;
	[smem:$0x3FB0] =	sst s0  }
0x18: {  	s0 =	sld [smem:$0x3F93];
	_ =	swait.ge [sflag:s4], $0x0  }
0x19: {  	s7 =	sld [smem:$0x3F94]  }
0x1a: {  	s8 =	sadd.s32 $0xFFFFE003, lr  }
0x1b: {  	s9 =	sadd.s32 $0xFFFFFEF7, lr;
	s5 =	simm.s32 $0xFFFFFFFF;
	p2 =	slt.u32 s8, $0xFFFFF086  }
0x1c: {  	p1 =	slt.u32 s9, $0xF7A;
	s5 =	simm.s32 @!p2 $0x0  }
0x1d: {  	s5 =	simm.s32 @p1 $0x1;
	p0 =	seq.s32 s7, s2  }
0x1e: {  	s7 =	smul.u32 @!p0 $0xF7A, s2;
	p2 =	seq.s32 @!p0 s5, $0x0  }
0x1f: {  	s9 =	smul.u32 $0xF7A, s1;
	s8 =	simm.s32 @!p0 $0x1BF5;
	p2 =	por !p2, p0  }
0x20: {  	[sflag:s8] =	ssyncset.s32 @!p0 $0xFFFFF086;
	s6 =	sadd.s32 @!p0 s3, s7;
	s7 =	simm.s32 @!p0 $0x108  }
0x21: {  	s3 =	sadd.s32 s3, s9;
	s6 =	sadd.s32 @!p0 $0x88, s6;
	s7 =	simm.s32 @p2 $0x1082  }
0x22: {  	[simem:s7], [sflag:s8] =	dma.local @!p0 [hbm:s6], $0xF7A  }
0x23: {  	s9 =	sor.u32 $0xD0000000, s2;
	s6 =	simm.s32 $0x108;
	_ =	swait.ge @!p0 [sflag:s8], $0x0  }
0x24: {  	s3 =	sadd.s32 $0x88, s3;
	s6 =	simm.s32 @!p1 $0x1082;
	[sflag:s4] =	ssyncset.s32 $0xFFFFF086  }
0x25: {  	[simem:s6], [sflag:s4] =	dma.local [hbm:s3], $0xF7A  }
0x26: {  	[smem:$0x3F94] =	sst s1;
	(tag) =	ssettag s2;
	_ =	strace s9  }
0x27: {  	s1 =	sld [smem:$0x3FA4]  }
0x28: {  	s2 =	sld [smem:$0x3FA5]  }
0x29: {  	s4 =	sld [smem:$0x3FA7]  }
0x2a: {  	p0 =	seq.s32 s5, $0x0;
	s5 =	sld [smem:$0x3FA8]  }
0x2b: {  	s6 =	sld [smem:$0x3FA9]  }
0x2c: {  	s7 =	sld [smem:$0x3FAA]  }
0x2d: {  	s3 =	simm.s32 $0x108;
	s8 =	sld [smem:$0x3FAB]  }
0x2e: {  	s3 =	simm.s32 @!p0 $0x1082;
	s9 =	sld [smem:$0x3FAC]  }
0x2f: {  	lr =	sadd.s32 s0, s3;
	s0 =	sld [smem:$0x3FA3]  }
0x30: {  	s3 =	sld [smem:$0x3FA6]  }
0x31: {  	[smem:$0x3FAF] =	sst s10  }
0x32: {  	s10 =	sld [smem:$0x3FAD];
	_ =	sdelay $0x3  }
0x33: {  	p0 =	seq.s32 s10, $0x1;
	s10 =	sld [smem:$0x3FAF];
	_ =	sdelay $0x3  }
0x34: {  	[smem:$0x3FAF] =	sst s10  }
0x35: {  	s10 =	sld [smem:$0x3FAE];
	_ =	sdelay $0x3  }
0x36: {  	p1 =	seq.s32 s10, $0x1;
	s10 =	sld [smem:$0x3FAF];
	_ =	sdelay $0x3  }
0x37: {  	[smem:$0x3FAF] =	sst s10  }
0x38: {  	s10 =	sld [smem:$0x3FB0]  }
0x39: {  	_ = 	snop;
	(pc) =	sbr.ind lr, $3  }
0x3a: {  	_ = 	snop  }
0x3b: {  	_ = 	snop  }
0x3c: {  	p2 =	seq.s32 s10, $0x1;
	s10 =	sld [smem:$0x3FAF]  }
0x3d: {  	_ =	shalt  }
0x3e: {  	_ =	shalt  }
0x3f: {  	_ =	shalt  }
0x40: {  	_ =	shalt  }
0x41: {  	_ =	shalt  }
0x42: {  	_ =	shalt  }
0x43: {  	_ =	shalt  }
0x44: {  	_ =	shalt  }
0x45: {  	_ =	shalt  }
0x46: {  	_ =	shalt  }
0x47: {  	_ =	shalt  }
0x48: {  	_ =	shalt  }
0x49: {  	_ =	shalt  }
0x4a: {  	_ =	shalt  }
0x4b: {  	_ =	shalt  }
0x4c: {  	_ =	shalt  }
0x4d: {  	_ =	shalt  }
0x4e: {  	_ =	shalt  }
0x4f: {  	_ =	shalt  }
0x50: {  	_ =	shalt  }
0x51: {  	_ =	shalt  }
0x52: {  	_ =	shalt  }
0x53: {  	_ =	shalt  }
0x54: {  	_ =	shalt  }
0x55: {  	_ =	shalt  }
0x56: {  	_ =	shalt  }
0x57: {  	_ =	shalt  }
0x58: {  	_ =	shalt  }
0x59: {  	_ =	shalt  }
0x5a: {  	_ =	shalt  }
0x5b: {  	_ =	shalt  }
0x5c: {  	_ =	shalt  }
0x5d: {  	_ =	shalt  }
0x5e: {  	_ =	shalt  }
0x5f: {  	_ =	shalt  }
0x60: {  	_ =	shalt  }
0x61: {  	_ =	shalt  }
0x62: {  	_ =	shalt  }
0x63: {  	_ =	shalt  }
0x64: {  	_ =	shalt  }
0x65: {  	_ =	shalt  }
0x66: {  	_ =	shalt  }
0x67: {  	_ =	shalt  }
0x68: {  	_ =	shalt  }
0x69: {  	_ =	shalt  }
0x6a: {  	_ =	shalt  }
0x6b: {  	_ =	shalt  }
0x6c: {  	_ =	shalt  }
0x6d: {  	_ =	shalt  }
0x6e: {  	_ =	shalt  }
0x6f: {  	_ =	shalt  }
0x70: {  	_ =	shalt  }
0x71: {  	_ =	shalt  }
0x72: {  	_ =	shalt  }
0x73: {  	_ =	shalt  }
0x74: {  	_ =	shalt  }
0x75: {  	_ =	shalt  }
0x76: {  	_ =	shalt  }
0x77: {  	_ =	shalt  }
0x78: {  	_ =	shalt  }
0x79: {  	_ =	shalt  }
0x7a: {  	_ =	shalt  }
0x7b: {  	_ =	shalt  }
0x7c: {  	_ =	shalt  }
0x7d: {  	_ =	shalt  }
0x7e: {  	_ =	shalt  }
0x7f: {  	_ =	shalt  }
0x80: {  	_ =	shalt  }
0x81: {  	_ =	shalt  }
0x82: {  	_ =	shalt  }
0x83: {  	_ =	shalt  }
0x84: {  	_ =	shalt  }
0x85: {  	_ =	shalt  }
0x86: {  	_ =	shalt  }
0x87: {  	_ =	shalt  }
.Lfunc_end0:
.L_simem_size_0:
called_computation.1_lowered:
.L_overlay_start_0:
0x88: {  	s2 =	sld [smem:$0x3FD9]  }
0x89: {  	s3 =	sld [smem:$0x3FFE];
	_ =	sdelay $0x1  }
0x8a: {  	s1 =	srdreg.scid  }
0x8b: {  	s0 =	sand.u32 $0x1, s1  }
0x8c: {  	s17 =	sshll.u32 s0, $0xA;
	s2 =	sadd.s32 s3, s2  }
0x8d: {  	s2 =	sadd.s32 s2, s17  }
0x8e: {  	[smem:$0x3FBB] =	sst s2  }
0x8f: {  	_ = 	snop  }
0x90: {  	(tm) =	ssettm $0x1  }
0x91: {  	s18 =	sld [smem:$0x3FFB];
	_ =	sdelay $0x3  }
0x92: {  	_ =	strace s18  }
0x93: {  	s2 =	sld [smem:$0x3FFC];
	_ =	sdelay $0x3  }
0x94: {  	_ =	strace s2  }
0x95: {  	s2 =	sld [smem:$0x3FFD];
	_ =	sdelay $0x3  }
0x96: {  	_ =	strace s2  }
0x97: {  	_ =	strace $0x8FFFFFFF  }
0x98: {  	s19 =	sld [smem:$0x3FDB];
	_ =	sdelay $0x1  }
0x99: {  	s20 =	simm.s32 $_scs_section_size  }
0x9a: {  	s4 =	simm.s32 $_size__tile_overlayer_lowered;
	s5 =	simm.s32 $_tile_overlayer_lowered  }
0x9b: {  	s6 =	simm.s32 $0x1BFF;
	s21 =	sshll.u32 s5, $0x1;
	s3 =	sadd.s32 s20, s19  }
0x9c: {  	s22 =	simm.s32 $0x0;
	s4 =	sshll.u32 s4, $0x1;
	s5 =	sadd.s32 s21, s3  }
0x9d: {  	[timem:s22], [sflag:s6] =	dma.local [hbm:s5], s4  }
0x9e: {  	_ =	swait.ge [sflag:s6], s4  }
0x9f: {  	s4 =	ssub.s32 $0x0, s4;
	[sflag:s6] =	ssyncset.done $0x0  }
0xa0: {  	[sflag:s6] =	ssyncadd.s32 s4;
	_ =	sdelay $0x1  }
0xa1: {  	s23 =	simm.s32 $0x1B8B  }
0xa2: {  	_ =	swait.ge [sflag:s23], $0x1  }
0xa3: {  	[sflag:s23] =	ssyncset.done $0x0  }
0xa4: {  	[sflag:s23] =	ssyncadd.s32 $0xFFFFFFFF  }
0xa5: {  	s4 =	sld [smem:$0x0]  }
0xa6: {  	s5 =	sand.u32 $0xFFFFFFFE, s1  }
0xa7: {  	p0 =	sne.s32 s1, s5  }
0xa8: {  	s5 =	sshll.u32 @p0 s5, $0xE  }
0xa9: {  	s5 =	sadd.s32 @p0 $0x11B8D, s5;
	s6 =	sshll.u32 @p0 s4, $0x11  }
0xaa: {  	s5 =	sor.u32 @p0 s6, s5  }
0xab: {  	[sflag:s5] =	ssyncadd.remote.s32 @p0 $0x1;
	_ =	sdelay $0x1  }
0xac: {  	s5 =	simm.s32 @p0 $0x1B8D  }
0xad: {  	_ =	swait.eq @p0 [sflag:s5], $0x1  }
0xae: {  	[sflag:s5] =	ssyncadd.s32 @p0 $0xFFFFFFFF  }
0xaf: {  	s6 =	sshll.u32 @!p0 s1, $0xE  }
0xb0: {  	s6 =	sor.u32 @!p0 $0x4000, s6;
	s5 =	simm.s32 @!p0 $0x1B8D  }
0xb1: {  	s4 =	sshll.u32 @!p0 s4, $0x11;
	s6 =	sadd.s32 @!p0 $0x11B8D, s6;
	_ =	swait.eq @!p0 [sflag:s5], $0x1  }
0xb2: {  	s4 =	sor.u32 @!p0 s4, s6;
	[sflag:s5] =	ssyncadd.s32 @!p0 $0xFFFFFFFF  }
0xb3: {  	s25 =	simm.s32 $0x1B8E;
	s24 =	sld [smem:$0x3FFE];
	[sflag:s4] =	ssyncadd.remote.s32 @!p0 $0x1  }
0xb4: {  	s26 =	simm.s32 $execute0_lowered;
	[smem:$0x3FD2] =	sst s25  }
0xb5: {  	s5 =	sshll.u32 s26, $0x1;
	_ =	strace $0x80000049;
	[dreg:$0x1] =	wrdreg $0xFFFFFFFF  }
0xb6: {  	s28 =	simm.s32 $_size_execute0_lowered;
	s3 =	sadd.s32 s3, s5;
	[dreg:$0x0] =	wrdreg $0x0  }
0xb7: {  	s5 =	sshll.u32 s28, $0x1;
	[dreg:$0x2] =	wrdreg s3  }
0xb8: {  	[dreg:$0x3] =	wrdreg s5  }
0xb9: {  	[dreg:$0x4] =	wrdreg $0xC0  }
0xba: {  	_ =	task [dreg:s22], $0x5FFFF  }
0xbb: {  	[dreg:$0x1] =	wrdreg $0xFFFFFFFF  }
0xbc: {  	[dreg:$0x0] =	wrdreg $0x60  }
0xbd: {  	[dreg:$0x2] =	wrdreg s24  }
0xbe: {  	[dreg:$0x3] =	wrdreg $0xA  }
0xbf: {  	_ =	task.clear_ibuf [dreg:s22], $0x4FFFF;
	_ =	strace $0x90000049  }
0xc0: {  	s29 =	simm.s32 $0xA;
	_ =	strace $0x8000004B  }
0xc1: {  	_ =	swait.ge [sflag:s29], $0x1  }
0xc2: {  	[sflag:s29] =	ssyncadd.s32 $0xFFFFFFFF  }
0xc3: {  	_ =	strace $0x9000004B  }
0xc4: {  	_ =	sfence  }
0xc5: {  	s30 =	sld [smem:$0x0];
	_ =	sdelay $0x2  }
0xc6: {  	s31 =	sshll.u32 s1, $0xD;
	s1 =	sshrl.u32 s1, $0x2  }
0xc7: {  	s4 =	sand.u32 $0x4000, s31;
	s1 =	sadd.s32 s1, s30  }
0xc8: {  	s0 =	sor.u32 s4, s0;
	s1 =	sshll.u32 s1, $0x11  }
0xc9: {  	s0 =	sor.u32 s1, s0  }
0xca: {  	s0 =	sadd.s32 $0x8F2B, s0  }
0xcb: {  	[sflag:s0] =	ssyncadd.remote.s32 $0x1  }
0xcc: {  	_ =	sfence.sel $0xFFFF  }
0xcd: {  	[dreg:$0x0] =	wrdreg $0xFFFFFFFF;
	(pc) =	sbr.abs _section_cstart, $3  }
0xce: {  	[dreg:$0x1] =	wrdreg $0xFFFFFFFF  }
0xcf: {  	_ =	task.clear_ibuf [dreg:s22], $0x2FFFF;
	_ =	strace $0x9FFFFFFF  }
0xd0: {  	(tm) =	ssettm $0x7FFFFFFF  }
0xd1: {  	_ =	shalt  }
tec
execute0_lowered:
.L_overlay_start_1:
0x0: {  	(tag) =	ssettag $0x1  }
0x1: {  	s8 =	rddreg [dreg:$0x0];
	s1 =	stileid.u32  }
0x2: {  	s2 =	srdreg.scid;
	s0 =	rddreg [dreg:$0x1]  }
0x3: {  	_ =	strace $0x8000004A;
	s5 =	simm.s32 $0x1;
	s9 =	simm.s32 $0x1  }
0x4: {  	s10 =	simm.s32 $0x3;
	s2 =	sand.u32 $0x1, s2;
	s3 =	sshll.u32 s1, $0x1  }
0x5: {  	s13 =	simm.s32 $0x0;
	s12 =	simm.s32 $0x0;
	s6 =	sor.u32 s3, s2  }
0x6: {  	[sflag:s5] =	ssyncpa.u1 $0x0;
	s2 =	sadd.s32 $0xCE00, s8;
	s4 =	smul.u32 $0x2300, s6  }
0x7: {  	s3 =	sadd.s32 $0x16C00, s8;
	p0 =	slt.u32 s6, $0x5;
	s6 =	simm.s32 $0x46000  }
.Ltmp0:
0x8: {  	s6 =	simm.s32 @!p0 $0x0;
	s7 =	ssub.s32 $0x4EC00, s4;
	(pc) =	sbr.rel .LBB2_1-.Ltmp0, $4  }
0x9: {  	s9 =	simm.s32 @!p0 $0x0;
	p0 =	sne.s32 s7, s6;
	s7 =	simm.s32 $0x1  }
0xa: {  	s8 =	sadd.s32 $0x2A800, s8;
	s6 =	simm.s32 $0x2;
	s7 =	simm.s32 @!p0 $0x0  }
0xb: {  	s11 =	smov.u32 s4;
	[sflag:s6] =	ssyncpa.u1 $0x0;
	s7 =	sadd.s32 s9, s7  }
0xc: {  	vm0 =	vmmov $0xffff;
	[sflag:s10] =	ssyncpa.u1 $0x0;
	s10 =	simm.s32 $0x0;
	s9 =	sadd.s32 $0x1, s7  }
.LBB2_4:
0xd: {  	v2 =	vnsel vm1, $0x0, v2  }
0xe: {  	vm1 =	vgt.s32 v0, $0x0;
	v2 =	vmin.u32 v2, $0x4EBFF  }
0xf: {  	v0 =	vnsel vm1, $0x0, v0  }
0x10: {  	v0 =	vmin.u32 v0, $0x4EBFF  }
0x11: {  	[tilespmem:s18], [sflag:$0x1] =	stream.indirect_vreg.gather [hbm4b:s2+s10], $0x1, v1, vm0, $0x4038;
	[tilespmem:$0x8C00] =	vst v63  }
0x12: {  	(ifvalue) =	ssetifvalue $0x7FFFFFFF  }
0x13: {  	[tilespmem:s15], [sflag:$0x1] =	stream.indirect_vreg.gather [hbm4b:s2+s10], $0x1, v2, vm0, $0x4038;
	[tilespmem:$0x8C00] =	vst v63  }
0x14: {  	s29 =	sadd.s32 $0x10, s15;
	(ifvalue) =	ssetifvalue $0x7FFFFFFF  }
0x15: {  	[tilespmem:s29], [sflag:$0x1] =	stream.indirect_vreg.gather [hbm4b:s2+s10], $0x1, v0, vm0, $0x4038;
	[tilespmem:$0x8C00] =	vst v63  }
0x16: {  	_ =	swait.ge [sflag:s5], $0x2300  }
0x17: {  	s30 =	sshrl.u32 s13, $0x3;
	[sflag:s5] =	ssyncset.done $0x0  }
0x18: {  	s31 =	sand.u32 $0x7, s13;
	s15 =	sadd.s32 s8, s30;
	[sflag:s5] =	ssyncadd.s32 $0xFFFFDD00  }
0x19: {  	[hbm4b:s15+s31] =	stream.linear.scatter [tilespmem:s14], [sflag:$0x3], $0x2300, $0x38;
	[tilespmem:$0x8C00] =	vst v63  }
.LBB2_5:
0x1a: {  	s15 =	sadd.s32 $0x46000, s11  }
0x1b: {  	p1 =	sgt.s32 s15, $0x4EBFF  }
0x1c: {  	s15 =	smov.u32 @p1 s4;
	p1 =	sne.s32 s12, s9  }
.Ltmp1:
0x1d: {  	p0 =	slt.u32 s12, $0x2;
	(pc) =	sbr.rel @!p1 .LBB2_6-.Ltmp1, $4  }
0x1e: {  	s14 =	simm.s32 @!p0 $0x3  }
0x1f: {  	_ =	swait.ge @!p0 [sflag:s14], $0x2300  }
0x20: {  	s16 =	sadd.s32 $0x1, s12;
	s13 =	smov.u32 s11;
	[sflag:s14] =	ssyncset.done @!p0 $0x0  }
0x21: {  	s12 =	smov.u32 s16;
	s11 =	smov.u32 s15;
	[sflag:s14] =	ssyncadd.s32 @!p0 $0xFFFFDD00  }
.LBB2_1:
0x22: {  	p0 =	sge.u32 s12, s7  }
0x23: {  	s14 =	sxor.u32 @!p0 $0x1, s12  }
0x24: {  	s14 =	smul.u32 @!p0 $0x8C00, s14  }
0x25: {  	s31 =	sadd.s32 $0xFFFFFFFF, s12;
	s15 =	sshrl.u32 @!p0 s11, $0x3  }
0x26: {  	s16 =	sand.u32 @!p0 $0x7, s11;
	s15 =	sadd.s32 @!p0 s3, s15;
	s14 =	sshra.s32 @!p0 s14, $0x2  }
0x27: {  	[tilespmem:s14], [sflag:$0x2] =	stream.linear.gather @!p0 [hbm4b:s15+s16], $0x2300, $0x38;
	[tilespmem:$0x8C00] =	vst v63  }
0x28: {  	p0 =	sge.u32 s31, s7  }
.Ltmp2:
0x29: {  	_ = 	snop;
	(pc) =	sbr.rel @p0 .LBB2_5-.Ltmp2, $1  }
0x2a: {  	_ =	sdelay $0x3  }
0x2b: {  	s14 =	sand.u32 $0x1, s12  }
0x2c: {  	_ =	swait.ge [sflag:s6], $0x2300;
	p0 =	seq.s32 s14, $0x1;
	s14 =	simm.s32 $0x2300  }
0x2d: {  	[sflag:s6] =	ssyncset.done $0x0;
	s14 =	simm.s32 @!p0 $0x0  }
0x2e: {  	[sflag:s6] =	ssyncadd.s32 $0xFFFFDD00;
	(ifvalue) =	ssetifvalue $0x7FFFFFFF;
	v0 =	vld.msk [tilespmem:s14+$0x0 ss:$0x1], $0xffff;
	_ =	sdelay $0x4  }
0x2f: {  	s15 =	sadd.s32 $0x10, s14;
	vm1 =	vgt.s32 v0, $0x0  }
0x30: {  	v2 =	vld.msk [tilespmem:s15+$0x0 ss:$0x1], $0xffff;
	v1 =	vnsel vm1, $0x0, v0  }
0x31: {  	v1 =	vmin.u32 v1, $0x4EBFF;
	_ =	sdelay $0x2  }
0x32: {  	s17 =	simm.s32 $0x20;
	s14 =	sadd.s32 $0x4600, s14;
	s16 =	sadd.s32 $0x10, s15  }
0x33: {  	s15 =	sadd.s32 $0x10, s14;
	s18 =	smov.u32 s14;
	v0 =	vld.msk [tilespmem:s16+$0x0 ss:$0x1], $0xffff;
	vm1 =	vgt.s32 v2, $0x0;
	(ifvalue) =	ssetifvalue $0x7FFFFFFF  }
.LBB2_3:
0x34: {  	[tilespmem:s18], [sflag:$0x1] =	stream.indirect_vreg.gather [hbm4b:s2+s10], $0x1, v1, vm0, $0x4038;
	[tilespmem:$0x8C00] =	vst v63  }
0x35: {  	s17 =	sadd.s32 $0x10, s17  }
0x36: {  	v2 =	vnsel vm1, $0x0, v2;
	p0 =	slt.u32 s17, $0x22F0  }
.Ltmp3:
0x37: {  	s18 =	smov.u32 s15;
	v1 =	vmin.u32 v2, $0x4EBFF;
	(pc) =	sbr.rel @p0 .LBB2_3-.Ltmp3, $3  }
0x38: {  	_ =	sdelay $0x1  }
0x39: {  	s16 =	sadd.s32 $0x10, s16  }
0x3a: {  	vm1 =	vgt.s32 v0, $0x0;
	s15 =	sadd.s32 $0x10, s15;
	v2 =	vmov v0;
	(ifvalue) =	ssetifvalue $0x7FFFFFFF;
	v0 =	vld.msk [tilespmem:s16+$0x0 ss:$0x1], $0xffff  }
.Ltmp4:
0x3b: {  	_ = 	snop;
	(pc) =	sbr.rel .LBB2_4-.Ltmp4, $1  }
0x3c: {  	_ =	sdelay $0x3  }
.LBB2_6:
0x3d: {  	_ =	sfence.sel $0x180000  }
0x3e: {  	s2 =	simm.s32 $0x2;
	[bflag:$0x0] =	sbarrier.arrive $0xFFFF  }
0x3f: {  	s30 =	simm.s32 $0x3;
	[sflag:s2] =	ssyncpa.u1 $0x1  }
0x40: {  	s31 =	simm.s32 $0x1;
	[sflag:s30] =	ssyncpa.u1 $0x1  }
0x41: {  	[sflag:s31] =	ssyncpa.u1 $0x1  }
0x42: {  	p0 =	sne.s32 s1, $0x0;
	_ =	strace $0x9000004A  }
0x43: {  	s0 =	sadd.s32 @!p0 $0x100000, s0;
	[bflag:$0x2] =	sbarrier.arrive $0xFFFF  }
0x44: {  	[sflag:s0] =	ssyncadd.tile.s32 @!p0 $0x1;
	_ =	shalt  }
.Lfunc_end2:
_tile_overlayer_lowered:
.L_overlay_start_2:
0x45: {  	(tag) =	ssettag $0x2  }
0x46: {  	s0 =	rddreg [dreg:$0x0];
	s2 =	stileid.u32  }
0x47: {  	s1 =	rddreg [dreg:$0x1];
	p0 =	sne.s32 s2, $0x0  }
0x48: {  	s3 =	rddreg [dreg:$0x2];
	[bflag:$0x3] =	sbarrier.arrive $0xFFFF;
	s2 =	simm.s32 @!p0 $0x1C01  }
0x49: {  	[timem:s3], [sflag:s2] =	dma.local @!p0 [hbm:s0], s1  }
0x4a: {  	s0 =	simm.s32 @!p0 $0x1  }
0x4b: {  	_ =	swait.ge @!p0 [sflag:s0], s1  }
0x4c: {  	s1 =	ssub.s32 @!p0 $0x0, s1;
	[sflag:s0] =	ssyncset.done @!p0 $0x0  }
0x4d: {  	[sflag:s0] =	ssyncadd.s32 @!p0 s1  }
0x4e: {  	[bflag:$0x3] =	sbarrier.arrive $0xFFFF  }
0x4f: {  	_ =	shalt  }

// kernel: gather_offload_async_start
scs
__scs_entry_jumppad:
0x0: {  	(pc) =	sbr.rel $0x88, $3  }
0x1: {  	(tag) =	ssettag $0x0;
	lr =	simm.s32 $0x1  }
0x2: {  	[smem:$0x3F94] =	sst lr;
	_ =	strace $0xD0000000  }
0x3: {  	_ = 	snop  }
0x4: {  	_ = 	snop  }
0x5: {  	_ = 	snop  }
0x6: {  	_ = 	snop  }
0x7: {  	_ = 	snop  }
__scs_overlays_trampoline_lowered:
0x8: {  	[smem:$0x3FA3] =	sst s0  }
0x9: {  	[smem:$0x3FA4] =	sst s1  }
0xa: {  	[smem:$0x3FA5] =	sst s2  }
0xb: {  	[smem:$0x3FA6] =	sst s3  }
0xc: {  	[smem:$0x3FA7] =	sst s4  }
0xd: {  	[smem:$0x3FA8] =	sst s5  }
0xe: {  	[smem:$0x3FA9] =	sst s6  }
0xf: {  	[smem:$0x3FAA] =	sst s7  }
0x10: {  	[smem:$0x3FAB] =	sst s8  }
0x11: {  	[smem:$0x3FAC] =	sst s9;
	s0 =	simm.s32 @!p0 $0x0  }
0x12: {  	s1 =	sld [smem:$0x3F92];
	s0 =	simm.s32 @p0 $0x1  }
0x13: {  	[smem:$0x3FAD] =	sst s0;
	s0 =	simm.s32 @!p1 $0x0  }
0x14: {  	s2 =	sld [smem:$0x3F91];
	s0 =	simm.s32 @p1 $0x1  }
0x15: {  	[smem:$0x3FAE] =	sst s0;
	s0 =	simm.s32 @!p2 $0x0  }
0x16: {  	s3 =	sld [smem:$0x3FDB];
	s0 =	simm.s32 @p2 $0x1  }
0x17: {  	s4 =	simm.s32 $0x1BF5;
	[smem:$0x3FB0] =	sst s0  }
0x18: {  	s0 =	sld [smem:$0x3F93];
	_ =	swait.ge [sflag:s4], $0x0  }
0x19: {  	s7 =	sld [smem:$0x3F94]  }
0x1a: {  	s8 =	sadd.s32 $0xFFFFE003, lr  }
0x1b: {  	s9 =	sadd.s32 $0xFFFFFEF7, lr;
	s5 =	simm.s32 $0xFFFFFFFF;
	p2 =	slt.u32 s8, $0xFFFFF086  }
0x1c: {  	p1 =	slt.u32 s9, $0xF7A;
	s5 =	simm.s32 @!p2 $0x0  }
0x1d: {  	s5 =	simm.s32 @p1 $0x1;
	p0 =	seq.s32 s7, s2  }
0x1e: {  	s7 =	smul.u32 @!p0 $0xF7A, s2;
	p2 =	seq.s32 @!p0 s5, $0x0  }
0x1f: {  	s9 =	smul.u32 $0xF7A, s1;
	s8 =	simm.s32 @!p0 $0x1BF5;
	p2 =	por !p2, p0  }
0x20: {  	[sflag:s8] =	ssyncset.s32 @!p0 $0xFFFFF086;
	s6 =	sadd.s32 @!p0 s3, s7;
	s7 =	simm.s32 @!p0 $0x108  }
0x21: {  	s3 =	sadd.s32 s3, s9;
	s6 =	sadd.s32 @!p0 $0x88, s6;
	s7 =	simm.s32 @p2 $0x1082  }
0x22: {  	[simem:s7], [sflag:s8] =	dma.local @!p0 [hbm:s6], $0xF7A  }
0x23: {  	s9 =	sor.u32 $0xD0000000, s2;
	s6 =	simm.s32 $0x108;
	_ =	swait.ge @!p0 [sflag:s8], $0x0  }
0x24: {  	s3 =	sadd.s32 $0x88, s3;
	s6 =	simm.s32 @!p1 $0x1082;
	[sflag:s4] =	ssyncset.s32 $0xFFFFF086  }
0x25: {  	[simem:s6], [sflag:s4] =	dma.local [hbm:s3], $0xF7A  }
0x26: {  	[smem:$0x3F94] =	sst s1;
	(tag) =	ssettag s2;
	_ =	strace s9  }
0x27: {  	s1 =	sld [smem:$0x3FA4]  }
0x28: {  	s2 =	sld [smem:$0x3FA5]  }
0x29: {  	s4 =	sld [smem:$0x3FA7]  }
0x2a: {  	p0 =	seq.s32 s5, $0x0;
	s5 =	sld [smem:$0x3FA8]  }
0x2b: {  	s6 =	sld [smem:$0x3FA9]  }
0x2c: {  	s7 =	sld [smem:$0x3FAA]  }
0x2d: {  	s3 =	simm.s32 $0x108;
	s8 =	sld [smem:$0x3FAB]  }
0x2e: {  	s3 =	simm.s32 @!p0 $0x1082;
	s9 =	sld [smem:$0x3FAC]  }
0x2f: {  	lr =	sadd.s32 s0, s3;
	s0 =	sld [smem:$0x3FA3]  }
0x30: {  	s3 =	sld [smem:$0x3FA6]  }
0x31: {  	[smem:$0x3FAF] =	sst s10  }
0x32: {  	s10 =	sld [smem:$0x3FAD];
	_ =	sdelay $0x3  }
0x33: {  	p0 =	seq.s32 s10, $0x1;
	s10 =	sld [smem:$0x3FAF];
	_ =	sdelay $0x3  }
0x34: {  	[smem:$0x3FAF] =	sst s10  }
0x35: {  	s10 =	sld [smem:$0x3FAE];
	_ =	sdelay $0x3  }
0x36: {  	p1 =	seq.s32 s10, $0x1;
	s10 =	sld [smem:$0x3FAF];
	_ =	sdelay $0x3  }
0x37: {  	[smem:$0x3FAF] =	sst s10  }
0x38: {  	s10 =	sld [smem:$0x3FB0]  }
0x39: {  	_ = 	snop;
	(pc) =	sbr.ind lr, $3  }
0x3a: {  	_ = 	snop  }
0x3b: {  	_ = 	snop  }
0x3c: {  	p2 =	seq.s32 s10, $0x1;
	s10 =	sld [smem:$0x3FAF]  }
0x3d: {  	_ =	shalt  }
0x3e: {  	_ =	shalt  }
0x3f: {  	_ =	shalt  }
0x40: {  	_ =	shalt  }
0x41: {  	_ =	shalt  }
0x42: {  	_ =	shalt  }
0x43: {  	_ =	shalt  }
0x44: {  	_ =	shalt  }
0x45: {  	_ =	shalt  }
0x46: {  	_ =	shalt  }
0x47: {  	_ =	shalt  }
0x48: {  	_ =	shalt  }
0x49: {  	_ =	shalt  }
0x4a: {  	_ =	shalt  }
0x4b: {  	_ =	shalt  }
0x4c: {  	_ =	shalt  }
0x4d: {  	_ =	shalt  }
0x4e: {  	_ =	shalt  }
0x4f: {  	_ =	shalt  }
0x50: {  	_ =	shalt  }
0x51: {  	_ =	shalt  }
0x52: {  	_ =	shalt  }
0x53: {  	_ =	shalt  }
0x54: {  	_ =	shalt  }
0x55: {  	_ =	shalt  }
0x56: {  	_ =	shalt  }
0x57: {  	_ =	shalt  }
0x58: {  	_ =	shalt  }
0x59: {  	_ =	shalt  }
0x5a: {  	_ =	shalt  }
0x5b: {  	_ =	shalt  }
0x5c: {  	_ =	shalt  }
0x5d: {  	_ =	shalt  }
0x5e: {  	_ =	shalt  }
0x5f: {  	_ =	shalt  }
0x60: {  	_ =	shalt  }
0x61: {  	_ =	shalt  }
0x62: {  	_ =	shalt  }
0x63: {  	_ =	shalt  }
0x64: {  	_ =	shalt  }
0x65: {  	_ =	shalt  }
0x66: {  	_ =	shalt  }
0x67: {  	_ =	shalt  }
0x68: {  	_ =	shalt  }
0x69: {  	_ =	shalt  }
0x6a: {  	_ =	shalt  }
0x6b: {  	_ =	shalt  }
0x6c: {  	_ =	shalt  }
0x6d: {  	_ =	shalt  }
0x6e: {  	_ =	shalt  }
0x6f: {  	_ =	shalt  }
0x70: {  	_ =	shalt  }
0x71: {  	_ =	shalt  }
0x72: {  	_ =	shalt  }
0x73: {  	_ =	shalt  }
0x74: {  	_ =	shalt  }
0x75: {  	_ =	shalt  }
0x76: {  	_ =	shalt  }
0x77: {  	_ =	shalt  }
0x78: {  	_ =	shalt  }
0x79: {  	_ =	shalt  }
0x7a: {  	_ =	shalt  }
0x7b: {  	_ =	shalt  }
0x7c: {  	_ =	shalt  }
0x7d: {  	_ =	shalt  }
0x7e: {  	_ =	shalt  }
0x7f: {  	_ =	shalt  }
0x80: {  	_ =	shalt  }
0x81: {  	_ =	shalt  }
0x82: {  	_ =	shalt  }
0x83: {  	_ =	shalt  }
0x84: {  	_ =	shalt  }
0x85: {  	_ =	shalt  }
0x86: {  	_ =	shalt  }
0x87: {  	_ =	shalt  }
.Lfunc_end0:
.L_simem_size_0:
called_computation_lowered:
.L_overlay_start_0:
0x88: {  	s2 =	sld [smem:$0x3FD9]  }
0x89: {  	s3 =	sld [smem:$0x3FFE];
	_ =	sdelay $0x1  }
0x8a: {  	s1 =	srdreg.scid  }
0x8b: {  	s0 =	sand.u32 $0x1, s1  }
0x8c: {  	s16 =	sshll.u32 s0, $0xA;
	s2 =	sadd.s32 s3, s2  }
0x8d: {  	s2 =	sadd.s32 s2, s16  }
0x8e: {  	[smem:$0x3FBB] =	sst s2  }
0x8f: {  	_ = 	snop  }
0x90: {  	(tm) =	ssettm $0x1  }
0x91: {  	s17 =	sld [smem:$0x3FFB];
	_ =	sdelay $0x3  }
0x92: {  	_ =	strace s17  }
0x93: {  	s2 =	sld [smem:$0x3FFC];
	_ =	sdelay $0x3  }
0x94: {  	_ =	strace s2  }
0x95: {  	s2 =	sld [smem:$0x3FFD];
	_ =	sdelay $0x3  }
0x96: {  	_ =	strace s2  }
0x97: {  	_ =	strace $0x8FFFFFFF  }
0x98: {  	s18 =	sld [smem:$0x3FDB];
	_ =	sdelay $0x1  }
0x99: {  	s19 =	simm.s32 $_scs_section_size  }
0x9a: {  	s4 =	simm.s32 $_size__tile_overlayer_lowered;
	s5 =	simm.s32 $_tile_overlayer_lowered  }
0x9b: {  	s22 =	simm.s32 $0x1BFF;
	s21 =	sshll.u32 s5, $0x1;
	s2 =	sadd.s32 s19, s18  }
0x9c: {  	s6 =	simm.s32 $0x0;
	s20 =	sshll.u32 s4, $0x1;
	s4 =	sadd.s32 s21, s2  }
0x9d: {  	[timem:s6], [sflag:s22] =	dma.local [hbm:s4], s20  }
0x9e: {  	_ =	swait.ge [sflag:s22], s20  }
0x9f: {  	s3 =	ssub.s32 $0x0, s20;
	[sflag:s22] =	ssyncset.done $0x0  }
0xa0: {  	[sflag:s22] =	ssyncadd.s32 s3;
	_ =	sdelay $0x1  }
0xa1: {  	s23 =	simm.s32 $0x1B8B  }
0xa2: {  	_ =	swait.ge [sflag:s23], $0x1  }
0xa3: {  	[sflag:s23] =	ssyncset.done $0x0  }
0xa4: {  	s25 =	simm.s32 $0x1B8E;
	s24 =	sld [smem:$0x3FFE];
	[sflag:s23] =	ssyncadd.s32 $0xFFFFFFFF  }
0xa5: {  	s26 =	simm.s32 $execute0_lowered;
	[smem:$0x3FD2] =	sst s25  }
0xa6: {  	s4 =	sshll.u32 s26, $0x1;
	_ =	strace $0x80000046;
	[dreg:$0x1] =	wrdreg $0xFFFFFFFF  }
0xa7: {  	s28 =	simm.s32 $_size_execute0_lowered;
	s2 =	sadd.s32 s2, s4;
	[dreg:$0x0] =	wrdreg $0x0  }
0xa8: {  	s4 =	sshll.u32 s28, $0x1;
	[dreg:$0x2] =	wrdreg s2  }
0xa9: {  	[dreg:$0x3] =	wrdreg s4  }
0xaa: {  	[dreg:$0x4] =	wrdreg $0xC0  }
0xab: {  	_ =	task [dreg:s6], $0x5FFFF  }
0xac: {  	[dreg:$0x1] =	wrdreg $0xFFFFFFFF  }
0xad: {  	[dreg:$0x0] =	wrdreg $0x60  }
0xae: {  	[dreg:$0x2] =	wrdreg s24  }
0xaf: {  	[dreg:$0x3] =	wrdreg $0x9  }
0xb0: {  	_ =	task.clear_ibuf [dreg:s6], $0x4FFFF;
	_ =	strace $0x90000046  }
0xb1: {  	s29 =	simm.s32 $0x9;
	_ =	strace $0x80000048  }
0xb2: {  	_ =	swait.ge [sflag:s29], $0x1  }
0xb3: {  	[sflag:s29] =	ssyncadd.s32 $0xFFFFFFFF  }
0xb4: {  	_ =	strace $0x90000048  }
0xb5: {  	_ =	sfence  }
0xb6: {  	s30 =	sld [smem:$0x0];
	_ =	sdelay $0x2  }
0xb7: {  	s31 =	sshll.u32 s1, $0xD;
	s1 =	sshrl.u32 s1, $0x2  }
0xb8: {  	s3 =	sand.u32 $0x4000, s31;
	s1 =	sadd.s32 s1, s30  }
0xb9: {  	s0 =	sor.u32 s3, s0;
	s1 =	sshll.u32 s1, $0x11  }
0xba: {  	s0 =	sor.u32 s1, s0  }
0xbb: {  	s0 =	sadd.s32 $0x8F2B, s0  }
0xbc: {  	[sflag:s0] =	ssyncadd.remote.s32 $0x1  }
0xbd: {  	_ =	sfence.sel $0xFFFF  }
0xbe: {  	[dreg:$0x0] =	wrdreg $0xFFFFFFFF;
	(pc) =	sbr.abs _section_cstart, $3  }
0xbf: {  	[dreg:$0x1] =	wrdreg $0xFFFFFFFF  }
0xc0: {  	_ =	task.clear_ibuf [dreg:s6], $0x2FFFF;
	_ =	strace $0x9FFFFFFF  }
0xc1: {  	(tm) =	ssettm $0x7FFFFFFF  }
tec
execute0_lowered:
.L_overlay_start_1:
0x0: {  	(tag) =	ssettag $0x1  }
0x1: {  	s8 =	rddreg [dreg:$0x0];
	s1 =	stileid.u32  }
0x2: {  	s2 =	srdreg.scid;
	s0 =	rddreg [dreg:$0x1]  }
0x3: {  	_ =	strace $0x80000047;
	s5 =	simm.s32 $0x1;
	s9 =	simm.s32 $0x1  }
0x4: {  	s10 =	simm.s32 $0x3;
	s2 =	sand.u32 $0x1, s2;
	s3 =	sshll.u32 s1, $0x1  }
0x5: {  	s13 =	simm.s32 $0x0;
	s12 =	simm.s32 $0x0;
	s6 =	sor.u32 s3, s2  }
0x6: {  	[sflag:s5] =	ssyncpa.u1 $0x0;
	s2 =	sadd.s32 $0x3000, s8;
	s4 =	smul.u32 $0x2300, s6  }
0x7: {  	s3 =	sadd.s32 $0x16C00, s8;
	p0 =	slt.u32 s6, $0x5;
	s6 =	simm.s32 $0x46000  }
.Ltmp0:
0x8: {  	s6 =	simm.s32 @!p0 $0x0;
	s7 =	ssub.s32 $0x4EC00, s4;
	(pc) =	sbr.rel .LBB2_1-.Ltmp0, $4  }
0x9: {  	s9 =	simm.s32 @!p0 $0x0;
	p0 =	sne.s32 s7, s6;
	s7 =	simm.s32 $0x1  }
0xa: {  	s8 =	sadd.s32 $0x20A00, s8;
	s6 =	simm.s32 $0x2;
	s7 =	simm.s32 @!p0 $0x0  }
0xb: {  	s11 =	smov.u32 s4;
	[sflag:s6] =	ssyncpa.u1 $0x0;
	s7 =	sadd.s32 s9, s7  }
0xc: {  	vm0 =	vmmov $0xffff;
	[sflag:s10] =	ssyncpa.u1 $0x0;
	s10 =	simm.s32 $0x0;
	s9 =	sadd.s32 $0x1, s7  }
.LBB2_4:
0xd: {  	v2 =	vnsel vm1, $0x0, v2  }
0xe: {  	vm1 =	vgt.s32 v0, $0x0;
	v2 =	vmin.u32 v2, $0x4EBFF  }
0xf: {  	v0 =	vnsel vm1, $0x0, v0  }
0x10: {  	v0 =	vmin.u32 v0, $0x4EBFF  }
0x11: {  	[tilespmem:s18], [sflag:$0x1] =	stream.indirect_vreg.gather [hbm4b:s2+s10], $0x1, v1, vm0, $0x4038;
	[tilespmem:$0x8C00] =	vst v63  }
0x12: {  	(ifvalue) =	ssetifvalue $0x7FFFFFFF  }
0x13: {  	[tilespmem:s15], [sflag:$0x1] =	stream.indirect_vreg.gather [hbm4b:s2+s10], $0x1, v2, vm0, $0x4038;
	[tilespmem:$0x8C00] =	vst v63  }
0x14: {  	s29 =	sadd.s32 $0x10, s15;
	(ifvalue) =	ssetifvalue $0x7FFFFFFF  }
0x15: {  	[tilespmem:s29], [sflag:$0x1] =	stream.indirect_vreg.gather [hbm4b:s2+s10], $0x1, v0, vm0, $0x4038;
	[tilespmem:$0x8C00] =	vst v63  }
0x16: {  	_ =	swait.ge [sflag:s5], $0x2300  }
0x17: {  	s30 =	sshrl.u32 s13, $0x3;
	[sflag:s5] =	ssyncset.done $0x0  }
0x18: {  	s31 =	sand.u32 $0x7, s13;
	s15 =	sadd.s32 s8, s30;
	[sflag:s5] =	ssyncadd.s32 $0xFFFFDD00  }
0x19: {  	[hbm4b:s15+s31] =	stream.linear.scatter [tilespmem:s14], [sflag:$0x3], $0x2300, $0x38;
	[tilespmem:$0x8C00] =	vst v63  }
.LBB2_5:
0x1a: {  	s15 =	sadd.s32 $0x46000, s11  }
0x1b: {  	p1 =	sgt.s32 s15, $0x4EBFF  }
0x1c: {  	s15 =	smov.u32 @p1 s4;
	p1 =	sne.s32 s12, s9  }
.Ltmp1:
0x1d: {  	p0 =	slt.u32 s12, $0x2;
	(pc) =	sbr.rel @!p1 .LBB2_6-.Ltmp1, $4  }
0x1e: {  	s14 =	simm.s32 @!p0 $0x3  }
0x1f: {  	_ =	swait.ge @!p0 [sflag:s14], $0x2300  }
0x20: {  	s16 =	sadd.s32 $0x1, s12;
	s13 =	smov.u32 s11;
	[sflag:s14] =	ssyncset.done @!p0 $0x0  }
0x21: {  	s12 =	smov.u32 s16;
	s11 =	smov.u32 s15;
	[sflag:s14] =	ssyncadd.s32 @!p0 $0xFFFFDD00  }
.LBB2_1:
0x22: {  	p0 =	sge.u32 s12, s7  }
0x23: {  	s14 =	sxor.u32 @!p0 $0x1, s12  }
0x24: {  	s14 =	smul.u32 @!p0 $0x8C00, s14  }
0x25: {  	s31 =	sadd.s32 $0xFFFFFFFF, s12;
	s15 =	sshrl.u32 @!p0 s11, $0x3  }
0x26: {  	s16 =	sand.u32 @!p0 $0x7, s11;
	s15 =	sadd.s32 @!p0 s3, s15;
	s14 =	sshra.s32 @!p0 s14, $0x2  }
0x27: {  	[tilespmem:s14], [sflag:$0x2] =	stream.linear.gather @!p0 [hbm4b:s15+s16], $0x2300, $0x38;
	[tilespmem:$0x8C00] =	vst v63  }
0x28: {  	p0 =	sge.u32 s31, s7  }
.Ltmp2:
0x29: {  	_ = 	snop;
	(pc) =	sbr.rel @p0 .LBB2_5-.Ltmp2, $1  }
0x2a: {  	_ =	sdelay $0x3  }
0x2b: {  	s14 =	sand.u32 $0x1, s12  }
0x2c: {  	_ =	swait.ge [sflag:s6], $0x2300;
	p0 =	seq.s32 s14, $0x1;
	s14 =	simm.s32 $0x2300  }
0x2d: {  	[sflag:s6] =	ssyncset.done $0x0;
	s14 =	simm.s32 @!p0 $0x0  }
0x2e: {  	[sflag:s6] =	ssyncadd.s32 $0xFFFFDD00;
	(ifvalue) =	ssetifvalue $0x7FFFFFFF;
	v0 =	vld.msk [tilespmem:s14+$0x0 ss:$0x1], $0xffff;
	_ =	sdelay $0x4  }
0x2f: {  	s15 =	sadd.s32 $0x10, s14;
	vm1 =	vgt.s32 v0, $0x0  }
0x30: {  	v2 =	vld.msk [tilespmem:s15+$0x0 ss:$0x1], $0xffff;
	v1 =	vnsel vm1, $0x0, v0  }
0x31: {  	v1 =	vmin.u32 v1, $0x4EBFF;
	_ =	sdelay $0x2  }
0x32: {  	s17 =	simm.s32 $0x20;
	s14 =	sadd.s32 $0x4600, s14;
	s16 =	sadd.s32 $0x10, s15  }
0x33: {  	s15 =	sadd.s32 $0x10, s14;
	s18 =	smov.u32 s14;
	v0 =	vld.msk [tilespmem:s16+$0x0 ss:$0x1], $0xffff;
	vm1 =	vgt.s32 v2, $0x0;
	(ifvalue) =	ssetifvalue $0x7FFFFFFF  }
.LBB2_3:
0x34: {  	[tilespmem:s18], [sflag:$0x1] =	stream.indirect_vreg.gather [hbm4b:s2+s10], $0x1, v1, vm0, $0x4038;
	[tilespmem:$0x8C00] =	vst v63  }
0x35: {  	s17 =	sadd.s32 $0x10, s17  }
0x36: {  	v2 =	vnsel vm1, $0x0, v2;
	p0 =	slt.u32 s17, $0x22F0  }
.Ltmp3:
0x37: {  	s18 =	smov.u32 s15;
	v1 =	vmin.u32 v2, $0x4EBFF;
	(pc) =	sbr.rel @p0 .LBB2_3-.Ltmp3, $3  }
0x38: {  	_ =	sdelay $0x1  }
0x39: {  	s16 =	sadd.s32 $0x10, s16  }
0x3a: {  	vm1 =	vgt.s32 v0, $0x0;
	s15 =	sadd.s32 $0x10, s15;
	v2 =	vmov v0;
	(ifvalue) =	ssetifvalue $0x7FFFFFFF;
	v0 =	vld.msk [tilespmem:s16+$0x0 ss:$0x1], $0xffff  }
.Ltmp4:
0x3b: {  	_ = 	snop;
	(pc) =	sbr.rel .LBB2_4-.Ltmp4, $1  }
0x3c: {  	_ =	sdelay $0x3  }
.LBB2_6:
0x3d: {  	_ =	sfence.sel $0x180000  }
0x3e: {  	s2 =	simm.s32 $0x2;
	[bflag:$0x0] =	sbarrier.arrive $0xFFFF  }
0x3f: {  	s30 =	simm.s32 $0x3;
	[sflag:s2] =	ssyncpa.u1 $0x1  }
0x40: {  	s31 =	simm.s32 $0x1;
	[sflag:s30] =	ssyncpa.u1 $0x1  }
0x41: {  	[sflag:s31] =	ssyncpa.u1 $0x1  }
0x42: {  	p0 =	sne.s32 s1, $0x0;
	_ =	strace $0x90000047  }
0x43: {  	s0 =	sadd.s32 @!p0 $0x100000, s0;
	[bflag:$0x2] =	sbarrier.arrive $0xFFFF  }
0x44: {  	[sflag:s0] =	ssyncadd.tile.s32 @!p0 $0x1;
	_ =	shalt  }
.Lfunc_end2:
_tile_overlayer_lowered:
.L_overlay_start_2:
0x45: {  	(tag) =	ssettag $0x2  }
0x46: {  	s0 =	rddreg [dreg:$0x0];
	s2 =	stileid.u32  }
0x47: {  	s1 =	rddreg [dreg:$0x1];
	p0 =	sne.s32 s2, $0x0  }
0x48: {  	s3 =	rddreg [dreg:$0x2];
	[bflag:$0x3] =	sbarrier.arrive $0xFFFF;
	s2 =	simm.s32 @!p0 $0x1C01  }
0x49: {  	[timem:s3], [sflag:s2] =	dma.local @!p0 [hbm:s0], s1  }
0x4a: {  	s0 =	simm.s32 @!p0 $0x1  }
0x4b: {  	_ =	swait.ge @!p0 [sflag:s0], s1  }
0x4c: {  	s1 =	ssub.s32 @!p0 $0x0, s1;
	[sflag:s0] =	ssyncset.done @!p0 $0x0  }
0x4d: {  	[sflag:s0] =	ssyncadd.s32 @!p0 s1  }
0x4e: {  	[bflag:$0x3] =	sbarrier.arrive $0xFFFF  }
0x4f: {  	_ =	shalt  }

// kernel: kernel.5.cloned.1.call-start
scs
__scs_entry_jumppad:
0x0: {  	(pc) =	sbr.rel $0x88, $3  }
0x1: {  	(tag) =	ssettag $0x0;
	lr =	simm.s32 $0x1  }
0x2: {  	[smem:$0x3F94] =	sst lr;
	_ =	strace $0xD0000000  }
0x3: {  	_ = 	snop  }
0x4: {  	_ = 	snop  }
0x5: {  	_ = 	snop  }
0x6: {  	_ = 	snop  }
0x7: {  	_ = 	snop  }
__scs_overlays_trampoline_lowered:
0x8: {  	[smem:$0x3FA3] =	sst s0  }
0x9: {  	[smem:$0x3FA4] =	sst s1  }
0xa: {  	[smem:$0x3FA5] =	sst s2  }
0xb: {  	[smem:$0x3FA6] =	sst s3  }
0xc: {  	[smem:$0x3FA7] =	sst s4  }
0xd: {  	[smem:$0x3FA8] =	sst s5  }
0xe: {  	[smem:$0x3FA9] =	sst s6  }
0xf: {  	[smem:$0x3FAA] =	sst s7  }
0x10: {  	[smem:$0x3FAB] =	sst s8  }
0x11: {  	[smem:$0x3FAC] =	sst s9;
	s0 =	simm.s32 @!p0 $0x0  }
0x12: {  	s1 =	sld [smem:$0x3F92];
	s0 =	simm.s32 @p0 $0x1  }
0x13: {  	[smem:$0x3FAD] =	sst s0;
	s0 =	simm.s32 @!p1 $0x0  }
0x14: {  	s2 =	sld [smem:$0x3F91];
	s0 =	simm.s32 @p1 $0x1  }
0x15: {  	[smem:$0x3FAE] =	sst s0;
	s0 =	simm.s32 @!p2 $0x0  }
0x16: {  	s3 =	sld [smem:$0x3FDB];
	s0 =	simm.s32 @p2 $0x1  }
0x17: {  	s4 =	simm.s32 $0x1BF5;
	[smem:$0x3FB0] =	sst s0  }
0x18: {  	s0 =	sld [smem:$0x3F93];
	_ =	swait.ge [sflag:s4], $0x0  }
0x19: {  	s7 =	sld [smem:$0x3F94]  }
0x1a: {  	s8 =	sadd.s32 $0xFFFFE003, lr  }
0x1b: {  	s9 =	sadd.s32 $0xFFFFFEF7, lr;
	s5 =	simm.s32 $0xFFFFFFFF;
	p2 =	slt.u32 s8, $0xFFFFF086  }
0x1c: {  	p1 =	slt.u32 s9, $0xF7A;
	s5 =	simm.s32 @!p2 $0x0  }
0x1d: {  	s5 =	simm.s32 @p1 $0x1;
	p0 =	seq.s32 s7, s2  }
0x1e: {  	s7 =	smul.u32 @!p0 $0xF7A, s2;
	p2 =	seq.s32 @!p0 s5, $0x0  }
0x1f: {  	s9 =	smul.u32 $0xF7A, s1;
	s8 =	simm.s32 @!p0 $0x1BF5;
	p2 =	por !p2, p0  }
0x20: {  	[sflag:s8] =	ssyncset.s32 @!p0 $0xFFFFF086;
	s6 =	sadd.s32 @!p0 s3, s7;
	s7 =	simm.s32 @!p0 $0x108  }
0x21: {  	s3 =	sadd.s32 s3, s9;
	s6 =	sadd.s32 @!p0 $0x88, s6;
	s7 =	simm.s32 @p2 $0x1082  }
0x22: {  	[simem:s7], [sflag:s8] =	dma.local @!p0 [hbm:s6], $0xF7A  }
0x23: {  	s9 =	sor.u32 $0xD0000000, s2;
	s6 =	simm.s32 $0x108;
	_ =	swait.ge @!p0 [sflag:s8], $0x0  }
0x24: {  	s3 =	sadd.s32 $0x88, s3;
	s6 =	simm.s32 @!p1 $0x1082;
	[sflag:s4] =	ssyncset.s32 $0xFFFFF086  }
0x25: {  	[simem:s6], [sflag:s4] =	dma.local [hbm:s3], $0xF7A  }
0x26: {  	[smem:$0x3F94] =	sst s1;
	(tag) =	ssettag s2;
	_ =	strace s9  }
0x27: {  	s1 =	sld [smem:$0x3FA4]  }
0x28: {  	s2 =	sld [smem:$0x3FA5]  }
0x29: {  	s4 =	sld [smem:$0x3FA7]  }
0x2a: {  	p0 =	seq.s32 s5, $0x0;
	s5 =	sld [smem:$0x3FA8]  }
0x2b: {  	s6 =	sld [smem:$0x3FA9]  }
0x2c: {  	s7 =	sld [smem:$0x3FAA]  }
0x2d: {  	s3 =	simm.s32 $0x108;
	s8 =	sld [smem:$0x3FAB]  }
0x2e: {  	s3 =	simm.s32 @!p0 $0x1082;
	s9 =	sld [smem:$0x3FAC]  }
0x2f: {  	lr =	sadd.s32 s0, s3;
	s0 =	sld [smem:$0x3FA3]  }
0x30: {  	s3 =	sld [smem:$0x3FA6]  }
0x31: {  	[smem:$0x3FAF] =	sst s10  }
0x32: {  	s10 =	sld [smem:$0x3FAD];
	_ =	sdelay $0x3  }
0x33: {  	p0 =	seq.s32 s10, $0x1;
	s10 =	sld [smem:$0x3FAF];
	_ =	sdelay $0x3  }
0x34: {  	[smem:$0x3FAF] =	sst s10  }
0x35: {  	s10 =	sld [smem:$0x3FAE];
	_ =	sdelay $0x3  }
0x36: {  	p1 =	seq.s32 s10, $0x1;
	s10 =	sld [smem:$0x3FAF];
	_ =	sdelay $0x3  }
0x37: {  	[smem:$0x3FAF] =	sst s10  }
0x38: {  	s10 =	sld [smem:$0x3FB0]  }
0x39: {  	_ = 	snop;
	(pc) =	sbr.ind lr, $3  }
0x3a: {  	_ = 	snop  }
0x3b: {  	_ = 	snop  }
0x3c: {  	p2 =	seq.s32 s10, $0x1;
	s10 =	sld [smem:$0x3FAF]  }
0x3d: {  	_ =	shalt  }
0x3e: {  	_ =	shalt  }
0x3f: {  	_ =	shalt  }
0x40: {  	_ =	shalt  }
0x41: {  	_ =	shalt  }
0x42: {  	_ =	shalt  }
0x43: {  	_ =	shalt  }
0x44: {  	_ =	shalt  }
0x45: {  	_ =	shalt  }
0x46: {  	_ =	shalt  }
0x47: {  	_ =	shalt  }
0x48: {  	_ =	shalt  }
0x49: {  	_ =	shalt  }
0x4a: {  	_ =	shalt  }
0x4b: {  	_ =	shalt  }
0x4c: {  	_ =	shalt  }
0x4d: {  	_ =	shalt  }
0x4e: {  	_ =	shalt  }
0x4f: {  	_ =	shalt  }
0x50: {  	_ =	shalt  }
0x51: {  	_ =	shalt  }
0x52: {  	_ =	shalt  }
0x53: {  	_ =	shalt  }
0x54: {  	_ =	shalt  }
0x55: {  	_ =	shalt  }
0x56: {  	_ =	shalt  }
0x57: {  	_ =	shalt  }
0x58: {  	_ =	shalt  }
0x59: {  	_ =	shalt  }
0x5a: {  	_ =	shalt  }
0x5b: {  	_ =	shalt  }
0x5c: {  	_ =	shalt  }
0x5d: {  	_ =	shalt  }
0x5e: {  	_ =	shalt  }
0x5f: {  	_ =	shalt  }
0x60: {  	_ =	shalt  }
0x61: {  	_ =	shalt  }
0x62: {  	_ =	shalt  }
0x63: {  	_ =	shalt  }
0x64: {  	_ =	shalt  }
0x65: {  	_ =	shalt  }
0x66: {  	_ =	shalt  }
0x67: {  	_ =	shalt  }
0x68: {  	_ =	shalt  }
0x69: {  	_ =	shalt  }
0x6a: {  	_ =	shalt  }
0x6b: {  	_ =	shalt  }
0x6c: {  	_ =	shalt  }
0x6d: {  	_ =	shalt  }
0x6e: {  	_ =	shalt  }
0x6f: {  	_ =	shalt  }
0x70: {  	_ =	shalt  }
0x71: {  	_ =	shalt  }
0x72: {  	_ =	shalt  }
0x73: {  	_ =	shalt  }
0x74: {  	_ =	shalt  }
0x75: {  	_ =	shalt  }
0x76: {  	_ =	shalt  }
0x77: {  	_ =	shalt  }
0x78: {  	_ =	shalt  }
0x79: {  	_ =	shalt  }
0x7a: {  	_ =	shalt  }
0x7b: {  	_ =	shalt  }
0x7c: {  	_ =	shalt  }
0x7d: {  	_ =	shalt  }
0x7e: {  	_ =	shalt  }
0x7f: {  	_ =	shalt  }
0x80: {  	_ =	shalt  }
0x81: {  	_ =	shalt  }
0x82: {  	_ =	shalt  }
0x83: {  	_ =	shalt  }
0x84: {  	_ =	shalt  }
0x85: {  	_ =	shalt  }
0x86: {  	_ =	shalt  }
0x87: {  	_ =	shalt  }
.Lfunc_end0:
.L_simem_size_0:
called_computation.2_lowered:
.L_overlay_start_0:
0x88: {  	s2 =	sld [smem:$0x3FD9]  }
0x89: {  	s3 =	sld [smem:$0x3FFE];
	_ =	sdelay $0x1  }
0x8a: {  	s1 =	srdreg.scid  }
0x8b: {  	s0 =	sand.u32 $0x1, s1  }
0x8c: {  	s17 =	sshll.u32 s0, $0xA;
	s2 =	sadd.s32 s3, s2  }
0x8d: {  	s2 =	sadd.s32 s2, s17  }
0x8e: {  	[smem:$0x3FBB] =	sst s2  }
0x8f: {  	_ = 	snop  }
0x90: {  	s2 =	sld [smem:$0x3FD0];
	(tm) =	ssettm $0x1  }
0x91: {  	s18 =	sld [smem:$0x3FFB];
	_ =	sdelay $0x3  }
0x92: {  	_ =	strace s18  }
0x93: {  	s3 =	sld [smem:$0x3FFC];
	_ =	sdelay $0x3  }
0x94: {  	_ =	strace s3  }
0x95: {  	s3 =	sld [smem:$0x3FFD];
	_ =	sdelay $0x3  }
0x96: {  	_ =	strace s3  }
0x97: {  	_ =	strace $0x8FFFFFFF  }
0x98: {  	s19 =	sld [smem:$0x3FDB];
	_ =	sdelay $0x1  }
0x99: {  	s4 =	simm.s32 $_scs_section_size  }
0x9a: {  	s5 =	simm.s32 $_size__tile_overlayer_lowered;
	s6 =	simm.s32 $_tile_overlayer_lowered  }
0x9b: {  	s22 =	simm.s32 $0x1BFF;
	s21 =	sshll.u32 s6, $0x1;
	s3 =	sadd.s32 s4, s19  }
0x9c: {  	s7 =	simm.s32 $0x0;
	s20 =	sshll.u32 s5, $0x1;
	s5 =	sadd.s32 s21, s3  }
0x9d: {  	[timem:s7], [sflag:s22] =	dma.local [hbm:s5], s20  }
0x9e: {  	_ =	swait.ge [sflag:s22], s20  }
0x9f: {  	s4 =	ssub.s32 $0x0, s20;
	[sflag:s22] =	ssyncset.done $0x0  }
0xa0: {  	[sflag:s22] =	ssyncadd.s32 s4;
	_ =	sdelay $0x1  }
0xa1: {  	s23 =	simm.s32 $0x1B8B  }
0xa2: {  	_ =	swait.ge [sflag:s23], $0x1  }
0xa3: {  	[sflag:s23] =	ssyncset.done $0x0  }
0xa4: {  	s25 =	simm.s32 $0x1B8E;
	s24 =	sld [smem:$0x3FFE];
	[sflag:s23] =	ssyncadd.s32 $0xFFFFFFFF  }
0xa5: {  	s26 =	simm.s32 $execute0_lowered;
	[smem:$0x3FD2] =	sst s25  }
0xa6: {  	s5 =	sshll.u32 s26, $0x1;
	_ =	strace $0x8000004C;
	[dreg:$0x1] =	wrdreg $0xFFFFFFFF  }
0xa7: {  	s28 =	simm.s32 $_size_execute0_lowered;
	s3 =	sadd.s32 s3, s5;
	[dreg:$0x0] =	wrdreg $0x0  }
0xa8: {  	s5 =	sshll.u32 s28, $0x1;
	[dreg:$0x2] =	wrdreg s3  }
0xa9: {  	[dreg:$0x3] =	wrdreg s5  }
0xaa: {  	[dreg:$0x4] =	wrdreg $0xC0  }
0xab: {  	_ =	task [dreg:s7], $0x5FFFF  }
0xac: {  	[dreg:$0x1] =	wrdreg $0xFFFFFFFF  }
0xad: {  	[dreg:$0x0] =	wrdreg $0x60  }
0xae: {  	[dreg:$0x2] =	wrdreg s24  }
0xaf: {  	[dreg:$0x3] =	wrdreg s2  }
0xb0: {  	[dreg:$0x4] =	wrdreg $0xB4000  }
0xb1: {  	[dreg:$0x5] =	wrdreg $0x9  }
0xb2: {  	_ =	task.clear_ibuf [dreg:s7], $0x6FFFF;
	_ =	strace $0x9000004C  }
0xb3: {  	s29 =	simm.s32 $0x9;
	_ =	strace $0x8000004E  }
0xb4: {  	_ =	swait.ge [sflag:s29], $0x1  }
0xb5: {  	[sflag:s29] =	ssyncadd.s32 $0xFFFFFFFF  }
0xb6: {  	_ =	strace $0x9000004E  }
0xb7: {  	_ =	sfence  }
0xb8: {  	s30 =	sld [smem:$0x0];
	_ =	sdelay $0x2  }
0xb9: {  	s31 =	sshll.u32 s1, $0xD;
	s1 =	sshrl.u32 s1, $0x2  }
0xba: {  	s3 =	sand.u32 $0x4000, s31;
	s1 =	sadd.s32 s1, s30  }
0xbb: {  	s0 =	sor.u32 s3, s0;
	s1 =	sshll.u32 s1, $0x11  }
0xbc: {  	s0 =	sor.u32 s1, s0  }
0xbd: {  	s0 =	sadd.s32 $0x8F2B, s0  }
0xbe: {  	[sflag:s0] =	ssyncadd.remote.s32 $0x1  }
0xbf: {  	_ =	sfence.sel $0xFFFF  }
0xc0: {  	[dreg:$0x0] =	wrdreg $0xFFFFFFFF;
	(pc) =	sbr.abs _section_cstart, $3  }
0xc1: {  	[dreg:$0x1] =	wrdreg $0xFFFFFFFF  }
0xc2: {  	_ =	task.clear_ibuf [dreg:s7], $0x2FFFF;
	_ =	strace $0x9FFFFFFF  }
0xc3: {  	(tm) =	ssettm $0x7FFFFFFF  }
tec
execute0_lowered:
.L_overlay_start_1:
0x0: {  	(tag) =	ssettag $0x1  }
0x1: {  	s0 =	rddreg [dreg:$0x0]  }
0x2: {  	s1 =	rddreg [dreg:$0x2];
	s3 =	srdreg.scid  }
0x3: {  	s2 =	simm.s32 $0x0;
	s10 =	stileid.u32;
	s3 =	sand.u32 $0x1, s3  }
0x4: {  	[smem:$0x7FF] =	sst s2;
	s6 =	smul.u32 $0x13C00, s10;
	s7 =	sshll.u32 s10, $0x1  }
0x5: {  	s11 =	sadd.s32 $0x3000, s0;
	s8 =	sadd.s32 $0x31800, s0;
	s2 =	smul.u32 $0x17400, s10  }
0x6: {  	s5 =	smul.u32 $0x13C000, s3;
	_ =	strace $0x8000004D;
	s7 =	sor.u32 s3, s7  }
0x7: {  	[dreg:$0x1c] =	wrdreg s8;
	s31 =	ssub.s32 $0x2, s3;
	s3 =	smul.u32 $0xBA00, s3  }
0x8: {  	[dreg:$0x1b] =	wrdreg s11;
	s30 =	smul.u32 $0xBA00, s7  }
0x9: {  	s9 =	sshrl.u32 s31, $0x1;
	s5 =	sadd.s32 s6, s5;
	s3 =	sadd.s32 s3, s2  }
0xa: {  	s5 =	sshrl.u32 s5, $0x3;
	s6 =	sshrl.u32 s30, $0x3;
	s18 =	sadd.s32 $0xF00, s3  }
0xb: {  	s21 =	sadd.s32 $0xD00, s3;
	s25 =	sadd.s32 $0xB00, s3;
	s29 =	sadd.s32 $0x900, s3  }
0xc: {  	s5 =	sadd.s32 s5, s0;
	s0 =	ssub.s32 s31, s9;
	s4 =	sadd.s32 s11, s6  }
0xd: {  	s19 =	sshrl.u32 s18, $0x3;
	s18 =	simm.s32 $0x80;
	[dreg:$0x1d] =	wrdreg s4  }
0xe: {  	s23 =	sshrl.u32 s21, $0x3;
	s21 =	simm.s32 $0x280;
	[dreg:$0xf] =	wrdreg s18  }
0xf: {  	s26 =	sshrl.u32 s25, $0x3;
	s25 =	simm.s32 $0x680;
	[dreg:$0x11] =	wrdreg s21  }
0x10: {  	s31 =	sshrl.u32 s29, $0x3;
	s29 =	simm.s32 $0x980;
	[dreg:$0x15] =	wrdreg s25  }
0x11: {  	s6 =	sadd.s32 $0x20, s4;
	[dreg:$0x18] =	wrdreg s29  }
0x12: {  	s9 =	sadd.s32 $0x40, s4;
	[dreg:$0x1e] =	wrdreg s6  }
0x13: {  	s12 =	sadd.s32 $0x60, s4;
	[dreg:$0x1f] =	wrdreg s9  }
0x14: {  	s13 =	sadd.s32 $0x80, s4;
	[smem:$0x7F6] =	sst s12  }
0x15: {  	s7 =	sadd.s32 $0xA0, s4;
	[smem:$0x7F7] =	sst s13  }
0x16: {  	s14 =	sadd.s32 $0x1100, s3;
	s24 =	sadd.s32 s23, s11;
	[smem:$0x7F8] =	sst s7  }
0x17: {  	s15 =	sadd.s32 $0x1000, s3;
	s2 =	sadd.s32 s31, s11;
	[dreg:$0x8] =	wrdreg s24  }
0x18: {  	s20 =	sadd.s32 $0xE00, s3;
	s5 =	sadd.s32 $0x34000, s5;
	[dreg:$0xb] =	wrdreg s2  }
0x19: {  	s28 =	sadd.s32 $0xA00, s3;
	s0 =	smax.u32 s0, $0x1;
	[smem:$0x7FA] =	sst s5  }
0x1a: {  	s4 =	sadd.s32 $0x800, s3;
	s23 =	simm.s32 $0x480;
	[smem:$0x7FB] =	sst s0  }
0x1b: {  	s31 =	simm.s32 $0xB80;
	s12 =	sadd.s32 $0x700, s3;
	[dreg:$0x13] =	wrdreg s23  }
0x1c: {  	s13 =	sadd.s32 $0x600, s3;
	s3 =	sadd.s32 $0xC00, s3;
	[dreg:$0x1a] =	wrdreg s31  }
0x1d: {  	s6 =	sshrl.u32 s14, $0x3;
	s24 =	simm.s32 $0x580;
	[smem:$0x7FC] =	sst s3  }
0x1e: {  	s7 =	sshrl.u32 s15, $0x3;
	s6 =	sadd.s32 s6, s11;
	[dreg:$0x14] =	wrdreg s24  }
0x1f: {  	s16 =	smul.u32 $0x4F000, s10;
	s17 =	sadd.s32 s7, s11;
	[dreg:$0x4] =	wrdreg s6  }
0x20: {  	s7 =	sshrl.u32 s20, $0x3;
	s20 =	simm.s32 $0x180;
	[dreg:$0x5] =	wrdreg s17  }
0x21: {  	s6 =	sadd.s32 s19, s11;
	[dreg:$0x10] =	wrdreg s20  }
0x22: {  	s8 =	sshrl.u32 s16, $0x2;
	s22 =	sadd.s32 s7, s11;
	[dreg:$0x6] =	wrdreg s6  }
0x23: {  	s15 =	sshrl.u32 s13, $0x3;
	s17 =	sadd.s32 s8, s1;
	[dreg:$0x7] =	wrdreg s22  }
0x24: {  	s16 =	sadd.s32 s15, s11;
	[smem:$0x7F9] =	sst s17  }
0x25: {  	s7 =	sshrl.u32 s28, $0x3;
	s28 =	simm.s32 $0x880;
	[dreg:$0xe] =	wrdreg s16  }
0x26: {  	s6 =	sadd.s32 s26, s11;
	[dreg:$0x17] =	wrdreg s28  }
0x27: {  	s30 =	sadd.s32 s7, s11;
	[dreg:$0x9] =	wrdreg s6  }
0x28: {  	s9 =	sshrl.u32 s4, $0x3;
	s22 =	simm.s32 $0x380;
	[dreg:$0xa] =	wrdreg s30  }
0x29: {  	s19 =	sshll.u32 s10, $0x6;
	s26 =	simm.s32 $0x780;
	[dreg:$0x12] =	wrdreg s22  }
0x2a: {  	s7 =	sshrl.u32 s12, $0x3;
	s12 =	sor.u32 $0x1C19, s19;
	[dreg:$0x16] =	wrdreg s26  }
0x2b: {  	s6 =	sadd.s32 s9, s11;
	[smem:$0x7FD] =	sst s12  }
0x2c: {  	s14 =	sadd.s32 s7, s11;
	[dreg:$0xc] =	wrdreg s6  }
0x2d: {  	s21 =	simm.s32 $0x19;
	s30 =	simm.s32 $0xA80;
	[dreg:$0xd] =	wrdreg s14  }
0x2e: {  	s0 =	simm.s32 $0x0;
	s15 =	simm.s32 $0x38;
	[dreg:$0x19] =	wrdreg s30  }
.LBB2_1:
0x2f: {  	[smem:$0x7F4] =	sst s0  }
0x30: {  	s9 =	rddreg [dreg:$0x1d]  }
0x31: {  	s8 =	rddreg [dreg:$0x1e]  }
0x32: {  	s10 =	rddreg [dreg:$0x1f]  }
0x33: {  	s26 =	simm.s32 $0x0;
	s11 =	sld [smem:$0x7F6]  }
0x34: {  	[tilespmem:s26], [sflag:$0x1] =	stream.linear.gather [hbm4b:s9+s26], $0x100, $0x38;
	[tilespmem:$0x1F000] =	vst v63  }
0x35: {  	s16 =	simm.s32 $0x100;
	s13 =	sld [smem:$0x7F7]  }
0x36: {  	[tilespmem:s16], [sflag:$0x2] =	stream.linear.gather [hbm4b:s8+s26], $0x100, $0x38;
	[tilespmem:$0x1F000] =	vst v63  }
0x37: {  	s20 =	simm.s32 $0x200;
	s17 =	sld [smem:$0x7F9]  }
0x38: {  	[tilespmem:s20], [sflag:$0x3] =	stream.linear.gather [hbm4b:s10+s26], $0x100, $0x38;
	[tilespmem:$0x1F000] =	vst v63  }
0x39: {  	s0 =	simm.s32 $0x300;
	s14 =	sld [smem:$0x7F8]  }
0x3a: {  	[tilespmem:s0], [sflag:$0x4] =	stream.linear.gather [hbm4b:s11+s26], $0x100, $0x38;
	[tilespmem:$0x1F000] =	vst v63  }
0x3b: {  	s18 =	rddreg [dreg:$0x1c];
	s8 =	simm.s32 $0x400;
	s1 =	sshrl.u32 s17, $0x3  }
0x3c: {  	[tilespmem:s8], [sflag:$0x5] =	stream.linear.gather [hbm4b:s13+s26], $0x100, $0x38;
	[tilespmem:$0x1F000] =	vst v63  }
0x3d: {  	[smem:$0x7F5] =	sst s1;
	s11 =	simm.s32 $0x500  }
0x3e: {  	[tilespmem:s11], [sflag:$0x6] =	stream.linear.gather [hbm4b:s14+s26], $0x100, $0x38;
	[tilespmem:$0x1F000] =	vst v63  }
0x3f: {  	[spmem:s1], [sflag:s12] =	dma.local [hbm:s18], $0x2780  }
0x40: {  	_ =	swait.ge [sflag:s21], $0x2780  }
0x41: {  	p0 =	por $0x1, $0x1;
	[sflag:s21] =	ssyncset.done $0x0  }
0x42: {  	p0 =	por p0, p0;
	[sflag:s21] =	ssyncadd.s32 $0xFFFFD880  }
0x43: {  	s9 =	simm.s32 @!p0 $0x13;
	[bflag:$0x0] =	sbarrier.arrive $0xFFFF  }
0x44: {  	_ =	swait.ge @!p0 [sflag:s9], $0x1C00  }
0x45: {  	s29 =	simm.s32 $0x600;
	s19 =	rddreg [dreg:$0xe];
	[sflag:s9] =	ssyncset.done @!p0 $0x0  }
0x46: {  	s22 =	simm.s32 $0x1;
	[sflag:s9] =	ssyncadd.s32 @!p0 $0xFFFFE400;
	s21 =	sadd.s32 $0x0, s19  }
0x47: {  	[tilespmem:s29], [sflag:$0x7] =	stream.linear.gather [hbm4b:s21+s26], $0x100, $0x38;
	[tilespmem:$0x1F000] =	vst v63  }
0x48: {  	_ =	swait.ge [sflag:s22], $0x100  }
0x49: {  	[sflag:s22] =	ssyncset.done $0x0  }
0x4a: {  	[sflag:s22] =	ssyncadd.s32 $0xFFFFFF00  }
0x4b: {  	s28 =	simm.s32 $0xC00;
	s9 =	simm.s32 @!p0 $0x14;
	s2 =	rddreg [dreg:$0x1]  }
0x4c: {  	[tilespmem:s28], [sflag:$0xD] =	stream.indirect.gather [hbm4b:s2+s15], $0x80, s26, s15, $0xb8;
	[tilespmem:$0x1F000] =	vst v63  }
0x4d: {  	_ =	swait.ge @!p0 [sflag:s9], $0x1C00  }
0x4e: {  	s25 =	simm.s32 $0x2;
	s23 =	rddreg [dreg:$0xd];
	[sflag:s9] =	ssyncset.done @!p0 $0x0  }
0x4f: {  	s22 =	simm.s32 $0x700;
	[sflag:s9] =	ssyncadd.s32 @!p0 $0xFFFFE400;
	s24 =	sadd.s32 $0x0, s23  }
0x50: {  	[tilespmem:s22], [sflag:$0x8] =	stream.linear.gather [hbm4b:s24+s26], $0x100, $0x38;
	[tilespmem:$0x1F000] =	vst v63  }
0x51: {  	_ =	swait.ge [sflag:s25], $0x100  }
0x52: {  	[sflag:s25] =	ssyncset.done $0x0  }
0x53: {  	s6 =	simm.s32 $0x2800;
	s9 =	simm.s32 @!p0 $0x15;
	[sflag:s25] =	ssyncadd.s32 $0xFFFFFF00  }
0x54: {  	[tilespmem:s6], [sflag:$0xE] =	stream.indirect.gather [hbm4b:s2+s15], $0x80, s16, s15, $0xb8;
	[tilespmem:$0x1F000] =	vst v63  }
0x55: {  	_ =	swait.ge @!p0 [sflag:s9], $0x1C00  }
0x56: {  	s1 =	simm.s32 $0x3;
	s30 =	rddreg [dreg:$0xc];
	[sflag:s9] =	ssyncset.done @!p0 $0x0  }
0x57: {  	s24 =	simm.s32 $0x800;
	[sflag:s9] =	ssyncadd.s32 @!p0 $0xFFFFE400;
	s31 =	sadd.s32 $0x0, s30  }
0x58: {  	[tilespmem:s24], [sflag:$0x9] =	stream.linear.gather [hbm4b:s31+s26], $0x100, $0x38;
	[tilespmem:$0x1F000] =	vst v63  }
0x59: {  	_ =	swait.ge [sflag:s1], $0x100  }
0x5a: {  	[sflag:s1] =	ssyncset.done $0x0  }
0x5b: {  	s10 =	simm.s32 $0x4400;
	s9 =	simm.s32 @!p0 $0x16;
	[sflag:s1] =	ssyncadd.s32 $0xFFFFFF00  }
0x5c: {  	[tilespmem:s10], [sflag:$0xF] =	stream.indirect.gather [hbm4b:s2+s15], $0x80, s20, s15, $0xb8;
	[tilespmem:$0x1F000] =	vst v63  }
0x5d: {  	_ =	swait.ge @!p0 [sflag:s9], $0x1C00  }
0x5e: {  	s5 =	simm.s32 $0x4;
	s3 =	rddreg [dreg:$0xb];
	[sflag:s9] =	ssyncset.done @!p0 $0x0  }
0x5f: {  	[sflag:s9] =	ssyncadd.s32 @!p0 $0xFFFFE400;
	s4 =	sadd.s32 $0x0, s3;
	s3 =	simm.s32 $0x900  }
0x60: {  	[tilespmem:s3], [sflag:$0xA] =	stream.linear.gather [hbm4b:s4+s26], $0x100, $0x38;
	[tilespmem:$0x1F000] =	vst v63  }
0x61: {  	_ =	swait.ge [sflag:s5], $0x100  }
0x62: {  	[sflag:s5] =	ssyncset.done $0x0  }
0x63: {  	s13 =	simm.s32 $0x6000;
	s9 =	simm.s32 @!p0 $0x17;
	[sflag:s5] =	ssyncadd.s32 $0xFFFFFF00  }
0x64: {  	[tilespmem:s13], [sflag:$0x10] =	stream.indirect.gather [hbm4b:s2+s15], $0x80, s0, s15, $0xb8;
	[tilespmem:$0x1F000] =	vst v63  }
0x65: {  	_ =	swait.ge @!p0 [sflag:s9], $0x1C00  }
0x66: {  	s14 =	simm.s32 $0x5;
	s7 =	rddreg [dreg:$0xa];
	[sflag:s9] =	ssyncset.done @!p0 $0x0  }
0x67: {  	s25 =	simm.s32 $0xA00;
	[sflag:s9] =	ssyncadd.s32 @!p0 $0xFFFFE400;
	s12 =	sadd.s32 $0x0, s7  }
0x68: {  	[tilespmem:s25], [sflag:$0xB] =	stream.linear.gather [hbm4b:s12+s26], $0x100, $0x38;
	[tilespmem:$0x1F000] =	vst v63  }
0x69: {  	_ =	swait.ge [sflag:s14], $0x100  }
0x6a: {  	[sflag:s14] =	ssyncset.done $0x0  }
0x6b: {  	s9 =	simm.s32 @!p0 $0x18;
	s7 =	simm.s32 $0x7C00;
	[sflag:s14] =	ssyncadd.s32 $0xFFFFFF00  }
0x6c: {  	[tilespmem:s7], [sflag:$0x11] =	stream.indirect.gather [hbm4b:s2+s15], $0x80, s8, s15, $0xb8;
	[tilespmem:$0x1F000] =	vst v63  }
0x6d: {  	_ =	swait.ge @!p0 [sflag:s9], $0x1C00  }
0x6e: {  	s19 =	simm.s32 $0x6;
	s17 =	rddreg [dreg:$0x9];
	[sflag:s9] =	ssyncset.done @!p0 $0x0  }
0x6f: {  	s14 =	simm.s32 $0xB00;
	[sflag:s9] =	ssyncadd.s32 @!p0 $0xFFFFE400;
	s18 =	sadd.s32 $0x0, s17  }
0x70: {  	[tilespmem:s14], [sflag:$0xC] =	stream.linear.gather [hbm4b:s18+s26], $0x100, $0x38;
	[tilespmem:$0x1F000] =	vst v63  }
0x71: {  	_ =	swait.ge [sflag:s19], $0x100  }
0x72: {  	[sflag:s19] =	ssyncset.done $0x0  }
0x73: {  	s23 =	simm.s32 $0xD;
	s17 =	simm.s32 $0x9800;
	[sflag:s19] =	ssyncadd.s32 $0xFFFFFF00  }
0x74: {  	[tilespmem:s17], [sflag:$0x12] =	stream.indirect.gather [hbm4b:s2+s15], $0x80, s11, s15, $0xb8;
	[tilespmem:$0x1F000] =	vst v63  }
0x75: {  	_ =	swait.ge [sflag:s23], $0x1C00  }
0x76: {  	[sflag:s23] =	ssyncset.done $0x0  }
0x77: {  	s21 =	rddreg [dreg:$0xf];
	[sflag:s23] =	ssyncadd.s32 $0xFFFFE400  }
0x78: {  	s5 =	simm.s32 $0xE;
	s4 =	rddreg [dreg:$0x2]  }
0x79: {  	[spmem:s4] =	stream.indirect.scatter.add.f32 [tilespmem:s28], [sflag:$0x13], $0x80, s21, s15, $0xb8;
	[tilespmem:$0x1F000] =	vst v63  }
0x7a: {  	_ =	swait.ge [sflag:s5], $0x1C00  }
0x7b: {  	[sflag:s5] =	ssyncset.done $0x0  }
0x7c: {  	s18 =	simm.s32 $0xF;
	s30 =	rddreg [dreg:$0x10];
	[sflag:s5] =	ssyncadd.s32 $0xFFFFE400  }
0x7d: {  	[spmem:s4] =	stream.indirect.scatter.add.f32 [tilespmem:s6], [sflag:$0x14], $0x80, s30, s15, $0xb8;
	[tilespmem:$0x1F000] =	vst v63  }
0x7e: {  	_ =	swait.ge [sflag:s18], $0x1C00  }
0x7f: {  	[sflag:s18] =	ssyncset.done $0x0  }
0x80: {  	s19 =	simm.s32 $0x10;
	s31 =	rddreg [dreg:$0x11];
	[sflag:s18] =	ssyncadd.s32 $0xFFFFE400  }
0x81: {  	[spmem:s4] =	stream.indirect.scatter.add.f32 [tilespmem:s10], [sflag:$0x15], $0x80, s31, s15, $0xb8;
	[tilespmem:$0x1F000] =	vst v63  }
0x82: {  	_ =	swait.ge [sflag:s19], $0x1C00  }
0x83: {  	[sflag:s19] =	ssyncset.done $0x0  }
0x84: {  	s1 =	rddreg [dreg:$0x12];
	[sflag:s19] =	ssyncadd.s32 $0xFFFFE400  }
0x85: {  	[spmem:s4] =	stream.indirect.scatter.add.f32 [tilespmem:s13], [sflag:$0x16], $0x80, s1, s15, $0xb8;
	[tilespmem:$0x1F000] =	vst v63  }
0x86: {  	s1 =	simm.s32 $0x11  }
0x87: {  	_ =	swait.ge [sflag:s1], $0x1C00  }
0x88: {  	[sflag:s1] =	ssyncset.done $0x0  }
0x89: {  	s30 =	simm.s32 $0x12;
	s12 =	rddreg [dreg:$0x13];
	[sflag:s1] =	ssyncadd.s32 $0xFFFFE400  }
0x8a: {  	[spmem:s4] =	stream.indirect.scatter.add.f32 [tilespmem:s7], [sflag:$0x17], $0x80, s12, s15, $0xb8;
	[tilespmem:$0x1F000] =	vst v63  }
0x8b: {  	_ =	swait.ge [sflag:s30], $0x1C00  }
0x8c: {  	[sflag:s30] =	ssyncset.done $0x0  }
0x8d: {  	s31 =	simm.s32 $0x13;
	s21 =	rddreg [dreg:$0x14];
	[sflag:s30] =	ssyncadd.s32 $0xFFFFE400  }
0x8e: {  	[spmem:s4] =	stream.indirect.scatter.add.f32 [tilespmem:s17], [sflag:$0x18], $0x80, s21, s15, $0xb8;
	[tilespmem:$0x1F000] =	vst v63  }
0x8f: {  	_ =	swait.ge [sflag:s31], $0x1C00  }
0x90: {  	s21 =	sld [smem:$0x7FC];
	_ =	sdelay $0x1  }
0x91: {  	[sflag:s31] =	ssyncset.done $0x0  }
0x92: {  	[sflag:s31] =	ssyncadd.s32 $0xFFFFE400;
	s31 =	rddreg [dreg:$0x1b];
	s9 =	sshrl.u32 s21, $0x3  }
0x93: {  	s9 =	sadd.s32 s31, s9;
	s31 =	simm.s32 $0x7  }
0x94: {  	[tilespmem:s26], [sflag:$0x1] =	stream.linear.gather [hbm4b:s9+s26], $0x100, $0x38;
	[tilespmem:$0x1F000] =	vst v63  }
0x95: {  	_ =	swait.ge [sflag:s31], $0x100  }
0x96: {  	[sflag:s31] =	ssyncset.done $0x0  }
0x97: {  	s9 =	simm.s32 $0x14;
	[sflag:s31] =	ssyncadd.s32 $0xFFFFFF00  }
0x98: {  	[tilespmem:s28], [sflag:$0xD] =	stream.indirect.gather [hbm4b:s2+s15], $0x80, s29, s15, $0xb8;
	[tilespmem:$0x1F000] =	vst v63  }
0x99: {  	_ =	swait.ge [sflag:s9], $0x1C00  }
0x9a: {  	s29 =	rddreg [dreg:$0x8];
	[sflag:s9] =	ssyncset.done $0x0  }
0x9b: {  	s31 =	simm.s32 $0x8;
	[sflag:s9] =	ssyncadd.s32 $0xFFFFE400;
	s9 =	sadd.s32 $0x0, s29  }
0x9c: {  	[tilespmem:s16], [sflag:$0x2] =	stream.linear.gather [hbm4b:s9+s26], $0x100, $0x38;
	[tilespmem:$0x1F000] =	vst v63  }
0x9d: {  	_ =	swait.ge [sflag:s31], $0x100  }
0x9e: {  	[sflag:s31] =	ssyncset.done $0x0  }
0x9f: {  	s9 =	simm.s32 $0x15;
	[sflag:s31] =	ssyncadd.s32 $0xFFFFFF00  }
0xa0: {  	[tilespmem:s6], [sflag:$0xE] =	stream.indirect.gather [hbm4b:s2+s15], $0x80, s22, s15, $0xb8;
	[tilespmem:$0x1F000] =	vst v63  }
0xa1: {  	_ =	swait.ge [sflag:s9], $0x1C00  }
0xa2: {  	s16 =	rddreg [dreg:$0x7];
	[sflag:s9] =	ssyncset.done $0x0  }
0xa3: {  	s22 =	simm.s32 $0x9;
	[sflag:s9] =	ssyncadd.s32 $0xFFFFE400;
	s9 =	sadd.s32 $0x0, s16  }
0xa4: {  	[tilespmem:s20], [sflag:$0x3] =	stream.linear.gather [hbm4b:s9+s26], $0x100, $0x38;
	[tilespmem:$0x1F000] =	vst v63  }
0xa5: {  	_ =	swait.ge [sflag:s22], $0x100  }
0xa6: {  	[sflag:s22] =	ssyncset.done $0x0  }
0xa7: {  	[sflag:s22] =	ssyncadd.s32 $0xFFFFFF00  }
0xa8: {  	[tilespmem:s10], [sflag:$0xF] =	stream.indirect.gather [hbm4b:s2+s15], $0x80, s24, s15, $0xb8;
	[tilespmem:$0x1F000] =	vst v63  }
0xa9: {  	s24 =	simm.s32 $0x16  }
0xaa: {  	_ =	swait.ge [sflag:s24], $0x1C00  }
0xab: {  	s29 =	rddreg [dreg:$0x6];
	[sflag:s24] =	ssyncset.done $0x0  }
0xac: {  	s31 =	simm.s32 $0xA;
	[sflag:s24] =	ssyncadd.s32 $0xFFFFE400;
	s9 =	sadd.s32 $0x0, s29  }
0xad: {  	[tilespmem:s0], [sflag:$0x4] =	stream.linear.gather [hbm4b:s9+s26], $0x100, $0x38;
	[tilespmem:$0x1F000] =	vst v63  }
0xae: {  	_ =	swait.ge [sflag:s31], $0x100  }
0xaf: {  	[sflag:s31] =	ssyncset.done $0x0  }
0xb0: {  	s9 =	simm.s32 $0x17;
	[sflag:s31] =	ssyncadd.s32 $0xFFFFFF00  }
0xb1: {  	[tilespmem:s13], [sflag:$0x10] =	stream.indirect.gather [hbm4b:s2+s15], $0x80, s3, s15, $0xb8;
	[tilespmem:$0x1F000] =	vst v63  }
0xb2: {  	_ =	swait.ge [sflag:s9], $0x1C00  }
0xb3: {  	s12 =	rddreg [dreg:$0x5];
	[sflag:s9] =	ssyncset.done $0x0  }
0xb4: {  	s16 =	simm.s32 $0xB;
	[sflag:s9] =	ssyncadd.s32 $0xFFFFE400;
	s9 =	sadd.s32 $0x0, s12  }
0xb5: {  	[tilespmem:s8], [sflag:$0x5] =	stream.linear.gather [hbm4b:s9+s26], $0x100, $0x38;
	[tilespmem:$0x1F000] =	vst v63  }
0xb6: {  	_ =	swait.ge [sflag:s16], $0x100  }
0xb7: {  	[sflag:s16] =	ssyncset.done $0x0  }
0xb8: {  	s20 =	simm.s32 $0x18;
	[sflag:s16] =	ssyncadd.s32 $0xFFFFFF00  }
0xb9: {  	[tilespmem:s7], [sflag:$0x11] =	stream.indirect.gather [hbm4b:s2+s15], $0x80, s25, s15, $0xb8;
	[tilespmem:$0x1F000] =	vst v63  }
0xba: {  	_ =	swait.ge [sflag:s20], $0x1C00  }
0xbb: {  	s22 =	rddreg [dreg:$0x4];
	[sflag:s20] =	ssyncset.done $0x0  }
0xbc: {  	s24 =	simm.s32 $0xC;
	[sflag:s20] =	ssyncadd.s32 $0xFFFFE400;
	s9 =	sadd.s32 $0x0, s22  }
0xbd: {  	[tilespmem:s11], [sflag:$0x6] =	stream.linear.gather [hbm4b:s9+s26], $0x100, $0x38;
	[tilespmem:$0x1F000] =	vst v63  }
0xbe: {  	_ =	swait.ge [sflag:s24], $0x100  }
0xbf: {  	[sflag:s24] =	ssyncset.done $0x0  }
0xc0: {  	[sflag:s24] =	ssyncadd.s32 $0xFFFFFF00  }
0xc1: {  	[tilespmem:s17], [sflag:$0x12] =	stream.indirect.gather [hbm4b:s2+s15], $0x80, s14, s15, $0xb8;
	[tilespmem:$0x1F000] =	vst v63  }
0xc2: {  	_ =	swait.ge [sflag:s23], $0x1C00  }
0xc3: {  	[sflag:s23] =	ssyncset.done $0x0  }
0xc4: {  	s25 =	rddreg [dreg:$0x15];
	[sflag:s23] =	ssyncadd.s32 $0xFFFFE400  }
0xc5: {  	[spmem:s4] =	stream.indirect.scatter.add.f32 [tilespmem:s28], [sflag:$0x13], $0x80, s25, s15, $0xb8;
	[tilespmem:$0x1F000] =	vst v63  }
0xc6: {  	_ =	swait.ge [sflag:s5], $0x1C00  }
0xc7: {  	[sflag:s5] =	ssyncset.done $0x0  }
0xc8: {  	s26 =	rddreg [dreg:$0x16];
	[sflag:s5] =	ssyncadd.s32 $0xFFFFE400  }
0xc9: {  	[spmem:s4] =	stream.indirect.scatter.add.f32 [tilespmem:s6], [sflag:$0x14], $0x80, s26, s15, $0xb8;
	[tilespmem:$0x1F000] =	vst v63  }
0xca: {  	_ =	swait.ge [sflag:s18], $0x1C00  }
0xcb: {  	[sflag:s18] =	ssyncset.done $0x0  }
0xcc: {  	s28 =	rddreg [dreg:$0x17];
	[sflag:s18] =	ssyncadd.s32 $0xFFFFE400  }
0xcd: {  	[spmem:s4] =	stream.indirect.scatter.add.f32 [tilespmem:s10], [sflag:$0x15], $0x80, s28, s15, $0xb8;
	[tilespmem:$0x1F000] =	vst v63  }
0xce: {  	_ =	swait.ge [sflag:s19], $0x1C00  }
0xcf: {  	[sflag:s19] =	ssyncset.done $0x0  }
0xd0: {  	s29 =	rddreg [dreg:$0x18];
	[sflag:s19] =	ssyncadd.s32 $0xFFFFE400  }
0xd1: {  	[spmem:s4] =	stream.indirect.scatter.add.f32 [tilespmem:s13], [sflag:$0x16], $0x80, s29, s15, $0xb8;
	[tilespmem:$0x1F000] =	vst v63  }
0xd2: {  	_ =	swait.ge [sflag:s1], $0x1C00  }
0xd3: {  	[sflag:s1] =	ssyncset.done $0x0  }
0xd4: {  	p6 =	por $0x0, $0x0;
	s31 =	rddreg [dreg:$0x19];
	[sflag:s1] =	ssyncadd.s32 $0xFFFFE400  }
0xd5: {  	[spmem:s4] =	stream.indirect.scatter.add.f32 [tilespmem:s7], [sflag:$0x17], $0x80, s31, s15, $0xb8;
	[tilespmem:$0x1F000] =	vst v63  }
0xd6: {  	p0 =	por p6, p6;
	_ =	swait.ge [sflag:s30], $0x1C00  }
0xd7: {  	s12 =	sadd.s32 $0xC00, s21;
	s16 =	simm.s32 $0x300;
	[sflag:s30] =	ssyncset.done $0x0  }
0xd8: {  	s9 =	simm.s32 $0x180;
	s20 =	rddreg [dreg:$0x1a];
	[sflag:s30] =	ssyncadd.s32 $0xFFFFE400  }
.LBB2_2:
0xd9: {  	s17 =	simm.s32 $0x9800;
	s4 =	rddreg [dreg:$0x2];
	s21 =	simm.s32 @!p0 $0x13  }
0xda: {  	[spmem:s4] =	stream.indirect.scatter.add.f32 [tilespmem:s17], [sflag:$0x18], $0x80, s20, s15, $0xb8;
	[tilespmem:$0x1F000] =	vst v63  }
0xdb: {  	s0 =	simm.s32 $0x600;
	_ =	swait.ge @!p0 [sflag:s21], $0x1C00  }
0xdc: {  	s26 =	simm.s32 $0x0;
	[sflag:s21] =	ssyncset.done @!p0 $0x0;
	s22 =	rddreg [dreg:$0xe]  }
0xdd: {  	s2 =	simm.s32 $0x1;
	[sflag:s21] =	ssyncadd.s32 @!p0 $0xFFFFE400;
	s1 =	sadd.s32 s9, s22  }
0xde: {  	[tilespmem:s0], [sflag:$0x7] =	stream.linear.gather [hbm4b:s1+s26], $0x100, $0x38;
	[tilespmem:$0x1F000] =	vst v63  }
0xdf: {  	_ =	swait.ge [sflag:s2], $0x100  }
0xe0: {  	[sflag:s2] =	ssyncset.done $0x0  }
0xe1: {  	[sflag:s2] =	ssyncadd.s32 $0xFFFFFF00  }
0xe2: {  	s31 =	simm.s32 $0xC00;
	s21 =	simm.s32 @!p0 $0x14;
	s2 =	rddreg [dreg:$0x1]  }
0xe3: {  	[tilespmem:s31], [sflag:$0xD] =	stream.indirect.gather [hbm4b:s2+s15], $0x80, s26, s15, $0xb8;
	[tilespmem:$0x1F000] =	vst v63  }
0xe4: {  	_ =	swait.ge @!p0 [sflag:s21], $0x1C00  }
0xe5: {  	s6 =	simm.s32 $0x700;
	s3 =	rddreg [dreg:$0xd];
	[sflag:s21] =	ssyncset.done @!p0 $0x0  }
0xe6: {  	s7 =	simm.s32 $0x2;
	[sflag:s21] =	ssyncadd.s32 @!p0 $0xFFFFE400;
	s5 =	sadd.s32 s9, s3  }
0xe7: {  	[tilespmem:s6], [sflag:$0x8] =	stream.linear.gather [hbm4b:s5+s26], $0x100, $0x38;
	[tilespmem:$0x1F000] =	vst v63  }
0xe8: {  	_ =	swait.ge [sflag:s7], $0x100  }
0xe9: {  	s24 =	simm.s32 $0x100;
	[sflag:s7] =	ssyncset.done $0x0  }
0xea: {  	s21 =	simm.s32 @!p0 $0x15;
	s6 =	simm.s32 $0x2800;
	[sflag:s7] =	ssyncadd.s32 $0xFFFFFF00  }
0xeb: {  	[tilespmem:s6], [sflag:$0xE] =	stream.indirect.gather [hbm4b:s2+s15], $0x80, s24, s15, $0xb8;
	[tilespmem:$0x1F000] =	vst v63  }
0xec: {  	_ =	swait.ge @!p0 [sflag:s21], $0x1C00  }
0xed: {  	s30 =	simm.s32 $0x800;
	s8 =	rddreg [dreg:$0xc];
	[sflag:s21] =	ssyncset.done @!p0 $0x0  }
0xee: {  	s11 =	simm.s32 $0x3;
	[sflag:s21] =	ssyncadd.s32 @!p0 $0xFFFFE400;
	s10 =	sadd.s32 s9, s8  }
0xef: {  	[tilespmem:s30], [sflag:$0x9] =	stream.linear.gather [hbm4b:s10+s26], $0x100, $0x38;
	[tilespmem:$0x1F000] =	vst v63  }
0xf0: {  	_ =	swait.ge [sflag:s11], $0x100  }
0xf1: {  	s29 =	simm.s32 $0x200;
	[sflag:s11] =	ssyncset.done $0x0  }
0xf2: {  	s21 =	simm.s32 @!p0 $0x16;
	s10 =	simm.s32 $0x4400;
	[sflag:s11] =	ssyncadd.s32 $0xFFFFFF00  }
0xf3: {  	[tilespmem:s10], [sflag:$0xF] =	stream.indirect.gather [hbm4b:s2+s15], $0x80, s29, s15, $0xb8;
	[tilespmem:$0x1F000] =	vst v63  }
0xf4: {  	_ =	swait.ge @!p0 [sflag:s21], $0x1C00  }
0xf5: {  	s25 =	simm.s32 $0x900;
	s13 =	rddreg [dreg:$0xb];
	[sflag:s21] =	ssyncset.done @!p0 $0x0  }
0xf6: {  	s18 =	simm.s32 $0x4;
	[sflag:s21] =	ssyncadd.s32 @!p0 $0xFFFFE400;
	s14 =	sadd.s32 s9, s13  }
0xf7: {  	[tilespmem:s25], [sflag:$0xA] =	stream.linear.gather [hbm4b:s14+s26], $0x100, $0x38;
	[tilespmem:$0x1F000] =	vst v63  }
0xf8: {  	_ =	swait.ge [sflag:s18], $0x100  }
0xf9: {  	s3 =	simm.s32 $0x300;
	[sflag:s18] =	ssyncset.done $0x0  }
0xfa: {  	s21 =	simm.s32 @!p0 $0x17;
	s13 =	simm.s32 $0x6000;
	[sflag:s18] =	ssyncadd.s32 $0xFFFFFF00  }
0xfb: {  	[tilespmem:s13], [sflag:$0x10] =	stream.indirect.gather [hbm4b:s2+s15], $0x80, s3, s15, $0xb8;
	[tilespmem:$0x1F000] =	vst v63  }
0xfc: {  	_ =	swait.ge @!p0 [sflag:s21], $0x1C00  }
0xfd: {  	s28 =	simm.s32 $0xA00;
	s19 =	rddreg [dreg:$0xa];
	[sflag:s21] =	ssyncset.done @!p0 $0x0  }
0xfe: {  	s8 =	simm.s32 $0x5;
	[sflag:s21] =	ssyncadd.s32 @!p0 $0xFFFFE400;
	s23 =	sadd.s32 s9, s19  }
0xff: {  	[tilespmem:s28], [sflag:$0xB] =	stream.linear.gather [hbm4b:s23+s26], $0x100, $0x38;
	[tilespmem:$0x1F000] =	vst v63  }
0x100: {  	_ =	swait.ge [sflag:s8], $0x100  }
0x101: {  	s7 =	simm.s32 $0x7C00;
	[sflag:s8] =	ssyncset.done $0x0  }
0x102: {  	s21 =	simm.s32 @!p0 $0x18;
	[sflag:s8] =	ssyncadd.s32 $0xFFFFFF00;
	s8 =	simm.s32 $0x400  }
0x103: {  	[tilespmem:s7], [sflag:$0x11] =	stream.indirect.gather [hbm4b:s2+s15], $0x80, s8, s15, $0xb8;
	[tilespmem:$0x1F000] =	vst v63  }
0x104: {  	_ =	swait.ge @!p0 [sflag:s21], $0x1C00  }
0x105: {  	s11 =	simm.s32 $0x6;
	s0 =	rddreg [dreg:$0x9];
	[sflag:s21] =	ssyncset.done @!p0 $0x0  }
0x106: {  	s14 =	simm.s32 $0xB00;
	[sflag:s21] =	ssyncadd.s32 @!p0 $0xFFFFE400;
	s1 =	sadd.s32 s9, s0  }
0x107: {  	[tilespmem:s14], [sflag:$0xC] =	stream.linear.gather [hbm4b:s1+s26], $0x100, $0x38;
	[tilespmem:$0x1F000] =	vst v63  }
0x108: {  	_ =	swait.ge [sflag:s11], $0x100  }
0x109: {  	[sflag:s11] =	ssyncset.done $0x0  }
0x10a: {  	s23 =	simm.s32 $0xD;
	[sflag:s11] =	ssyncadd.s32 $0xFFFFFF00;
	s11 =	simm.s32 $0x500  }
0x10b: {  	[tilespmem:s17], [sflag:$0x12] =	stream.indirect.gather [hbm4b:s2+s15], $0x80, s11, s15, $0xb8;
	[tilespmem:$0x1F000] =	vst v63  }
0x10c: {  	_ =	swait.ge [sflag:s23], $0x1C00  }
0x10d: {  	[sflag:s23] =	ssyncset.done $0x0  }
0x10e: {  	s5 =	rddreg [dreg:$0xf];
	[sflag:s23] =	ssyncadd.s32 $0xFFFFE400  }
0x10f: {  	[spmem:s4] =	stream.indirect.scatter.add.f32 [tilespmem:s31], [sflag:$0x13], $0x80, s5, s15, $0xb8;
	[tilespmem:$0x1F000] =	vst v63  }
0x110: {  	s5 =	simm.s32 $0xE  }
0x111: {  	_ =	swait.ge [sflag:s5], $0x1C00  }
0x112: {  	[sflag:s5] =	ssyncset.done $0x0  }
0x113: {  	s18 =	rddreg [dreg:$0x10];
	[sflag:s5] =	ssyncadd.s32 $0xFFFFE400  }
0x114: {  	[spmem:s4] =	stream.indirect.scatter.add.f32 [tilespmem:s6], [sflag:$0x14], $0x80, s18, s15, $0xb8;
	[tilespmem:$0x1F000] =	vst v63  }
0x115: {  	s18 =	simm.s32 $0xF  }
0x116: {  	_ =	swait.ge [sflag:s18], $0x1C00  }
0x117: {  	[sflag:s18] =	ssyncset.done $0x0  }
0x118: {  	s19 =	rddreg [dreg:$0x11];
	[sflag:s18] =	ssyncadd.s32 $0xFFFFE400  }
0x119: {  	[spmem:s4] =	stream.indirect.scatter.add.f32 [tilespmem:s10], [sflag:$0x15], $0x80, s19, s15, $0xb8;
	[tilespmem:$0x1F000] =	vst v63  }
0x11a: {  	s19 =	simm.s32 $0x10  }
0x11b: {  	_ =	swait.ge [sflag:s19], $0x1C00  }
0x11c: {  	[sflag:s19] =	ssyncset.done $0x0  }
0x11d: {  	s1 =	simm.s32 $0x11;
	s22 =	rddreg [dreg:$0x12];
	[sflag:s19] =	ssyncadd.s32 $0xFFFFE400  }
0x11e: {  	[spmem:s4] =	stream.indirect.scatter.add.f32 [tilespmem:s13], [sflag:$0x16], $0x80, s22, s15, $0xb8;
	[tilespmem:$0x1F000] =	vst v63  }
0x11f: {  	_ =	swait.ge [sflag:s1], $0x1C00  }
0x120: {  	[sflag:s1] =	ssyncset.done $0x0  }
0x121: {  	s0 =	rddreg [dreg:$0x13];
	[sflag:s1] =	ssyncadd.s32 $0xFFFFE400  }
0x122: {  	[spmem:s4] =	stream.indirect.scatter.add.f32 [tilespmem:s7], [sflag:$0x17], $0x80, s0, s15, $0xb8;
	[tilespmem:$0x1F000] =	vst v63  }
0x123: {  	s0 =	simm.s32 $0x12  }
0x124: {  	_ =	swait.ge [sflag:s0], $0x1C00  }
0x125: {  	[sflag:s0] =	ssyncset.done $0x0  }
0x126: {  	s22 =	rddreg [dreg:$0x14];
	[sflag:s0] =	ssyncadd.s32 $0xFFFFE400  }
0x127: {  	[spmem:s4] =	stream.indirect.scatter.add.f32 [tilespmem:s17], [sflag:$0x18], $0x80, s22, s15, $0xb8;
	[tilespmem:$0x1F000] =	vst v63  }
0x128: {  	s22 =	simm.s32 $0x13  }
0x129: {  	_ =	swait.ge [sflag:s22], $0x1C00  }
0x12a: {  	[sflag:s22] =	ssyncset.done $0x0  }
0x12b: {  	s21 =	sshrl.u32 s12, $0x3;
	[sflag:s22] =	ssyncadd.s32 $0xFFFFE400;
	s22 =	rddreg [dreg:$0x1b]  }
0x12c: {  	s21 =	sadd.s32 s22, s21;
	s22 =	simm.s32 $0x7  }
0x12d: {  	[tilespmem:s26], [sflag:$0x1] =	stream.linear.gather [hbm4b:s21+s26], $0x100, $0x38;
	[tilespmem:$0x1F000] =	vst v63  }
0x12e: {  	_ =	swait.ge [sflag:s22], $0x100  }
0x12f: {  	[sflag:s22] =	ssyncset.done $0x0  }
0x130: {  	[sflag:s22] =	ssyncadd.s32 $0xFFFFFF00;
	s22 =	simm.s32 $0x600  }
0x131: {  	[tilespmem:s31], [sflag:$0xD] =	stream.indirect.gather [hbm4b:s2+s15], $0x80, s22, s15, $0xb8;
	[tilespmem:$0x1F000] =	vst v63  }
0x132: {  	s22 =	simm.s32 $0x14  }
0x133: {  	_ =	swait.ge [sflag:s22], $0x1C00  }
0x134: {  	s21 =	rddreg [dreg:$0x8];
	[sflag:s22] =	ssyncset.done $0x0  }
0x135: {  	[sflag:s22] =	ssyncadd.s32 $0xFFFFE400;
	s21 =	sadd.s32 s9, s21;
	s22 =	simm.s32 $0x8  }
0x136: {  	[tilespmem:s24], [sflag:$0x2] =	stream.linear.gather [hbm4b:s21+s26], $0x100, $0x38;
	[tilespmem:$0x1F000] =	vst v63  }
0x137: {  	_ =	swait.ge [sflag:s22], $0x100  }
0x138: {  	[sflag:s22] =	ssyncset.done $0x0  }
0x139: {  	s24 =	simm.s32 $0x700;
	s21 =	simm.s32 $0x15;
	[sflag:s22] =	ssyncadd.s32 $0xFFFFFF00  }
0x13a: {  	[tilespmem:s6], [sflag:$0xE] =	stream.indirect.gather [hbm4b:s2+s15], $0x80, s24, s15, $0xb8;
	[tilespmem:$0x1F000] =	vst v63  }
0x13b: {  	_ =	swait.ge [sflag:s21], $0x1C00  }
0x13c: {  	s24 =	rddreg [dreg:$0x7];
	[sflag:s21] =	ssyncset.done $0x0  }
0x13d: {  	[sflag:s21] =	ssyncadd.s32 $0xFFFFE400;
	s21 =	sadd.s32 s9, s24;
	s24 =	simm.s32 $0x9  }
0x13e: {  	[tilespmem:s29], [sflag:$0x3] =	stream.linear.gather [hbm4b:s21+s26], $0x100, $0x38;
	[tilespmem:$0x1F000] =	vst v63  }
0x13f: {  	_ =	swait.ge [sflag:s24], $0x100  }
0x140: {  	[sflag:s24] =	ssyncset.done $0x0  }
0x141: {  	s29 =	simm.s32 $0x16;
	[sflag:s24] =	ssyncadd.s32 $0xFFFFFF00  }
0x142: {  	[tilespmem:s10], [sflag:$0xF] =	stream.indirect.gather [hbm4b:s2+s15], $0x80, s30, s15, $0xb8;
	[tilespmem:$0x1F000] =	vst v63  }
0x143: {  	_ =	swait.ge [sflag:s29], $0x1C00  }
0x144: {  	s30 =	rddreg [dreg:$0x6];
	[sflag:s29] =	ssyncset.done $0x0  }
0x145: {  	s24 =	simm.s32 $0xA;
	[sflag:s29] =	ssyncadd.s32 $0xFFFFE400;
	s21 =	sadd.s32 s9, s30  }
0x146: {  	[tilespmem:s3], [sflag:$0x4] =	stream.linear.gather [hbm4b:s21+s26], $0x100, $0x38;
	[tilespmem:$0x1F000] =	vst v63  }
0x147: {  	_ =	swait.ge [sflag:s24], $0x100  }
0x148: {  	[sflag:s24] =	ssyncset.done $0x0  }
0x149: {  	s29 =	simm.s32 $0x17;
	[sflag:s24] =	ssyncadd.s32 $0xFFFFFF00  }
0x14a: {  	[tilespmem:s13], [sflag:$0x10] =	stream.indirect.gather [hbm4b:s2+s15], $0x80, s25, s15, $0xb8;
	[tilespmem:$0x1F000] =	vst v63  }
0x14b: {  	_ =	swait.ge [sflag:s29], $0x1C00  }
0x14c: {  	s30 =	rddreg [dreg:$0x5];
	[sflag:s29] =	ssyncset.done $0x0  }
0x14d: {  	[sflag:s29] =	ssyncadd.s32 $0xFFFFE400;
	s21 =	sadd.s32 s9, s30  }
0x14e: {  	[tilespmem:s8], [sflag:$0x5] =	stream.linear.gather [hbm4b:s21+s26], $0x100, $0x38;
	[tilespmem:$0x1F000] =	vst v63  }
0x14f: {  	s21 =	simm.s32 $0xB  }
0x150: {  	_ =	swait.ge [sflag:s21], $0x100  }
0x151: {  	[sflag:s21] =	ssyncset.done $0x0  }
0x152: {  	s22 =	simm.s32 $0x18;
	[sflag:s21] =	ssyncadd.s32 $0xFFFFFF00  }
0x153: {  	[tilespmem:s7], [sflag:$0x11] =	stream.indirect.gather [hbm4b:s2+s15], $0x80, s28, s15, $0xb8;
	[tilespmem:$0x1F000] =	vst v63  }
0x154: {  	_ =	swait.ge [sflag:s22], $0x1C00  }
0x155: {  	s24 =	rddreg [dreg:$0x4];
	[sflag:s22] =	ssyncset.done $0x0  }
0x156: {  	s25 =	simm.s32 $0xC;
	[sflag:s22] =	ssyncadd.s32 $0xFFFFE400;
	s21 =	sadd.s32 s9, s24  }
0x157: {  	[tilespmem:s11], [sflag:$0x6] =	stream.linear.gather [hbm4b:s21+s26], $0x100, $0x38;
	[tilespmem:$0x1F000] =	vst v63  }
0x158: {  	_ =	swait.ge [sflag:s25], $0x100  }
0x159: {  	[sflag:s25] =	ssyncset.done $0x0  }
0x15a: {  	[sflag:s25] =	ssyncadd.s32 $0xFFFFFF00  }
0x15b: {  	[tilespmem:s17], [sflag:$0x12] =	stream.indirect.gather [hbm4b:s2+s15], $0x80, s14, s15, $0xb8;
	[tilespmem:$0x1F000] =	vst v63  }
0x15c: {  	_ =	swait.ge [sflag:s23], $0x1C00  }
0x15d: {  	[sflag:s23] =	ssyncset.done $0x0  }
0x15e: {  	s26 =	rddreg [dreg:$0x15];
	[sflag:s23] =	ssyncadd.s32 $0xFFFFE400  }
0x15f: {  	[spmem:s4] =	stream.indirect.scatter.add.f32 [tilespmem:s31], [sflag:$0x13], $0x80, s26, s15, $0xb8;
	[tilespmem:$0x1F000] =	vst v63  }
0x160: {  	_ =	swait.ge [sflag:s5], $0x1C00  }
0x161: {  	[sflag:s5] =	ssyncset.done $0x0  }
0x162: {  	s28 =	rddreg [dreg:$0x16];
	[sflag:s5] =	ssyncadd.s32 $0xFFFFE400  }
0x163: {  	[spmem:s4] =	stream.indirect.scatter.add.f32 [tilespmem:s6], [sflag:$0x14], $0x80, s28, s15, $0xb8;
	[tilespmem:$0x1F000] =	vst v63  }
0x164: {  	_ =	swait.ge [sflag:s18], $0x1C00  }
0x165: {  	[sflag:s18] =	ssyncset.done $0x0  }
0x166: {  	s29 =	rddreg [dreg:$0x17];
	[sflag:s18] =	ssyncadd.s32 $0xFFFFE400  }
0x167: {  	[spmem:s4] =	stream.indirect.scatter.add.f32 [tilespmem:s10], [sflag:$0x15], $0x80, s29, s15, $0xb8;
	[tilespmem:$0x1F000] =	vst v63  }
0x168: {  	_ =	swait.ge [sflag:s19], $0x1C00  }
0x169: {  	[sflag:s19] =	ssyncset.done $0x0  }
0x16a: {  	s30 =	rddreg [dreg:$0x18];
	[sflag:s19] =	ssyncadd.s32 $0xFFFFE400  }
0x16b: {  	[spmem:s4] =	stream.indirect.scatter.add.f32 [tilespmem:s13], [sflag:$0x16], $0x80, s30, s15, $0xb8;
	[tilespmem:$0x1F000] =	vst v63  }
0x16c: {  	s20 =	smov.u32 s16;
	s16 =	sadd.s32 $0x180, s16;
	_ =	swait.ge [sflag:s1], $0x1C00  }
0x16d: {  	p1 =	sne.s32 s16, $0x1680;
	[sflag:s1] =	ssyncset.done $0x0  }
.Ltmp0:
0x16e: {  	s31 =	rddreg [dreg:$0x19];
	[sflag:s1] =	ssyncadd.s32 $0xFFFFE400;
	(pc) =	sbr.rel @p1 .LBB2_2-.Ltmp0, $4  }
0x16f: {  	[spmem:s4] =	stream.indirect.scatter.add.f32 [tilespmem:s7], [sflag:$0x17], $0x80, s31, s15, $0xb8;
	[tilespmem:$0x1F000] =	vst v63  }
0x170: {  	p2 =	seq.s32 s20, $0x0;
	_ =	swait.ge [sflag:s0], $0x1C00  }
0x171: {  	p0 =	por p2, p2;
	s12 =	sadd.s32 $0xC00, s12;
	[sflag:s0] =	ssyncset.done $0x0  }
0x172: {  	s9 =	smov.u32 s20;
	s20 =	rddreg [dreg:$0x1a];
	[sflag:s0] =	ssyncadd.s32 $0xFFFFE400  }
0x173: {  	s21 =	simm.s32 $0x9800;
	s4 =	rddreg [dreg:$0x2];
	s16 =	simm.s32 @!p0 $0x13  }
0x174: {  	[spmem:s4] =	stream.indirect.scatter.add.f32 [tilespmem:s21], [sflag:$0x18], $0x80, s20, s15, $0xb8;
	[tilespmem:$0x1F000] =	vst v63  }
0x175: {  	s0 =	simm.s32 $0x600;
	_ =	swait.ge @!p0 [sflag:s16], $0x1C00  }
0x176: {  	s26 =	simm.s32 $0x0;
	s6 =	rddreg [dreg:$0xe];
	[sflag:s16] =	ssyncset.done @!p0 $0x0  }
0x177: {  	s24 =	simm.s32 $0x1;
	[sflag:s16] =	ssyncadd.s32 @!p0 $0xFFFFE400;
	s7 =	sadd.s32 s9, s6  }
0x178: {  	[tilespmem:s0], [sflag:$0x7] =	stream.linear.gather [hbm4b:s7+s26], $0x100, $0x38;
	[tilespmem:$0x1F000] =	vst v63  }
0x179: {  	_ =	swait.ge [sflag:s24], $0x100  }
0x17a: {  	[sflag:s24] =	ssyncset.done $0x0  }
0x17b: {  	[sflag:s24] =	ssyncadd.s32 $0xFFFFFF00  }
0x17c: {  	s31 =	simm.s32 $0xC00;
	s16 =	simm.s32 @!p0 $0x14;
	s2 =	rddreg [dreg:$0x1]  }
0x17d: {  	[tilespmem:s31], [sflag:$0xD] =	stream.indirect.gather [hbm4b:s2+s15], $0x80, s26, s15, $0xb8;
	[tilespmem:$0x1F000] =	vst v63  }
0x17e: {  	_ =	swait.ge @!p0 [sflag:s16], $0x1C00  }
0x17f: {  	s11 =	simm.s32 $0x700;
	s8 =	rddreg [dreg:$0xd];
	[sflag:s16] =	ssyncset.done @!p0 $0x0  }
0x180: {  	s29 =	simm.s32 $0x2;
	[sflag:s16] =	ssyncadd.s32 @!p0 $0xFFFFE400;
	s10 =	sadd.s32 s9, s8  }
0x181: {  	[tilespmem:s11], [sflag:$0x8] =	stream.linear.gather [hbm4b:s10+s26], $0x100, $0x38;
	[tilespmem:$0x1F000] =	vst v63  }
0x182: {  	_ =	swait.ge [sflag:s29], $0x100  }
0x183: {  	s30 =	simm.s32 $0x100;
	[sflag:s29] =	ssyncset.done $0x0  }
0x184: {  	s17 =	simm.s32 $0x2800;
	s16 =	simm.s32 @!p0 $0x15;
	[sflag:s29] =	ssyncadd.s32 $0xFFFFFF00  }
0x185: {  	[tilespmem:s17], [sflag:$0xE] =	stream.indirect.gather [hbm4b:s2+s15], $0x80, s30, s15, $0xb8;
	[tilespmem:$0x1F000] =	vst v63  }
0x186: {  	_ =	swait.ge @!p0 [sflag:s16], $0x1C00  }
0x187: {  	s18 =	simm.s32 $0x800;
	s13 =	rddreg [dreg:$0xc];
	[sflag:s16] =	ssyncset.done @!p0 $0x0  }
0x188: {  	s8 =	simm.s32 $0x3;
	[sflag:s16] =	ssyncadd.s32 @!p0 $0xFFFFE400;
	s14 =	sadd.s32 s9, s13  }
0x189: {  	[tilespmem:s18], [sflag:$0x9] =	stream.linear.gather [hbm4b:s14+s26], $0x100, $0x38;
	[tilespmem:$0x1F000] =	vst v63  }
0x18a: {  	_ =	swait.ge [sflag:s8], $0x100  }
0x18b: {  	s28 =	simm.s32 $0x200;
	[sflag:s8] =	ssyncset.done $0x0  }
0x18c: {  	s16 =	simm.s32 @!p0 $0x16;
	s14 =	simm.s32 $0x4400;
	[sflag:s8] =	ssyncadd.s32 $0xFFFFFF00  }
0x18d: {  	[tilespmem:s14], [sflag:$0xF] =	stream.indirect.gather [hbm4b:s2+s15], $0x80, s28, s15, $0xb8;
	[tilespmem:$0x1F000] =	vst v63  }
0x18e: {  	_ =	swait.ge @!p0 [sflag:s16], $0x1C00  }
0x18f: {  	s22 =	simm.s32 $0x900;
	s19 =	rddreg [dreg:$0xb];
	[sflag:s16] =	ssyncset.done @!p0 $0x0  }
0x190: {  	s11 =	simm.s32 $0x4;
	[sflag:s16] =	ssyncadd.s32 @!p0 $0xFFFFE400;
	s20 =	sadd.s32 s9, s19  }
0x191: {  	[tilespmem:s22], [sflag:$0xA] =	stream.linear.gather [hbm4b:s20+s26], $0x100, $0x38;
	[tilespmem:$0x1F000] =	vst v63  }
0x192: {  	_ =	swait.ge [sflag:s11], $0x100  }
0x193: {  	s25 =	simm.s32 $0x300;
	[sflag:s11] =	ssyncset.done $0x0  }
0x194: {  	s13 =	simm.s32 $0x6000;
	s16 =	simm.s32 @!p0 $0x17;
	[sflag:s11] =	ssyncadd.s32 $0xFFFFFF00  }
0x195: {  	[tilespmem:s13], [sflag:$0x10] =	stream.indirect.gather [hbm4b:s2+s15], $0x80, s25, s15, $0xb8;
	[tilespmem:$0x1F000] =	vst v63  }
0x196: {  	_ =	swait.ge @!p0 [sflag:s16], $0x1C00  }
0x197: {  	s1 =	simm.s32 $0xA00;
	s23 =	rddreg [dreg:$0xa];
	[sflag:s16] =	ssyncset.done @!p0 $0x0  }
0x198: {  	s7 =	simm.s32 $0x5;
	[sflag:s16] =	ssyncadd.s32 @!p0 $0xFFFFE400;
	s0 =	sadd.s32 s9, s23  }
0x199: {  	[tilespmem:s1], [sflag:$0xB] =	stream.linear.gather [hbm4b:s0+s26], $0x100, $0x38;
	[tilespmem:$0x1F000] =	vst v63  }
0x19a: {  	_ =	swait.ge [sflag:s7], $0x100  }
0x19b: {  	s10 =	simm.s32 $0x7C00;
	[sflag:s7] =	ssyncset.done $0x0  }
0x19c: {  	s22 =	simm.s32 $0x400;
	s16 =	simm.s32 @!p0 $0x18;
	[sflag:s7] =	ssyncadd.s32 $0xFFFFFF00  }
0x19d: {  	[tilespmem:s10], [sflag:$0x11] =	stream.indirect.gather [hbm4b:s2+s15], $0x80, s22, s15, $0xb8;
	[tilespmem:$0x1F000] =	vst v63  }
0x19e: {  	_ =	swait.ge @!p0 [sflag:s16], $0x1C00  }
0x19f: {  	s3 =	rddreg [dreg:$0x9];
	[sflag:s16] =	ssyncset.done @!p0 $0x0  }
0x1a0: {  	s6 =	simm.s32 $0xB00;
	[sflag:s16] =	ssyncadd.s32 @!p0 $0xFFFFE400;
	s5 =	sadd.s32 s9, s3  }
0x1a1: {  	[tilespmem:s6], [sflag:$0xC] =	stream.linear.gather [hbm4b:s5+s26], $0x100, $0x38;
	[tilespmem:$0x1F000] =	vst v63  }
0x1a2: {  	s6 =	simm.s32 $0x6  }
0x1a3: {  	_ =	swait.ge [sflag:s6], $0x100  }
0x1a4: {  	[sflag:s6] =	ssyncset.done $0x0  }
0x1a5: {  	s20 =	simm.s32 $0x500;
	s23 =	simm.s32 $0xD;
	[sflag:s6] =	ssyncadd.s32 $0xFFFFFF00  }
0x1a6: {  	[tilespmem:s21], [sflag:$0x12] =	stream.indirect.gather [hbm4b:s2+s15], $0x80, s20, s15, $0xb8;
	[tilespmem:$0x1F000] =	vst v63  }
0x1a7: {  	_ =	swait.ge [sflag:s23], $0x1C00  }
0x1a8: {  	[sflag:s23] =	ssyncset.done $0x0  }
0x1a9: {  	s5 =	simm.s32 $0xE;
	s18 =	rddreg [dreg:$0xf];
	[sflag:s23] =	ssyncadd.s32 $0xFFFFE400  }
0x1aa: {  	[spmem:s4] =	stream.indirect.scatter.add.f32 [tilespmem:s31], [sflag:$0x13], $0x80, s18, s15, $0xb8;
	[tilespmem:$0x1F000] =	vst v63  }
0x1ab: {  	_ =	swait.ge [sflag:s5], $0x1C00  }
0x1ac: {  	[sflag:s5] =	ssyncset.done $0x0  }
0x1ad: {  	s18 =	simm.s32 $0xF;
	s19 =	rddreg [dreg:$0x10];
	[sflag:s5] =	ssyncadd.s32 $0xFFFFE400  }
0x1ae: {  	[spmem:s4] =	stream.indirect.scatter.add.f32 [tilespmem:s17], [sflag:$0x14], $0x80, s19, s15, $0xb8;
	[tilespmem:$0x1F000] =	vst v63  }
0x1af: {  	_ =	swait.ge [sflag:s18], $0x1C00  }
0x1b0: {  	[sflag:s18] =	ssyncset.done $0x0  }
0x1b1: {  	s19 =	simm.s32 $0x10;
	s0 =	rddreg [dreg:$0x11];
	[sflag:s18] =	ssyncadd.s32 $0xFFFFE400  }
0x1b2: {  	[spmem:s4] =	stream.indirect.scatter.add.f32 [tilespmem:s14], [sflag:$0x15], $0x80, s0, s15, $0xb8;
	[tilespmem:$0x1F000] =	vst v63  }
0x1b3: {  	_ =	swait.ge [sflag:s19], $0x1C00  }
0x1b4: {  	[sflag:s19] =	ssyncset.done $0x0  }
0x1b5: {  	s1 =	rddreg [dreg:$0x12];
	[sflag:s19] =	ssyncadd.s32 $0xFFFFE400  }
0x1b6: {  	[spmem:s4] =	stream.indirect.scatter.add.f32 [tilespmem:s13], [sflag:$0x16], $0x80, s1, s15, $0xb8;
	[tilespmem:$0x1F000] =	vst v63  }
0x1b7: {  	s1 =	simm.s32 $0x11  }
0x1b8: {  	_ =	swait.ge [sflag:s1], $0x1C00  }
0x1b9: {  	[sflag:s1] =	ssyncset.done $0x0  }
0x1ba: {  	s3 =	rddreg [dreg:$0x13];
	[sflag:s1] =	ssyncadd.s32 $0xFFFFE400  }
0x1bb: {  	[spmem:s4] =	stream.indirect.scatter.add.f32 [tilespmem:s10], [sflag:$0x17], $0x80, s3, s15, $0xb8;
	[tilespmem:$0x1F000] =	vst v63  }
0x1bc: {  	s3 =	simm.s32 $0x12  }
0x1bd: {  	_ =	swait.ge [sflag:s3], $0x1C00  }
0x1be: {  	[sflag:s3] =	ssyncset.done $0x0  }
0x1bf: {  	s0 =	rddreg [dreg:$0x14];
	[sflag:s3] =	ssyncadd.s32 $0xFFFFE400  }
0x1c0: {  	[spmem:s4] =	stream.indirect.scatter.add.f32 [tilespmem:s21], [sflag:$0x18], $0x80, s0, s15, $0xb8;
	[tilespmem:$0x1F000] =	vst v63  }
0x1c1: {  	s0 =	simm.s32 $0x13  }
0x1c2: {  	_ =	swait.ge [sflag:s0], $0x1C00  }
0x1c3: {  	s12 =	sshrl.u32 s12, $0x3;
	[sflag:s0] =	ssyncset.done $0x0;
	s16 =	rddreg [dreg:$0x1b]  }
0x1c4: {  	[sflag:s0] =	ssyncadd.s32 $0xFFFFE400;
	s12 =	sadd.s32 s16, s12;
	s16 =	simm.s32 $0x7  }
0x1c5: {  	[tilespmem:s26], [sflag:$0x1] =	stream.linear.gather [hbm4b:s12+s26], $0x100, $0x38;
	[tilespmem:$0x1F000] =	vst v63  }
0x1c6: {  	_ =	swait.ge [sflag:s16], $0x100  }
0x1c7: {  	[sflag:s16] =	ssyncset.done $0x0  }
0x1c8: {  	[sflag:s16] =	ssyncadd.s32 $0xFFFFFF00;
	s16 =	simm.s32 $0x600  }
0x1c9: {  	[tilespmem:s31], [sflag:$0xD] =	stream.indirect.gather [hbm4b:s2+s15], $0x80, s16, s15, $0xb8;
	[tilespmem:$0x1F000] =	vst v63  }
0x1ca: {  	s16 =	simm.s32 $0x14  }
0x1cb: {  	_ =	swait.ge [sflag:s16], $0x1C00  }
0x1cc: {  	s12 =	rddreg [dreg:$0x8];
	[sflag:s16] =	ssyncset.done $0x0  }
0x1cd: {  	[sflag:s16] =	ssyncadd.s32 $0xFFFFE400;
	s12 =	sadd.s32 s9, s12  }
0x1ce: {  	[tilespmem:s30], [sflag:$0x2] =	stream.linear.gather [hbm4b:s12+s26], $0x100, $0x38;
	[tilespmem:$0x1F000] =	vst v63  }
0x1cf: {  	s30 =	simm.s32 $0x8  }
0x1d0: {  	_ =	swait.ge [sflag:s30], $0x100  }
0x1d1: {  	[sflag:s30] =	ssyncset.done $0x0  }
0x1d2: {  	[sflag:s30] =	ssyncadd.s32 $0xFFFFFF00;
	s30 =	simm.s32 $0x700  }
0x1d3: {  	[tilespmem:s17], [sflag:$0xE] =	stream.indirect.gather [hbm4b:s2+s15], $0x80, s30, s15, $0xb8;
	[tilespmem:$0x1F000] =	vst v63  }
0x1d4: {  	s30 =	simm.s32 $0x15  }
0x1d5: {  	_ =	swait.ge [sflag:s30], $0x1C00  }
0x1d6: {  	s12 =	rddreg [dreg:$0x7];
	[sflag:s30] =	ssyncset.done $0x0  }
0x1d7: {  	[sflag:s30] =	ssyncadd.s32 $0xFFFFE400;
	s12 =	sadd.s32 s9, s12  }
0x1d8: {  	[tilespmem:s28], [sflag:$0x3] =	stream.linear.gather [hbm4b:s12+s26], $0x100, $0x38;
	[tilespmem:$0x1F000] =	vst v63  }
0x1d9: {  	s28 =	simm.s32 $0x9  }
0x1da: {  	_ =	swait.ge [sflag:s28], $0x100  }
0x1db: {  	[sflag:s28] =	ssyncset.done $0x0  }
0x1dc: {  	[sflag:s28] =	ssyncadd.s32 $0xFFFFFF00;
	s28 =	simm.s32 $0x800  }
0x1dd: {  	[tilespmem:s14], [sflag:$0xF] =	stream.indirect.gather [hbm4b:s2+s15], $0x80, s28, s15, $0xb8;
	[tilespmem:$0x1F000] =	vst v63  }
0x1de: {  	s28 =	simm.s32 $0x16  }
0x1df: {  	_ =	swait.ge [sflag:s28], $0x1C00  }
0x1e0: {  	s12 =	rddreg [dreg:$0x6];
	[sflag:s28] =	ssyncset.done $0x0  }
0x1e1: {  	[sflag:s28] =	ssyncadd.s32 $0xFFFFE400;
	s12 =	sadd.s32 s9, s12  }
0x1e2: {  	[tilespmem:s25], [sflag:$0x4] =	stream.linear.gather [hbm4b:s12+s26], $0x100, $0x38;
	[tilespmem:$0x1F000] =	vst v63  }
0x1e3: {  	s25 =	simm.s32 $0xA  }
0x1e4: {  	_ =	swait.ge [sflag:s25], $0x100  }
0x1e5: {  	[sflag:s25] =	ssyncset.done $0x0  }
0x1e6: {  	[sflag:s25] =	ssyncadd.s32 $0xFFFFFF00;
	s25 =	simm.s32 $0x900  }
0x1e7: {  	[tilespmem:s13], [sflag:$0x10] =	stream.indirect.gather [hbm4b:s2+s15], $0x80, s25, s15, $0xb8;
	[tilespmem:$0x1F000] =	vst v63  }
0x1e8: {  	s25 =	simm.s32 $0x17  }
0x1e9: {  	_ =	swait.ge [sflag:s25], $0x1C00  }
0x1ea: {  	s12 =	rddreg [dreg:$0x5];
	[sflag:s25] =	ssyncset.done $0x0  }
0x1eb: {  	[sflag:s25] =	ssyncadd.s32 $0xFFFFE400;
	s12 =	sadd.s32 s9, s12  }
0x1ec: {  	[tilespmem:s22], [sflag:$0x5] =	stream.linear.gather [hbm4b:s12+s26], $0x100, $0x38;
	[tilespmem:$0x1F000] =	vst v63  }
0x1ed: {  	s22 =	simm.s32 $0xB  }
0x1ee: {  	_ =	swait.ge [sflag:s22], $0x100  }
0x1ef: {  	[sflag:s22] =	ssyncset.done $0x0  }
0x1f0: {  	[sflag:s22] =	ssyncadd.s32 $0xFFFFFF00;
	s22 =	simm.s32 $0xA00  }
0x1f1: {  	[tilespmem:s10], [sflag:$0x11] =	stream.indirect.gather [hbm4b:s2+s15], $0x80, s22, s15, $0xb8;
	[tilespmem:$0x1F000] =	vst v63  }
0x1f2: {  	s22 =	simm.s32 $0x18  }
0x1f3: {  	_ =	swait.ge [sflag:s22], $0x1C00  }
0x1f4: {  	s12 =	rddreg [dreg:$0x4];
	[sflag:s22] =	ssyncset.done $0x0  }
0x1f5: {  	s12 =	sadd.s32 s9, s12;
	[sflag:s22] =	ssyncadd.s32 $0xFFFFE400  }
0x1f6: {  	[tilespmem:s20], [sflag:$0x6] =	stream.linear.gather [hbm4b:s12+s26], $0x100, $0x38;
	[tilespmem:$0x1F000] =	vst v63  }
0x1f7: {  	s20 =	simm.s32 $0xC  }
0x1f8: {  	_ =	swait.ge [sflag:s20], $0x100  }
0x1f9: {  	[sflag:s20] =	ssyncset.done $0x0  }
0x1fa: {  	s26 =	simm.s32 $0xB00;
	[sflag:s20] =	ssyncadd.s32 $0xFFFFFF00  }
0x1fb: {  	[tilespmem:s21], [sflag:$0x12] =	stream.indirect.gather [hbm4b:s2+s15], $0x80, s26, s15, $0xb8;
	[tilespmem:$0x1F000] =	vst v63  }
0x1fc: {  	_ =	swait.ge [sflag:s23], $0x1C00  }
0x1fd: {  	[sflag:s23] =	ssyncset.done $0x0  }
0x1fe: {  	s2 =	rddreg [dreg:$0x15];
	[sflag:s23] =	ssyncadd.s32 $0xFFFFE400  }
0x1ff: {  	[spmem:s4] =	stream.indirect.scatter.add.f32 [tilespmem:s31], [sflag:$0x13], $0x80, s2, s15, $0xb8;
	[tilespmem:$0x1F000] =	vst v63  }
0x200: {  	_ =	swait.ge [sflag:s5], $0x1C00  }
0x201: {  	[sflag:s5] =	ssyncset.done $0x0  }
0x202: {  	s12 =	rddreg [dreg:$0x16];
	[sflag:s5] =	ssyncadd.s32 $0xFFFFE400  }
0x203: {  	[spmem:s4] =	stream.indirect.scatter.add.f32 [tilespmem:s17], [sflag:$0x14], $0x80, s12, s15, $0xb8;
	[tilespmem:$0x1F000] =	vst v63  }
0x204: {  	_ =	swait.ge [sflag:s18], $0x1C00  }
0x205: {  	[sflag:s18] =	ssyncset.done $0x0  }
0x206: {  	s17 =	rddreg [dreg:$0x17];
	[sflag:s18] =	ssyncadd.s32 $0xFFFFE400  }
0x207: {  	[spmem:s4] =	stream.indirect.scatter.add.f32 [tilespmem:s14], [sflag:$0x15], $0x80, s17, s15, $0xb8;
	[tilespmem:$0x1F000] =	vst v63  }
0x208: {  	_ =	swait.ge [sflag:s19], $0x1C00  }
0x209: {  	[sflag:s19] =	ssyncset.done $0x0  }
0x20a: {  	s20 =	rddreg [dreg:$0x18];
	[sflag:s19] =	ssyncadd.s32 $0xFFFFE400  }
0x20b: {  	[spmem:s4] =	stream.indirect.scatter.add.f32 [tilespmem:s13], [sflag:$0x16], $0x80, s20, s15, $0xb8;
	[tilespmem:$0x1F000] =	vst v63  }
0x20c: {  	_ =	swait.ge [sflag:s1], $0x1C00  }
0x20d: {  	[sflag:s1] =	ssyncset.done $0x0  }
0x20e: {  	s23 =	rddreg [dreg:$0x19];
	[sflag:s1] =	ssyncadd.s32 $0xFFFFE400  }
0x20f: {  	[spmem:s4] =	stream.indirect.scatter.add.f32 [tilespmem:s10], [sflag:$0x17], $0x80, s23, s15, $0xb8;
	[tilespmem:$0x1F000] =	vst v63  }
0x210: {  	_ =	swait.ge [sflag:s3], $0x1C00  }
0x211: {  	[sflag:s3] =	ssyncset.done $0x0  }
0x212: {  	s26 =	rddreg [dreg:$0x1a];
	[sflag:s3] =	ssyncadd.s32 $0xFFFFE400  }
0x213: {  	[spmem:s4] =	stream.indirect.scatter.add.f32 [tilespmem:s21], [sflag:$0x18], $0x80, s26, s15, $0xb8;
	[tilespmem:$0x1F000] =	vst v63  }
0x214: {  	_ =	swait.ge [sflag:s0], $0x1C00  }
0x215: {  	[sflag:s0] =	ssyncset.done $0x0  }
0x216: {  	[sflag:s0] =	ssyncadd.s32 $0xFFFFE400  }
0x217: {  	_ =	swait.ge [sflag:s24], $0x100  }
0x218: {  	[sflag:s24] =	ssyncset.done $0x0  }
0x219: {  	[sflag:s24] =	ssyncadd.s32 $0xFFFFFF00  }
0x21a: {  	_ =	swait.ge [sflag:s16], $0x1C00  }
0x21b: {  	[sflag:s16] =	ssyncset.done $0x0  }
0x21c: {  	[sflag:s16] =	ssyncadd.s32 $0xFFFFE400  }
0x21d: {  	_ =	swait.ge [sflag:s29], $0x100  }
0x21e: {  	[sflag:s29] =	ssyncset.done $0x0  }
0x21f: {  	[sflag:s29] =	ssyncadd.s32 $0xFFFFFF00  }
0x220: {  	_ =	swait.ge [sflag:s30], $0x1C00  }
0x221: {  	[sflag:s30] =	ssyncset.done $0x0  }
0x222: {  	[sflag:s30] =	ssyncadd.s32 $0xFFFFE400  }
0x223: {  	_ =	swait.ge [sflag:s8], $0x100  }
0x224: {  	[sflag:s8] =	ssyncset.done $0x0  }
0x225: {  	[sflag:s8] =	ssyncadd.s32 $0xFFFFFF00  }
0x226: {  	_ =	swait.ge [sflag:s28], $0x1C00  }
0x227: {  	[sflag:s28] =	ssyncset.done $0x0  }
0x228: {  	[sflag:s28] =	ssyncadd.s32 $0xFFFFE400  }
0x229: {  	_ =	swait.ge [sflag:s11], $0x100  }
0x22a: {  	[sflag:s11] =	ssyncset.done $0x0  }
0x22b: {  	[sflag:s11] =	ssyncadd.s32 $0xFFFFFF00  }
0x22c: {  	_ =	swait.ge [sflag:s25], $0x1C00  }
0x22d: {  	[sflag:s25] =	ssyncset.done $0x0  }
0x22e: {  	[sflag:s25] =	ssyncadd.s32 $0xFFFFE400  }
0x22f: {  	_ =	swait.ge [sflag:s7], $0x100  }
0x230: {  	[sflag:s7] =	ssyncset.done $0x0  }
0x231: {  	[sflag:s7] =	ssyncadd.s32 $0xFFFFFF00  }
0x232: {  	_ =	swait.ge [sflag:s22], $0x1C00  }
0x233: {  	[sflag:s22] =	ssyncset.done $0x0  }
0x234: {  	[sflag:s22] =	ssyncadd.s32 $0xFFFFE400  }
0x235: {  	_ =	swait.ge [sflag:s6], $0x100  }
0x236: {  	[sflag:s6] =	ssyncset.done $0x0  }
0x237: {  	[sflag:s6] =	ssyncadd.s32 $0xFFFFFF00  }
0x238: {  	[bflag:$0x0] =	sbarrier.arrive $0xFFFF  }
0x239: {  	s12 =	sld [smem:$0x7FD]  }
0x23a: {  	s28 =	sld [smem:$0x7FA]  }
0x23b: {  	s29 =	sld [smem:$0x7F5];
	_ =	sdelay $0x1  }
0x23c: {  	s21 =	simm.s32 $0x19  }
0x23d: {  	[hbm:s28], [sflag:s12] =	dma.local [spmem:s29], $0x2780  }
0x23e: {  	_ =	swait.ge [sflag:s21], $0x2780  }
0x23f: {  	s30 =	sld [smem:$0x7F4]  }
0x240: {  	s31 =	sld [smem:$0x7FB];
	_ =	sdelay $0x1  }
0x241: {  	s0 =	sadd.s32 $0x1, s30  }
0x242: {  	p0 =	sne.s32 s0, s31  }
.Ltmp1:
0x243: {  	_ = 	snop;
	(pc) =	sbr.rel @p0 .LBB2_1-.Ltmp1, $3  }
0x244: {  	_ =	sdelay $0x1  }
0x245: {  	[sflag:s21] =	ssyncset.done $0x0  }
0x246: {  	[sflag:s21] =	ssyncadd.s32 $0xFFFFD880  }
0x247: {  	_ =	sfence.sel $0x180000  }
0x248: {  	[bflag:$0x0] =	sbarrier.arrive $0xFFFF  }
0x249: {  	_ =	strace $0x9000004D  }
0x24a: {  	s0 =	stileid.u32;
	[bflag:$0x2] =	sbarrier.arrive $0xFFFF  }
0x24b: {  	p0 =	sne.s32 s0, $0x0;
	s0 =	rddreg [dreg:$0x3]  }
0x24c: {  	s0 =	sadd.s32 @!p0 $0x100000, s0  }
0x24d: {  	[sflag:s0] =	ssyncadd.tile.s32 @!p0 $0x1;
	_ =	shalt  }
.Lfunc_end2:
_tile_overlayer_lowered:
.L_overlay_start_2:
0x24e: {  	(tag) =	ssettag $0x2  }
0x24f: {  	s0 =	rddreg [dreg:$0x0];
	s2 =	stileid.u32  }
0x250: {  	s1 =	rddreg [dreg:$0x1];
	p0 =	sne.s32 s2, $0x0  }
0x251: {  	s3 =	rddreg [dreg:$0x2];
	[bflag:$0x3] =	sbarrier.arrive $0xFFFF;
	s2 =	simm.s32 @!p0 $0x1C19  }
0x252: {  	[timem:s3], [sflag:s2] =	dma.local @!p0 [hbm:s0], s1  }
0x253: {  	s0 =	simm.s32 @!p0 $0x19  }
0x254: {  	_ =	swait.ge @!p0 [sflag:s0], s1  }
0x255: {  	s1 =	ssub.s32 @!p0 $0x0, s1;
	[sflag:s0] =	ssyncset.done @!p0 $0x0  }
0x256: {  	[sflag:s0] =	ssyncadd.s32 @!p0 s1  }
0x257: {  	[bflag:$0x3] =	sbarrier.arrive $0xFFFF  }
0x258: {  	_ =	shalt  }

</sc_bundles>
